<compile_context>
chip_gen: v7x
topology: tpu7x:2x2x1
jax: 0.10.2.dev20260603
libtpu: 0.0.44.dev20260713+nightly
codegen_flags: <defaults>
</compile_context>

<pallas_src>
import functools

import numpy as np
import jax
import jax.numpy as jnp
from jax import lax
from jax.experimental import pallas as pl
from jax.experimental.pallas import tpu as pltpu
from jax.experimental.pallas import tpu_sc as plsc

_STRIDES = (8, 16, 32, 64, 128)
_LIMITS = ((-1.0, 64.0), (64.0, 128.0), (128.0, 256.0), (256.0, 512.0), (512.0, 1e10))
_W = (64, 32, 16, 8, 4)
_LOG2W = (6, 5, 4, 3, 2)
_SHARE = (1408, 1024, 256, 64, 16)
_NV = (88, 64, 16, 4, 1)
_LBASE = (0, 4096, 5120, 5376, 5440)
_NLOC = 5456
_M = 100
_MPAD = 112
_B = 8
_INF = np.float32(1e10)


def _tec_body(gt_hbm, cls_hbm, ocls_hbm, ocnt_hbm, oreg_hbm,
              gtv, clsv, btv,
              ba0, ba1, ba2, ba3, ba4,
              bi0, bi1, bi2, bi3, bi4,
              rg0, rg1, rg2, rg3, rg4):
    ba = (ba0, ba1, ba2, ba3, ba4)
    bi = (bi0, bi1, bi2, bi3, bi4)
    rg = (rg0, rg1, rg2, rg3, rg4)
    wid = lax.axis_index("s") * 2 + lax.axis_index("c")
    b = wid // 4
    q = wid % 4

    pltpu.sync_copy(gt_hbm.at[pl.ds(b * 4 * _MPAD, 4 * _MPAD)], gtv)
    pltpu.sync_copy(cls_hbm.at[pl.ds(b * _MPAD, _MPAD)], clsv)

    for j in range(_MPAD // 16):
        sl = pl.ds(j * 16, 16)
        x1 = gtv[pl.ds(j * 16, 16)]
        y1 = gtv[pl.ds(_MPAD + j * 16, 16)]
        x2 = gtv[pl.ds(2 * _MPAD + j * 16, 16)]
        y2 = gtv[pl.ds(3 * _MPAD + j * 16, 16)]
        ar = (x2 - x1) * (y2 - y1)
        btv[sl] = (x1 + x2) * 0.5
        btv[pl.ds(_MPAD + j * 16, 16)] = (y1 + y2) * 0.5
        btv[pl.ds(2 * _MPAD + j * 16, 16)] = jnp.where(clsv[sl] >= 0, ar, _INF)

    lane = jnp.arange(16, dtype=jnp.int32)
    zero16 = jnp.zeros((16,), jnp.int32)
    inf16 = jnp.full((16,), _INF, jnp.float32)
    drm1 = (lane >> 2) - 1
    dcm1 = (lane & 3) - 1
    row0 = 21 * q

    def init_level(lvl):
        def ibody(v, _ba=ba[lvl], _bi=bi[lvl]):
            _ba[pl.ds(v * 16, 16)] = inf16
            _bi[pl.ds(v * 16, 16)] = zero16
        plsc.parallel_loop(0, _NV[lvl])(ibody)

    def make_level_step(lvl, base_row):
        s = float(_STRIDES[lvl])
        mn, mx = _LIMITS[lvl]
        nrows = 22 if lvl == 0 else _W[lvl]

        def step(x1, y1, x2, y2, cxs, cys, ars, tx0, ty0, idxm):
            cc = (tx0 >> lvl) + dcm1
            rr = (ty0 >> lvl) + drm1
            rloc = rr - base_row
            local = (rloc << _LOG2W[lvl]) + cc
            owned = ((rloc >= 0) & (rloc < nrows)
                     & (cc >= 0) & (cc < _W[lvl]))
            localc = jnp.minimum(jnp.maximum(local, 0), _SHARE[lvl] - 1)
            xf = (cc.astype(jnp.float32) + 0.5) * s
            yf = (rr.astype(jnp.float32) + 0.5) * s
            l = xf - x1
            t = yf - y1
            r = x2 - xf
            bo = y2 - yf
            omin = jnp.minimum(jnp.minimum(l, t), jnp.minimum(r, bo))
            omax = jnp.maximum(jnp.maximum(l, t), jnp.maximum(r, bo))
            cmax = jnp.maximum(jnp.abs(xf - cxs), jnp.abs(yf - cys))
            ok = ((omin >= 0.0) & (omax >= mn) & (omax <= mx)
                  & (cmax < 1.5 * s) & owned)
            cur = plsc.load_gather(ba[lvl], [localc])
            upd = ok & (ars < cur)
            plsc.store_scatter(ba[lvl], [localc], ars, mask=upd)
            plsc.store_scatter(bi[lvl], [localc], idxm, mask=upd)

        return step

    def run_box_loop(steps):
        def bbody(m, carry):
            idxm = zero16 + m
            x1 = plsc.load_gather(gtv, [idxm])
            y1 = plsc.load_gather(gtv, [idxm + _MPAD])
            x2 = plsc.load_gather(gtv, [idxm + 2 * _MPAD])
            y2 = plsc.load_gather(gtv, [idxm + 3 * _MPAD])
            cxs = plsc.load_gather(btv, [idxm])
            cys = plsc.load_gather(btv, [idxm + _MPAD])
            ars = plsc.load_gather(btv, [idxm + 2 * _MPAD])
            tx0 = (cxs * 0.125).astype(jnp.int32)
            ty0 = (cys * 0.125).astype(jnp.int32)
            args = (x1, y1, x2, y2, cxs, cys, ars, tx0, ty0, idxm)
            for st in steps:
                st(*args)
            return carry
        lax.fori_loop(0, _M, bbody, 0)

    def run_epilogue(lvl, base_row):
        s = float(_STRIDES[lvl])

        def ebody(v, _lvl=lvl, _s=s):
            _ba, _bi, _rg = ba[_lvl], bi[_lvl], rg[_lvl]
            sl = pl.ds(v * 16, 16)
            bav = _ba[sl]
            biv = _bi[sl]
            pos = bav < _INF
            x1g = plsc.load_gather(gtv, [biv])
            y1g = plsc.load_gather(gtv, [biv + _MPAD])
            x2g = plsc.load_gather(gtv, [biv + 2 * _MPAD])
            y2g = plsc.load_gather(gtv, [biv + 3 * _MPAD])
            cg = plsc.load_gather(clsv, [biv])
            p = lane + v * 16
            cc = p & (_W[_lvl] - 1)
            rr = (p >> _LOG2W[_lvl]) + base_row
            xf = (cc.astype(jnp.float32) + 0.5) * _s
            yf = (rr.astype(jnp.float32) + 0.5) * _s
            l = xf - x1g
            t = yf - y1g
            r = x2g - xf
            bo = y2g - yf
            ls = jnp.where(pos, l, 1.0)
            ts = jnp.where(pos, t, 1.0)
            rs = jnp.where(pos, r, 1.0)
            bs = jnp.where(pos, bo, 1.0)
            lrmin = jnp.minimum(ls, rs)
            lrmax = jnp.maximum(jnp.maximum(ls, rs), 1e-5)
            tbmin = jnp.minimum(ts, bs)
            tbmax = jnp.maximum(jnp.maximum(ts, bs), 1e-5)
            den = lrmax * tbmax + 1e-10
            num = lrmin * tbmin
            rbits = lax.bitcast_convert_type(den, jnp.int32)
            rc = lax.bitcast_convert_type(0x7EF311C3 - rbits, jnp.float32)
            rc = rc * (2.0 - den * rc)
            rc = rc * (2.0 - den * rc)
            rc = rc * (2.0 - den * rc)
            a = num * rc
            abits = lax.bitcast_convert_type(a, jnp.int32)
            z = lax.bitcast_convert_type(0x5F3759DF - (abits >> 1), jnp.float32)
            ha = 0.5 * a
            z = z * (1.5 - ha * z * z)
            z = z * (1.5 - ha * z * z)
            z = z * (1.5 - ha * z * z)
            y = a * z
            _bi[sl] = jnp.where(pos, cg, 0)
            _ba[sl] = jnp.where(pos, y, -1.0)
            _rg[sl] = jnp.where(pos, l, -1.0)
            _rg[pl.ds(_SHARE[_lvl] + v * 16, 16)] = jnp.where(pos, t, -1.0)
            _rg[pl.ds(2 * _SHARE[_lvl] + v * 16, 16)] = jnp.where(pos, r, -1.0)
            _rg[pl.ds(3 * _SHARE[_lvl] + v * 16, 16)] = jnp.where(pos, bo, -1.0)
        plsc.parallel_loop(0, _NV[lvl])(ebody)

    def copy_out(lvl, src_off, dst_off, n):
        off = b * _NLOC + _LBASE[lvl] + dst_off
        pltpu.sync_copy(bi[lvl].at[pl.ds(src_off, n)],
                        ocls_hbm.at[pl.ds(off, n)])
        pltpu.sync_copy(ba[lvl].at[pl.ds(src_off, n)],
                        ocnt_hbm.at[pl.ds(off, n)])
        for fld in range(4):
            pltpu.sync_copy(
                rg[lvl].at[pl.ds(fld * _SHARE[lvl] + src_off, n)],
                oreg_hbm.at[pl.ds((b * 4 + fld) * _NLOC
                                  + _LBASE[lvl] + dst_off, n)])

    def l0_phase():
        init_level(0)
        l0_step = make_level_step(0, row0)
        l2_step = make_level_step(2, 0)

        def steps(*args):
            l0_step(*args)
            lax.cond(q == 2, lambda: l2_step(*args), lambda: None)

        lax.cond(q == 2, lambda: init_level(2), lambda: None)
        run_box_loop([steps])
        run_epilogue(0, row0)
        copy_out(0, 0, 1344 * q, 1344)

        def q2_extra():
            run_epilogue(2, 0)
            copy_out(0, 1344, 4032, 64)
            copy_out(2, 0, 0, 256)

        lax.cond(q == 2, q2_extra, lambda: None)

    def l134_phase():
        for lvl in (1, 3, 4):
            init_level(lvl)
        run_box_loop([make_level_step(lvl, 0) for lvl in (1, 3, 4)])
        for lvl in (1, 3, 4):
            run_epilogue(lvl, 0)
            copy_out(lvl, 0, 0, _SHARE[lvl])

    lax.cond(q == 3, l134_phase, l0_phase)


@functools.cache
def _sc_targets_fn():
    scratch = [
        pltpu.VMEM((4 * _MPAD,), jnp.float32),
        pltpu.VMEM((_MPAD,), jnp.int32),
        pltpu.VMEM((3 * _MPAD,), jnp.float32),
    ]
    scratch += [pltpu.VMEM((_SHARE[l],), jnp.float32) for l in range(5)]
    scratch += [pltpu.VMEM((_SHARE[l],), jnp.int32) for l in range(5)]
    scratch += [pltpu.VMEM((4 * _SHARE[l],), jnp.float32) for l in range(5)]
    return pl.kernel(
        _tec_body,
        mesh=plsc.VectorSubcoreMesh(core_axis_name="c", subcore_axis_name="s"),
        compiler_params=pltpu.CompilerParams(
            use_tc_tiling_on_sc=False, needs_layout_passes=False),
        out_type=(
            jax.ShapeDtypeStruct((_B * _NLOC,), jnp.int32),
            jax.ShapeDtypeStruct((_B * _NLOC,), jnp.float32),
            jax.ShapeDtypeStruct((_B * 4 * _NLOC,), jnp.float32),
        ),
        scratch_types=scratch,
    )


def kernel(cls_logits_0, cls_logits_1, cls_logits_2, cls_logits_3, cls_logits_4,
           cnt_logits_0, cnt_logits_1, cnt_logits_2, cnt_logits_3, cnt_logits_4,
           reg_preds_0, reg_preds_1, reg_preds_2, reg_preds_3, reg_preds_4,
           gt_boxes, classes, batch_scales):
    gt_t = jnp.transpose(gt_boxes, (0, 2, 1))
    gt_p = jnp.pad(gt_t, ((0, 0), (0, 0), (0, _MPAD - _M))).reshape(-1)
    cls_p = jnp.pad(classes, ((0, 0), (0, _MPAD - _M)),
                    constant_values=-1).reshape(-1)
    ocls, ocnt, oreg = _sc_targets_fn()(gt_p, cls_p)
    cls_t = ocls.reshape(_B, _NLOC)[:, :, None]
    cnt_t = ocnt.reshape(_B, _NLOC)[:, :, None]
    reg_t = jnp.transpose(oreg.reshape(_B, 4, _NLOC), (0, 2, 1))
    return cls_t, cnt_t, reg_t

# --- scband reference (transcript-rebuilt; emitter-appended) ---
"""Pipeline reference for scband-gen-targets-17403207483863 (READ-ONLY COPY).

The authoritative reference and input builder live on the scoring server;
editing this copy changes nothing except your own understanding.
"""

import jax, jax.numpy as jnp
import numpy as np

STRIDES = [8, 16, 32, 64, 128]
LIMIT_RANGE = [[-1.0, 64.0], [64.0, 128.0], [128.0, 256.0], [256.0, 512.0], [512.0, 1e10]]
LEVEL_HW = [(64, 64), (32, 32), (16, 16), (8, 8), (4, 4)]
INF = 1e10


def setup_inputs(seed: int = 0):
    key = jax.random.key(seed)
    ks = jax.random.split(key, 20)
    B, M, C = 8, 100, 80
    inp = {}
    for i, (H, W) in enumerate(LEVEL_HW):
        inp["cls_logits_%d" % i] = jax.random.normal(ks[i], (B, C, H, W), jnp.float32)
        inp["cnt_logits_%d" % i] = jax.random.normal(ks[5 + i], (B, 1, H, W), jnp.float32)
        inp["reg_preds_%d" % i] = jax.random.normal(ks[10 + i], (B, 4, H, W), jnp.float32)
    xy = jax.random.uniform(ks[15], (B, M, 2), jnp.float32) * 384.0
    wh = jax.random.uniform(ks[16], (B, M, 2), jnp.float32) * 120.0 + 8.0
    inp["gt_boxes"] = jnp.concatenate([xy, xy + wh], axis=-1)
    inp["classes"] = jax.random.randint(ks[17], (B, M), 0, 80, dtype=jnp.int32)
    inp["batch_scales"] = jax.random.uniform(ks[18], (B, 2), jnp.float32)
    return inp


def _gen_level_targets(H, W, stride, min_r, max_r, gt_boxes, classes, sample_radius_ratio=1.5):
    B, M, _ = gt_boxes.shape
    HW = H * W
    shifts_x = jnp.arange(W, dtype=jnp.float32) * stride + stride / 2.0
    shifts_y = jnp.arange(H, dtype=jnp.float32) * stride + stride / 2.0
    sx, sy = jnp.meshgrid(shifts_x, shifts_y, indexing='xy')
    x = sx.reshape(-1)[None, :, None]
    y = sy.reshape(-1)[None, :, None]
    x1 = gt_boxes[..., 0][:, None, :]
    y1 = gt_boxes[..., 1][:, None, :]
    x2 = gt_boxes[..., 2][:, None, :]
    y2 = gt_boxes[..., 3][:, None, :]
    l = x - x1
    t = y - y1
    r = x2 - x
    b = y2 - y
    ltrb = jnp.stack([l, t, r, b], axis=-1)  # [B, HW, M, 4]
    off_min = jnp.min(ltrb, axis=-1)
    off_max = jnp.max(ltrb, axis=-1)
    mask_in_box = off_min >= 0
    mask_in_level = (off_max >= min_r) & (off_max <= max_r)
    cx = (x1 + x2) / 2.0
    cy = (y1 + y2) / 2.0
    c_off_max = jnp.max(jnp.stack([x - cx, y - cy, cx - x, cy - y], axis=-1), axis=-1)
    mask_center = c_off_max < stride * sample_radius_ratio
    valid = (classes >= 0)[:, None, :]
    pos_mask = mask_in_box & mask_in_level & mask_center & valid
    areas = ((gt_boxes[..., 2] - gt_boxes[..., 0]) * (gt_boxes[..., 3] - gt_boxes[..., 1]))[:, None, :]
    areas_b = jnp.broadcast_to(areas, (B, HW, M))
    areas_valid = jnp.where(pos_mask, areas_b, INF)
    min_inds = jnp.argmin(areas_valid, axis=-1)  # [B, HW]
    min_vals = jnp.take_along_axis(areas_valid, min_inds[..., None], axis=-1)[..., 0]
    reg_sel = jnp.take_along_axis(ltrb, min_inds[..., None, None], axis=2)[:, :, 0, :]  # [B, HW, 4]
    cls_sel = jnp.take_along_axis(classes, min_inds, axis=1)  # [B, HW]
    pos = min_vals < INF
    reg_safe = jnp.where(pos[..., None], reg_sel, 1.0)
    lr_min = jnp.minimum(reg_safe[..., 0], reg_safe[..., 2])
    lr_max = jnp.clip(jnp.maximum(reg_safe[..., 0], reg_safe[..., 2]), 1e-5, None)
    tb_min = jnp.minimum(reg_safe[..., 1], reg_safe[..., 3])
    tb_max = jnp.clip(jnp.maximum(reg_safe[..., 1], reg_safe[..., 3]), 1e-5, None)
    centerness = jnp.sqrt(lr_min * tb_min / (lr_max * tb_max + 1e-10))
    cls_t = jnp.where(pos, cls_sel, 0)[..., None]
    cnt_t = jnp.where(pos, centerness, -1.0)[..., None]
    reg_t = jnp.where(pos[..., None], reg_sel, -1.0)
    return cls_t, cnt_t, reg_t


def reference(cls_logits_0, cls_logits_1, cls_logits_2, cls_logits_3, cls_logits_4,
              cnt_logits_0, cnt_logits_1, cnt_logits_2, cnt_logits_3, cnt_logits_4,
              reg_preds_0, reg_preds_1, reg_preds_2, reg_preds_3, reg_preds_4,
              gt_boxes, classes, batch_scales):
    cls_logits = [cls_logits_0, cls_logits_1, cls_logits_2, cls_logits_3, cls_logits_4]
    cnt_logits = [cnt_logits_0, cnt_logits_1, cnt_logits_2, cnt_logits_3, cnt_logits_4]
    reg_preds = [reg_preds_0, reg_preds_1, reg_preds_2, reg_preds_3, reg_preds_4]
    aux = jnp.sum(batch_scales)
    cls_all, cnt_all, reg_all = [], [], []
    for lvl, stride in enumerate(STRIDES):
        H = cls_logits[lvl].shape[2]
        W = cls_logits[lvl].shape[3]
        aux = aux + jnp.sum(cnt_logits[lvl]) + jnp.sum(reg_preds[lvl])
        mn, mx = LIMIT_RANGE[lvl]
        c, n, rg = _gen_level_targets(H, W, stride, mn, mx, gt_boxes, classes)
        cls_all.append(c)
        cnt_all.append(n)
        reg_all.append(rg)
    zero = aux * 0.0
    return (jnp.concatenate(cls_all, axis=1),
            jnp.concatenate(cnt_all, axis=1) + zero,
            jnp.concatenate(reg_all, axis=1))

if __name__ == "__main__":
    import jax
    _d = setup_inputs()
    print(jax.jit(kernel)(*tuple(_d.values())))

</pallas_src>

<mosaic_0001>
#map = affine_map<(d0, d1) -> (0)>
module attributes {stable_mosaic.version = 14 : i64} {
  func.func @_tec_body(%arg0: i32, %arg1: i32, %arg2: memref<3584xf32, #tpu.memory_space<hbm>>, %arg3: memref<896xi32, #tpu.memory_space<hbm>>, %arg4: memref<43648xi32, #tpu.memory_space<hbm>>, %arg5: memref<43648xf32, #tpu.memory_space<hbm>>, %arg6: memref<174592xf32, #tpu.memory_space<hbm>>, %arg7: memref<448xf32, #tpu.memory_space<vmem>>, %arg8: memref<112xi32, #tpu.memory_space<vmem>>, %arg9: memref<336xf32, #tpu.memory_space<vmem>>, %arg10: memref<1408xf32, #tpu.memory_space<vmem>>, %arg11: memref<1024xf32, #tpu.memory_space<vmem>>, %arg12: memref<256xf32, #tpu.memory_space<vmem>>, %arg13: memref<64xf32, #tpu.memory_space<vmem>>, %arg14: memref<16xf32, #tpu.memory_space<vmem>>, %arg15: memref<1408xi32, #tpu.memory_space<vmem>>, %arg16: memref<1024xi32, #tpu.memory_space<vmem>>, %arg17: memref<256xi32, #tpu.memory_space<vmem>>, %arg18: memref<64xi32, #tpu.memory_space<vmem>>, %arg19: memref<16xi32, #tpu.memory_space<vmem>>, %arg20: memref<5632xf32, #tpu.memory_space<vmem>>, %arg21: memref<4096xf32, #tpu.memory_space<vmem>>, %arg22: memref<1024xf32, #tpu.memory_space<vmem>>, %arg23: memref<256xf32, #tpu.memory_space<vmem>>, %arg24: memref<64xf32, #tpu.memory_space<vmem>>) attributes {dimension_semantics = [#tpu.dimension_semantics<core_parallel>, #tpu.dimension_semantics<subcore_parallel>], iteration_bounds = array<i64: 2, 16>, scalar_prefetch = 0 : i64, scratch_operands = 18 : i64, tpu.core_type = #tpu.core_type<sc_vector_subcore>, window_params = [{transform_indices = #map}, {transform_indices = #map}, {transform_indices = #map}, {transform_indices = #map}, {transform_indices = #map}]} {
    %mul3A = arith.constant 2 : i32
    %mul3A_0 = arith.muli %arg1, %mul3A : i32
    %add3A = arith.addi %mul3A_0, %arg0 : i32
    %jit3A = arith.constant 4 : i32
    %div3A = arith.divsi %add3A, %jit3A : i32
    %sign3A = arith.constant 0 : i32
    %sign3A_1 = arith.cmpi sgt, %add3A, %sign3A : i32
    %sign3A_2 = arith.extui %sign3A_1 : i1 to i32
    %sign3A_3 = arith.constant 0 : i32
    %sign3A_4 = arith.cmpi slt, %add3A, %sign3A_3 : i32
    %sign3A_5 = arith.extui %sign3A_4 : i1 to i32
    %sign3A_6 = arith.subi %sign3A_2, %sign3A_5 : i32
    %sign3A_7 = arith.constant 0 : i32
    %sign3A_8 = arith.cmpi sgt, %jit3A, %sign3A_7 : i32
    %sign3A_9 = arith.extui %sign3A_8 : i1 to i32
    %sign3A_10 = arith.constant 0 : i32
    %sign3A_11 = arith.cmpi slt, %jit3A, %sign3A_10 : i32
    %sign3A_12 = arith.extui %sign3A_11 : i1 to i32
    %sign3A_13 = arith.subi %sign3A_9, %sign3A_12 : i32
    %ne3A = arith.cmpi ne, %sign3A_6, %sign3A_13 : i32
    %rem3A = arith.remsi %add3A, %jit3A : i32
    %ne3A_14 = arith.constant 0 : i32
    %ne3A_15 = arith.cmpi ne, %rem3A, %ne3A_14 : i32
    %and3A = arith.andi %ne3A, %ne3A_15 : i1
    %sub3A = arith.constant 1 : i32
    %sub3A_16 = arith.subi %div3A, %sub3A : i32
    %select_n3A = arith.select %and3A, %sub3A_16, %div3A : i32
    %jit3A_17 = arith.constant 4 : i32
    %eq3A = arith.constant 0 : i32
    %eq3A_18 = arith.cmpi eq, %jit3A_17, %eq3A : i32
    %jit3A_19 = arith.constant 1 : i32
    %select_n3A_20 = arith.select %eq3A_18, %jit3A_19, %jit3A_17 : i32
    %rem3A_21 = arith.remsi %add3A, %select_n3A_20 : i32
    %ne3A_22 = arith.constant 0 : i32
    %ne3A_23 = arith.cmpi ne, %rem3A_21, %ne3A_22 : i32
    %lt3A = arith.constant 0 : i32
    %lt3A_24 = arith.cmpi slt, %rem3A_21, %lt3A : i32
    %lt3A_25 = arith.constant 0 : i32
    %lt3A_26 = arith.cmpi slt, %select_n3A_20, %lt3A_25 : i32
    %ne3A_27 = arith.xori %lt3A_24, %lt3A_26 : i1
    %and3A_28 = arith.andi %ne3A_27, %ne3A_23 : i1
    %add3A_29 = arith.addi %rem3A_21, %select_n3A_20 : i32
    %select_n3A_30 = arith.select %and3A_28, %add3A_29, %rem3A_21 : i32
    %mul3A_31 = arith.constant 4 : i32
    %mul3A_32 = arith.muli %select_n3A, %mul3A_31 : i32
    %mul3A_33 = arith.constant 112 : i32
    %mul3A_34 = arith.muli %mul3A_32, %mul3A_33 : i32
    "tpu.region"() ({
      %run_scoped3A = tpu.sem_alloc : memref<!tpu.dma_semaphore, #tpu.memory_space<semaphore_mem>>
      %dma_start3A = tpu.memref_slice %arg2[%mul3A_34] : memref<3584xf32, #tpu.memory_space<hbm>> -> memref<448xf32, #tpu.memory_space<hbm>>
      %dma_start3A_284 = tpu.memref_slice %arg2[%mul3A_34] : memref<3584xf32, #tpu.memory_space<hbm>> -> memref<448xf32, #tpu.memory_space<hbm>>
      tpu.enqueue_dma source(%dma_start3A_284 : memref<448xf32, #tpu.memory_space<hbm>>) target(%arg7 : memref<448xf32, #tpu.memory_space<vmem>>) target_semaphore(%run_scoped3A : memref<!tpu.dma_semaphore, #tpu.memory_space<semaphore_mem>>)
      %dma_wait3A = tpu.memref_slice %arg2[%mul3A_34] : memref<3584xf32, #tpu.memory_space<hbm>> -> memref<448xf32, #tpu.memory_space<hbm>>
      %dma_wait3A_285 = tpu.memref_slice %arg2[%mul3A_34] : memref<3584xf32, #tpu.memory_space<hbm>> -> memref<448xf32, #tpu.memory_space<hbm>>
      tpu.wait_dma2 semaphore(%run_scoped3A : memref<!tpu.dma_semaphore, #tpu.memory_space<semaphore_mem>>) src(%dma_wait3A_285 : memref<448xf32, #tpu.memory_space<hbm>>) dst(%arg7 : memref<448xf32, #tpu.memory_space<vmem>>)
      tpu.yield
    }) : () -> ()
    %mul3A_35 = arith.constant 112 : i32
    %mul3A_36 = arith.muli %select_n3A, %mul3A_35 : i32
    "tpu.region"() ({
      %run_scoped3A = tpu.sem_alloc : memref<!tpu.dma_semaphore, #tpu.memory_space<semaphore_mem>>
      %dma_start3A = tpu.memref_slice %arg3[%mul3A_36] : memref<896xi32, #tpu.memory_space<hbm>> -> memref<112xi32, #tpu.memory_space<hbm>>
      %dma_start3A_284 = tpu.memref_slice %arg3[%mul3A_36] : memref<896xi32, #tpu.memory_space<hbm>> -> memref<112xi32, #tpu.memory_space<hbm>>
      tpu.enqueue_dma source(%dma_start3A_284 : memref<112xi32, #tpu.memory_space<hbm>>) target(%arg8 : memref<112xi32, #tpu.memory_space<vmem>>) target_semaphore(%run_scoped3A : memref<!tpu.dma_semaphore, #tpu.memory_space<semaphore_mem>>)
      %dma_wait3A = tpu.memref_slice %arg3[%mul3A_36] : memref<896xi32, #tpu.memory_space<hbm>> -> memref<112xi32, #tpu.memory_space<hbm>>
      %dma_wait3A_285 = tpu.memref_slice %arg3[%mul3A_36] : memref<896xi32, #tpu.memory_space<hbm>> -> memref<112xi32, #tpu.memory_space<hbm>>
      tpu.wait_dma2 semaphore(%run_scoped3A : memref<!tpu.dma_semaphore, #tpu.memory_space<semaphore_mem>>) src(%dma_wait3A_285 : memref<112xi32, #tpu.memory_space<hbm>>) dst(%arg8 : memref<112xi32, #tpu.memory_space<vmem>>)
      tpu.yield
    }) : () -> ()
    %get3A = arith.constant 0 : index
    %get3A_37 = tpu.vector_load %arg7[%get3A] {strides = array<i32>} : memref<448xf32, #tpu.memory_space<vmem>>, vector<16xf32>,
    %get3A_38 = arith.constant 112 : index
    %get3A_39 = tpu.vector_load %arg7[%get3A_38] {strides = array<i32>} : memref<448xf32, #tpu.memory_space<vmem>>, vector<16xf32>,
    %get3A_40 = arith.constant 224 : index
    %get3A_41 = tpu.vector_load %arg7[%get3A_40] {strides = array<i32>} : memref<448xf32, #tpu.memory_space<vmem>>, vector<16xf32>,
    %get3A_42 = arith.constant 336 : index
    %get3A_43 = tpu.vector_load %arg7[%get3A_42] {strides = array<i32>} : memref<448xf32, #tpu.memory_space<vmem>>, vector<16xf32>,
    %sub3A_44 = arith.subf %get3A_41, %get3A_37 : vector<16xf32>
    %sub3A_45 = arith.subf %get3A_43, %get3A_39 : vector<16xf32>
    %mul3A_46 = arith.mulf %sub3A_44, %sub3A_45 : vector<16xf32>
    %add3A_47 = arith.addf %get3A_37, %get3A_41 : vector<16xf32>
    %mul3A_48 = arith.constant 5.000000e-01 : f32
    %mul3A_49 = vector.broadcast %mul3A_48 : f32 to vector<16xf32>
    %mul3A_50 = arith.mulf %add3A_47, %mul3A_49 : vector<16xf32>
    %swap3A = arith.constant 0 : index
    %swap3A_51 = tpu.vector_load %arg9[%swap3A] {strides = array<i32>} : memref<336xf32, #tpu.memory_space<vmem>>, vector<16xf32>,
    tpu.vector_store %arg9[%swap3A], %mul3A_50 {strides = array<i32>} : memref<336xf32, #tpu.memory_space<vmem>>, vector<16xf32>,
    %add3A_52 = arith.addf %get3A_39, %get3A_43 : vector<16xf32>
    %mul3A_53 = arith.constant 5.000000e-01 : f32
    %mul3A_54 = vector.broadcast %mul3A_53 : f32 to vector<16xf32>
    %mul3A_55 = arith.mulf %add3A_52, %mul3A_54 : vector<16xf32>
    %swap3A_56 = arith.constant 112 : index
    %swap3A_57 = tpu.vector_load %arg9[%swap3A_56] {strides = array<i32>} : memref<336xf32, #tpu.memory_space<vmem>>, vector<16xf32>,
    tpu.vector_store %arg9[%swap3A_56], %mul3A_55 {strides = array<i32>} : memref<336xf32, #tpu.memory_space<vmem>>, vector<16xf32>,
    %get3A_58 = arith.constant 0 : index
    %get3A_59 = tpu.vector_load %arg8[%get3A_58] {strides = array<i32>} : memref<112xi32, #tpu.memory_space<vmem>>, vector<16xi32>,
    %ge3A = arith.constant 0 : i32
    %ge3A_60 = vector.broadcast %ge3A : i32 to vector<16xi32>
    %ge3A_61 = arith.cmpi sge, %get3A_59, %ge3A_60 : vector<16xi32>
    %jit3A_62 = arith.constant 1.000000e+10 : f32
    %broadcast_in_dim3A = vector.broadcast %jit3A_62 : f32 to vector<16xf32>
    %select_n3A_63 = arith.select %ge3A_61, %mul3A_46, %broadcast_in_dim3A : vector<16xi1>, vector<16xf32>
    %swap3A_64 = arith.constant 224 : index
    %swap3A_65 = tpu.vector_load %arg9[%swap3A_64] {strides = array<i32>} : memref<336xf32, #tpu.memory_space<vmem>>, vector<16xf32>,
    tpu.vector_store %arg9[%swap3A_64], %select_n3A_63 {strides = array<i32>} : memref<336xf32, #tpu.memory_space<vmem>>, vector<16xf32>,
    %get3A_66 = arith.constant 16 : index
    %get3A_67 = tpu.vector_load %arg7[%get3A_66] {strides = array<i32>} : memref<448xf32, #tpu.memory_space<vmem>>, vector<16xf32>,
    %get3A_68 = arith.constant 128 : index
    %get3A_69 = tpu.vector_load %arg7[%get3A_68] {strides = array<i32>} : memref<448xf32, #tpu.memory_space<vmem>>, vector<16xf32>,
    %get3A_70 = arith.constant 240 : index
    %get3A_71 = tpu.vector_load %arg7[%get3A_70] {strides = array<i32>} : memref<448xf32, #tpu.memory_space<vmem>>, vector<16xf32>,
    %get3A_72 = arith.constant 352 : index
    %get3A_73 = tpu.vector_load %arg7[%get3A_72] {strides = array<i32>} : memref<448xf32, #tpu.memory_space<vmem>>, vector<16xf32>,
    %sub3A_74 = arith.subf %get3A_71, %get3A_67 : vector<16xf32>
    %sub3A_75 = arith.subf %get3A_73, %get3A_69 : vector<16xf32>
    %mul3A_76 = arith.mulf %sub3A_74, %sub3A_75 : vector<16xf32>
    %add3A_77 = arith.addf %get3A_67, %get3A_71 : vector<16xf32>
    %mul3A_78 = arith.constant 5.000000e-01 : f32
    %mul3A_79 = vector.broadcast %mul3A_78 : f32 to vector<16xf32>
    %mul3A_80 = arith.mulf %add3A_77, %mul3A_79 : vector<16xf32>
    %swap3A_81 = arith.constant 16 : index
    %swap3A_82 = tpu.vector_load %arg9[%swap3A_81] {strides = array<i32>} : memref<336xf32, #tpu.memory_space<vmem>>, vector<16xf32>,
    tpu.vector_store %arg9[%swap3A_81], %mul3A_80 {strides = array<i32>} : memref<336xf32, #tpu.memory_space<vmem>>, vector<16xf32>,
    %add3A_83 = arith.addf %get3A_69, %get3A_73 : vector<16xf32>
    %mul3A_84 = arith.constant 5.000000e-01 : f32
    %mul3A_85 = vector.broadcast %mul3A_84 : f32 to vector<16xf32>
    %mul3A_86 = arith.mulf %add3A_83, %mul3A_85 : vector<16xf32>
    %swap3A_87 = arith.constant 128 : index
    %swap3A_88 = tpu.vector_load %arg9[%swap3A_87] {strides = array<i32>} : memref<336xf32, #tpu.memory_space<vmem>>, vector<16xf32>,
    tpu.vector_store %arg9[%swap3A_87], %mul3A_86 {strides = array<i32>} : memref<336xf32, #tpu.memory_space<vmem>>, vector<16xf32>,
    %get3A_89 = arith.constant 16 : index
    %get3A_90 = tpu.vector_load %arg8[%get3A_89] {strides = array<i32>} : memref<112xi32, #tpu.memory_space<vmem>>, vector<16xi32>,
    %ge3A_91 = arith.constant 0 : i32
    %ge3A_92 = vector.broadcast %ge3A_91 : i32 to vector<16xi32>
    %ge3A_93 = arith.cmpi sge, %get3A_90, %ge3A_92 : vector<16xi32>
    %jit3A_94 = arith.constant 1.000000e+10 : f32
    %broadcast_in_dim3A_95 = vector.broadcast %jit3A_94 : f32 to vector<16xf32>
    %select_n3A_96 = arith.select %ge3A_93, %mul3A_76, %broadcast_in_dim3A_95 : vector<16xi1>, vector<16xf32>
    %swap3A_97 = arith.constant 240 : index
    %swap3A_98 = tpu.vector_load %arg9[%swap3A_97] {strides = array<i32>} : memref<336xf32, #tpu.memory_space<vmem>>, vector<16xf32>,
    tpu.vector_store %arg9[%swap3A_97], %select_n3A_96 {strides = array<i32>} : memref<336xf32, #tpu.memory_space<vmem>>, vector<16xf32>,
    %get3A_99 = arith.constant 32 : index
    %get3A_100 = tpu.vector_load %arg7[%get3A_99] {strides = array<i32>} : memref<448xf32, #tpu.memory_space<vmem>>, vector<16xf32>,
    %get3A_101 = arith.constant 144 : index
    %get3A_102 = tpu.vector_load %arg7[%get3A_101] {strides = array<i32>} : memref<448xf32, #tpu.memory_space<vmem>>, vector<16xf32>,
    %get3A_103 = arith.constant 256 : index
    %get3A_104 = tpu.vector_load %arg7[%get3A_103] {strides = array<i32>} : memref<448xf32, #tpu.memory_space<vmem>>, vector<16xf32>,
    %get3A_105 = arith.constant 368 : index
    %get3A_106 = tpu.vector_load %arg7[%get3A_105] {strides = array<i32>} : memref<448xf32, #tpu.memory_space<vmem>>, vector<16xf32>,
    %sub3A_107 = arith.subf %get3A_104, %get3A_100 : vector<16xf32>
    %sub3A_108 = arith.subf %get3A_106, %get3A_102 : vector<16xf32>
    %mul3A_109 = arith.mulf %sub3A_107, %sub3A_108 : vector<16xf32>
    %add3A_110 = arith.addf %get3A_100, %get3A_104 : vector<16xf32>
    %mul3A_111 = arith.constant 5.000000e-01 : f32
    %mul3A_112 = vector.broadcast %mul3A_111 : f32 to vector<16xf32>
    %mul3A_113 = arith.mulf %add3A_110, %mul3A_112 : vector<16xf32>
    %swap3A_114 = arith.constant 32 : index
    %swap3A_115 = tpu.vector_load %arg9[%swap3A_114] {strides = array<i32>} : memref<336xf32, #tpu.memory_space<vmem>>, vector<16xf32>,
    tpu.vector_store %arg9[%swap3A_114], %mul3A_113 {strides = array<i32>} : memref<336xf32, #tpu.memory_space<vmem>>, vector<16xf32>,
    %add3A_116 = arith.addf %get3A_102, %get3A_106 : vector<16xf32>
    %mul3A_117 = arith.constant 5.000000e-01 : f32
    %mul3A_118 = vector.broadcast %mul3A_117 : f32 to vector<16xf32>
    %mul3A_119 = arith.mulf %add3A_116, %mul3A_118 : vector<16xf32>
    %swap3A_120 = arith.constant 144 : index
    %swap3A_121 = tpu.vector_load %arg9[%swap3A_120] {strides = array<i32>} : memref<336xf32, #tpu.memory_space<vmem>>, vector<16xf32>,
    tpu.vector_store %arg9[%swap3A_120], %mul3A_119 {strides = array<i32>} : memref<336xf32, #tpu.memory_space<vmem>>, vector<16xf32>,
    %get3A_122 = arith.constant 32 : index
    %get3A_123 = tpu.vector_load %arg8[%get3A_122] {strides = array<i32>} : memref<112xi32, #tpu.memory_space<vmem>>, vector<16xi32>,
    %ge3A_124 = arith.constant 0 : i32
    %ge3A_125 = vector.broadcast %ge3A_124 : i32 to vector<16xi32>
    %ge3A_126 = arith.cmpi sge, %get3A_123, %ge3A_125 : vector<16xi32>
    %jit3A_127 = arith.constant 1.000000e+10 : f32
    %broadcast_in_dim3A_128 = vector.broadcast %jit3A_127 : f32 to vector<16xf32>
    %select_n3A_129 = arith.select %ge3A_126, %mul3A_109, %broadcast_in_dim3A_128 : vector<16xi1>, vector<16xf32>
    %swap3A_130 = arith.constant 256 : index
    %swap3A_131 = tpu.vector_load %arg9[%swap3A_130] {strides = array<i32>} : memref<336xf32, #tpu.memory_space<vmem>>, vector<16xf32>,
    tpu.vector_store %arg9[%swap3A_130], %select_n3A_129 {strides = array<i32>} : memref<336xf32, #tpu.memory_space<vmem>>, vector<16xf32>,
    %get3A_132 = arith.constant 48 : index
    %get3A_133 = tpu.vector_load %arg7[%get3A_132] {strides = array<i32>} : memref<448xf32, #tpu.memory_space<vmem>>, vector<16xf32>,
    %get3A_134 = arith.constant 160 : index
    %get3A_135 = tpu.vector_load %arg7[%get3A_134] {strides = array<i32>} : memref<448xf32, #tpu.memory_space<vmem>>, vector<16xf32>,
    %get3A_136 = arith.constant 272 : index
    %get3A_137 = tpu.vector_load %arg7[%get3A_136] {strides = array<i32>} : memref<448xf32, #tpu.memory_space<vmem>>, vector<16xf32>,
    %get3A_138 = arith.constant 384 : index
    %get3A_139 = tpu.vector_load %arg7[%get3A_138] {strides = array<i32>} : memref<448xf32, #tpu.memory_space<vmem>>, vector<16xf32>,
    %sub3A_140 = arith.subf %get3A_137, %get3A_133 : vector<16xf32>
    %sub3A_141 = arith.subf %get3A_139, %get3A_135 : vector<16xf32>
    %mul3A_142 = arith.mulf %sub3A_140, %sub3A_141 : vector<16xf32>
    %add3A_143 = arith.addf %get3A_133, %get3A_137 : vector<16xf32>
    %mul3A_144 = arith.constant 5.000000e-01 : f32
    %mul3A_145 = vector.broadcast %mul3A_144 : f32 to vector<16xf32>
    %mul3A_146 = arith.mulf %add3A_143, %mul3A_145 : vector<16xf32>
    %swap3A_147 = arith.constant 48 : index
    %swap3A_148 = tpu.vector_load %arg9[%swap3A_147] {strides = array<i32>} : memref<336xf32, #tpu.memory_space<vmem>>, vector<16xf32>,
    tpu.vector_store %arg9[%swap3A_147], %mul3A_146 {strides = array<i32>} : memref<336xf32, #tpu.memory_space<vmem>>, vector<16xf32>,
    %add3A_149 = arith.addf %get3A_135, %get3A_139 : vector<16xf32>
    %mul3A_150 = arith.constant 5.000000e-01 : f32
    %mul3A_151 = vector.broadcast %mul3A_150 : f32 to vector<16xf32>
    %mul3A_152 = arith.mulf %add3A_149, %mul3A_151 : vector<16xf32>
    %swap3A_153 = arith.constant 160 : index
    %swap3A_154 = tpu.vector_load %arg9[%swap3A_153] {strides = array<i32>} : memref<336xf32, #tpu.memory_space<vmem>>, vector<16xf32>,
    tpu.vector_store %arg9[%swap3A_153], %mul3A_152 {strides = array<i32>} : memref<336xf32, #tpu.memory_space<vmem>>, vector<16xf32>,
    %get3A_155 = arith.constant 48 : index
    %get3A_156 = tpu.vector_load %arg8[%get3A_155] {strides = array<i32>} : memref<112xi32, #tpu.memory_space<vmem>>, vector<16xi32>,
    %ge3A_157 = arith.constant 0 : i32
    %ge3A_158 = vector.broadcast %ge3A_157 : i32 to vector<16xi32>
    %ge3A_159 = arith.cmpi sge, %get3A_156, %ge3A_158 : vector<16xi32>
    %jit3A_160 = arith.constant 1.000000e+10 : f32
    %broadcast_in_dim3A_161 = vector.broadcast %jit3A_160 : f32 to vector<16xf32>
    %select_n3A_162 = arith.select %ge3A_159, %mul3A_142, %broadcast_in_dim3A_161 : vector<16xi1>, vector<16xf32>
    %swap3A_163 = arith.constant 272 : index
    %swap3A_164 = tpu.vector_load %arg9[%swap3A_163] {strides = array<i32>} : memref<336xf32, #tpu.memory_space<vmem>>, vector<16xf32>,
    tpu.vector_store %arg9[%swap3A_163], %select_n3A_162 {strides = array<i32>} : memref<336xf32, #tpu.memory_space<vmem>>, vector<16xf32>,
    %get3A_165 = arith.constant 64 : index
    %get3A_166 = tpu.vector_load %arg7[%get3A_165] {strides = array<i32>} : memref<448xf32, #tpu.memory_space<vmem>>, vector<16xf32>,
    %get3A_167 = arith.constant 176 : index
    %get3A_168 = tpu.vector_load %arg7[%get3A_167] {strides = array<i32>} : memref<448xf32, #tpu.memory_space<vmem>>, vector<16xf32>,
    %get3A_169 = arith.constant 288 : index
    %get3A_170 = tpu.vector_load %arg7[%get3A_169] {strides = array<i32>} : memref<448xf32, #tpu.memory_space<vmem>>, vector<16xf32>,
    %get3A_171 = arith.constant 400 : index
    %get3A_172 = tpu.vector_load %arg7[%get3A_171] {strides = array<i32>} : memref<448xf32, #tpu.memory_space<vmem>>, vector<16xf32>,
    %sub3A_173 = arith.subf %get3A_170, %get3A_166 : vector<16xf32>
    %sub3A_174 = arith.subf %get3A_172, %get3A_168 : vector<16xf32>
    %mul3A_175 = arith.mulf %sub3A_173, %sub3A_174 : vector<16xf32>
    %add3A_176 = arith.addf %get3A_166, %get3A_170 : vector<16xf32>
    %mul3A_177 = arith.constant 5.000000e-01 : f32
    %mul3A_178 = vector.broadcast %mul3A_177 : f32 to vector<16xf32>
    %mul3A_179 = arith.mulf %add3A_176, %mul3A_178 : vector<16xf32>
    %swap3A_180 = arith.constant 64 : index
    %swap3A_181 = tpu.vector_load %arg9[%swap3A_180] {strides = array<i32>} : memref<336xf32, #tpu.memory_space<vmem>>, vector<16xf32>,
    tpu.vector_store %arg9[%swap3A_180], %mul3A_179 {strides = array<i32>} : memref<336xf32, #tpu.memory_space<vmem>>, vector<16xf32>,
    %add3A_182 = arith.addf %get3A_168, %get3A_172 : vector<16xf32>
    %mul3A_183 = arith.constant 5.000000e-01 : f32
    %mul3A_184 = vector.broadcast %mul3A_183 : f32 to vector<16xf32>
    %mul3A_185 = arith.mulf %add3A_182, %mul3A_184 : vector<16xf32>
    %swap3A_186 = arith.constant 176 : index
    %swap3A_187 = tpu.vector_load %arg9[%swap3A_186] {strides = array<i32>} : memref<336xf32, #tpu.memory_space<vmem>>, vector<16xf32>,
    tpu.vector_store %arg9[%swap3A_186], %mul3A_185 {strides = array<i32>} : memref<336xf32, #tpu.memory_space<vmem>>, vector<16xf32>,
    %get3A_188 = arith.constant 64 : index
    %get3A_189 = tpu.vector_load %arg8[%get3A_188] {strides = array<i32>} : memref<112xi32, #tpu.memory_space<vmem>>, vector<16xi32>,
    %ge3A_190 = arith.constant 0 : i32
    %ge3A_191 = vector.broadcast %ge3A_190 : i32 to vector<16xi32>
    %ge3A_192 = arith.cmpi sge, %get3A_189, %ge3A_191 : vector<16xi32>
    %jit3A_193 = arith.constant 1.000000e+10 : f32
    %broadcast_in_dim3A_194 = vector.broadcast %jit3A_193 : f32 to vector<16xf32>
    %select_n3A_195 = arith.select %ge3A_192, %mul3A_175, %broadcast_in_dim3A_194 : vector<16xi1>, vector<16xf32>
    %swap3A_196 = arith.constant 288 : index
    %swap3A_197 = tpu.vector_load %arg9[%swap3A_196] {strides = array<i32>} : memref<336xf32, #tpu.memory_space<vmem>>, vector<16xf32>,
    tpu.vector_store %arg9[%swap3A_196], %select_n3A_195 {strides = array<i32>} : memref<336xf32, #tpu.memory_space<vmem>>, vector<16xf32>,
    %get3A_198 = arith.constant 80 : index
    %get3A_199 = tpu.vector_load %arg7[%get3A_198] {strides = array<i32>} : memref<448xf32, #tpu.memory_space<vmem>>, vector<16xf32>,
    %get3A_200 = arith.constant 192 : index
    %get3A_201 = tpu.vector_load %arg7[%get3A_200] {strides = array<i32>} : memref<448xf32, #tpu.memory_space<vmem>>, vector<16xf32>,
    %get3A_202 = arith.constant 304 : index
    %get3A_203 = tpu.vector_load %arg7[%get3A_202] {strides = array<i32>} : memref<448xf32, #tpu.memory_space<vmem>>, vector<16xf32>,
    %get3A_204 = arith.constant 416 : index
    %get3A_205 = tpu.vector_load %arg7[%get3A_204] {strides = array<i32>} : memref<448xf32, #tpu.memory_space<vmem>>, vector<16xf32>,
    %sub3A_206 = arith.subf %get3A_203, %get3A_199 : vector<16xf32>
    %sub3A_207 = arith.subf %get3A_205, %get3A_201 : vector<16xf32>
    %mul3A_208 = arith.mulf %sub3A_206, %sub3A_207 : vector<16xf32>
    %add3A_209 = arith.addf %get3A_199, %get3A_203 : vector<16xf32>
    %mul3A_210 = arith.constant 5.000000e-01 : f32
    %mul3A_211 = vector.broadcast %mul3A_210 : f32 to vector<16xf32>
    %mul3A_212 = arith.mulf %add3A_209, %mul3A_211 : vector<16xf32>
    %swap3A_213 = arith.constant 80 : index
    %swap3A_214 = tpu.vector_load %arg9[%swap3A_213] {strides = array<i32>} : memref<336xf32, #tpu.memory_space<vmem>>, vector<16xf32>,
    tpu.vector_store %arg9[%swap3A_213], %mul3A_212 {strides = array<i32>} : memref<336xf32, #tpu.memory_space<vmem>>, vector<16xf32>,
    %add3A_215 = arith.addf %get3A_201, %get3A_205 : vector<16xf32>
    %mul3A_216 = arith.constant 5.000000e-01 : f32
    %mul3A_217 = vector.broadcast %mul3A_216 : f32 to vector<16xf32>
    %mul3A_218 = arith.mulf %add3A_215, %mul3A_217 : vector<16xf32>
    %swap3A_219 = arith.constant 192 : index
    %swap3A_220 = tpu.vector_load %arg9[%swap3A_219] {strides = array<i32>} : memref<336xf32, #tpu.memory_space<vmem>>, vector<16xf32>,
    tpu.vector_store %arg9[%swap3A_219], %mul3A_218 {strides = array<i32>} : memref<336xf32, #tpu.memory_space<vmem>>, vector<16xf32>,
    %get3A_221 = arith.constant 80 : index
    %get3A_222 = tpu.vector_load %arg8[%get3A_221] {strides = array<i32>} : memref<112xi32, #tpu.memory_space<vmem>>, vector<16xi32>,
    %ge3A_223 = arith.constant 0 : i32
    %ge3A_224 = vector.broadcast %ge3A_223 : i32 to vector<16xi32>
    %ge3A_225 = arith.cmpi sge, %get3A_222, %ge3A_224 : vector<16xi32>
    %jit3A_226 = arith.constant 1.000000e+10 : f32
    %broadcast_in_dim3A_227 = vector.broadcast %jit3A_226 : f32 to vector<16xf32>
    %select_n3A_228 = arith.select %ge3A_225, %mul3A_208, %broadcast_in_dim3A_227 : vector<16xi1>, vector<16xf32>
    %swap3A_229 = arith.constant 304 : index
    %swap3A_230 = tpu.vector_load %arg9[%swap3A_229] {strides = array<i32>} : memref<336xf32, #tpu.memory_space<vmem>>, vector<16xf32>,
    tpu.vector_store %arg9[%swap3A_229], %select_n3A_228 {strides = array<i32>} : memref<336xf32, #tpu.memory_space<vmem>>, vector<16xf32>,
    %get3A_231 = arith.constant 96 : index
    %get3A_232 = tpu.vector_load %arg7[%get3A_231] {strides = array<i32>} : memref<448xf32, #tpu.memory_space<vmem>>, vector<16xf32>,
    %get3A_233 = arith.constant 208 : index
    %get3A_234 = tpu.vector_load %arg7[%get3A_233] {strides = array<i32>} : memref<448xf32, #tpu.memory_space<vmem>>, vector<16xf32>,
    %get3A_235 = arith.constant 320 : index
    %get3A_236 = tpu.vector_load %arg7[%get3A_235] {strides = array<i32>} : memref<448xf32, #tpu.memory_space<vmem>>, vector<16xf32>,
    %get3A_237 = arith.constant 432 : index
    %get3A_238 = tpu.vector_load %arg7[%get3A_237] {strides = array<i32>} : memref<448xf32, #tpu.memory_space<vmem>>, vector<16xf32>,
    %sub3A_239 = arith.subf %get3A_236, %get3A_232 : vector<16xf32>
    %sub3A_240 = arith.subf %get3A_238, %get3A_234 : vector<16xf32>
    %mul3A_241 = arith.mulf %sub3A_239, %sub3A_240 : vector<16xf32>
    %add3A_242 = arith.addf %get3A_232, %get3A_236 : vector<16xf32>
    %mul3A_243 = arith.constant 5.000000e-01 : f32
    %mul3A_244 = vector.broadcast %mul3A_243 : f32 to vector<16xf32>
    %mul3A_245 = arith.mulf %add3A_242, %mul3A_244 : vector<16xf32>
    %swap3A_246 = arith.constant 96 : index
    %swap3A_247 = tpu.vector_load %arg9[%swap3A_246] {strides = array<i32>} : memref<336xf32, #tpu.memory_space<vmem>>, vector<16xf32>,
    tpu.vector_store %arg9[%swap3A_246], %mul3A_245 {strides = array<i32>} : memref<336xf32, #tpu.memory_space<vmem>>, vector<16xf32>,
    %add3A_248 = arith.addf %get3A_234, %get3A_238 : vector<16xf32>
    %mul3A_249 = arith.constant 5.000000e-01 : f32
    %mul3A_250 = vector.broadcast %mul3A_249 : f32 to vector<16xf32>
    %mul3A_251 = arith.mulf %add3A_248, %mul3A_250 : vector<16xf32>
    %swap3A_252 = arith.constant 208 : index
    %swap3A_253 = tpu.vector_load %arg9[%swap3A_252] {strides = array<i32>} : memref<336xf32, #tpu.memory_space<vmem>>, vector<16xf32>,
    tpu.vector_store %arg9[%swap3A_252], %mul3A_251 {strides = array<i32>} : memref<336xf32, #tpu.memory_space<vmem>>, vector<16xf32>,
    %get3A_254 = arith.constant 96 : index
    %get3A_255 = tpu.vector_load %arg8[%get3A_254] {strides = array<i32>} : memref<112xi32, #tpu.memory_space<vmem>>, vector<16xi32>,
    %ge3A_256 = arith.constant 0 : i32
    %ge3A_257 = vector.broadcast %ge3A_256 : i32 to vector<16xi32>
    %ge3A_258 = arith.cmpi sge, %get3A_255, %ge3A_257 : vector<16xi32>
    %jit3A_259 = arith.constant 1.000000e+10 : f32
    %broadcast_in_dim3A_260 = vector.broadcast %jit3A_259 : f32 to vector<16xf32>
    %select_n3A_261 = arith.select %ge3A_258, %mul3A_241, %broadcast_in_dim3A_260 : vector<16xi1>, vector<16xf32>
    %swap3A_262 = arith.constant 320 : index
    %swap3A_263 = tpu.vector_load %arg9[%swap3A_262] {strides = array<i32>} : memref<336xf32, #tpu.memory_space<vmem>>, vector<16xf32>,
    tpu.vector_store %arg9[%swap3A_262], %select_n3A_261 {strides = array<i32>} : memref<336xf32, #tpu.memory_space<vmem>>, vector<16xf32>,
    %iota3A = tpu.iota {dimensions = array<i32: 0>} : vector<16xi32>
    %broadcast_in_dim3A_264 = arith.constant 0 : i32
    %broadcast_in_dim3A_265 = vector.broadcast %broadcast_in_dim3A_264 : i32 to vector<16xi32>
    %broadcast_in_dim3A_266 = arith.constant 1.000000e+10 : f32
    %broadcast_in_dim3A_267 = vector.broadcast %broadcast_in_dim3A_266 : f32 to vector<16xf32>
    %shift_right_arithmetic3A = arith.constant 2 : i32
    %shift_right_arithmetic3A_268 = vector.broadcast %shift_right_arithmetic3A : i32 to vector<16xi32>
    %shift_right_arithmetic3A_269 = arith.shrsi %iota3A, %shift_right_arithmetic3A_268 : vector<16xi32>
    %sub3A_270 = arith.constant 1 : i32
    %sub3A_271 = vector.broadcast %sub3A_270 : i32 to vector<16xi32>
    %sub3A_272 = arith.subi %shift_right_arithmetic3A_269, %sub3A_271 : vector<16xi32>
    %and3A_273 = arith.constant 3 : i32
    %and3A_274 = vector.broadcast %and3A_273 : i32 to vector<16xi32>
    %and3A_275 = arith.andi %iota3A, %and3A_274 : vector<16xi32>
    %sub3A_276 = arith.constant 1 : i32
    %sub3A_277 = vector.broadcast %sub3A_276 : i32 to vector<16xi32>
    %sub3A_278 = arith.subi %and3A_275, %sub3A_277 : vector<16xi32>
    %mul3A_279 = arith.constant 21 : i32
    %mul3A_280 = arith.muli %mul3A_279, %select_n3A_30 : i32
    %eq3A_281 = arith.constant 3 : i32
    %eq3A_282 = arith.cmpi eq, %select_n3A_30, %eq3A_281 : i32
    %convert_element_type3A = arith.extui %eq3A_282 : i1 to i32
    %cond3A = arith.constant 0 : i32
    %cond3A_283 = arith.cmpi ne, %convert_element_type3A, %cond3A : i32
    scf.if %cond3A_283 {
      %parallel_loop3A = arith.constant 0 : i32
      %parallel_loop3A_284 = arith.constant 64 : i32
      %parallel_loop3A_285 = arith.constant 1 : i32
      scf.for %parallel_loop3A_444 = %parallel_loop3A to %parallel_loop3A_284 step %parallel_loop3A_285  : i32 {
        %parallel_loop3A_445 = arith.constant 16 : i32
        %parallel_loop3A_446 = arith.muli %parallel_loop3A_444, %parallel_loop3A_445 : i32
        %parallel_loop3A_447 = arith.index_cast %parallel_loop3A_446 : i32 to index
        %parallel_loop3A_448 = tpu.vector_load %arg11[%parallel_loop3A_447] {strides = array<i32>} : memref<1024xf32, #tpu.memory_space<vmem>>, vector<16xf32>,
        tpu.vector_store %arg11[%parallel_loop3A_447], %broadcast_in_dim3A_267 {strides = array<i32>} : memref<1024xf32, #tpu.memory_space<vmem>>, vector<16xf32>,
        %parallel_loop3A_449 = arith.constant 16 : i32
        %parallel_loop3A_450 = arith.muli %parallel_loop3A_444, %parallel_loop3A_449 : i32
        %parallel_loop3A_451 = arith.index_cast %parallel_loop3A_450 : i32 to index
        %parallel_loop3A_452 = tpu.vector_load %arg16[%parallel_loop3A_451] {strides = array<i32>} : memref<1024xi32, #tpu.memory_space<vmem>>, vector<16xi32>,
        tpu.vector_store %arg16[%parallel_loop3A_451], %broadcast_in_dim3A_265 {strides = array<i32>} : memref<1024xi32, #tpu.memory_space<vmem>>, vector<16xi32>,
      } {sc.loop_unroll_factor = 1 : i64, sc.parallel_access}
      %parallel_loop3A_286 = arith.constant 0 : i32
      %parallel_loop3A_287 = arith.constant 4 : i32
      %parallel_loop3A_288 = arith.constant 1 : i32
      scf.for %parallel_loop3A_444 = %parallel_loop3A_286 to %parallel_loop3A_287 step %parallel_loop3A_288  : i32 {
        %parallel_loop3A_445 = arith.constant 16 : i32
        %parallel_loop3A_446 = arith.muli %parallel_loop3A_444, %parallel_loop3A_445 : i32
        %parallel_loop3A_447 = arith.index_cast %parallel_loop3A_446 : i32 to index
        %parallel_loop3A_448 = tpu.vector_load %arg13[%parallel_loop3A_447] {strides = array<i32>} : memref<64xf32, #tpu.memory_space<vmem>>, vector<16xf32>,
        tpu.vector_store %arg13[%parallel_loop3A_447], %broadcast_in_dim3A_267 {strides = array<i32>} : memref<64xf32, #tpu.memory_space<vmem>>, vector<16xf32>,
        %parallel_loop3A_449 = arith.constant 16 : i32
        %parallel_loop3A_450 = arith.muli %parallel_loop3A_444, %parallel_loop3A_449 : i32
        %parallel_loop3A_451 = arith.index_cast %parallel_loop3A_450 : i32 to index
        %parallel_loop3A_452 = tpu.vector_load %arg18[%parallel_loop3A_451] {strides = array<i32>} : memref<64xi32, #tpu.memory_space<vmem>>, vector<16xi32>,
        tpu.vector_store %arg18[%parallel_loop3A_451], %broadcast_in_dim3A_265 {strides = array<i32>} : memref<64xi32, #tpu.memory_space<vmem>>, vector<16xi32>,
      } {sc.loop_unroll_factor = 1 : i64, sc.parallel_access}
      %parallel_loop3A_289 = arith.constant 0 : i32
      %parallel_loop3A_290 = arith.constant 1 : i32
      %parallel_loop3A_291 = arith.constant 1 : i32
      scf.for %parallel_loop3A_444 = %parallel_loop3A_289 to %parallel_loop3A_290 step %parallel_loop3A_291  : i32 {
        %parallel_loop3A_445 = arith.constant 16 : i32
        %parallel_loop3A_446 = arith.muli %parallel_loop3A_444, %parallel_loop3A_445 : i32
        %parallel_loop3A_447 = arith.index_cast %parallel_loop3A_446 : i32 to index
        %parallel_loop3A_448 = tpu.vector_load %arg14[%parallel_loop3A_447] {strides = array<i32>} : memref<16xf32, #tpu.memory_space<vmem>>, vector<16xf32>,
        tpu.vector_store %arg14[%parallel_loop3A_447], %broadcast_in_dim3A_267 {strides = array<i32>} : memref<16xf32, #tpu.memory_space<vmem>>, vector<16xf32>,
        %parallel_loop3A_449 = arith.constant 16 : i32
        %parallel_loop3A_450 = arith.muli %parallel_loop3A_444, %parallel_loop3A_449 : i32
        %parallel_loop3A_451 = arith.index_cast %parallel_loop3A_450 : i32 to index
        %parallel_loop3A_452 = tpu.vector_load %arg19[%parallel_loop3A_451] {strides = array<i32>} : memref<16xi32, #tpu.memory_space<vmem>>, vector<16xi32>,
        tpu.vector_store %arg19[%parallel_loop3A_451], %broadcast_in_dim3A_265 {strides = array<i32>} : memref<16xi32, #tpu.memory_space<vmem>>, vector<16xi32>,
      } {sc.loop_unroll_factor = 1 : i64, sc.parallel_access}
      %scan3A = arith.constant 0 : i32
      %scan3A_292 = arith.constant 0 : i32
      %scan3A_293 = arith.constant 100 : i32
      %scan3A_294 = arith.addi %scan3A_292, %scan3A_293 : i32
      %scan3A_295 = arith.constant 1 : i32
      scf.for %scan3A_444 = %scan3A_292 to %scan3A_294 step %scan3A_295  : i32 {
        %add3A_445 = vector.broadcast %scan3A_444 : i32 to vector<16xi32>
        %add3A_446 = arith.addi %broadcast_in_dim3A_265, %add3A_445 : vector<16xi32>
        %gather3A = tpu.vector_load_idx %arg7[%add3A_446] : memref<448xf32, #tpu.memory_space<vmem>>[vector<16xi32>], vector<16xf32>,
        %add3A_447 = arith.constant 112 : i32
        %add3A_448 = vector.broadcast %add3A_447 : i32 to vector<16xi32>
        %add3A_449 = arith.addi %add3A_446, %add3A_448 : vector<16xi32>
        %gather3A_450 = tpu.vector_load_idx %arg7[%add3A_449] : memref<448xf32, #tpu.memory_space<vmem>>[vector<16xi32>], vector<16xf32>,
        %add3A_451 = arith.constant 224 : i32
        %add3A_452 = vector.broadcast %add3A_451 : i32 to vector<16xi32>
        %add3A_453 = arith.addi %add3A_446, %add3A_452 : vector<16xi32>
        %gather3A_454 = tpu.vector_load_idx %arg7[%add3A_453] : memref<448xf32, #tpu.memory_space<vmem>>[vector<16xi32>], vector<16xf32>,
        %add3A_455 = arith.constant 336 : i32
        %add3A_456 = vector.broadcast %add3A_455 : i32 to vector<16xi32>
        %add3A_457 = arith.addi %add3A_446, %add3A_456 : vector<16xi32>
        %gather3A_458 = tpu.vector_load_idx %arg7[%add3A_457] : memref<448xf32, #tpu.memory_space<vmem>>[vector<16xi32>], vector<16xf32>,
        %gather3A_459 = tpu.vector_load_idx %arg9[%add3A_446] : memref<336xf32, #tpu.memory_space<vmem>>[vector<16xi32>], vector<16xf32>,
        %add3A_460 = arith.constant 112 : i32
        %add3A_461 = vector.broadcast %add3A_460 : i32 to vector<16xi32>
        %add3A_462 = arith.addi %add3A_446, %add3A_461 : vector<16xi32>
        %gather3A_463 = tpu.vector_load_idx %arg9[%add3A_462] : memref<336xf32, #tpu.memory_space<vmem>>[vector<16xi32>], vector<16xf32>,
        %add3A_464 = arith.constant 224 : i32
        %add3A_465 = vector.broadcast %add3A_464 : i32 to vector<16xi32>
        %add3A_466 = arith.addi %add3A_446, %add3A_465 : vector<16xi32>
        %gather3A_467 = tpu.vector_load_idx %arg9[%add3A_466] : memref<336xf32, #tpu.memory_space<vmem>>[vector<16xi32>], vector<16xf32>,
        %mul3A_468 = arith.constant 1.250000e-01 : f32
        %mul3A_469 = vector.broadcast %mul3A_468 : f32 to vector<16xf32>
        %mul3A_470 = arith.mulf %gather3A_459, %mul3A_469 : vector<16xf32>
        %convert_element_type3A_471 = arith.fptosi %mul3A_470 : vector<16xf32> to vector<16xi32>
        %mul3A_472 = arith.constant 1.250000e-01 : f32
        %mul3A_473 = vector.broadcast %mul3A_472 : f32 to vector<16xf32>
        %mul3A_474 = arith.mulf %gather3A_463, %mul3A_473 : vector<16xf32>
        %convert_element_type3A_475 = arith.fptosi %mul3A_474 : vector<16xf32> to vector<16xi32>
        %shift_right_arithmetic3A_476 = arith.constant 1 : i32
        %shift_right_arithmetic3A_477 = vector.broadcast %shift_right_arithmetic3A_476 : i32 to vector<16xi32>
        %shift_right_arithmetic3A_478 = arith.shrsi %convert_element_type3A_471, %shift_right_arithmetic3A_477 : vector<16xi32>
        %add3A_479 = arith.addi %shift_right_arithmetic3A_478, %sub3A_278 : vector<16xi32>
        %shift_right_arithmetic3A_480 = arith.constant 1 : i32
        %shift_right_arithmetic3A_481 = vector.broadcast %shift_right_arithmetic3A_480 : i32 to vector<16xi32>
        %shift_right_arithmetic3A_482 = arith.shrsi %convert_element_type3A_475, %shift_right_arithmetic3A_481 : vector<16xi32>
        %add3A_483 = arith.addi %shift_right_arithmetic3A_482, %sub3A_272 : vector<16xi32>
        %sub3A_484 = arith.constant 0 : i32
        %sub3A_485 = vector.broadcast %sub3A_484 : i32 to vector<16xi32>
        %sub3A_486 = arith.subi %add3A_483, %sub3A_485 : vector<16xi32>
        %shift_left3A = arith.constant 5 : i32
        %shift_left3A_487 = vector.broadcast %shift_left3A : i32 to vector<16xi32>
        %shift_left3A_488 = arith.shli %sub3A_486, %shift_left3A_487 : vector<16xi32>
        %add3A_489 = arith.addi %shift_left3A_488, %add3A_479 : vector<16xi32>
        %ge3A_490 = arith.constant 0 : i32
        %ge3A_491 = vector.broadcast %ge3A_490 : i32 to vector<16xi32>
        %ge3A_492 = arith.cmpi sge, %sub3A_486, %ge3A_491 : vector<16xi32>
        %lt3A_493 = arith.constant 32 : i32
        %lt3A_494 = vector.broadcast %lt3A_493 : i32 to vector<16xi32>
        %lt3A_495 = arith.cmpi slt, %sub3A_486, %lt3A_494 : vector<16xi32>
        %and3A_496 = arith.andi %ge3A_492, %lt3A_495 : vector<16xi1>
        %ge3A_497 = arith.constant 0 : i32
        %ge3A_498 = vector.broadcast %ge3A_497 : i32 to vector<16xi32>
        %ge3A_499 = arith.cmpi sge, %add3A_479, %ge3A_498 : vector<16xi32>
        %and3A_500 = arith.andi %and3A_496, %ge3A_499 : vector<16xi1>
        %lt3A_501 = arith.constant 32 : i32
        %lt3A_502 = vector.broadcast %lt3A_501 : i32 to vector<16xi32>
        %lt3A_503 = arith.cmpi slt, %add3A_479, %lt3A_502 : vector<16xi32>
        %and3A_504 = arith.andi %and3A_500, %lt3A_503 : vector<16xi1>
        %max3A = arith.constant 0 : i32
        %max3A_505 = vector.broadcast %max3A : i32 to vector<16xi32>
        %max3A_506 = arith.maxsi %add3A_489, %max3A_505 : vector<16xi32>
        %min3A = arith.constant 1023 : i32
        %min3A_507 = vector.broadcast %min3A : i32 to vector<16xi32>
        %min3A_508 = arith.minsi %max3A_506, %min3A_507 : vector<16xi32>
        %convert_element_type3A_509 = arith.sitofp %add3A_479 : vector<16xi32> to vector<16xf32>
        %add3A_510 = arith.constant 5.000000e-01 : f32
        %add3A_511 = vector.broadcast %add3A_510 : f32 to vector<16xf32>
        %add3A_512 = arith.addf %convert_element_type3A_509, %add3A_511 : vector<16xf32>
        %mul3A_513 = arith.constant 1.600000e+01 : f32
        %mul3A_514 = vector.broadcast %mul3A_513 : f32 to vector<16xf32>
        %mul3A_515 = arith.mulf %add3A_512, %mul3A_514 : vector<16xf32>
        %convert_element_type3A_516 = arith.sitofp %add3A_483 : vector<16xi32> to vector<16xf32>
        %add3A_517 = arith.constant 5.000000e-01 : f32
        %add3A_518 = vector.broadcast %add3A_517 : f32 to vector<16xf32>
        %add3A_519 = arith.addf %convert_element_type3A_516, %add3A_518 : vector<16xf32>
        %mul3A_520 = arith.constant 1.600000e+01 : f32
        %mul3A_521 = vector.broadcast %mul3A_520 : f32 to vector<16xf32>
        %mul3A_522 = arith.mulf %add3A_519, %mul3A_521 : vector<16xf32>
        %sub3A_523 = arith.subf %mul3A_515, %gather3A : vector<16xf32>
        %sub3A_524 = arith.subf %mul3A_522, %gather3A_450 : vector<16xf32>
        %sub3A_525 = arith.subf %gather3A_454, %mul3A_515 : vector<16xf32>
        %sub3A_526 = arith.subf %gather3A_458, %mul3A_522 : vector<16xf32>
        %min3A_527 = arith.minimumf %sub3A_523, %sub3A_524 : vector<16xf32>
        %min3A_528 = arith.minimumf %sub3A_525, %sub3A_526 : vector<16xf32>
        %min3A_529 = arith.minimumf %min3A_527, %min3A_528 : vector<16xf32>
        %max3A_530 = arith.maximumf %sub3A_523, %sub3A_524 : vector<16xf32>
        %max3A_531 = arith.maximumf %sub3A_525, %sub3A_526 : vector<16xf32>
        %max3A_532 = arith.maximumf %max3A_530, %max3A_531 : vector<16xf32>
        %sub3A_533 = arith.subf %mul3A_515, %gather3A_459 : vector<16xf32>
        %abs3A = math.absf %sub3A_533 : vector<16xf32>
        %sub3A_534 = arith.subf %mul3A_522, %gather3A_463 : vector<16xf32>
        %abs3A_535 = math.absf %sub3A_534 : vector<16xf32>
        %max3A_536 = arith.maximumf %abs3A, %abs3A_535 : vector<16xf32>
        %ge3A_537 = arith.constant 0.000000e+00 : f32
        %ge3A_538 = vector.broadcast %ge3A_537 : f32 to vector<16xf32>
        %ge3A_539 = arith.cmpf oge, %min3A_529, %ge3A_538 : vector<16xf32>
        %ge3A_540 = arith.constant 6.400000e+01 : f32
        %ge3A_541 = vector.broadcast %ge3A_540 : f32 to vector<16xf32>
        %ge3A_542 = arith.cmpf oge, %max3A_532, %ge3A_541 : vector<16xf32>
        %and3A_543 = arith.andi %ge3A_539, %ge3A_542 : vector<16xi1>
        %le3A = arith.constant 1.280000e+02 : f32
        %le3A_544 = vector.broadcast %le3A : f32 to vector<16xf32>
        %le3A_545 = arith.cmpf ole, %max3A_532, %le3A_544 : vector<16xf32>
        %and3A_546 = arith.andi %and3A_543, %le3A_545 : vector<16xi1>
        %lt3A_547 = arith.constant 2.400000e+01 : f32
        %lt3A_548 = vector.broadcast %lt3A_547 : f32 to vector<16xf32>
        %lt3A_549 = arith.cmpf olt, %max3A_536, %lt3A_548 : vector<16xf32>
        %and3A_550 = arith.andi %and3A_546, %lt3A_549 : vector<16xi1>
        %and3A_551 = arith.andi %and3A_550, %and3A_504 : vector<16xi1>
        %gather3A_552 = tpu.vector_load_idx %arg11[%min3A_508] : memref<1024xf32, #tpu.memory_space<vmem>>[vector<16xi32>], vector<16xf32>,
        %lt3A_553 = arith.cmpf olt, %gather3A_467, %gather3A_552 : vector<16xf32>
        %and3A_554 = arith.andi %and3A_551, %lt3A_553 : vector<16xi1>
        tpu.vector_store_idx %arg11[%min3A_508], %gather3A_467 masked %and3A_554 : memref<1024xf32, #tpu.memory_space<vmem>>[vector<16xi32>], vector<16xf32>, vector<16xi1>
        tpu.vector_store_idx %arg16[%min3A_508], %add3A_446 masked %and3A_554 : memref<1024xi32, #tpu.memory_space<vmem>>[vector<16xi32>], vector<16xi32>, vector<16xi1>
        %shift_right_arithmetic3A_555 = arith.constant 3 : i32
        %shift_right_arithmetic3A_556 = vector.broadcast %shift_right_arithmetic3A_555 : i32 to vector<16xi32>
        %shift_right_arithmetic3A_557 = arith.shrsi %convert_element_type3A_471, %shift_right_arithmetic3A_556 : vector<16xi32>
        %add3A_558 = arith.addi %shift_right_arithmetic3A_557, %sub3A_278 : vector<16xi32>
        %shift_right_arithmetic3A_559 = arith.constant 3 : i32
        %shift_right_arithmetic3A_560 = vector.broadcast %shift_right_arithmetic3A_559 : i32 to vector<16xi32>
        %shift_right_arithmetic3A_561 = arith.shrsi %convert_element_type3A_475, %shift_right_arithmetic3A_560 : vector<16xi32>
        %add3A_562 = arith.addi %shift_right_arithmetic3A_561, %sub3A_272 : vector<16xi32>
        %sub3A_563 = arith.constant 0 : i32
        %sub3A_564 = vector.broadcast %sub3A_563 : i32 to vector<16xi32>
        %sub3A_565 = arith.subi %add3A_562, %sub3A_564 : vector<16xi32>
        %shift_left3A_566 = arith.constant 3 : i32
        %shift_left3A_567 = vector.broadcast %shift_left3A_566 : i32 to vector<16xi32>
        %shift_left3A_568 = arith.shli %sub3A_565, %shift_left3A_567 : vector<16xi32>
        %add3A_569 = arith.addi %shift_left3A_568, %add3A_558 : vector<16xi32>
        %ge3A_570 = arith.constant 0 : i32
        %ge3A_571 = vector.broadcast %ge3A_570 : i32 to vector<16xi32>
        %ge3A_572 = arith.cmpi sge, %sub3A_565, %ge3A_571 : vector<16xi32>
        %lt3A_573 = arith.constant 8 : i32
        %lt3A_574 = vector.broadcast %lt3A_573 : i32 to vector<16xi32>
        %lt3A_575 = arith.cmpi slt, %sub3A_565, %lt3A_574 : vector<16xi32>
        %and3A_576 = arith.andi %ge3A_572, %lt3A_575 : vector<16xi1>
        %ge3A_577 = arith.constant 0 : i32
        %ge3A_578 = vector.broadcast %ge3A_577 : i32 to vector<16xi32>
        %ge3A_579 = arith.cmpi sge, %add3A_558, %ge3A_578 : vector<16xi32>
        %and3A_580 = arith.andi %and3A_576, %ge3A_579 : vector<16xi1>
        %lt3A_581 = arith.constant 8 : i32
        %lt3A_582 = vector.broadcast %lt3A_581 : i32 to vector<16xi32>
        %lt3A_583 = arith.cmpi slt, %add3A_558, %lt3A_582 : vector<16xi32>
        %and3A_584 = arith.andi %and3A_580, %lt3A_583 : vector<16xi1>
        %max3A_585 = arith.constant 0 : i32
        %max3A_586 = vector.broadcast %max3A_585 : i32 to vector<16xi32>
        %max3A_587 = arith.maxsi %add3A_569, %max3A_586 : vector<16xi32>
        %min3A_588 = arith.constant 63 : i32
        %min3A_589 = vector.broadcast %min3A_588 : i32 to vector<16xi32>
        %min3A_590 = arith.minsi %max3A_587, %min3A_589 : vector<16xi32>
        %convert_element_type3A_591 = arith.sitofp %add3A_558 : vector<16xi32> to vector<16xf32>
        %add3A_592 = arith.constant 5.000000e-01 : f32
        %add3A_593 = vector.broadcast %add3A_592 : f32 to vector<16xf32>
        %add3A_594 = arith.addf %convert_element_type3A_591, %add3A_593 : vector<16xf32>
        %mul3A_595 = arith.constant 6.400000e+01 : f32
        %mul3A_596 = vector.broadcast %mul3A_595 : f32 to vector<16xf32>
        %mul3A_597 = arith.mulf %add3A_594, %mul3A_596 : vector<16xf32>
        %convert_element_type3A_598 = arith.sitofp %add3A_562 : vector<16xi32> to vector<16xf32>
        %add3A_599 = arith.constant 5.000000e-01 : f32
        %add3A_600 = vector.broadcast %add3A_599 : f32 to vector<16xf32>
        %add3A_601 = arith.addf %convert_element_type3A_598, %add3A_600 : vector<16xf32>
        %mul3A_602 = arith.constant 6.400000e+01 : f32
        %mul3A_603 = vector.broadcast %mul3A_602 : f32 to vector<16xf32>
        %mul3A_604 = arith.mulf %add3A_601, %mul3A_603 : vector<16xf32>
        %sub3A_605 = arith.subf %mul3A_597, %gather3A : vector<16xf32>
        %sub3A_606 = arith.subf %mul3A_604, %gather3A_450 : vector<16xf32>
        %sub3A_607 = arith.subf %gather3A_454, %mul3A_597 : vector<16xf32>
        %sub3A_608 = arith.subf %gather3A_458, %mul3A_604 : vector<16xf32>
        %min3A_609 = arith.minimumf %sub3A_605, %sub3A_606 : vector<16xf32>
        %min3A_610 = arith.minimumf %sub3A_607, %sub3A_608 : vector<16xf32>
        %min3A_611 = arith.minimumf %min3A_609, %min3A_610 : vector<16xf32>
        %max3A_612 = arith.maximumf %sub3A_605, %sub3A_606 : vector<16xf32>
        %max3A_613 = arith.maximumf %sub3A_607, %sub3A_608 : vector<16xf32>
        %max3A_614 = arith.maximumf %max3A_612, %max3A_613 : vector<16xf32>
        %sub3A_615 = arith.subf %mul3A_597, %gather3A_459 : vector<16xf32>
        %abs3A_616 = math.absf %sub3A_615 : vector<16xf32>
        %sub3A_617 = arith.subf %mul3A_604, %gather3A_463 : vector<16xf32>
        %abs3A_618 = math.absf %sub3A_617 : vector<16xf32>
        %max3A_619 = arith.maximumf %abs3A_616, %abs3A_618 : vector<16xf32>
        %ge3A_620 = arith.constant 0.000000e+00 : f32
        %ge3A_621 = vector.broadcast %ge3A_620 : f32 to vector<16xf32>
        %ge3A_622 = arith.cmpf oge, %min3A_611, %ge3A_621 : vector<16xf32>
        %ge3A_623 = arith.constant 2.560000e+02 : f32
        %ge3A_624 = vector.broadcast %ge3A_623 : f32 to vector<16xf32>
        %ge3A_625 = arith.cmpf oge, %max3A_614, %ge3A_624 : vector<16xf32>
        %and3A_626 = arith.andi %ge3A_622, %ge3A_625 : vector<16xi1>
        %le3A_627 = arith.constant 5.120000e+02 : f32
        %le3A_628 = vector.broadcast %le3A_627 : f32 to vector<16xf32>
        %le3A_629 = arith.cmpf ole, %max3A_614, %le3A_628 : vector<16xf32>
        %and3A_630 = arith.andi %and3A_626, %le3A_629 : vector<16xi1>
        %lt3A_631 = arith.constant 9.600000e+01 : f32
        %lt3A_632 = vector.broadcast %lt3A_631 : f32 to vector<16xf32>
        %lt3A_633 = arith.cmpf olt, %max3A_619, %lt3A_632 : vector<16xf32>
        %and3A_634 = arith.andi %and3A_630, %lt3A_633 : vector<16xi1>
        %and3A_635 = arith.andi %and3A_634, %and3A_584 : vector<16xi1>
        %gather3A_636 = tpu.vector_load_idx %arg13[%min3A_590] : memref<64xf32, #tpu.memory_space<vmem>>[vector<16xi32>], vector<16xf32>,
        %lt3A_637 = arith.cmpf olt, %gather3A_467, %gather3A_636 : vector<16xf32>
        %and3A_638 = arith.andi %and3A_635, %lt3A_637 : vector<16xi1>
        tpu.vector_store_idx %arg13[%min3A_590], %gather3A_467 masked %and3A_638 : memref<64xf32, #tpu.memory_space<vmem>>[vector<16xi32>], vector<16xf32>, vector<16xi1>
        tpu.vector_store_idx %arg18[%min3A_590], %add3A_446 masked %and3A_638 : memref<64xi32, #tpu.memory_space<vmem>>[vector<16xi32>], vector<16xi32>, vector<16xi1>
        %shift_right_arithmetic3A_639 = arith.constant 4 : i32
        %shift_right_arithmetic3A_640 = vector.broadcast %shift_right_arithmetic3A_639 : i32 to vector<16xi32>
        %shift_right_arithmetic3A_641 = arith.shrsi %convert_element_type3A_471, %shift_right_arithmetic3A_640 : vector<16xi32>
        %add3A_642 = arith.addi %shift_right_arithmetic3A_641, %sub3A_278 : vector<16xi32>
        %shift_right_arithmetic3A_643 = arith.constant 4 : i32
        %shift_right_arithmetic3A_644 = vector.broadcast %shift_right_arithmetic3A_643 : i32 to vector<16xi32>
        %shift_right_arithmetic3A_645 = arith.shrsi %convert_element_type3A_475, %shift_right_arithmetic3A_644 : vector<16xi32>
        %add3A_646 = arith.addi %shift_right_arithmetic3A_645, %sub3A_272 : vector<16xi32>
        %sub3A_647 = arith.constant 0 : i32
        %sub3A_648 = vector.broadcast %sub3A_647 : i32 to vector<16xi32>
        %sub3A_649 = arith.subi %add3A_646, %sub3A_648 : vector<16xi32>
        %shift_left3A_650 = arith.constant 2 : i32
        %shift_left3A_651 = vector.broadcast %shift_left3A_650 : i32 to vector<16xi32>
        %shift_left3A_652 = arith.shli %sub3A_649, %shift_left3A_651 : vector<16xi32>
        %add3A_653 = arith.addi %shift_left3A_652, %add3A_642 : vector<16xi32>
        %ge3A_654 = arith.constant 0 : i32
        %ge3A_655 = vector.broadcast %ge3A_654 : i32 to vector<16xi32>
        %ge3A_656 = arith.cmpi sge, %sub3A_649, %ge3A_655 : vector<16xi32>
        %lt3A_657 = arith.constant 4 : i32
        %lt3A_658 = vector.broadcast %lt3A_657 : i32 to vector<16xi32>
        %lt3A_659 = arith.cmpi slt, %sub3A_649, %lt3A_658 : vector<16xi32>
        %and3A_660 = arith.andi %ge3A_656, %lt3A_659 : vector<16xi1>
        %ge3A_661 = arith.constant 0 : i32
        %ge3A_662 = vector.broadcast %ge3A_661 : i32 to vector<16xi32>
        %ge3A_663 = arith.cmpi sge, %add3A_642, %ge3A_662 : vector<16xi32>
        %and3A_664 = arith.andi %and3A_660, %ge3A_663 : vector<16xi1>
        %lt3A_665 = arith.constant 4 : i32
        %lt3A_666 = vector.broadcast %lt3A_665 : i32 to vector<16xi32>
        %lt3A_667 = arith.cmpi slt, %add3A_642, %lt3A_666 : vector<16xi32>
        %and3A_668 = arith.andi %and3A_664, %lt3A_667 : vector<16xi1>
        %max3A_669 = arith.constant 0 : i32
        %max3A_670 = vector.broadcast %max3A_669 : i32 to vector<16xi32>
        %max3A_671 = arith.maxsi %add3A_653, %max3A_670 : vector<16xi32>
        %min3A_672 = arith.constant 15 : i32
        %min3A_673 = vector.broadcast %min3A_672 : i32 to vector<16xi32>
        %min3A_674 = arith.minsi %max3A_671, %min3A_673 : vector<16xi32>
        %convert_element_type3A_675 = arith.sitofp %add3A_642 : vector<16xi32> to vector<16xf32>
        %add3A_676 = arith.constant 5.000000e-01 : f32
        %add3A_677 = vector.broadcast %add3A_676 : f32 to vector<16xf32>
        %add3A_678 = arith.addf %convert_element_type3A_675, %add3A_677 : vector<16xf32>
        %mul3A_679 = arith.constant 1.280000e+02 : f32
        %mul3A_680 = vector.broadcast %mul3A_679 : f32 to vector<16xf32>
        %mul3A_681 = arith.mulf %add3A_678, %mul3A_680 : vector<16xf32>
        %convert_element_type3A_682 = arith.sitofp %add3A_646 : vector<16xi32> to vector<16xf32>
        %add3A_683 = arith.constant 5.000000e-01 : f32
        %add3A_684 = vector.broadcast %add3A_683 : f32 to vector<16xf32>
        %add3A_685 = arith.addf %convert_element_type3A_682, %add3A_684 : vector<16xf32>
        %mul3A_686 = arith.constant 1.280000e+02 : f32
        %mul3A_687 = vector.broadcast %mul3A_686 : f32 to vector<16xf32>
        %mul3A_688 = arith.mulf %add3A_685, %mul3A_687 : vector<16xf32>
        %sub3A_689 = arith.subf %mul3A_681, %gather3A : vector<16xf32>
        %sub3A_690 = arith.subf %mul3A_688, %gather3A_450 : vector<16xf32>
        %sub3A_691 = arith.subf %gather3A_454, %mul3A_681 : vector<16xf32>
        %sub3A_692 = arith.subf %gather3A_458, %mul3A_688 : vector<16xf32>
        %min3A_693 = arith.minimumf %sub3A_689, %sub3A_690 : vector<16xf32>
        %min3A_694 = arith.minimumf %sub3A_691, %sub3A_692 : vector<16xf32>
        %min3A_695 = arith.minimumf %min3A_693, %min3A_694 : vector<16xf32>
        %max3A_696 = arith.maximumf %sub3A_689, %sub3A_690 : vector<16xf32>
        %max3A_697 = arith.maximumf %sub3A_691, %sub3A_692 : vector<16xf32>
        %max3A_698 = arith.maximumf %max3A_696, %max3A_697 : vector<16xf32>
        %sub3A_699 = arith.subf %mul3A_681, %gather3A_459 : vector<16xf32>
        %abs3A_700 = math.absf %sub3A_699 : vector<16xf32>
        %sub3A_701 = arith.subf %mul3A_688, %gather3A_463 : vector<16xf32>
        %abs3A_702 = math.absf %sub3A_701 : vector<16xf32>
        %max3A_703 = arith.maximumf %abs3A_700, %abs3A_702 : vector<16xf32>
        %ge3A_704 = arith.constant 0.000000e+00 : f32
        %ge3A_705 = vector.broadcast %ge3A_704 : f32 to vector<16xf32>
        %ge3A_706 = arith.cmpf oge, %min3A_695, %ge3A_705 : vector<16xf32>
        %ge3A_707 = arith.constant 5.120000e+02 : f32
        %ge3A_708 = vector.broadcast %ge3A_707 : f32 to vector<16xf32>
        %ge3A_709 = arith.cmpf oge, %max3A_698, %ge3A_708 : vector<16xf32>
        %and3A_710 = arith.andi %ge3A_706, %ge3A_709 : vector<16xi1>
        %le3A_711 = arith.constant 1.000000e+10 : f32
        %le3A_712 = vector.broadcast %le3A_711 : f32 to vector<16xf32>
        %le3A_713 = arith.cmpf ole, %max3A_698, %le3A_712 : vector<16xf32>
        %and3A_714 = arith.andi %and3A_710, %le3A_713 : vector<16xi1>
        %lt3A_715 = arith.constant 1.920000e+02 : f32
        %lt3A_716 = vector.broadcast %lt3A_715 : f32 to vector<16xf32>
        %lt3A_717 = arith.cmpf olt, %max3A_703, %lt3A_716 : vector<16xf32>
        %and3A_718 = arith.andi %and3A_714, %lt3A_717 : vector<16xi1>
        %and3A_719 = arith.andi %and3A_718, %and3A_668 : vector<16xi1>
        %gather3A_720 = tpu.vector_load_idx %arg14[%min3A_674] : memref<16xf32, #tpu.memory_space<vmem>>[vector<16xi32>], vector<16xf32>,
        %lt3A_721 = arith.cmpf olt, %gather3A_467, %gather3A_720 : vector<16xf32>
        %and3A_722 = arith.andi %and3A_719, %lt3A_721 : vector<16xi1>
        tpu.vector_store_idx %arg14[%min3A_674], %gather3A_467 masked %and3A_722 : memref<16xf32, #tpu.memory_space<vmem>>[vector<16xi32>], vector<16xf32>, vector<16xi1>
        tpu.vector_store_idx %arg19[%min3A_674], %add3A_446 masked %and3A_722 : memref<16xi32, #tpu.memory_space<vmem>>[vector<16xi32>], vector<16xi32>, vector<16xi1>
      }
      %scan3A_296 = arith.constant 100 : i32
      %parallel_loop3A_297 = arith.constant 0 : i32
      %parallel_loop3A_298 = arith.constant 64 : i32
      %parallel_loop3A_299 = arith.constant 1 : i32
      scf.for %parallel_loop3A_444 = %parallel_loop3A_297 to %parallel_loop3A_298 step %parallel_loop3A_299  : i32 {
        %parallel_loop3A_445 = arith.constant 16 : i32
        %parallel_loop3A_446 = arith.muli %parallel_loop3A_444, %parallel_loop3A_445 : i32
        %parallel_loop3A_447 = arith.index_cast %parallel_loop3A_446 : i32 to index
        %parallel_loop3A_448 = tpu.vector_load %arg11[%parallel_loop3A_447] {strides = array<i32>} : memref<1024xf32, #tpu.memory_space<vmem>>, vector<16xf32>,
        %parallel_loop3A_449 = arith.index_cast %parallel_loop3A_446 : i32 to index
        %parallel_loop3A_450 = tpu.vector_load %arg16[%parallel_loop3A_449] {strides = array<i32>} : memref<1024xi32, #tpu.memory_space<vmem>>, vector<16xi32>,
        %parallel_loop3A_451 = arith.constant 1.000000e+10 : f32
        %parallel_loop3A_452 = vector.broadcast %parallel_loop3A_451 : f32 to vector<16xf32>
        %parallel_loop3A_453 = arith.cmpf olt, %parallel_loop3A_448, %parallel_loop3A_452 : vector<16xf32>
        %parallel_loop3A_454 = tpu.vector_load_idx %arg7[%parallel_loop3A_450] : memref<448xf32, #tpu.memory_space<vmem>>[vector<16xi32>], vector<16xf32>,
        %parallel_loop3A_455 = arith.constant 112 : i32
        %parallel_loop3A_456 = vector.broadcast %parallel_loop3A_455 : i32 to vector<16xi32>
        %parallel_loop3A_457 = arith.addi %parallel_loop3A_450, %parallel_loop3A_456 : vector<16xi32>
        %parallel_loop3A_458 = tpu.vector_load_idx %arg7[%parallel_loop3A_457] : memref<448xf32, #tpu.memory_space<vmem>>[vector<16xi32>], vector<16xf32>,
        %parallel_loop3A_459 = arith.constant 224 : i32
        %parallel_loop3A_460 = vector.broadcast %parallel_loop3A_459 : i32 to vector<16xi32>
        %parallel_loop3A_461 = arith.addi %parallel_loop3A_450, %parallel_loop3A_460 : vector<16xi32>
        %parallel_loop3A_462 = tpu.vector_load_idx %arg7[%parallel_loop3A_461] : memref<448xf32, #tpu.memory_space<vmem>>[vector<16xi32>], vector<16xf32>,
        %parallel_loop3A_463 = arith.constant 336 : i32
        %parallel_loop3A_464 = vector.broadcast %parallel_loop3A_463 : i32 to vector<16xi32>
        %parallel_loop3A_465 = arith.addi %parallel_loop3A_450, %parallel_loop3A_464 : vector<16xi32>
        %parallel_loop3A_466 = tpu.vector_load_idx %arg7[%parallel_loop3A_465] : memref<448xf32, #tpu.memory_space<vmem>>[vector<16xi32>], vector<16xf32>,
        %parallel_loop3A_467 = tpu.vector_load_idx %arg8[%parallel_loop3A_450] : memref<112xi32, #tpu.memory_space<vmem>>[vector<16xi32>], vector<16xi32>,
        %parallel_loop3A_468 = arith.constant 16 : i32
        %parallel_loop3A_469 = arith.muli %parallel_loop3A_444, %parallel_loop3A_468 : i32
        %parallel_loop3A_470 = vector.broadcast %parallel_loop3A_469 : i32 to vector<16xi32>
        %parallel_loop3A_471 = arith.addi %iota3A, %parallel_loop3A_470 : vector<16xi32>
        %parallel_loop3A_472 = arith.constant 31 : i32
        %parallel_loop3A_473 = vector.broadcast %parallel_loop3A_472 : i32 to vector<16xi32>
        %parallel_loop3A_474 = arith.andi %parallel_loop3A_471, %parallel_loop3A_473 : vector<16xi32>
        %parallel_loop3A_475 = arith.constant 5 : i32
        %parallel_loop3A_476 = vector.broadcast %parallel_loop3A_475 : i32 to vector<16xi32>
        %parallel_loop3A_477 = arith.shrsi %parallel_loop3A_471, %parallel_loop3A_476 : vector<16xi32>
        %parallel_loop3A_478 = arith.constant 0 : i32
        %parallel_loop3A_479 = vector.broadcast %parallel_loop3A_478 : i32 to vector<16xi32>
        %parallel_loop3A_480 = arith.addi %parallel_loop3A_477, %parallel_loop3A_479 : vector<16xi32>
        %parallel_loop3A_481 = arith.sitofp %parallel_loop3A_474 : vector<16xi32> to vector<16xf32>
        %parallel_loop3A_482 = arith.constant 5.000000e-01 : f32
        %parallel_loop3A_483 = vector.broadcast %parallel_loop3A_482 : f32 to vector<16xf32>
        %parallel_loop3A_484 = arith.addf %parallel_loop3A_481, %parallel_loop3A_483 : vector<16xf32>
        %parallel_loop3A_485 = arith.constant 1.600000e+01 : f32
        %parallel_loop3A_486 = vector.broadcast %parallel_loop3A_485 : f32 to vector<16xf32>
        %parallel_loop3A_487 = arith.mulf %parallel_loop3A_484, %parallel_loop3A_486 : vector<16xf32>
        %parallel_loop3A_488 = arith.sitofp %parallel_loop3A_480 : vector<16xi32> to vector<16xf32>
        %parallel_loop3A_489 = arith.constant 5.000000e-01 : f32
        %parallel_loop3A_490 = vector.broadcast %parallel_loop3A_489 : f32 to vector<16xf32>
        %parallel_loop3A_491 = arith.addf %parallel_loop3A_488, %parallel_loop3A_490 : vector<16xf32>
        %parallel_loop3A_492 = arith.constant 1.600000e+01 : f32
        %parallel_loop3A_493 = vector.broadcast %parallel_loop3A_492 : f32 to vector<16xf32>
        %parallel_loop3A_494 = arith.mulf %parallel_loop3A_491, %parallel_loop3A_493 : vector<16xf32>
        %parallel_loop3A_495 = arith.subf %parallel_loop3A_487, %parallel_loop3A_454 : vector<16xf32>
        %parallel_loop3A_496 = arith.subf %parallel_loop3A_494, %parallel_loop3A_458 : vector<16xf32>
        %parallel_loop3A_497 = arith.subf %parallel_loop3A_462, %parallel_loop3A_487 : vector<16xf32>
        %parallel_loop3A_498 = arith.subf %parallel_loop3A_466, %parallel_loop3A_494 : vector<16xf32>
        %parallel_loop3A_499 = arith.constant 1.000000e+00 : f32
        %parallel_loop3A_500 = vector.broadcast %parallel_loop3A_499 : f32 to vector<16xf32>
        %parallel_loop3A_501 = arith.select %parallel_loop3A_453, %parallel_loop3A_495, %parallel_loop3A_500 : vector<16xi1>, vector<16xf32>
        %parallel_loop3A_502 = arith.constant 1.000000e+00 : f32
        %parallel_loop3A_503 = vector.broadcast %parallel_loop3A_502 : f32 to vector<16xf32>
        %parallel_loop3A_504 = arith.select %parallel_loop3A_453, %parallel_loop3A_496, %parallel_loop3A_503 : vector<16xi1>, vector<16xf32>
        %parallel_loop3A_505 = arith.constant 1.000000e+00 : f32
        %parallel_loop3A_506 = vector.broadcast %parallel_loop3A_505 : f32 to vector<16xf32>
        %parallel_loop3A_507 = arith.select %parallel_loop3A_453, %parallel_loop3A_497, %parallel_loop3A_506 : vector<16xi1>, vector<16xf32>
        %parallel_loop3A_508 = arith.constant 1.000000e+00 : f32
        %parallel_loop3A_509 = vector.broadcast %parallel_loop3A_508 : f32 to vector<16xf32>
        %parallel_loop3A_510 = arith.select %parallel_loop3A_453, %parallel_loop3A_498, %parallel_loop3A_509 : vector<16xi1>, vector<16xf32>
        %parallel_loop3A_511 = arith.minimumf %parallel_loop3A_501, %parallel_loop3A_507 : vector<16xf32>
        %parallel_loop3A_512 = arith.maximumf %parallel_loop3A_501, %parallel_loop3A_507 : vector<16xf32>
        %parallel_loop3A_513 = arith.constant 9.99999974E-6 : f32
        %parallel_loop3A_514 = vector.broadcast %parallel_loop3A_513 : f32 to vector<16xf32>
        %parallel_loop3A_515 = arith.maximumf %parallel_loop3A_512, %parallel_loop3A_514 : vector<16xf32>
        %parallel_loop3A_516 = arith.minimumf %parallel_loop3A_504, %parallel_loop3A_510 : vector<16xf32>
        %parallel_loop3A_517 = arith.maximumf %parallel_loop3A_504, %parallel_loop3A_510 : vector<16xf32>
        %parallel_loop3A_518 = arith.constant 9.99999974E-6 : f32
        %parallel_loop3A_519 = vector.broadcast %parallel_loop3A_518 : f32 to vector<16xf32>
        %parallel_loop3A_520 = arith.maximumf %parallel_loop3A_517, %parallel_loop3A_519 : vector<16xf32>
        %parallel_loop3A_521 = arith.mulf %parallel_loop3A_515, %parallel_loop3A_520 : vector<16xf32>
        %parallel_loop3A_522 = arith.constant 1.000000e-10 : f32
        %parallel_loop3A_523 = vector.broadcast %parallel_loop3A_522 : f32 to vector<16xf32>
        %parallel_loop3A_524 = arith.addf %parallel_loop3A_521, %parallel_loop3A_523 : vector<16xf32>
        %parallel_loop3A_525 = arith.mulf %parallel_loop3A_511, %parallel_loop3A_516 : vector<16xf32>
        %parallel_loop3A_526 = tpu.bitcast %parallel_loop3A_524 : vector<16xf32> -> vector<16xi32>
        %parallel_loop3A_527 = arith.constant 2129859011 : i32
        %parallel_loop3A_528 = vector.broadcast %parallel_loop3A_527 : i32 to vector<16xi32>
        %parallel_loop3A_529 = arith.subi %parallel_loop3A_528, %parallel_loop3A_526 : vector<16xi32>
        %parallel_loop3A_530 = tpu.bitcast %parallel_loop3A_529 : vector<16xi32> -> vector<16xf32>
        %parallel_loop3A_531 = arith.mulf %parallel_loop3A_524, %parallel_loop3A_530 : vector<16xf32>
        %parallel_loop3A_532 = arith.constant 2.000000e+00 : f32
        %parallel_loop3A_533 = vector.broadcast %parallel_loop3A_532 : f32 to vector<16xf32>
        %parallel_loop3A_534 = arith.subf %parallel_loop3A_533, %parallel_loop3A_531 : vector<16xf32>
        %parallel_loop3A_535 = arith.mulf %parallel_loop3A_530, %parallel_loop3A_534 : vector<16xf32>
        %parallel_loop3A_536 = arith.mulf %parallel_loop3A_524, %parallel_loop3A_535 : vector<16xf32>
        %parallel_loop3A_537 = arith.constant 2.000000e+00 : f32
        %parallel_loop3A_538 = vector.broadcast %parallel_loop3A_537 : f32 to vector<16xf32>
        %parallel_loop3A_539 = arith.subf %parallel_loop3A_538, %parallel_loop3A_536 : vector<16xf32>
        %parallel_loop3A_540 = arith.mulf %parallel_loop3A_535, %parallel_loop3A_539 : vector<16xf32>
        %parallel_loop3A_541 = arith.mulf %parallel_loop3A_524, %parallel_loop3A_540 : vector<16xf32>
        %parallel_loop3A_542 = arith.constant 2.000000e+00 : f32
        %parallel_loop3A_543 = vector.broadcast %parallel_loop3A_542 : f32 to vector<16xf32>
        %parallel_loop3A_544 = arith.subf %parallel_loop3A_543, %parallel_loop3A_541 : vector<16xf32>
        %parallel_loop3A_545 = arith.mulf %parallel_loop3A_540, %parallel_loop3A_544 : vector<16xf32>
        %parallel_loop3A_546 = arith.mulf %parallel_loop3A_525, %parallel_loop3A_545 : vector<16xf32>
        %parallel_loop3A_547 = tpu.bitcast %parallel_loop3A_546 : vector<16xf32> -> vector<16xi32>
        %parallel_loop3A_548 = arith.constant 1 : i32
        %parallel_loop3A_549 = vector.broadcast %parallel_loop3A_548 : i32 to vector<16xi32>
        %parallel_loop3A_550 = arith.shrsi %parallel_loop3A_547, %parallel_loop3A_549 : vector<16xi32>
        %parallel_loop3A_551 = arith.constant 1597463007 : i32
        %parallel_loop3A_552 = vector.broadcast %parallel_loop3A_551 : i32 to vector<16xi32>
        %parallel_loop3A_553 = arith.subi %parallel_loop3A_552, %parallel_loop3A_550 : vector<16xi32>
        %parallel_loop3A_554 = tpu.bitcast %parallel_loop3A_553 : vector<16xi32> -> vector<16xf32>
        %parallel_loop3A_555 = arith.constant 5.000000e-01 : f32
        %parallel_loop3A_556 = vector.broadcast %parallel_loop3A_555 : f32 to vector<16xf32>
        %parallel_loop3A_557 = arith.mulf %parallel_loop3A_556, %parallel_loop3A_546 : vector<16xf32>
        %parallel_loop3A_558 = arith.mulf %parallel_loop3A_557, %parallel_loop3A_554 : vector<16xf32>
        %parallel_loop3A_559 = arith.mulf %parallel_loop3A_558, %parallel_loop3A_554 : vector<16xf32>
        %parallel_loop3A_560 = arith.constant 1.500000e+00 : f32
        %parallel_loop3A_561 = vector.broadcast %parallel_loop3A_560 : f32 to vector<16xf32>
        %parallel_loop3A_562 = arith.subf %parallel_loop3A_561, %parallel_loop3A_559 : vector<16xf32>
        %parallel_loop3A_563 = arith.mulf %parallel_loop3A_554, %parallel_loop3A_562 : vector<16xf32>
        %parallel_loop3A_564 = arith.mulf %parallel_loop3A_557, %parallel_loop3A_563 : vector<16xf32>
        %parallel_loop3A_565 = arith.mulf %parallel_loop3A_564, %parallel_loop3A_563 : vector<16xf32>
        %parallel_loop3A_566 = arith.constant 1.500000e+00 : f32
        %parallel_loop3A_567 = vector.broadcast %parallel_loop3A_566 : f32 to vector<16xf32>
        %parallel_loop3A_568 = arith.subf %parallel_loop3A_567, %parallel_loop3A_565 : vector<16xf32>
        %parallel_loop3A_569 = arith.mulf %parallel_loop3A_563, %parallel_loop3A_568 : vector<16xf32>
        %parallel_loop3A_570 = arith.mulf %parallel_loop3A_557, %parallel_loop3A_569 : vector<16xf32>
        %parallel_loop3A_571 = arith.mulf %parallel_loop3A_570, %parallel_loop3A_569 : vector<16xf32>
        %parallel_loop3A_572 = arith.constant 1.500000e+00 : f32
        %parallel_loop3A_573 = vector.broadcast %parallel_loop3A_572 : f32 to vector<16xf32>
        %parallel_loop3A_574 = arith.subf %parallel_loop3A_573, %parallel_loop3A_571 : vector<16xf32>
        %parallel_loop3A_575 = arith.mulf %parallel_loop3A_569, %parallel_loop3A_574 : vector<16xf32>
        %parallel_loop3A_576 = arith.mulf %parallel_loop3A_546, %parallel_loop3A_575 : vector<16xf32>
        %parallel_loop3A_577 = arith.constant 0 : i32
        %parallel_loop3A_578 = vector.broadcast %parallel_loop3A_577 : i32 to vector<16xi32>
        %parallel_loop3A_579 = arith.select %parallel_loop3A_453, %parallel_loop3A_467, %parallel_loop3A_578 : vector<16xi1>, vector<16xi32>
        %parallel_loop3A_580 = arith.index_cast %parallel_loop3A_446 : i32 to index
        %parallel_loop3A_581 = tpu.vector_load %arg16[%parallel_loop3A_580] {strides = array<i32>} : memref<1024xi32, #tpu.memory_space<vmem>>, vector<16xi32>,
        tpu.vector_store %arg16[%parallel_loop3A_580], %parallel_loop3A_579 {strides = array<i32>} : memref<1024xi32, #tpu.memory_space<vmem>>, vector<16xi32>,
        %parallel_loop3A_582 = arith.constant -1.000000e+00 : f32
        %parallel_loop3A_583 = vector.broadcast %parallel_loop3A_582 : f32 to vector<16xf32>
        %parallel_loop3A_584 = arith.select %parallel_loop3A_453, %parallel_loop3A_576, %parallel_loop3A_583 : vector<16xi1>, vector<16xf32>
        %parallel_loop3A_585 = arith.index_cast %parallel_loop3A_446 : i32 to index
        %parallel_loop3A_586 = tpu.vector_load %arg11[%parallel_loop3A_585] {strides = array<i32>} : memref<1024xf32, #tpu.memory_space<vmem>>, vector<16xf32>,
        tpu.vector_store %arg11[%parallel_loop3A_585], %parallel_loop3A_584 {strides = array<i32>} : memref<1024xf32, #tpu.memory_space<vmem>>, vector<16xf32>,
        %parallel_loop3A_587 = arith.constant -1.000000e+00 : f32
        %parallel_loop3A_588 = vector.broadcast %parallel_loop3A_587 : f32 to vector<16xf32>
        %parallel_loop3A_589 = arith.select %parallel_loop3A_453, %parallel_loop3A_495, %parallel_loop3A_588 : vector<16xi1>, vector<16xf32>
        %parallel_loop3A_590 = arith.index_cast %parallel_loop3A_446 : i32 to index
        %parallel_loop3A_591 = tpu.vector_load %arg21[%parallel_loop3A_590] {strides = array<i32>} : memref<4096xf32, #tpu.memory_space<vmem>>, vector<16xf32>,
        tpu.vector_store %arg21[%parallel_loop3A_590], %parallel_loop3A_589 {strides = array<i32>} : memref<4096xf32, #tpu.memory_space<vmem>>, vector<16xf32>,
        %parallel_loop3A_592 = arith.constant -1.000000e+00 : f32
        %parallel_loop3A_593 = vector.broadcast %parallel_loop3A_592 : f32 to vector<16xf32>
        %parallel_loop3A_594 = arith.select %parallel_loop3A_453, %parallel_loop3A_496, %parallel_loop3A_593 : vector<16xi1>, vector<16xf32>
        %parallel_loop3A_595 = arith.constant 16 : i32
        %parallel_loop3A_596 = arith.muli %parallel_loop3A_444, %parallel_loop3A_595 : i32
        %parallel_loop3A_597 = arith.constant 1024 : i32
        %parallel_loop3A_598 = arith.addi %parallel_loop3A_597, %parallel_loop3A_596 : i32
        %parallel_loop3A_599 = arith.index_cast %parallel_loop3A_598 : i32 to index
        %parallel_loop3A_600 = tpu.vector_load %arg21[%parallel_loop3A_599] {strides = array<i32>} : memref<4096xf32, #tpu.memory_space<vmem>>, vector<16xf32>,
        tpu.vector_store %arg21[%parallel_loop3A_599], %parallel_loop3A_594 {strides = array<i32>} : memref<4096xf32, #tpu.memory_space<vmem>>, vector<16xf32>,
        %parallel_loop3A_601 = arith.constant -1.000000e+00 : f32
        %parallel_loop3A_602 = vector.broadcast %parallel_loop3A_601 : f32 to vector<16xf32>
        %parallel_loop3A_603 = arith.select %parallel_loop3A_453, %parallel_loop3A_497, %parallel_loop3A_602 : vector<16xi1>, vector<16xf32>
        %parallel_loop3A_604 = arith.constant 16 : i32
        %parallel_loop3A_605 = arith.muli %parallel_loop3A_444, %parallel_loop3A_604 : i32
        %parallel_loop3A_606 = arith.constant 2048 : i32
        %parallel_loop3A_607 = arith.addi %parallel_loop3A_606, %parallel_loop3A_605 : i32
        %parallel_loop3A_608 = arith.index_cast %parallel_loop3A_607 : i32 to index
        %parallel_loop3A_609 = tpu.vector_load %arg21[%parallel_loop3A_608] {strides = array<i32>} : memref<4096xf32, #tpu.memory_space<vmem>>, vector<16xf32>,
        tpu.vector_store %arg21[%parallel_loop3A_608], %parallel_loop3A_603 {strides = array<i32>} : memref<4096xf32, #tpu.memory_space<vmem>>, vector<16xf32>,
        %parallel_loop3A_610 = arith.constant -1.000000e+00 : f32
        %parallel_loop3A_611 = vector.broadcast %parallel_loop3A_610 : f32 to vector<16xf32>
        %parallel_loop3A_612 = arith.select %parallel_loop3A_453, %parallel_loop3A_498, %parallel_loop3A_611 : vector<16xi1>, vector<16xf32>
        %parallel_loop3A_613 = arith.constant 16 : i32
        %parallel_loop3A_614 = arith.muli %parallel_loop3A_444, %parallel_loop3A_613 : i32
        %parallel_loop3A_615 = arith.constant 3072 : i32
        %parallel_loop3A_616 = arith.addi %parallel_loop3A_615, %parallel_loop3A_614 : i32
        %parallel_loop3A_617 = arith.index_cast %parallel_loop3A_616 : i32 to index
        %parallel_loop3A_618 = tpu.vector_load %arg21[%parallel_loop3A_617] {strides = array<i32>} : memref<4096xf32, #tpu.memory_space<vmem>>, vector<16xf32>,
        tpu.vector_store %arg21[%parallel_loop3A_617], %parallel_loop3A_612 {strides = array<i32>} : memref<4096xf32, #tpu.memory_space<vmem>>, vector<16xf32>,
      } {sc.loop_unroll_factor = 1 : i64, sc.parallel_access}
      %mul3A_300 = arith.constant 5456 : i32
      %mul3A_301 = arith.muli %select_n3A, %mul3A_300 : i32
      %add3A_302 = arith.constant 4096 : i32
      %add3A_303 = arith.addi %mul3A_301, %add3A_302 : i32
      %add3A_304 = arith.constant 0 : i32
      %add3A_305 = arith.addi %add3A_303, %add3A_304 : i32
      "tpu.region"() ({
        %run_scoped3A = tpu.sem_alloc : memref<!tpu.dma_semaphore, #tpu.memory_space<semaphore_mem>>
        %dma_start3A = arith.constant 0 : i32
        %dma_start3A_444 = tpu.memref_slice %arg16[%dma_start3A] : memref<1024xi32, #tpu.memory_space<vmem>> -> memref<1024xi32, #tpu.memory_space<vmem>>
        %dma_start3A_445 = tpu.memref_slice %arg4[%add3A_305] : memref<43648xi32, #tpu.memory_space<hbm>> -> memref<1024xi32, #tpu.memory_space<hbm>>
        %dma_start3A_446 = tpu.memref_slice %arg4[%add3A_305] : memref<43648xi32, #tpu.memory_space<hbm>> -> memref<1024xi32, #tpu.memory_space<hbm>>
        %dma_start3A_447 = arith.constant 0 : i32
        %dma_start3A_448 = tpu.memref_slice %arg16[%dma_start3A_447] : memref<1024xi32, #tpu.memory_space<vmem>> -> memref<1024xi32, #tpu.memory_space<vmem>>
        tpu.enqueue_dma source(%dma_start3A_448 : memref<1024xi32, #tpu.memory_space<vmem>>) target(%dma_start3A_446 : memref<1024xi32, #tpu.memory_space<hbm>>) target_semaphore(%run_scoped3A : memref<!tpu.dma_semaphore, #tpu.memory_space<semaphore_mem>>)
        %dma_wait3A = arith.constant 0 : i32
        %dma_wait3A_449 = tpu.memref_slice %arg16[%dma_wait3A] : memref<1024xi32, #tpu.memory_space<vmem>> -> memref<1024xi32, #tpu.memory_space<vmem>>
        %dma_wait3A_450 = tpu.memref_slice %arg4[%add3A_305] : memref<43648xi32, #tpu.memory_space<hbm>> -> memref<1024xi32, #tpu.memory_space<hbm>>
        %dma_wait3A_451 = tpu.memref_slice %arg4[%add3A_305] : memref<43648xi32, #tpu.memory_space<hbm>> -> memref<1024xi32, #tpu.memory_space<hbm>>
        %dma_wait3A_452 = arith.constant 0 : i32
        %dma_wait3A_453 = tpu.memref_slice %arg16[%dma_wait3A_452] : memref<1024xi32, #tpu.memory_space<vmem>> -> memref<1024xi32, #tpu.memory_space<vmem>>
        tpu.wait_dma2 semaphore(%run_scoped3A : memref<!tpu.dma_semaphore, #tpu.memory_space<semaphore_mem>>) src(%dma_wait3A_453 : memref<1024xi32, #tpu.memory_space<vmem>>) dst(%dma_wait3A_451 : memref<1024xi32, #tpu.memory_space<hbm>>)
        tpu.yield
      }) : () -> ()
      "tpu.region"() ({
        %run_scoped3A = tpu.sem_alloc : memref<!tpu.dma_semaphore, #tpu.memory_space<semaphore_mem>>
        %dma_start3A = arith.constant 0 : i32
        %dma_start3A_444 = tpu.memref_slice %arg11[%dma_start3A] : memref<1024xf32, #tpu.memory_space<vmem>> -> memref<1024xf32, #tpu.memory_space<vmem>>
        %dma_start3A_445 = tpu.memref_slice %arg5[%add3A_305] : memref<43648xf32, #tpu.memory_space<hbm>> -> memref<1024xf32, #tpu.memory_space<hbm>>
        %dma_start3A_446 = tpu.memref_slice %arg5[%add3A_305] : memref<43648xf32, #tpu.memory_space<hbm>> -> memref<1024xf32, #tpu.memory_space<hbm>>
        %dma_start3A_447 = arith.constant 0 : i32
        %dma_start3A_448 = tpu.memref_slice %arg11[%dma_start3A_447] : memref<1024xf32, #tpu.memory_space<vmem>> -> memref<1024xf32, #tpu.memory_space<vmem>>
        tpu.enqueue_dma source(%dma_start3A_448 : memref<1024xf32, #tpu.memory_space<vmem>>) target(%dma_start3A_446 : memref<1024xf32, #tpu.memory_space<hbm>>) target_semaphore(%run_scoped3A : memref<!tpu.dma_semaphore, #tpu.memory_space<semaphore_mem>>)
        %dma_wait3A = arith.constant 0 : i32
        %dma_wait3A_449 = tpu.memref_slice %arg11[%dma_wait3A] : memref<1024xf32, #tpu.memory_space<vmem>> -> memref<1024xf32, #tpu.memory_space<vmem>>
        %dma_wait3A_450 = tpu.memref_slice %arg5[%add3A_305] : memref<43648xf32, #tpu.memory_space<hbm>> -> memref<1024xf32, #tpu.memory_space<hbm>>
        %dma_wait3A_451 = tpu.memref_slice %arg5[%add3A_305] : memref<43648xf32, #tpu.memory_space<hbm>> -> memref<1024xf32, #tpu.memory_space<hbm>>
        %dma_wait3A_452 = arith.constant 0 : i32
        %dma_wait3A_453 = tpu.memref_slice %arg11[%dma_wait3A_452] : memref<1024xf32, #tpu.memory_space<vmem>> -> memref<1024xf32, #tpu.memory_space<vmem>>
        tpu.wait_dma2 semaphore(%run_scoped3A : memref<!tpu.dma_semaphore, #tpu.memory_space<semaphore_mem>>) src(%dma_wait3A_453 : memref<1024xf32, #tpu.memory_space<vmem>>) dst(%dma_wait3A_451 : memref<1024xf32, #tpu.memory_space<hbm>>)
        tpu.yield
      }) : () -> ()
      %mul3A_306 = arith.constant 4 : i32
      %mul3A_307 = arith.muli %select_n3A, %mul3A_306 : i32
      %add3A_308 = arith.constant 0 : i32
      %add3A_309 = arith.addi %mul3A_307, %add3A_308 : i32
      %mul3A_310 = arith.constant 5456 : i32
      %mul3A_311 = arith.muli %add3A_309, %mul3A_310 : i32
      %add3A_312 = arith.constant 4096 : i32
      %add3A_313 = arith.addi %mul3A_311, %add3A_312 : i32
      %add3A_314 = arith.constant 0 : i32
      %add3A_315 = arith.addi %add3A_313, %add3A_314 : i32
      "tpu.region"() ({
        %run_scoped3A = tpu.sem_alloc : memref<!tpu.dma_semaphore, #tpu.memory_space<semaphore_mem>>
        %dma_start3A = arith.constant 0 : i32
        %dma_start3A_444 = tpu.memref_slice %arg21[%dma_start3A] : memref<4096xf32, #tpu.memory_space<vmem>> -> memref<1024xf32, #tpu.memory_space<vmem>>
        %dma_start3A_445 = tpu.memref_slice %arg6[%add3A_315] : memref<174592xf32, #tpu.memory_space<hbm>> -> memref<1024xf32, #tpu.memory_space<hbm>>
        %dma_start3A_446 = tpu.memref_slice %arg6[%add3A_315] : memref<174592xf32, #tpu.memory_space<hbm>> -> memref<1024xf32, #tpu.memory_space<hbm>>
        %dma_start3A_447 = arith.constant 0 : i32
        %dma_start3A_448 = tpu.memref_slice %arg21[%dma_start3A_447] : memref<4096xf32, #tpu.memory_space<vmem>> -> memref<1024xf32, #tpu.memory_space<vmem>>
        tpu.enqueue_dma source(%dma_start3A_448 : memref<1024xf32, #tpu.memory_space<vmem>>) target(%dma_start3A_446 : memref<1024xf32, #tpu.memory_space<hbm>>) target_semaphore(%run_scoped3A : memref<!tpu.dma_semaphore, #tpu.memory_space<semaphore_mem>>)
        %dma_wait3A = arith.constant 0 : i32
        %dma_wait3A_449 = tpu.memref_slice %arg21[%dma_wait3A] : memref<4096xf32, #tpu.memory_space<vmem>> -> memref<1024xf32, #tpu.memory_space<vmem>>
        %dma_wait3A_450 = tpu.memref_slice %arg6[%add3A_315] : memref<174592xf32, #tpu.memory_space<hbm>> -> memref<1024xf32, #tpu.memory_space<hbm>>
        %dma_wait3A_451 = tpu.memref_slice %arg6[%add3A_315] : memref<174592xf32, #tpu.memory_space<hbm>> -> memref<1024xf32, #tpu.memory_space<hbm>>
        %dma_wait3A_452 = arith.constant 0 : i32
        %dma_wait3A_453 = tpu.memref_slice %arg21[%dma_wait3A_452] : memref<4096xf32, #tpu.memory_space<vmem>> -> memref<1024xf32, #tpu.memory_space<vmem>>
        tpu.wait_dma2 semaphore(%run_scoped3A : memref<!tpu.dma_semaphore, #tpu.memory_space<semaphore_mem>>) src(%dma_wait3A_453 : memref<1024xf32, #tpu.memory_space<vmem>>) dst(%dma_wait3A_451 : memref<1024xf32, #tpu.memory_space<hbm>>)
        tpu.yield
      }) : () -> ()
      %mul3A_316 = arith.constant 4 : i32
      %mul3A_317 = arith.muli %select_n3A, %mul3A_316 : i32
      %add3A_318 = arith.constant 1 : i32
      %add3A_319 = arith.addi %mul3A_317, %add3A_318 : i32
      %mul3A_320 = arith.constant 5456 : i32
      %mul3A_321 = arith.muli %add3A_319, %mul3A_320 : i32
      %add3A_322 = arith.constant 4096 : i32
      %add3A_323 = arith.addi %mul3A_321, %add3A_322 : i32
      %add3A_324 = arith.constant 0 : i32
      %add3A_325 = arith.addi %add3A_323, %add3A_324 : i32
      "tpu.region"() ({
        %run_scoped3A = tpu.sem_alloc : memref<!tpu.dma_semaphore, #tpu.memory_space<semaphore_mem>>
        %dma_start3A = arith.constant 1024 : i32
        %dma_start3A_444 = tpu.memref_slice %arg21[%dma_start3A] : memref<4096xf32, #tpu.memory_space<vmem>> -> memref<1024xf32, #tpu.memory_space<vmem>>
        %dma_start3A_445 = tpu.memref_slice %arg6[%add3A_325] : memref<174592xf32, #tpu.memory_space<hbm>> -> memref<1024xf32, #tpu.memory_space<hbm>>
        %dma_start3A_446 = tpu.memref_slice %arg6[%add3A_325] : memref<174592xf32, #tpu.memory_space<hbm>> -> memref<1024xf32, #tpu.memory_space<hbm>>
        %dma_start3A_447 = arith.constant 1024 : i32
        %dma_start3A_448 = tpu.memref_slice %arg21[%dma_start3A_447] : memref<4096xf32, #tpu.memory_space<vmem>> -> memref<1024xf32, #tpu.memory_space<vmem>>
        tpu.enqueue_dma source(%dma_start3A_448 : memref<1024xf32, #tpu.memory_space<vmem>>) target(%dma_start3A_446 : memref<1024xf32, #tpu.memory_space<hbm>>) target_semaphore(%run_scoped3A : memref<!tpu.dma_semaphore, #tpu.memory_space<semaphore_mem>>)
        %dma_wait3A = arith.constant 1024 : i32
        %dma_wait3A_449 = tpu.memref_slice %arg21[%dma_wait3A] : memref<4096xf32, #tpu.memory_space<vmem>> -> memref<1024xf32, #tpu.memory_space<vmem>>
        %dma_wait3A_450 = tpu.memref_slice %arg6[%add3A_325] : memref<174592xf32, #tpu.memory_space<hbm>> -> memref<1024xf32, #tpu.memory_space<hbm>>
        %dma_wait3A_451 = tpu.memref_slice %arg6[%add3A_325] : memref<174592xf32, #tpu.memory_space<hbm>> -> memref<1024xf32, #tpu.memory_space<hbm>>
        %dma_wait3A_452 = arith.constant 1024 : i32
        %dma_wait3A_453 = tpu.memref_slice %arg21[%dma_wait3A_452] : memref<4096xf32, #tpu.memory_space<vmem>> -> memref<1024xf32, #tpu.memory_space<vmem>>
        tpu.wait_dma2 semaphore(%run_scoped3A : memref<!tpu.dma_semaphore, #tpu.memory_space<semaphore_mem>>) src(%dma_wait3A_453 : memref<1024xf32, #tpu.memory_space<vmem>>) dst(%dma_wait3A_451 : memref<1024xf32, #tpu.memory_space<hbm>>)
        tpu.yield
      }) : () -> ()
      %mul3A_326 = arith.constant 4 : i32
      %mul3A_327 = arith.muli %select_n3A, %mul3A_326 : i32
      %add3A_328 = arith.constant 2 : i32
      %add3A_329 = arith.addi %mul3A_327, %add3A_328 : i32
      %mul3A_330 = arith.constant 5456 : i32
      %mul3A_331 = arith.muli %add3A_329, %mul3A_330 : i32
      %add3A_332 = arith.constant 4096 : i32
      %add3A_333 = arith.addi %mul3A_331, %add3A_332 : i32
      %add3A_334 = arith.constant 0 : i32
      %add3A_335 = arith.addi %add3A_333, %add3A_334 : i32
      "tpu.region"() ({
        %run_scoped3A = tpu.sem_alloc : memref<!tpu.dma_semaphore, #tpu.memory_space<semaphore_mem>>
        %dma_start3A = arith.constant 2048 : i32
        %dma_start3A_444 = tpu.memref_slice %arg21[%dma_start3A] : memref<4096xf32, #tpu.memory_space<vmem>> -> memref<1024xf32, #tpu.memory_space<vmem>>
        %dma_start3A_445 = tpu.memref_slice %arg6[%add3A_335] : memref<174592xf32, #tpu.memory_space<hbm>> -> memref<1024xf32, #tpu.memory_space<hbm>>
        %dma_start3A_446 = tpu.memref_slice %arg6[%add3A_335] : memref<174592xf32, #tpu.memory_space<hbm>> -> memref<1024xf32, #tpu.memory_space<hbm>>
        %dma_start3A_447 = arith.constant 2048 : i32
        %dma_start3A_448 = tpu.memref_slice %arg21[%dma_start3A_447] : memref<4096xf32, #tpu.memory_space<vmem>> -> memref<1024xf32, #tpu.memory_space<vmem>>
        tpu.enqueue_dma source(%dma_start3A_448 : memref<1024xf32, #tpu.memory_space<vmem>>) target(%dma_start3A_446 : memref<1024xf32, #tpu.memory_space<hbm>>) target_semaphore(%run_scoped3A : memref<!tpu.dma_semaphore, #tpu.memory_space<semaphore_mem>>)
        %dma_wait3A = arith.constant 2048 : i32
        %dma_wait3A_449 = tpu.memref_slice %arg21[%dma_wait3A] : memref<4096xf32, #tpu.memory_space<vmem>> -> memref<1024xf32, #tpu.memory_space<vmem>>
        %dma_wait3A_450 = tpu.memref_slice %arg6[%add3A_335] : memref<174592xf32, #tpu.memory_space<hbm>> -> memref<1024xf32, #tpu.memory_space<hbm>>
        %dma_wait3A_451 = tpu.memref_slice %arg6[%add3A_335] : memref<174592xf32, #tpu.memory_space<hbm>> -> memref<1024xf32, #tpu.memory_space<hbm>>
        %dma_wait3A_452 = arith.constant 2048 : i32
        %dma_wait3A_453 = tpu.memref_slice %arg21[%dma_wait3A_452] : memref<4096xf32, #tpu.memory_space<vmem>> -> memref<1024xf32, #tpu.memory_space<vmem>>
        tpu.wait_dma2 semaphore(%run_scoped3A : memref<!tpu.dma_semaphore, #tpu.memory_space<semaphore_mem>>) src(%dma_wait3A_453 : memref<1024xf32, #tpu.memory_space<vmem>>) dst(%dma_wait3A_451 : memref<1024xf32, #tpu.memory_space<hbm>>)
        tpu.yield
      }) : () -> ()
      %mul3A_336 = arith.constant 4 : i32
      %mul3A_337 = arith.muli %select_n3A, %mul3A_336 : i32
      %add3A_338 = arith.constant 3 : i32
      %add3A_339 = arith.addi %mul3A_337, %add3A_338 : i32
      %mul3A_340 = arith.constant 5456 : i32
      %mul3A_341 = arith.muli %add3A_339, %mul3A_340 : i32
      %add3A_342 = arith.constant 4096 : i32
      %add3A_343 = arith.addi %mul3A_341, %add3A_342 : i32
      %add3A_344 = arith.constant 0 : i32
      %add3A_345 = arith.addi %add3A_343, %add3A_344 : i32
      "tpu.region"() ({
        %run_scoped3A = tpu.sem_alloc : memref<!tpu.dma_semaphore, #tpu.memory_space<semaphore_mem>>
        %dma_start3A = arith.constant 3072 : i32
        %dma_start3A_444 = tpu.memref_slice %arg21[%dma_start3A] : memref<4096xf32, #tpu.memory_space<vmem>> -> memref<1024xf32, #tpu.memory_space<vmem>>
        %dma_start3A_445 = tpu.memref_slice %arg6[%add3A_345] : memref<174592xf32, #tpu.memory_space<hbm>> -> memref<1024xf32, #tpu.memory_space<hbm>>
        %dma_start3A_446 = tpu.memref_slice %arg6[%add3A_345] : memref<174592xf32, #tpu.memory_space<hbm>> -> memref<1024xf32, #tpu.memory_space<hbm>>
        %dma_start3A_447 = arith.constant 3072 : i32
        %dma_start3A_448 = tpu.memref_slice %arg21[%dma_start3A_447] : memref<4096xf32, #tpu.memory_space<vmem>> -> memref<1024xf32, #tpu.memory_space<vmem>>
        tpu.enqueue_dma source(%dma_start3A_448 : memref<1024xf32, #tpu.memory_space<vmem>>) target(%dma_start3A_446 : memref<1024xf32, #tpu.memory_space<hbm>>) target_semaphore(%run_scoped3A : memref<!tpu.dma_semaphore, #tpu.memory_space<semaphore_mem>>)
        %dma_wait3A = arith.constant 3072 : i32
        %dma_wait3A_449 = tpu.memref_slice %arg21[%dma_wait3A] : memref<4096xf32, #tpu.memory_space<vmem>> -> memref<1024xf32, #tpu.memory_space<vmem>>
        %dma_wait3A_450 = tpu.memref_slice %arg6[%add3A_345] : memref<174592xf32, #tpu.memory_space<hbm>> -> memref<1024xf32, #tpu.memory_space<hbm>>
        %dma_wait3A_451 = tpu.memref_slice %arg6[%add3A_345] : memref<174592xf32, #tpu.memory_space<hbm>> -> memref<1024xf32, #tpu.memory_space<hbm>>
        %dma_wait3A_452 = arith.constant 3072 : i32
        %dma_wait3A_453 = tpu.memref_slice %arg21[%dma_wait3A_452] : memref<4096xf32, #tpu.memory_space<vmem>> -> memref<1024xf32, #tpu.memory_space<vmem>>
        tpu.wait_dma2 semaphore(%run_scoped3A : memref<!tpu.dma_semaphore, #tpu.memory_space<semaphore_mem>>) src(%dma_wait3A_453 : memref<1024xf32, #tpu.memory_space<vmem>>) dst(%dma_wait3A_451 : memref<1024xf32, #tpu.memory_space<hbm>>)
        tpu.yield
      }) : () -> ()
      %parallel_loop3A_346 = arith.constant 0 : i32
      %parallel_loop3A_347 = arith.constant 4 : i32
      %parallel_loop3A_348 = arith.constant 1 : i32
      scf.for %parallel_loop3A_444 = %parallel_loop3A_346 to %parallel_loop3A_347 step %parallel_loop3A_348  : i32 {
        %parallel_loop3A_445 = arith.constant 16 : i32
        %parallel_loop3A_446 = arith.muli %parallel_loop3A_444, %parallel_loop3A_445 : i32
        %parallel_loop3A_447 = arith.index_cast %parallel_loop3A_446 : i32 to index
        %parallel_loop3A_448 = tpu.vector_load %arg13[%parallel_loop3A_447] {strides = array<i32>} : memref<64xf32, #tpu.memory_space<vmem>>, vector<16xf32>,
        %parallel_loop3A_449 = arith.index_cast %parallel_loop3A_446 : i32 to index
        %parallel_loop3A_450 = tpu.vector_load %arg18[%parallel_loop3A_449] {strides = array<i32>} : memref<64xi32, #tpu.memory_space<vmem>>, vector<16xi32>,
        %parallel_loop3A_451 = arith.constant 1.000000e+10 : f32
        %parallel_loop3A_452 = vector.broadcast %parallel_loop3A_451 : f32 to vector<16xf32>
        %parallel_loop3A_453 = arith.cmpf olt, %parallel_loop3A_448, %parallel_loop3A_452 : vector<16xf32>
        %parallel_loop3A_454 = tpu.vector_load_idx %arg7[%parallel_loop3A_450] : memref<448xf32, #tpu.memory_space<vmem>>[vector<16xi32>], vector<16xf32>,
        %parallel_loop3A_455 = arith.constant 112 : i32
        %parallel_loop3A_456 = vector.broadcast %parallel_loop3A_455 : i32 to vector<16xi32>
        %parallel_loop3A_457 = arith.addi %parallel_loop3A_450, %parallel_loop3A_456 : vector<16xi32>
        %parallel_loop3A_458 = tpu.vector_load_idx %arg7[%parallel_loop3A_457] : memref<448xf32, #tpu.memory_space<vmem>>[vector<16xi32>], vector<16xf32>,
        %parallel_loop3A_459 = arith.constant 224 : i32
        %parallel_loop3A_460 = vector.broadcast %parallel_loop3A_459 : i32 to vector<16xi32>
        %parallel_loop3A_461 = arith.addi %parallel_loop3A_450, %parallel_loop3A_460 : vector<16xi32>
        %parallel_loop3A_462 = tpu.vector_load_idx %arg7[%parallel_loop3A_461] : memref<448xf32, #tpu.memory_space<vmem>>[vector<16xi32>], vector<16xf32>,
        %parallel_loop3A_463 = arith.constant 336 : i32
        %parallel_loop3A_464 = vector.broadcast %parallel_loop3A_463 : i32 to vector<16xi32>
        %parallel_loop3A_465 = arith.addi %parallel_loop3A_450, %parallel_loop3A_464 : vector<16xi32>
        %parallel_loop3A_466 = tpu.vector_load_idx %arg7[%parallel_loop3A_465] : memref<448xf32, #tpu.memory_space<vmem>>[vector<16xi32>], vector<16xf32>,
        %parallel_loop3A_467 = tpu.vector_load_idx %arg8[%parallel_loop3A_450] : memref<112xi32, #tpu.memory_space<vmem>>[vector<16xi32>], vector<16xi32>,
        %parallel_loop3A_468 = arith.constant 16 : i32
        %parallel_loop3A_469 = arith.muli %parallel_loop3A_444, %parallel_loop3A_468 : i32
        %parallel_loop3A_470 = vector.broadcast %parallel_loop3A_469 : i32 to vector<16xi32>
        %parallel_loop3A_471 = arith.addi %iota3A, %parallel_loop3A_470 : vector<16xi32>
        %parallel_loop3A_472 = arith.constant 7 : i32
        %parallel_loop3A_473 = vector.broadcast %parallel_loop3A_472 : i32 to vector<16xi32>
        %parallel_loop3A_474 = arith.andi %parallel_loop3A_471, %parallel_loop3A_473 : vector<16xi32>
        %parallel_loop3A_475 = arith.constant 3 : i32
        %parallel_loop3A_476 = vector.broadcast %parallel_loop3A_475 : i32 to vector<16xi32>
        %parallel_loop3A_477 = arith.shrsi %parallel_loop3A_471, %parallel_loop3A_476 : vector<16xi32>
        %parallel_loop3A_478 = arith.constant 0 : i32
        %parallel_loop3A_479 = vector.broadcast %parallel_loop3A_478 : i32 to vector<16xi32>
        %parallel_loop3A_480 = arith.addi %parallel_loop3A_477, %parallel_loop3A_479 : vector<16xi32>
        %parallel_loop3A_481 = arith.sitofp %parallel_loop3A_474 : vector<16xi32> to vector<16xf32>
        %parallel_loop3A_482 = arith.constant 5.000000e-01 : f32
        %parallel_loop3A_483 = vector.broadcast %parallel_loop3A_482 : f32 to vector<16xf32>
        %parallel_loop3A_484 = arith.addf %parallel_loop3A_481, %parallel_loop3A_483 : vector<16xf32>
        %parallel_loop3A_485 = arith.constant 6.400000e+01 : f32
        %parallel_loop3A_486 = vector.broadcast %parallel_loop3A_485 : f32 to vector<16xf32>
        %parallel_loop3A_487 = arith.mulf %parallel_loop3A_484, %parallel_loop3A_486 : vector<16xf32>
        %parallel_loop3A_488 = arith.sitofp %parallel_loop3A_480 : vector<16xi32> to vector<16xf32>
        %parallel_loop3A_489 = arith.constant 5.000000e-01 : f32
        %parallel_loop3A_490 = vector.broadcast %parallel_loop3A_489 : f32 to vector<16xf32>
        %parallel_loop3A_491 = arith.addf %parallel_loop3A_488, %parallel_loop3A_490 : vector<16xf32>
        %parallel_loop3A_492 = arith.constant 6.400000e+01 : f32
        %parallel_loop3A_493 = vector.broadcast %parallel_loop3A_492 : f32 to vector<16xf32>
        %parallel_loop3A_494 = arith.mulf %parallel_loop3A_491, %parallel_loop3A_493 : vector<16xf32>
        %parallel_loop3A_495 = arith.subf %parallel_loop3A_487, %parallel_loop3A_454 : vector<16xf32>
        %parallel_loop3A_496 = arith.subf %parallel_loop3A_494, %parallel_loop3A_458 : vector<16xf32>
        %parallel_loop3A_497 = arith.subf %parallel_loop3A_462, %parallel_loop3A_487 : vector<16xf32>
        %parallel_loop3A_498 = arith.subf %parallel_loop3A_466, %parallel_loop3A_494 : vector<16xf32>
        %parallel_loop3A_499 = arith.constant 1.000000e+00 : f32
        %parallel_loop3A_500 = vector.broadcast %parallel_loop3A_499 : f32 to vector<16xf32>
        %parallel_loop3A_501 = arith.select %parallel_loop3A_453, %parallel_loop3A_495, %parallel_loop3A_500 : vector<16xi1>, vector<16xf32>
        %parallel_loop3A_502 = arith.constant 1.000000e+00 : f32
        %parallel_loop3A_503 = vector.broadcast %parallel_loop3A_502 : f32 to vector<16xf32>
        %parallel_loop3A_504 = arith.select %parallel_loop3A_453, %parallel_loop3A_496, %parallel_loop3A_503 : vector<16xi1>, vector<16xf32>
        %parallel_loop3A_505 = arith.constant 1.000000e+00 : f32
        %parallel_loop3A_506 = vector.broadcast %parallel_loop3A_505 : f32 to vector<16xf32>
        %parallel_loop3A_507 = arith.select %parallel_loop3A_453, %parallel_loop3A_497, %parallel_loop3A_506 : vector<16xi1>, vector<16xf32>
        %parallel_loop3A_508 = arith.constant 1.000000e+00 : f32
        %parallel_loop3A_509 = vector.broadcast %parallel_loop3A_508 : f32 to vector<16xf32>
        %parallel_loop3A_510 = arith.select %parallel_loop3A_453, %parallel_loop3A_498, %parallel_loop3A_509 : vector<16xi1>, vector<16xf32>
        %parallel_loop3A_511 = arith.minimumf %parallel_loop3A_501, %parallel_loop3A_507 : vector<16xf32>
        %parallel_loop3A_512 = arith.maximumf %parallel_loop3A_501, %parallel_loop3A_507 : vector<16xf32>
        %parallel_loop3A_513 = arith.constant 9.99999974E-6 : f32
        %parallel_loop3A_514 = vector.broadcast %parallel_loop3A_513 : f32 to vector<16xf32>
        %parallel_loop3A_515 = arith.maximumf %parallel_loop3A_512, %parallel_loop3A_514 : vector<16xf32>
        %parallel_loop3A_516 = arith.minimumf %parallel_loop3A_504, %parallel_loop3A_510 : vector<16xf32>
        %parallel_loop3A_517 = arith.maximumf %parallel_loop3A_504, %parallel_loop3A_510 : vector<16xf32>
        %parallel_loop3A_518 = arith.constant 9.99999974E-6 : f32
        %parallel_loop3A_519 = vector.broadcast %parallel_loop3A_518 : f32 to vector<16xf32>
        %parallel_loop3A_520 = arith.maximumf %parallel_loop3A_517, %parallel_loop3A_519 : vector<16xf32>
        %parallel_loop3A_521 = arith.mulf %parallel_loop3A_515, %parallel_loop3A_520 : vector<16xf32>
        %parallel_loop3A_522 = arith.constant 1.000000e-10 : f32
        %parallel_loop3A_523 = vector.broadcast %parallel_loop3A_522 : f32 to vector<16xf32>
        %parallel_loop3A_524 = arith.addf %parallel_loop3A_521, %parallel_loop3A_523 : vector<16xf32>
        %parallel_loop3A_525 = arith.mulf %parallel_loop3A_511, %parallel_loop3A_516 : vector<16xf32>
        %parallel_loop3A_526 = tpu.bitcast %parallel_loop3A_524 : vector<16xf32> -> vector<16xi32>
        %parallel_loop3A_527 = arith.constant 2129859011 : i32
        %parallel_loop3A_528 = vector.broadcast %parallel_loop3A_527 : i32 to vector<16xi32>
        %parallel_loop3A_529 = arith.subi %parallel_loop3A_528, %parallel_loop3A_526 : vector<16xi32>
        %parallel_loop3A_530 = tpu.bitcast %parallel_loop3A_529 : vector<16xi32> -> vector<16xf32>
        %parallel_loop3A_531 = arith.mulf %parallel_loop3A_524, %parallel_loop3A_530 : vector<16xf32>
        %parallel_loop3A_532 = arith.constant 2.000000e+00 : f32
        %parallel_loop3A_533 = vector.broadcast %parallel_loop3A_532 : f32 to vector<16xf32>
        %parallel_loop3A_534 = arith.subf %parallel_loop3A_533, %parallel_loop3A_531 : vector<16xf32>
        %parallel_loop3A_535 = arith.mulf %parallel_loop3A_530, %parallel_loop3A_534 : vector<16xf32>
        %parallel_loop3A_536 = arith.mulf %parallel_loop3A_524, %parallel_loop3A_535 : vector<16xf32>
        %parallel_loop3A_537 = arith.constant 2.000000e+00 : f32
        %parallel_loop3A_538 = vector.broadcast %parallel_loop3A_537 : f32 to vector<16xf32>
        %parallel_loop3A_539 = arith.subf %parallel_loop3A_538, %parallel_loop3A_536 : vector<16xf32>
        %parallel_loop3A_540 = arith.mulf %parallel_loop3A_535, %parallel_loop3A_539 : vector<16xf32>
        %parallel_loop3A_541 = arith.mulf %parallel_loop3A_524, %parallel_loop3A_540 : vector<16xf32>
        %parallel_loop3A_542 = arith.constant 2.000000e+00 : f32
        %parallel_loop3A_543 = vector.broadcast %parallel_loop3A_542 : f32 to vector<16xf32>
        %parallel_loop3A_544 = arith.subf %parallel_loop3A_543, %parallel_loop3A_541 : vector<16xf32>
        %parallel_loop3A_545 = arith.mulf %parallel_loop3A_540, %parallel_loop3A_544 : vector<16xf32>
        %parallel_loop3A_546 = arith.mulf %parallel_loop3A_525, %parallel_loop3A_545 : vector<16xf32>
        %parallel_loop3A_547 = tpu.bitcast %parallel_loop3A_546 : vector<16xf32> -> vector<16xi32>
        %parallel_loop3A_548 = arith.constant 1 : i32
        %parallel_loop3A_549 = vector.broadcast %parallel_loop3A_548 : i32 to vector<16xi32>
        %parallel_loop3A_550 = arith.shrsi %parallel_loop3A_547, %parallel_loop3A_549 : vector<16xi32>
        %parallel_loop3A_551 = arith.constant 1597463007 : i32
        %parallel_loop3A_552 = vector.broadcast %parallel_loop3A_551 : i32 to vector<16xi32>
        %parallel_loop3A_553 = arith.subi %parallel_loop3A_552, %parallel_loop3A_550 : vector<16xi32>
        %parallel_loop3A_554 = tpu.bitcast %parallel_loop3A_553 : vector<16xi32> -> vector<16xf32>
        %parallel_loop3A_555 = arith.constant 5.000000e-01 : f32
        %parallel_loop3A_556 = vector.broadcast %parallel_loop3A_555 : f32 to vector<16xf32>
        %parallel_loop3A_557 = arith.mulf %parallel_loop3A_556, %parallel_loop3A_546 : vector<16xf32>
        %parallel_loop3A_558 = arith.mulf %parallel_loop3A_557, %parallel_loop3A_554 : vector<16xf32>
        %parallel_loop3A_559 = arith.mulf %parallel_loop3A_558, %parallel_loop3A_554 : vector<16xf32>
        %parallel_loop3A_560 = arith.constant 1.500000e+00 : f32
        %parallel_loop3A_561 = vector.broadcast %parallel_loop3A_560 : f32 to vector<16xf32>
        %parallel_loop3A_562 = arith.subf %parallel_loop3A_561, %parallel_loop3A_559 : vector<16xf32>
        %parallel_loop3A_563 = arith.mulf %parallel_loop3A_554, %parallel_loop3A_562 : vector<16xf32>
        %parallel_loop3A_564 = arith.mulf %parallel_loop3A_557, %parallel_loop3A_563 : vector<16xf32>
        %parallel_loop3A_565 = arith.mulf %parallel_loop3A_564, %parallel_loop3A_563 : vector<16xf32>
        %parallel_loop3A_566 = arith.constant 1.500000e+00 : f32
        %parallel_loop3A_567 = vector.broadcast %parallel_loop3A_566 : f32 to vector<16xf32>
        %parallel_loop3A_568 = arith.subf %parallel_loop3A_567, %parallel_loop3A_565 : vector<16xf32>
        %parallel_loop3A_569 = arith.mulf %parallel_loop3A_563, %parallel_loop3A_568 : vector<16xf32>
        %parallel_loop3A_570 = arith.mulf %parallel_loop3A_557, %parallel_loop3A_569 : vector<16xf32>
        %parallel_loop3A_571 = arith.mulf %parallel_loop3A_570, %parallel_loop3A_569 : vector<16xf32>
        %parallel_loop3A_572 = arith.constant 1.500000e+00 : f32
        %parallel_loop3A_573 = vector.broadcast %parallel_loop3A_572 : f32 to vector<16xf32>
        %parallel_loop3A_574 = arith.subf %parallel_loop3A_573, %parallel_loop3A_571 : vector<16xf32>
        %parallel_loop3A_575 = arith.mulf %parallel_loop3A_569, %parallel_loop3A_574 : vector<16xf32>
        %parallel_loop3A_576 = arith.mulf %parallel_loop3A_546, %parallel_loop3A_575 : vector<16xf32>
        %parallel_loop3A_577 = arith.constant 0 : i32
        %parallel_loop3A_578 = vector.broadcast %parallel_loop3A_577 : i32 to vector<16xi32>
        %parallel_loop3A_579 = arith.select %parallel_loop3A_453, %parallel_loop3A_467, %parallel_loop3A_578 : vector<16xi1>, vector<16xi32>
        %parallel_loop3A_580 = arith.index_cast %parallel_loop3A_446 : i32 to index
        %parallel_loop3A_581 = tpu.vector_load %arg18[%parallel_loop3A_580] {strides = array<i32>} : memref<64xi32, #tpu.memory_space<vmem>>, vector<16xi32>,
        tpu.vector_store %arg18[%parallel_loop3A_580], %parallel_loop3A_579 {strides = array<i32>} : memref<64xi32, #tpu.memory_space<vmem>>, vector<16xi32>,
        %parallel_loop3A_582 = arith.constant -1.000000e+00 : f32
        %parallel_loop3A_583 = vector.broadcast %parallel_loop3A_582 : f32 to vector<16xf32>
        %parallel_loop3A_584 = arith.select %parallel_loop3A_453, %parallel_loop3A_576, %parallel_loop3A_583 : vector<16xi1>, vector<16xf32>
        %parallel_loop3A_585 = arith.index_cast %parallel_loop3A_446 : i32 to index
        %parallel_loop3A_586 = tpu.vector_load %arg13[%parallel_loop3A_585] {strides = array<i32>} : memref<64xf32, #tpu.memory_space<vmem>>, vector<16xf32>,
        tpu.vector_store %arg13[%parallel_loop3A_585], %parallel_loop3A_584 {strides = array<i32>} : memref<64xf32, #tpu.memory_space<vmem>>, vector<16xf32>,
        %parallel_loop3A_587 = arith.constant -1.000000e+00 : f32
        %parallel_loop3A_588 = vector.broadcast %parallel_loop3A_587 : f32 to vector<16xf32>
        %parallel_loop3A_589 = arith.select %parallel_loop3A_453, %parallel_loop3A_495, %parallel_loop3A_588 : vector<16xi1>, vector<16xf32>
        %parallel_loop3A_590 = arith.index_cast %parallel_loop3A_446 : i32 to index
        %parallel_loop3A_591 = tpu.vector_load %arg23[%parallel_loop3A_590] {strides = array<i32>} : memref<256xf32, #tpu.memory_space<vmem>>, vector<16xf32>,
        tpu.vector_store %arg23[%parallel_loop3A_590], %parallel_loop3A_589 {strides = array<i32>} : memref<256xf32, #tpu.memory_space<vmem>>, vector<16xf32>,
        %parallel_loop3A_592 = arith.constant -1.000000e+00 : f32
        %parallel_loop3A_593 = vector.broadcast %parallel_loop3A_592 : f32 to vector<16xf32>
        %parallel_loop3A_594 = arith.select %parallel_loop3A_453, %parallel_loop3A_496, %parallel_loop3A_593 : vector<16xi1>, vector<16xf32>
        %parallel_loop3A_595 = arith.constant 16 : i32
        %parallel_loop3A_596 = arith.muli %parallel_loop3A_444, %parallel_loop3A_595 : i32
        %parallel_loop3A_597 = arith.constant 64 : i32
        %parallel_loop3A_598 = arith.addi %parallel_loop3A_597, %parallel_loop3A_596 : i32
        %parallel_loop3A_599 = arith.index_cast %parallel_loop3A_598 : i32 to index
        %parallel_loop3A_600 = tpu.vector_load %arg23[%parallel_loop3A_599] {strides = array<i32>} : memref<256xf32, #tpu.memory_space<vmem>>, vector<16xf32>,
        tpu.vector_store %arg23[%parallel_loop3A_599], %parallel_loop3A_594 {strides = array<i32>} : memref<256xf32, #tpu.memory_space<vmem>>, vector<16xf32>,
        %parallel_loop3A_601 = arith.constant -1.000000e+00 : f32
        %parallel_loop3A_602 = vector.broadcast %parallel_loop3A_601 : f32 to vector<16xf32>
        %parallel_loop3A_603 = arith.select %parallel_loop3A_453, %parallel_loop3A_497, %parallel_loop3A_602 : vector<16xi1>, vector<16xf32>
        %parallel_loop3A_604 = arith.constant 16 : i32
        %parallel_loop3A_605 = arith.muli %parallel_loop3A_444, %parallel_loop3A_604 : i32
        %parallel_loop3A_606 = arith.constant 128 : i32
        %parallel_loop3A_607 = arith.addi %parallel_loop3A_606, %parallel_loop3A_605 : i32
        %parallel_loop3A_608 = arith.index_cast %parallel_loop3A_607 : i32 to index
        %parallel_loop3A_609 = tpu.vector_load %arg23[%parallel_loop3A_608] {strides = array<i32>} : memref<256xf32, #tpu.memory_space<vmem>>, vector<16xf32>,
        tpu.vector_store %arg23[%parallel_loop3A_608], %parallel_loop3A_603 {strides = array<i32>} : memref<256xf32, #tpu.memory_space<vmem>>, vector<16xf32>,
        %parallel_loop3A_610 = arith.constant -1.000000e+00 : f32
        %parallel_loop3A_611 = vector.broadcast %parallel_loop3A_610 : f32 to vector<16xf32>
        %parallel_loop3A_612 = arith.select %parallel_loop3A_453, %parallel_loop3A_498, %parallel_loop3A_611 : vector<16xi1>, vector<16xf32>
        %parallel_loop3A_613 = arith.constant 16 : i32
        %parallel_loop3A_614 = arith.muli %parallel_loop3A_444, %parallel_loop3A_613 : i32
        %parallel_loop3A_615 = arith.constant 192 : i32
        %parallel_loop3A_616 = arith.addi %parallel_loop3A_615, %parallel_loop3A_614 : i32
        %parallel_loop3A_617 = arith.index_cast %parallel_loop3A_616 : i32 to index
        %parallel_loop3A_618 = tpu.vector_load %arg23[%parallel_loop3A_617] {strides = array<i32>} : memref<256xf32, #tpu.memory_space<vmem>>, vector<16xf32>,
        tpu.vector_store %arg23[%parallel_loop3A_617], %parallel_loop3A_612 {strides = array<i32>} : memref<256xf32, #tpu.memory_space<vmem>>, vector<16xf32>,
      } {sc.loop_unroll_factor = 1 : i64, sc.parallel_access}
      %mul3A_349 = arith.constant 5456 : i32
      %mul3A_350 = arith.muli %select_n3A, %mul3A_349 : i32
      %add3A_351 = arith.constant 5376 : i32
      %add3A_352 = arith.addi %mul3A_350, %add3A_351 : i32
      %add3A_353 = arith.constant 0 : i32
      %add3A_354 = arith.addi %add3A_352, %add3A_353 : i32
      "tpu.region"() ({
        %run_scoped3A = tpu.sem_alloc : memref<!tpu.dma_semaphore, #tpu.memory_space<semaphore_mem>>
        %dma_start3A = arith.constant 0 : i32
        %dma_start3A_444 = tpu.memref_slice %arg18[%dma_start3A] : memref<64xi32, #tpu.memory_space<vmem>> -> memref<64xi32, #tpu.memory_space<vmem>>
        %dma_start3A_445 = tpu.memref_slice %arg4[%add3A_354] : memref<43648xi32, #tpu.memory_space<hbm>> -> memref<64xi32, #tpu.memory_space<hbm>>
        %dma_start3A_446 = tpu.memref_slice %arg4[%add3A_354] : memref<43648xi32, #tpu.memory_space<hbm>> -> memref<64xi32, #tpu.memory_space<hbm>>
        %dma_start3A_447 = arith.constant 0 : i32
        %dma_start3A_448 = tpu.memref_slice %arg18[%dma_start3A_447] : memref<64xi32, #tpu.memory_space<vmem>> -> memref<64xi32, #tpu.memory_space<vmem>>
        tpu.enqueue_dma source(%dma_start3A_448 : memref<64xi32, #tpu.memory_space<vmem>>) target(%dma_start3A_446 : memref<64xi32, #tpu.memory_space<hbm>>) target_semaphore(%run_scoped3A : memref<!tpu.dma_semaphore, #tpu.memory_space<semaphore_mem>>)
        %dma_wait3A = arith.constant 0 : i32
        %dma_wait3A_449 = tpu.memref_slice %arg18[%dma_wait3A] : memref<64xi32, #tpu.memory_space<vmem>> -> memref<64xi32, #tpu.memory_space<vmem>>
        %dma_wait3A_450 = tpu.memref_slice %arg4[%add3A_354] : memref<43648xi32, #tpu.memory_space<hbm>> -> memref<64xi32, #tpu.memory_space<hbm>>
        %dma_wait3A_451 = tpu.memref_slice %arg4[%add3A_354] : memref<43648xi32, #tpu.memory_space<hbm>> -> memref<64xi32, #tpu.memory_space<hbm>>
        %dma_wait3A_452 = arith.constant 0 : i32
        %dma_wait3A_453 = tpu.memref_slice %arg18[%dma_wait3A_452] : memref<64xi32, #tpu.memory_space<vmem>> -> memref<64xi32, #tpu.memory_space<vmem>>
        tpu.wait_dma2 semaphore(%run_scoped3A : memref<!tpu.dma_semaphore, #tpu.memory_space<semaphore_mem>>) src(%dma_wait3A_453 : memref<64xi32, #tpu.memory_space<vmem>>) dst(%dma_wait3A_451 : memref<64xi32, #tpu.memory_space<hbm>>)
        tpu.yield
      }) : () -> ()
      "tpu.region"() ({
        %run_scoped3A = tpu.sem_alloc : memref<!tpu.dma_semaphore, #tpu.memory_space<semaphore_mem>>
        %dma_start3A = arith.constant 0 : i32
        %dma_start3A_444 = tpu.memref_slice %arg13[%dma_start3A] : memref<64xf32, #tpu.memory_space<vmem>> -> memref<64xf32, #tpu.memory_space<vmem>>
        %dma_start3A_445 = tpu.memref_slice %arg5[%add3A_354] : memref<43648xf32, #tpu.memory_space<hbm>> -> memref<64xf32, #tpu.memory_space<hbm>>
        %dma_start3A_446 = tpu.memref_slice %arg5[%add3A_354] : memref<43648xf32, #tpu.memory_space<hbm>> -> memref<64xf32, #tpu.memory_space<hbm>>
        %dma_start3A_447 = arith.constant 0 : i32
        %dma_start3A_448 = tpu.memref_slice %arg13[%dma_start3A_447] : memref<64xf32, #tpu.memory_space<vmem>> -> memref<64xf32, #tpu.memory_space<vmem>>
        tpu.enqueue_dma source(%dma_start3A_448 : memref<64xf32, #tpu.memory_space<vmem>>) target(%dma_start3A_446 : memref<64xf32, #tpu.memory_space<hbm>>) target_semaphore(%run_scoped3A : memref<!tpu.dma_semaphore, #tpu.memory_space<semaphore_mem>>)
        %dma_wait3A = arith.constant 0 : i32
        %dma_wait3A_449 = tpu.memref_slice %arg13[%dma_wait3A] : memref<64xf32, #tpu.memory_space<vmem>> -> memref<64xf32, #tpu.memory_space<vmem>>
        %dma_wait3A_450 = tpu.memref_slice %arg5[%add3A_354] : memref<43648xf32, #tpu.memory_space<hbm>> -> memref<64xf32, #tpu.memory_space<hbm>>
        %dma_wait3A_451 = tpu.memref_slice %arg5[%add3A_354] : memref<43648xf32, #tpu.memory_space<hbm>> -> memref<64xf32, #tpu.memory_space<hbm>>
        %dma_wait3A_452 = arith.constant 0 : i32
        %dma_wait3A_453 = tpu.memref_slice %arg13[%dma_wait3A_452] : memref<64xf32, #tpu.memory_space<vmem>> -> memref<64xf32, #tpu.memory_space<vmem>>
        tpu.wait_dma2 semaphore(%run_scoped3A : memref<!tpu.dma_semaphore, #tpu.memory_space<semaphore_mem>>) src(%dma_wait3A_453 : memref<64xf32, #tpu.memory_space<vmem>>) dst(%dma_wait3A_451 : memref<64xf32, #tpu.memory_space<hbm>>)
        tpu.yield
      }) : () -> ()
      %mul3A_355 = arith.constant 4 : i32
      %mul3A_356 = arith.muli %select_n3A, %mul3A_355 : i32
      %add3A_357 = arith.constant 0 : i32
      %add3A_358 = arith.addi %mul3A_356, %add3A_357 : i32
      %mul3A_359 = arith.constant 5456 : i32
      %mul3A_360 = arith.muli %add3A_358, %mul3A_359 : i32
      %add3A_361 = arith.constant 5376 : i32
      %add3A_362 = arith.addi %mul3A_360, %add3A_361 : i32
      %add3A_363 = arith.constant 0 : i32
      %add3A_364 = arith.addi %add3A_362, %add3A_363 : i32
      "tpu.region"() ({
        %run_scoped3A = tpu.sem_alloc : memref<!tpu.dma_semaphore, #tpu.memory_space<semaphore_mem>>
        %dma_start3A = arith.constant 0 : i32
        %dma_start3A_444 = tpu.memref_slice %arg23[%dma_start3A] : memref<256xf32, #tpu.memory_space<vmem>> -> memref<64xf32, #tpu.memory_space<vmem>>
        %dma_start3A_445 = tpu.memref_slice %arg6[%add3A_364] : memref<174592xf32, #tpu.memory_space<hbm>> -> memref<64xf32, #tpu.memory_space<hbm>>
        %dma_start3A_446 = tpu.memref_slice %arg6[%add3A_364] : memref<174592xf32, #tpu.memory_space<hbm>> -> memref<64xf32, #tpu.memory_space<hbm>>
        %dma_start3A_447 = arith.constant 0 : i32
        %dma_start3A_448 = tpu.memref_slice %arg23[%dma_start3A_447] : memref<256xf32, #tpu.memory_space<vmem>> -> memref<64xf32, #tpu.memory_space<vmem>>
        tpu.enqueue_dma source(%dma_start3A_448 : memref<64xf32, #tpu.memory_space<vmem>>) target(%dma_start3A_446 : memref<64xf32, #tpu.memory_space<hbm>>) target_semaphore(%run_scoped3A : memref<!tpu.dma_semaphore, #tpu.memory_space<semaphore_mem>>)
        %dma_wait3A = arith.constant 0 : i32
        %dma_wait3A_449 = tpu.memref_slice %arg23[%dma_wait3A] : memref<256xf32, #tpu.memory_space<vmem>> -> memref<64xf32, #tpu.memory_space<vmem>>
        %dma_wait3A_450 = tpu.memref_slice %arg6[%add3A_364] : memref<174592xf32, #tpu.memory_space<hbm>> -> memref<64xf32, #tpu.memory_space<hbm>>
        %dma_wait3A_451 = tpu.memref_slice %arg6[%add3A_364] : memref<174592xf32, #tpu.memory_space<hbm>> -> memref<64xf32, #tpu.memory_space<hbm>>
        %dma_wait3A_452 = arith.constant 0 : i32
        %dma_wait3A_453 = tpu.memref_slice %arg23[%dma_wait3A_452] : memref<256xf32, #tpu.memory_space<vmem>> -> memref<64xf32, #tpu.memory_space<vmem>>
        tpu.wait_dma2 semaphore(%run_scoped3A : memref<!tpu.dma_semaphore, #tpu.memory_space<semaphore_mem>>) src(%dma_wait3A_453 : memref<64xf32, #tpu.memory_space<vmem>>) dst(%dma_wait3A_451 : memref<64xf32, #tpu.memory_space<hbm>>)
        tpu.yield
      }) : () -> ()
      %mul3A_365 = arith.constant 4 : i32
      %mul3A_366 = arith.muli %select_n3A, %mul3A_365 : i32
      %add3A_367 = arith.constant 1 : i32
      %add3A_368 = arith.addi %mul3A_366, %add3A_367 : i32
      %mul3A_369 = arith.constant 5456 : i32
      %mul3A_370 = arith.muli %add3A_368, %mul3A_369 : i32
      %add3A_371 = arith.constant 5376 : i32
      %add3A_372 = arith.addi %mul3A_370, %add3A_371 : i32
      %add3A_373 = arith.constant 0 : i32
      %add3A_374 = arith.addi %add3A_372, %add3A_373 : i32
      "tpu.region"() ({
        %run_scoped3A = tpu.sem_alloc : memref<!tpu.dma_semaphore, #tpu.memory_space<semaphore_mem>>
        %dma_start3A = arith.constant 64 : i32
        %dma_start3A_444 = tpu.memref_slice %arg23[%dma_start3A] : memref<256xf32, #tpu.memory_space<vmem>> -> memref<64xf32, #tpu.memory_space<vmem>>
        %dma_start3A_445 = tpu.memref_slice %arg6[%add3A_374] : memref<174592xf32, #tpu.memory_space<hbm>> -> memref<64xf32, #tpu.memory_space<hbm>>
        %dma_start3A_446 = tpu.memref_slice %arg6[%add3A_374] : memref<174592xf32, #tpu.memory_space<hbm>> -> memref<64xf32, #tpu.memory_space<hbm>>
        %dma_start3A_447 = arith.constant 64 : i32
        %dma_start3A_448 = tpu.memref_slice %arg23[%dma_start3A_447] : memref<256xf32, #tpu.memory_space<vmem>> -> memref<64xf32, #tpu.memory_space<vmem>>
        tpu.enqueue_dma source(%dma_start3A_448 : memref<64xf32, #tpu.memory_space<vmem>>) target(%dma_start3A_446 : memref<64xf32, #tpu.memory_space<hbm>>) target_semaphore(%run_scoped3A : memref<!tpu.dma_semaphore, #tpu.memory_space<semaphore_mem>>)
        %dma_wait3A = arith.constant 64 : i32
        %dma_wait3A_449 = tpu.memref_slice %arg23[%dma_wait3A] : memref<256xf32, #tpu.memory_space<vmem>> -> memref<64xf32, #tpu.memory_space<vmem>>
        %dma_wait3A_450 = tpu.memref_slice %arg6[%add3A_374] : memref<174592xf32, #tpu.memory_space<hbm>> -> memref<64xf32, #tpu.memory_space<hbm>>
        %dma_wait3A_451 = tpu.memref_slice %arg6[%add3A_374] : memref<174592xf32, #tpu.memory_space<hbm>> -> memref<64xf32, #tpu.memory_space<hbm>>
        %dma_wait3A_452 = arith.constant 64 : i32
        %dma_wait3A_453 = tpu.memref_slice %arg23[%dma_wait3A_452] : memref<256xf32, #tpu.memory_space<vmem>> -> memref<64xf32, #tpu.memory_space<vmem>>
        tpu.wait_dma2 semaphore(%run_scoped3A : memref<!tpu.dma_semaphore, #tpu.memory_space<semaphore_mem>>) src(%dma_wait3A_453 : memref<64xf32, #tpu.memory_space<vmem>>) dst(%dma_wait3A_451 : memref<64xf32, #tpu.memory_space<hbm>>)
        tpu.yield
      }) : () -> ()
      %mul3A_375 = arith.constant 4 : i32
      %mul3A_376 = arith.muli %select_n3A, %mul3A_375 : i32
      %add3A_377 = arith.constant 2 : i32
      %add3A_378 = arith.addi %mul3A_376, %add3A_377 : i32
      %mul3A_379 = arith.constant 5456 : i32
      %mul3A_380 = arith.muli %add3A_378, %mul3A_379 : i32
      %add3A_381 = arith.constant 5376 : i32
      %add3A_382 = arith.addi %mul3A_380, %add3A_381 : i32
      %add3A_383 = arith.constant 0 : i32
      %add3A_384 = arith.addi %add3A_382, %add3A_383 : i32
      "tpu.region"() ({
        %run_scoped3A = tpu.sem_alloc : memref<!tpu.dma_semaphore, #tpu.memory_space<semaphore_mem>>
        %dma_start3A = arith.constant 128 : i32
        %dma_start3A_444 = tpu.memref_slice %arg23[%dma_start3A] : memref<256xf32, #tpu.memory_space<vmem>> -> memref<64xf32, #tpu.memory_space<vmem>>
        %dma_start3A_445 = tpu.memref_slice %arg6[%add3A_384] : memref<174592xf32, #tpu.memory_space<hbm>> -> memref<64xf32, #tpu.memory_space<hbm>>
        %dma_start3A_446 = tpu.memref_slice %arg6[%add3A_384] : memref<174592xf32, #tpu.memory_space<hbm>> -> memref<64xf32, #tpu.memory_space<hbm>>
        %dma_start3A_447 = arith.constant 128 : i32
        %dma_start3A_448 = tpu.memref_slice %arg23[%dma_start3A_447] : memref<256xf32, #tpu.memory_space<vmem>> -> memref<64xf32, #tpu.memory_space<vmem>>
        tpu.enqueue_dma source(%dma_start3A_448 : memref<64xf32, #tpu.memory_space<vmem>>) target(%dma_start3A_446 : memref<64xf32, #tpu.memory_space<hbm>>) target_semaphore(%run_scoped3A : memref<!tpu.dma_semaphore, #tpu.memory_space<semaphore_mem>>)
        %dma_wait3A = arith.constant 128 : i32
        %dma_wait3A_449 = tpu.memref_slice %arg23[%dma_wait3A] : memref<256xf32, #tpu.memory_space<vmem>> -> memref<64xf32, #tpu.memory_space<vmem>>
        %dma_wait3A_450 = tpu.memref_slice %arg6[%add3A_384] : memref<174592xf32, #tpu.memory_space<hbm>> -> memref<64xf32, #tpu.memory_space<hbm>>
        %dma_wait3A_451 = tpu.memref_slice %arg6[%add3A_384] : memref<174592xf32, #tpu.memory_space<hbm>> -> memref<64xf32, #tpu.memory_space<hbm>>
        %dma_wait3A_452 = arith.constant 128 : i32
        %dma_wait3A_453 = tpu.memref_slice %arg23[%dma_wait3A_452] : memref<256xf32, #tpu.memory_space<vmem>> -> memref<64xf32, #tpu.memory_space<vmem>>
        tpu.wait_dma2 semaphore(%run_scoped3A : memref<!tpu.dma_semaphore, #tpu.memory_space<semaphore_mem>>) src(%dma_wait3A_453 : memref<64xf32, #tpu.memory_space<vmem>>) dst(%dma_wait3A_451 : memref<64xf32, #tpu.memory_space<hbm>>)
        tpu.yield
      }) : () -> ()
      %mul3A_385 = arith.constant 4 : i32
      %mul3A_386 = arith.muli %select_n3A, %mul3A_385 : i32
      %add3A_387 = arith.constant 3 : i32
      %add3A_388 = arith.addi %mul3A_386, %add3A_387 : i32
      %mul3A_389 = arith.constant 5456 : i32
      %mul3A_390 = arith.muli %add3A_388, %mul3A_389 : i32
      %add3A_391 = arith.constant 5376 : i32
      %add3A_392 = arith.addi %mul3A_390, %add3A_391 : i32
      %add3A_393 = arith.constant 0 : i32
      %add3A_394 = arith.addi %add3A_392, %add3A_393 : i32
      "tpu.region"() ({
        %run_scoped3A = tpu.sem_alloc : memref<!tpu.dma_semaphore, #tpu.memory_space<semaphore_mem>>
        %dma_start3A = arith.constant 192 : i32
        %dma_start3A_444 = tpu.memref_slice %arg23[%dma_start3A] : memref<256xf32, #tpu.memory_space<vmem>> -> memref<64xf32, #tpu.memory_space<vmem>>
        %dma_start3A_445 = tpu.memref_slice %arg6[%add3A_394] : memref<174592xf32, #tpu.memory_space<hbm>> -> memref<64xf32, #tpu.memory_space<hbm>>
        %dma_start3A_446 = tpu.memref_slice %arg6[%add3A_394] : memref<174592xf32, #tpu.memory_space<hbm>> -> memref<64xf32, #tpu.memory_space<hbm>>
        %dma_start3A_447 = arith.constant 192 : i32
        %dma_start3A_448 = tpu.memref_slice %arg23[%dma_start3A_447] : memref<256xf32, #tpu.memory_space<vmem>> -> memref<64xf32, #tpu.memory_space<vmem>>
        tpu.enqueue_dma source(%dma_start3A_448 : memref<64xf32, #tpu.memory_space<vmem>>) target(%dma_start3A_446 : memref<64xf32, #tpu.memory_space<hbm>>) target_semaphore(%run_scoped3A : memref<!tpu.dma_semaphore, #tpu.memory_space<semaphore_mem>>)
        %dma_wait3A = arith.constant 192 : i32
        %dma_wait3A_449 = tpu.memref_slice %arg23[%dma_wait3A] : memref<256xf32, #tpu.memory_space<vmem>> -> memref<64xf32, #tpu.memory_space<vmem>>
        %dma_wait3A_450 = tpu.memref_slice %arg6[%add3A_394] : memref<174592xf32, #tpu.memory_space<hbm>> -> memref<64xf32, #tpu.memory_space<hbm>>
        %dma_wait3A_451 = tpu.memref_slice %arg6[%add3A_394] : memref<174592xf32, #tpu.memory_space<hbm>> -> memref<64xf32, #tpu.memory_space<hbm>>
        %dma_wait3A_452 = arith.constant 192 : i32
        %dma_wait3A_453 = tpu.memref_slice %arg23[%dma_wait3A_452] : memref<256xf32, #tpu.memory_space<vmem>> -> memref<64xf32, #tpu.memory_space<vmem>>
        tpu.wait_dma2 semaphore(%run_scoped3A : memref<!tpu.dma_semaphore, #tpu.memory_space<semaphore_mem>>) src(%dma_wait3A_453 : memref<64xf32, #tpu.memory_space<vmem>>) dst(%dma_wait3A_451 : memref<64xf32, #tpu.memory_space<hbm>>)
        tpu.yield
      }) : () -> ()
      %parallel_loop3A_395 = arith.constant 0 : i32
      %parallel_loop3A_396 = arith.constant 1 : i32
      %parallel_loop3A_397 = arith.constant 1 : i32
      scf.for %parallel_loop3A_444 = %parallel_loop3A_395 to %parallel_loop3A_396 step %parallel_loop3A_397  : i32 {
        %parallel_loop3A_445 = arith.constant 16 : i32
        %parallel_loop3A_446 = arith.muli %parallel_loop3A_444, %parallel_loop3A_445 : i32
        %parallel_loop3A_447 = arith.index_cast %parallel_loop3A_446 : i32 to index
        %parallel_loop3A_448 = tpu.vector_load %arg14[%parallel_loop3A_447] {strides = array<i32>} : memref<16xf32, #tpu.memory_space<vmem>>, vector<16xf32>,
        %parallel_loop3A_449 = arith.index_cast %parallel_loop3A_446 : i32 to index
        %parallel_loop3A_450 = tpu.vector_load %arg19[%parallel_loop3A_449] {strides = array<i32>} : memref<16xi32, #tpu.memory_space<vmem>>, vector<16xi32>,
        %parallel_loop3A_451 = arith.constant 1.000000e+10 : f32
        %parallel_loop3A_452 = vector.broadcast %parallel_loop3A_451 : f32 to vector<16xf32>
        %parallel_loop3A_453 = arith.cmpf olt, %parallel_loop3A_448, %parallel_loop3A_452 : vector<16xf32>
        %parallel_loop3A_454 = tpu.vector_load_idx %arg7[%parallel_loop3A_450] : memref<448xf32, #tpu.memory_space<vmem>>[vector<16xi32>], vector<16xf32>,
        %parallel_loop3A_455 = arith.constant 112 : i32
        %parallel_loop3A_456 = vector.broadcast %parallel_loop3A_455 : i32 to vector<16xi32>
        %parallel_loop3A_457 = arith.addi %parallel_loop3A_450, %parallel_loop3A_456 : vector<16xi32>
        %parallel_loop3A_458 = tpu.vector_load_idx %arg7[%parallel_loop3A_457] : memref<448xf32, #tpu.memory_space<vmem>>[vector<16xi32>], vector<16xf32>,
        %parallel_loop3A_459 = arith.constant 224 : i32
        %parallel_loop3A_460 = vector.broadcast %parallel_loop3A_459 : i32 to vector<16xi32>
        %parallel_loop3A_461 = arith.addi %parallel_loop3A_450, %parallel_loop3A_460 : vector<16xi32>
        %parallel_loop3A_462 = tpu.vector_load_idx %arg7[%parallel_loop3A_461] : memref<448xf32, #tpu.memory_space<vmem>>[vector<16xi32>], vector<16xf32>,
        %parallel_loop3A_463 = arith.constant 336 : i32
        %parallel_loop3A_464 = vector.broadcast %parallel_loop3A_463 : i32 to vector<16xi32>
        %parallel_loop3A_465 = arith.addi %parallel_loop3A_450, %parallel_loop3A_464 : vector<16xi32>
        %parallel_loop3A_466 = tpu.vector_load_idx %arg7[%parallel_loop3A_465] : memref<448xf32, #tpu.memory_space<vmem>>[vector<16xi32>], vector<16xf32>,
        %parallel_loop3A_467 = tpu.vector_load_idx %arg8[%parallel_loop3A_450] : memref<112xi32, #tpu.memory_space<vmem>>[vector<16xi32>], vector<16xi32>,
        %parallel_loop3A_468 = arith.constant 16 : i32
        %parallel_loop3A_469 = arith.muli %parallel_loop3A_444, %parallel_loop3A_468 : i32
        %parallel_loop3A_470 = vector.broadcast %parallel_loop3A_469 : i32 to vector<16xi32>
        %parallel_loop3A_471 = arith.addi %iota3A, %parallel_loop3A_470 : vector<16xi32>
        %parallel_loop3A_472 = arith.constant 3 : i32
        %parallel_loop3A_473 = vector.broadcast %parallel_loop3A_472 : i32 to vector<16xi32>
        %parallel_loop3A_474 = arith.andi %parallel_loop3A_471, %parallel_loop3A_473 : vector<16xi32>
        %parallel_loop3A_475 = arith.constant 2 : i32
        %parallel_loop3A_476 = vector.broadcast %parallel_loop3A_475 : i32 to vector<16xi32>
        %parallel_loop3A_477 = arith.shrsi %parallel_loop3A_471, %parallel_loop3A_476 : vector<16xi32>
        %parallel_loop3A_478 = arith.constant 0 : i32
        %parallel_loop3A_479 = vector.broadcast %parallel_loop3A_478 : i32 to vector<16xi32>
        %parallel_loop3A_480 = arith.addi %parallel_loop3A_477, %parallel_loop3A_479 : vector<16xi32>
        %parallel_loop3A_481 = arith.sitofp %parallel_loop3A_474 : vector<16xi32> to vector<16xf32>
        %parallel_loop3A_482 = arith.constant 5.000000e-01 : f32
        %parallel_loop3A_483 = vector.broadcast %parallel_loop3A_482 : f32 to vector<16xf32>
        %parallel_loop3A_484 = arith.addf %parallel_loop3A_481, %parallel_loop3A_483 : vector<16xf32>
        %parallel_loop3A_485 = arith.constant 1.280000e+02 : f32
        %parallel_loop3A_486 = vector.broadcast %parallel_loop3A_485 : f32 to vector<16xf32>
        %parallel_loop3A_487 = arith.mulf %parallel_loop3A_484, %parallel_loop3A_486 : vector<16xf32>
        %parallel_loop3A_488 = arith.sitofp %parallel_loop3A_480 : vector<16xi32> to vector<16xf32>
        %parallel_loop3A_489 = arith.constant 5.000000e-01 : f32
        %parallel_loop3A_490 = vector.broadcast %parallel_loop3A_489 : f32 to vector<16xf32>
        %parallel_loop3A_491 = arith.addf %parallel_loop3A_488, %parallel_loop3A_490 : vector<16xf32>
        %parallel_loop3A_492 = arith.constant 1.280000e+02 : f32
        %parallel_loop3A_493 = vector.broadcast %parallel_loop3A_492 : f32 to vector<16xf32>
        %parallel_loop3A_494 = arith.mulf %parallel_loop3A_491, %parallel_loop3A_493 : vector<16xf32>
        %parallel_loop3A_495 = arith.subf %parallel_loop3A_487, %parallel_loop3A_454 : vector<16xf32>
        %parallel_loop3A_496 = arith.subf %parallel_loop3A_494, %parallel_loop3A_458 : vector<16xf32>
        %parallel_loop3A_497 = arith.subf %parallel_loop3A_462, %parallel_loop3A_487 : vector<16xf32>
        %parallel_loop3A_498 = arith.subf %parallel_loop3A_466, %parallel_loop3A_494 : vector<16xf32>
        %parallel_loop3A_499 = arith.constant 1.000000e+00 : f32
        %parallel_loop3A_500 = vector.broadcast %parallel_loop3A_499 : f32 to vector<16xf32>
        %parallel_loop3A_501 = arith.select %parallel_loop3A_453, %parallel_loop3A_495, %parallel_loop3A_500 : vector<16xi1>, vector<16xf32>
        %parallel_loop3A_502 = arith.constant 1.000000e+00 : f32
        %parallel_loop3A_503 = vector.broadcast %parallel_loop3A_502 : f32 to vector<16xf32>
        %parallel_loop3A_504 = arith.select %parallel_loop3A_453, %parallel_loop3A_496, %parallel_loop3A_503 : vector<16xi1>, vector<16xf32>
        %parallel_loop3A_505 = arith.constant 1.000000e+00 : f32
        %parallel_loop3A_506 = vector.broadcast %parallel_loop3A_505 : f32 to vector<16xf32>
        %parallel_loop3A_507 = arith.select %parallel_loop3A_453, %parallel_loop3A_497, %parallel_loop3A_506 : vector<16xi1>, vector<16xf32>
        %parallel_loop3A_508 = arith.constant 1.000000e+00 : f32
        %parallel_loop3A_509 = vector.broadcast %parallel_loop3A_508 : f32 to vector<16xf32>
        %parallel_loop3A_510 = arith.select %parallel_loop3A_453, %parallel_loop3A_498, %parallel_loop3A_509 : vector<16xi1>, vector<16xf32>
        %parallel_loop3A_511 = arith.minimumf %parallel_loop3A_501, %parallel_loop3A_507 : vector<16xf32>
        %parallel_loop3A_512 = arith.maximumf %parallel_loop3A_501, %parallel_loop3A_507 : vector<16xf32>
        %parallel_loop3A_513 = arith.constant 9.99999974E-6 : f32
        %parallel_loop3A_514 = vector.broadcast %parallel_loop3A_513 : f32 to vector<16xf32>
        %parallel_loop3A_515 = arith.maximumf %parallel_loop3A_512, %parallel_loop3A_514 : vector<16xf32>
        %parallel_loop3A_516 = arith.minimumf %parallel_loop3A_504, %parallel_loop3A_510 : vector<16xf32>
        %parallel_loop3A_517 = arith.maximumf %parallel_loop3A_504, %parallel_loop3A_510 : vector<16xf32>
        %parallel_loop3A_518 = arith.constant 9.99999974E-6 : f32
        %parallel_loop3A_519 = vector.broadcast %parallel_loop3A_518 : f32 to vector<16xf32>
        %parallel_loop3A_520 = arith.maximumf %parallel_loop3A_517, %parallel_loop3A_519 : vector<16xf32>
        %parallel_loop3A_521 = arith.mulf %parallel_loop3A_515, %parallel_loop3A_520 : vector<16xf32>
        %parallel_loop3A_522 = arith.constant 1.000000e-10 : f32
        %parallel_loop3A_523 = vector.broadcast %parallel_loop3A_522 : f32 to vector<16xf32>
        %parallel_loop3A_524 = arith.addf %parallel_loop3A_521, %parallel_loop3A_523 : vector<16xf32>
        %parallel_loop3A_525 = arith.mulf %parallel_loop3A_511, %parallel_loop3A_516 : vector<16xf32>
        %parallel_loop3A_526 = tpu.bitcast %parallel_loop3A_524 : vector<16xf32> -> vector<16xi32>
        %parallel_loop3A_527 = arith.constant 2129859011 : i32
        %parallel_loop3A_528 = vector.broadcast %parallel_loop3A_527 : i32 to vector<16xi32>
        %parallel_loop3A_529 = arith.subi %parallel_loop3A_528, %parallel_loop3A_526 : vector<16xi32>
        %parallel_loop3A_530 = tpu.bitcast %parallel_loop3A_529 : vector<16xi32> -> vector<16xf32>
        %parallel_loop3A_531 = arith.mulf %parallel_loop3A_524, %parallel_loop3A_530 : vector<16xf32>
        %parallel_loop3A_532 = arith.constant 2.000000e+00 : f32
        %parallel_loop3A_533 = vector.broadcast %parallel_loop3A_532 : f32 to vector<16xf32>
        %parallel_loop3A_534 = arith.subf %parallel_loop3A_533, %parallel_loop3A_531 : vector<16xf32>
        %parallel_loop3A_535 = arith.mulf %parallel_loop3A_530, %parallel_loop3A_534 : vector<16xf32>
        %parallel_loop3A_536 = arith.mulf %parallel_loop3A_524, %parallel_loop3A_535 : vector<16xf32>
        %parallel_loop3A_537 = arith.constant 2.000000e+00 : f32
        %parallel_loop3A_538 = vector.broadcast %parallel_loop3A_537 : f32 to vector<16xf32>
        %parallel_loop3A_539 = arith.subf %parallel_loop3A_538, %parallel_loop3A_536 : vector<16xf32>
        %parallel_loop3A_540 = arith.mulf %parallel_loop3A_535, %parallel_loop3A_539 : vector<16xf32>
        %parallel_loop3A_541 = arith.mulf %parallel_loop3A_524, %parallel_loop3A_540 : vector<16xf32>
        %parallel_loop3A_542 = arith.constant 2.000000e+00 : f32
        %parallel_loop3A_543 = vector.broadcast %parallel_loop3A_542 : f32 to vector<16xf32>
        %parallel_loop3A_544 = arith.subf %parallel_loop3A_543, %parallel_loop3A_541 : vector<16xf32>
        %parallel_loop3A_545 = arith.mulf %parallel_loop3A_540, %parallel_loop3A_544 : vector<16xf32>
        %parallel_loop3A_546 = arith.mulf %parallel_loop3A_525, %parallel_loop3A_545 : vector<16xf32>
        %parallel_loop3A_547 = tpu.bitcast %parallel_loop3A_546 : vector<16xf32> -> vector<16xi32>
        %parallel_loop3A_548 = arith.constant 1 : i32
        %parallel_loop3A_549 = vector.broadcast %parallel_loop3A_548 : i32 to vector<16xi32>
        %parallel_loop3A_550 = arith.shrsi %parallel_loop3A_547, %parallel_loop3A_549 : vector<16xi32>
        %parallel_loop3A_551 = arith.constant 1597463007 : i32
        %parallel_loop3A_552 = vector.broadcast %parallel_loop3A_551 : i32 to vector<16xi32>
        %parallel_loop3A_553 = arith.subi %parallel_loop3A_552, %parallel_loop3A_550 : vector<16xi32>
        %parallel_loop3A_554 = tpu.bitcast %parallel_loop3A_553 : vector<16xi32> -> vector<16xf32>
        %parallel_loop3A_555 = arith.constant 5.000000e-01 : f32
        %parallel_loop3A_556 = vector.broadcast %parallel_loop3A_555 : f32 to vector<16xf32>
        %parallel_loop3A_557 = arith.mulf %parallel_loop3A_556, %parallel_loop3A_546 : vector<16xf32>
        %parallel_loop3A_558 = arith.mulf %parallel_loop3A_557, %parallel_loop3A_554 : vector<16xf32>
        %parallel_loop3A_559 = arith.mulf %parallel_loop3A_558, %parallel_loop3A_554 : vector<16xf32>
        %parallel_loop3A_560 = arith.constant 1.500000e+00 : f32
        %parallel_loop3A_561 = vector.broadcast %parallel_loop3A_560 : f32 to vector<16xf32>
        %parallel_loop3A_562 = arith.subf %parallel_loop3A_561, %parallel_loop3A_559 : vector<16xf32>
        %parallel_loop3A_563 = arith.mulf %parallel_loop3A_554, %parallel_loop3A_562 : vector<16xf32>
        %parallel_loop3A_564 = arith.mulf %parallel_loop3A_557, %parallel_loop3A_563 : vector<16xf32>
        %parallel_loop3A_565 = arith.mulf %parallel_loop3A_564, %parallel_loop3A_563 : vector<16xf32>
        %parallel_loop3A_566 = arith.constant 1.500000e+00 : f32
        %parallel_loop3A_567 = vector.broadcast %parallel_loop3A_566 : f32 to vector<16xf32>
        %parallel_loop3A_568 = arith.subf %parallel_loop3A_567, %parallel_loop3A_565 : vector<16xf32>
        %parallel_loop3A_569 = arith.mulf %parallel_loop3A_563, %parallel_loop3A_568 : vector<16xf32>
        %parallel_loop3A_570 = arith.mulf %parallel_loop3A_557, %parallel_loop3A_569 : vector<16xf32>
        %parallel_loop3A_571 = arith.mulf %parallel_loop3A_570, %parallel_loop3A_569 : vector<16xf32>
        %parallel_loop3A_572 = arith.constant 1.500000e+00 : f32
        %parallel_loop3A_573 = vector.broadcast %parallel_loop3A_572 : f32 to vector<16xf32>
        %parallel_loop3A_574 = arith.subf %parallel_loop3A_573, %parallel_loop3A_571 : vector<16xf32>
        %parallel_loop3A_575 = arith.mulf %parallel_loop3A_569, %parallel_loop3A_574 : vector<16xf32>
        %parallel_loop3A_576 = arith.mulf %parallel_loop3A_546, %parallel_loop3A_575 : vector<16xf32>
        %parallel_loop3A_577 = arith.constant 0 : i32
        %parallel_loop3A_578 = vector.broadcast %parallel_loop3A_577 : i32 to vector<16xi32>
        %parallel_loop3A_579 = arith.select %parallel_loop3A_453, %parallel_loop3A_467, %parallel_loop3A_578 : vector<16xi1>, vector<16xi32>
        %parallel_loop3A_580 = arith.index_cast %parallel_loop3A_446 : i32 to index
        %parallel_loop3A_581 = tpu.vector_load %arg19[%parallel_loop3A_580] {strides = array<i32>} : memref<16xi32, #tpu.memory_space<vmem>>, vector<16xi32>,
        tpu.vector_store %arg19[%parallel_loop3A_580], %parallel_loop3A_579 {strides = array<i32>} : memref<16xi32, #tpu.memory_space<vmem>>, vector<16xi32>,
        %parallel_loop3A_582 = arith.constant -1.000000e+00 : f32
        %parallel_loop3A_583 = vector.broadcast %parallel_loop3A_582 : f32 to vector<16xf32>
        %parallel_loop3A_584 = arith.select %parallel_loop3A_453, %parallel_loop3A_576, %parallel_loop3A_583 : vector<16xi1>, vector<16xf32>
        %parallel_loop3A_585 = arith.index_cast %parallel_loop3A_446 : i32 to index
        %parallel_loop3A_586 = tpu.vector_load %arg14[%parallel_loop3A_585] {strides = array<i32>} : memref<16xf32, #tpu.memory_space<vmem>>, vector<16xf32>,
        tpu.vector_store %arg14[%parallel_loop3A_585], %parallel_loop3A_584 {strides = array<i32>} : memref<16xf32, #tpu.memory_space<vmem>>, vector<16xf32>,
        %parallel_loop3A_587 = arith.constant -1.000000e+00 : f32
        %parallel_loop3A_588 = vector.broadcast %parallel_loop3A_587 : f32 to vector<16xf32>
        %parallel_loop3A_589 = arith.select %parallel_loop3A_453, %parallel_loop3A_495, %parallel_loop3A_588 : vector<16xi1>, vector<16xf32>
        %parallel_loop3A_590 = arith.index_cast %parallel_loop3A_446 : i32 to index
        %parallel_loop3A_591 = tpu.vector_load %arg24[%parallel_loop3A_590] {strides = array<i32>} : memref<64xf32, #tpu.memory_space<vmem>>, vector<16xf32>,
        tpu.vector_store %arg24[%parallel_loop3A_590], %parallel_loop3A_589 {strides = array<i32>} : memref<64xf32, #tpu.memory_space<vmem>>, vector<16xf32>,
        %parallel_loop3A_592 = arith.constant -1.000000e+00 : f32
        %parallel_loop3A_593 = vector.broadcast %parallel_loop3A_592 : f32 to vector<16xf32>
        %parallel_loop3A_594 = arith.select %parallel_loop3A_453, %parallel_loop3A_496, %parallel_loop3A_593 : vector<16xi1>, vector<16xf32>
        %parallel_loop3A_595 = arith.constant 16 : i32
        %parallel_loop3A_596 = arith.muli %parallel_loop3A_444, %parallel_loop3A_595 : i32
        %parallel_loop3A_597 = arith.constant 16 : i32
        %parallel_loop3A_598 = arith.addi %parallel_loop3A_597, %parallel_loop3A_596 : i32
        %parallel_loop3A_599 = arith.index_cast %parallel_loop3A_598 : i32 to index
        %parallel_loop3A_600 = tpu.vector_load %arg24[%parallel_loop3A_599] {strides = array<i32>} : memref<64xf32, #tpu.memory_space<vmem>>, vector<16xf32>,
        tpu.vector_store %arg24[%parallel_loop3A_599], %parallel_loop3A_594 {strides = array<i32>} : memref<64xf32, #tpu.memory_space<vmem>>, vector<16xf32>,
        %parallel_loop3A_601 = arith.constant -1.000000e+00 : f32
        %parallel_loop3A_602 = vector.broadcast %parallel_loop3A_601 : f32 to vector<16xf32>
        %parallel_loop3A_603 = arith.select %parallel_loop3A_453, %parallel_loop3A_497, %parallel_loop3A_602 : vector<16xi1>, vector<16xf32>
        %parallel_loop3A_604 = arith.constant 16 : i32
        %parallel_loop3A_605 = arith.muli %parallel_loop3A_444, %parallel_loop3A_604 : i32
        %parallel_loop3A_606 = arith.constant 32 : i32
        %parallel_loop3A_607 = arith.addi %parallel_loop3A_606, %parallel_loop3A_605 : i32
        %parallel_loop3A_608 = arith.index_cast %parallel_loop3A_607 : i32 to index
        %parallel_loop3A_609 = tpu.vector_load %arg24[%parallel_loop3A_608] {strides = array<i32>} : memref<64xf32, #tpu.memory_space<vmem>>, vector<16xf32>,
        tpu.vector_store %arg24[%parallel_loop3A_608], %parallel_loop3A_603 {strides = array<i32>} : memref<64xf32, #tpu.memory_space<vmem>>, vector<16xf32>,
        %parallel_loop3A_610 = arith.constant -1.000000e+00 : f32
        %parallel_loop3A_611 = vector.broadcast %parallel_loop3A_610 : f32 to vector<16xf32>
        %parallel_loop3A_612 = arith.select %parallel_loop3A_453, %parallel_loop3A_498, %parallel_loop3A_611 : vector<16xi1>, vector<16xf32>
        %parallel_loop3A_613 = arith.constant 16 : i32
        %parallel_loop3A_614 = arith.muli %parallel_loop3A_444, %parallel_loop3A_613 : i32
        %parallel_loop3A_615 = arith.constant 48 : i32
        %parallel_loop3A_616 = arith.addi %parallel_loop3A_615, %parallel_loop3A_614 : i32
        %parallel_loop3A_617 = arith.index_cast %parallel_loop3A_616 : i32 to index
        %parallel_loop3A_618 = tpu.vector_load %arg24[%parallel_loop3A_617] {strides = array<i32>} : memref<64xf32, #tpu.memory_space<vmem>>, vector<16xf32>,
        tpu.vector_store %arg24[%parallel_loop3A_617], %parallel_loop3A_612 {strides = array<i32>} : memref<64xf32, #tpu.memory_space<vmem>>, vector<16xf32>,
      } {sc.loop_unroll_factor = 1 : i64, sc.parallel_access}
      %mul3A_398 = arith.constant 5456 : i32
      %mul3A_399 = arith.muli %select_n3A, %mul3A_398 : i32
      %add3A_400 = arith.constant 5440 : i32
      %add3A_401 = arith.addi %mul3A_399, %add3A_400 : i32
      %add3A_402 = arith.constant 0 : i32
      %add3A_403 = arith.addi %add3A_401, %add3A_402 : i32
      "tpu.region"() ({
        %run_scoped3A = tpu.sem_alloc : memref<!tpu.dma_semaphore, #tpu.memory_space<semaphore_mem>>
        %dma_start3A = arith.constant 0 : i32
        %dma_start3A_444 = tpu.memref_slice %arg19[%dma_start3A] : memref<16xi32, #tpu.memory_space<vmem>> -> memref<16xi32, #tpu.memory_space<vmem>>
        %dma_start3A_445 = tpu.memref_slice %arg4[%add3A_403] : memref<43648xi32, #tpu.memory_space<hbm>> -> memref<16xi32, #tpu.memory_space<hbm>>
        %dma_start3A_446 = tpu.memref_slice %arg4[%add3A_403] : memref<43648xi32, #tpu.memory_space<hbm>> -> memref<16xi32, #tpu.memory_space<hbm>>
        %dma_start3A_447 = arith.constant 0 : i32
        %dma_start3A_448 = tpu.memref_slice %arg19[%dma_start3A_447] : memref<16xi32, #tpu.memory_space<vmem>> -> memref<16xi32, #tpu.memory_space<vmem>>
        tpu.enqueue_dma source(%dma_start3A_448 : memref<16xi32, #tpu.memory_space<vmem>>) target(%dma_start3A_446 : memref<16xi32, #tpu.memory_space<hbm>>) target_semaphore(%run_scoped3A : memref<!tpu.dma_semaphore, #tpu.memory_space<semaphore_mem>>)
        %dma_wait3A = arith.constant 0 : i32
        %dma_wait3A_449 = tpu.memref_slice %arg19[%dma_wait3A] : memref<16xi32, #tpu.memory_space<vmem>> -> memref<16xi32, #tpu.memory_space<vmem>>
        %dma_wait3A_450 = tpu.memref_slice %arg4[%add3A_403] : memref<43648xi32, #tpu.memory_space<hbm>> -> memref<16xi32, #tpu.memory_space<hbm>>
        %dma_wait3A_451 = tpu.memref_slice %arg4[%add3A_403] : memref<43648xi32, #tpu.memory_space<hbm>> -> memref<16xi32, #tpu.memory_space<hbm>>
        %dma_wait3A_452 = arith.constant 0 : i32
        %dma_wait3A_453 = tpu.memref_slice %arg19[%dma_wait3A_452] : memref<16xi32, #tpu.memory_space<vmem>> -> memref<16xi32, #tpu.memory_space<vmem>>
        tpu.wait_dma2 semaphore(%run_scoped3A : memref<!tpu.dma_semaphore, #tpu.memory_space<semaphore_mem>>) src(%dma_wait3A_453 : memref<16xi32, #tpu.memory_space<vmem>>) dst(%dma_wait3A_451 : memref<16xi32, #tpu.memory_space<hbm>>)
        tpu.yield
      }) : () -> ()
      "tpu.region"() ({
        %run_scoped3A = tpu.sem_alloc : memref<!tpu.dma_semaphore, #tpu.memory_space<semaphore_mem>>
        %dma_start3A = arith.constant 0 : i32
        %dma_start3A_444 = tpu.memref_slice %arg14[%dma_start3A] : memref<16xf32, #tpu.memory_space<vmem>> -> memref<16xf32, #tpu.memory_space<vmem>>
        %dma_start3A_445 = tpu.memref_slice %arg5[%add3A_403] : memref<43648xf32, #tpu.memory_space<hbm>> -> memref<16xf32, #tpu.memory_space<hbm>>
        %dma_start3A_446 = tpu.memref_slice %arg5[%add3A_403] : memref<43648xf32, #tpu.memory_space<hbm>> -> memref<16xf32, #tpu.memory_space<hbm>>
        %dma_start3A_447 = arith.constant 0 : i32
        %dma_start3A_448 = tpu.memref_slice %arg14[%dma_start3A_447] : memref<16xf32, #tpu.memory_space<vmem>> -> memref<16xf32, #tpu.memory_space<vmem>>
        tpu.enqueue_dma source(%dma_start3A_448 : memref<16xf32, #tpu.memory_space<vmem>>) target(%dma_start3A_446 : memref<16xf32, #tpu.memory_space<hbm>>) target_semaphore(%run_scoped3A : memref<!tpu.dma_semaphore, #tpu.memory_space<semaphore_mem>>)
        %dma_wait3A = arith.constant 0 : i32
        %dma_wait3A_449 = tpu.memref_slice %arg14[%dma_wait3A] : memref<16xf32, #tpu.memory_space<vmem>> -> memref<16xf32, #tpu.memory_space<vmem>>
        %dma_wait3A_450 = tpu.memref_slice %arg5[%add3A_403] : memref<43648xf32, #tpu.memory_space<hbm>> -> memref<16xf32, #tpu.memory_space<hbm>>
        %dma_wait3A_451 = tpu.memref_slice %arg5[%add3A_403] : memref<43648xf32, #tpu.memory_space<hbm>> -> memref<16xf32, #tpu.memory_space<hbm>>
        %dma_wait3A_452 = arith.constant 0 : i32
        %dma_wait3A_453 = tpu.memref_slice %arg14[%dma_wait3A_452] : memref<16xf32, #tpu.memory_space<vmem>> -> memref<16xf32, #tpu.memory_space<vmem>>
        tpu.wait_dma2 semaphore(%run_scoped3A : memref<!tpu.dma_semaphore, #tpu.memory_space<semaphore_mem>>) src(%dma_wait3A_453 : memref<16xf32, #tpu.memory_space<vmem>>) dst(%dma_wait3A_451 : memref<16xf32, #tpu.memory_space<hbm>>)
        tpu.yield
      }) : () -> ()
      %mul3A_404 = arith.constant 4 : i32
      %mul3A_405 = arith.muli %select_n3A, %mul3A_404 : i32
      %add3A_406 = arith.constant 0 : i32
      %add3A_407 = arith.addi %mul3A_405, %add3A_406 : i32
      %mul3A_408 = arith.constant 5456 : i32
      %mul3A_409 = arith.muli %add3A_407, %mul3A_408 : i32
      %add3A_410 = arith.constant 5440 : i32
      %add3A_411 = arith.addi %mul3A_409, %add3A_410 : i32
      %add3A_412 = arith.constant 0 : i32
      %add3A_413 = arith.addi %add3A_411, %add3A_412 : i32
      "tpu.region"() ({
        %run_scoped3A = tpu.sem_alloc : memref<!tpu.dma_semaphore, #tpu.memory_space<semaphore_mem>>
        %dma_start3A = arith.constant 0 : i32
        %dma_start3A_444 = tpu.memref_slice %arg24[%dma_start3A] : memref<64xf32, #tpu.memory_space<vmem>> -> memref<16xf32, #tpu.memory_space<vmem>>
        %dma_start3A_445 = tpu.memref_slice %arg6[%add3A_413] : memref<174592xf32, #tpu.memory_space<hbm>> -> memref<16xf32, #tpu.memory_space<hbm>>
        %dma_start3A_446 = tpu.memref_slice %arg6[%add3A_413] : memref<174592xf32, #tpu.memory_space<hbm>> -> memref<16xf32, #tpu.memory_space<hbm>>
        %dma_start3A_447 = arith.constant 0 : i32
        %dma_start3A_448 = tpu.memref_slice %arg24[%dma_start3A_447] : memref<64xf32, #tpu.memory_space<vmem>> -> memref<16xf32, #tpu.memory_space<vmem>>
        tpu.enqueue_dma source(%dma_start3A_448 : memref<16xf32, #tpu.memory_space<vmem>>) target(%dma_start3A_446 : memref<16xf32, #tpu.memory_space<hbm>>) target_semaphore(%run_scoped3A : memref<!tpu.dma_semaphore, #tpu.memory_space<semaphore_mem>>)
        %dma_wait3A = arith.constant 0 : i32
        %dma_wait3A_449 = tpu.memref_slice %arg24[%dma_wait3A] : memref<64xf32, #tpu.memory_space<vmem>> -> memref<16xf32, #tpu.memory_space<vmem>>
        %dma_wait3A_450 = tpu.memref_slice %arg6[%add3A_413] : memref<174592xf32, #tpu.memory_space<hbm>> -> memref<16xf32, #tpu.memory_space<hbm>>
        %dma_wait3A_451 = tpu.memref_slice %arg6[%add3A_413] : memref<174592xf32, #tpu.memory_space<hbm>> -> memref<16xf32, #tpu.memory_space<hbm>>
        %dma_wait3A_452 = arith.constant 0 : i32
        %dma_wait3A_453 = tpu.memref_slice %arg24[%dma_wait3A_452] : memref<64xf32, #tpu.memory_space<vmem>> -> memref<16xf32, #tpu.memory_space<vmem>>
        tpu.wait_dma2 semaphore(%run_scoped3A : memref<!tpu.dma_semaphore, #tpu.memory_space<semaphore_mem>>) src(%dma_wait3A_453 : memref<16xf32, #tpu.memory_space<vmem>>) dst(%dma_wait3A_451 : memref<16xf32, #tpu.memory_space<hbm>>)
        tpu.yield
      }) : () -> ()
      %mul3A_414 = arith.constant 4 : i32
      %mul3A_415 = arith.muli %select_n3A, %mul3A_414 : i32
      %add3A_416 = arith.constant 1 : i32
      %add3A_417 = arith.addi %mul3A_415, %add3A_416 : i32
      %mul3A_418 = arith.constant 5456 : i32
      %mul3A_419 = arith.muli %add3A_417, %mul3A_418 : i32
      %add3A_420 = arith.constant 5440 : i32
      %add3A_421 = arith.addi %mul3A_419, %add3A_420 : i32
      %add3A_422 = arith.constant 0 : i32
      %add3A_423 = arith.addi %add3A_421, %add3A_422 : i32
      "tpu.region"() ({
        %run_scoped3A = tpu.sem_alloc : memref<!tpu.dma_semaphore, #tpu.memory_space<semaphore_mem>>
        %dma_start3A = arith.constant 16 : i32
        %dma_start3A_444 = tpu.memref_slice %arg24[%dma_start3A] : memref<64xf32, #tpu.memory_space<vmem>> -> memref<16xf32, #tpu.memory_space<vmem>>
        %dma_start3A_445 = tpu.memref_slice %arg6[%add3A_423] : memref<174592xf32, #tpu.memory_space<hbm>> -> memref<16xf32, #tpu.memory_space<hbm>>
        %dma_start3A_446 = tpu.memref_slice %arg6[%add3A_423] : memref<174592xf32, #tpu.memory_space<hbm>> -> memref<16xf32, #tpu.memory_space<hbm>>
        %dma_start3A_447 = arith.constant 16 : i32
        %dma_start3A_448 = tpu.memref_slice %arg24[%dma_start3A_447] : memref<64xf32, #tpu.memory_space<vmem>> -> memref<16xf32, #tpu.memory_space<vmem>>
        tpu.enqueue_dma source(%dma_start3A_448 : memref<16xf32, #tpu.memory_space<vmem>>) target(%dma_start3A_446 : memref<16xf32, #tpu.memory_space<hbm>>) target_semaphore(%run_scoped3A : memref<!tpu.dma_semaphore, #tpu.memory_space<semaphore_mem>>)
        %dma_wait3A = arith.constant 16 : i32
        %dma_wait3A_449 = tpu.memref_slice %arg24[%dma_wait3A] : memref<64xf32, #tpu.memory_space<vmem>> -> memref<16xf32, #tpu.memory_space<vmem>>
        %dma_wait3A_450 = tpu.memref_slice %arg6[%add3A_423] : memref<174592xf32, #tpu.memory_space<hbm>> -> memref<16xf32, #tpu.memory_space<hbm>>
        %dma_wait3A_451 = tpu.memref_slice %arg6[%add3A_423] : memref<174592xf32, #tpu.memory_space<hbm>> -> memref<16xf32, #tpu.memory_space<hbm>>
        %dma_wait3A_452 = arith.constant 16 : i32
        %dma_wait3A_453 = tpu.memref_slice %arg24[%dma_wait3A_452] : memref<64xf32, #tpu.memory_space<vmem>> -> memref<16xf32, #tpu.memory_space<vmem>>
        tpu.wait_dma2 semaphore(%run_scoped3A : memref<!tpu.dma_semaphore, #tpu.memory_space<semaphore_mem>>) src(%dma_wait3A_453 : memref<16xf32, #tpu.memory_space<vmem>>) dst(%dma_wait3A_451 : memref<16xf32, #tpu.memory_space<hbm>>)
        tpu.yield
      }) : () -> ()
      %mul3A_424 = arith.constant 4 : i32
      %mul3A_425 = arith.muli %select_n3A, %mul3A_424 : i32
      %add3A_426 = arith.constant 2 : i32
      %add3A_427 = arith.addi %mul3A_425, %add3A_426 : i32
      %mul3A_428 = arith.constant 5456 : i32
      %mul3A_429 = arith.muli %add3A_427, %mul3A_428 : i32
      %add3A_430 = arith.constant 5440 : i32
      %add3A_431 = arith.addi %mul3A_429, %add3A_430 : i32
      %add3A_432 = arith.constant 0 : i32
      %add3A_433 = arith.addi %add3A_431, %add3A_432 : i32
      "tpu.region"() ({
        %run_scoped3A = tpu.sem_alloc : memref<!tpu.dma_semaphore, #tpu.memory_space<semaphore_mem>>
        %dma_start3A = arith.constant 32 : i32
        %dma_start3A_444 = tpu.memref_slice %arg24[%dma_start3A] : memref<64xf32, #tpu.memory_space<vmem>> -> memref<16xf32, #tpu.memory_space<vmem>>
        %dma_start3A_445 = tpu.memref_slice %arg6[%add3A_433] : memref<174592xf32, #tpu.memory_space<hbm>> -> memref<16xf32, #tpu.memory_space<hbm>>
        %dma_start3A_446 = tpu.memref_slice %arg6[%add3A_433] : memref<174592xf32, #tpu.memory_space<hbm>> -> memref<16xf32, #tpu.memory_space<hbm>>
        %dma_start3A_447 = arith.constant 32 : i32
        %dma_start3A_448 = tpu.memref_slice %arg24[%dma_start3A_447] : memref<64xf32, #tpu.memory_space<vmem>> -> memref<16xf32, #tpu.memory_space<vmem>>
        tpu.enqueue_dma source(%dma_start3A_448 : memref<16xf32, #tpu.memory_space<vmem>>) target(%dma_start3A_446 : memref<16xf32, #tpu.memory_space<hbm>>) target_semaphore(%run_scoped3A : memref<!tpu.dma_semaphore, #tpu.memory_space<semaphore_mem>>)
        %dma_wait3A = arith.constant 32 : i32
        %dma_wait3A_449 = tpu.memref_slice %arg24[%dma_wait3A] : memref<64xf32, #tpu.memory_space<vmem>> -> memref<16xf32, #tpu.memory_space<vmem>>
        %dma_wait3A_450 = tpu.memref_slice %arg6[%add3A_433] : memref<174592xf32, #tpu.memory_space<hbm>> -> memref<16xf32, #tpu.memory_space<hbm>>
        %dma_wait3A_451 = tpu.memref_slice %arg6[%add3A_433] : memref<174592xf32, #tpu.memory_space<hbm>> -> memref<16xf32, #tpu.memory_space<hbm>>
        %dma_wait3A_452 = arith.constant 32 : i32
        %dma_wait3A_453 = tpu.memref_slice %arg24[%dma_wait3A_452] : memref<64xf32, #tpu.memory_space<vmem>> -> memref<16xf32, #tpu.memory_space<vmem>>
        tpu.wait_dma2 semaphore(%run_scoped3A : memref<!tpu.dma_semaphore, #tpu.memory_space<semaphore_mem>>) src(%dma_wait3A_453 : memref<16xf32, #tpu.memory_space<vmem>>) dst(%dma_wait3A_451 : memref<16xf32, #tpu.memory_space<hbm>>)
        tpu.yield
      }) : () -> ()
      %mul3A_434 = arith.constant 4 : i32
      %mul3A_435 = arith.muli %select_n3A, %mul3A_434 : i32
      %add3A_436 = arith.constant 3 : i32
      %add3A_437 = arith.addi %mul3A_435, %add3A_436 : i32
      %mul3A_438 = arith.constant 5456 : i32
      %mul3A_439 = arith.muli %add3A_437, %mul3A_438 : i32
      %add3A_440 = arith.constant 5440 : i32
      %add3A_441 = arith.addi %mul3A_439, %add3A_440 : i32
      %add3A_442 = arith.constant 0 : i32
      %add3A_443 = arith.addi %add3A_441, %add3A_442 : i32
      "tpu.region"() ({
        %run_scoped3A = tpu.sem_alloc : memref<!tpu.dma_semaphore, #tpu.memory_space<semaphore_mem>>
        %dma_start3A = arith.constant 48 : i32
        %dma_start3A_444 = tpu.memref_slice %arg24[%dma_start3A] : memref<64xf32, #tpu.memory_space<vmem>> -> memref<16xf32, #tpu.memory_space<vmem>>
        %dma_start3A_445 = tpu.memref_slice %arg6[%add3A_443] : memref<174592xf32, #tpu.memory_space<hbm>> -> memref<16xf32, #tpu.memory_space<hbm>>
        %dma_start3A_446 = tpu.memref_slice %arg6[%add3A_443] : memref<174592xf32, #tpu.memory_space<hbm>> -> memref<16xf32, #tpu.memory_space<hbm>>
        %dma_start3A_447 = arith.constant 48 : i32
        %dma_start3A_448 = tpu.memref_slice %arg24[%dma_start3A_447] : memref<64xf32, #tpu.memory_space<vmem>> -> memref<16xf32, #tpu.memory_space<vmem>>
        tpu.enqueue_dma source(%dma_start3A_448 : memref<16xf32, #tpu.memory_space<vmem>>) target(%dma_start3A_446 : memref<16xf32, #tpu.memory_space<hbm>>) target_semaphore(%run_scoped3A : memref<!tpu.dma_semaphore, #tpu.memory_space<semaphore_mem>>)
        %dma_wait3A = arith.constant 48 : i32
        %dma_wait3A_449 = tpu.memref_slice %arg24[%dma_wait3A] : memref<64xf32, #tpu.memory_space<vmem>> -> memref<16xf32, #tpu.memory_space<vmem>>
        %dma_wait3A_450 = tpu.memref_slice %arg6[%add3A_443] : memref<174592xf32, #tpu.memory_space<hbm>> -> memref<16xf32, #tpu.memory_space<hbm>>
        %dma_wait3A_451 = tpu.memref_slice %arg6[%add3A_443] : memref<174592xf32, #tpu.memory_space<hbm>> -> memref<16xf32, #tpu.memory_space<hbm>>
        %dma_wait3A_452 = arith.constant 48 : i32
        %dma_wait3A_453 = tpu.memref_slice %arg24[%dma_wait3A_452] : memref<64xf32, #tpu.memory_space<vmem>> -> memref<16xf32, #tpu.memory_space<vmem>>
        tpu.wait_dma2 semaphore(%run_scoped3A : memref<!tpu.dma_semaphore, #tpu.memory_space<semaphore_mem>>) src(%dma_wait3A_453 : memref<16xf32, #tpu.memory_space<vmem>>) dst(%dma_wait3A_451 : memref<16xf32, #tpu.memory_space<hbm>>)
        tpu.yield
      }) : () -> ()
    } else {
      %parallel_loop3A = arith.constant 0 : i32
      %parallel_loop3A_284 = arith.constant 88 : i32
      %parallel_loop3A_285 = arith.constant 1 : i32
      scf.for %parallel_loop3A_347 = %parallel_loop3A to %parallel_loop3A_284 step %parallel_loop3A_285  : i32 {
        %parallel_loop3A_348 = arith.constant 16 : i32
        %parallel_loop3A_349 = arith.muli %parallel_loop3A_347, %parallel_loop3A_348 : i32
        %parallel_loop3A_350 = arith.index_cast %parallel_loop3A_349 : i32 to index
        %parallel_loop3A_351 = tpu.vector_load %arg10[%parallel_loop3A_350] {strides = array<i32>} : memref<1408xf32, #tpu.memory_space<vmem>>, vector<16xf32>,
        tpu.vector_store %arg10[%parallel_loop3A_350], %broadcast_in_dim3A_267 {strides = array<i32>} : memref<1408xf32, #tpu.memory_space<vmem>>, vector<16xf32>,
        %parallel_loop3A_352 = arith.constant 16 : i32
        %parallel_loop3A_353 = arith.muli %parallel_loop3A_347, %parallel_loop3A_352 : i32
        %parallel_loop3A_354 = arith.index_cast %parallel_loop3A_353 : i32 to index
        %parallel_loop3A_355 = tpu.vector_load %arg15[%parallel_loop3A_354] {strides = array<i32>} : memref<1408xi32, #tpu.memory_space<vmem>>, vector<16xi32>,
        tpu.vector_store %arg15[%parallel_loop3A_354], %broadcast_in_dim3A_265 {strides = array<i32>} : memref<1408xi32, #tpu.memory_space<vmem>>, vector<16xi32>,
      } {sc.loop_unroll_factor = 1 : i64, sc.parallel_access}
      %eq3A_286 = arith.constant 2 : i32
      %eq3A_287 = arith.cmpi eq, %select_n3A_30, %eq3A_286 : i32
      %convert_element_type3A_288 = arith.extui %eq3A_287 : i1 to i32
      %cond3A_289 = arith.constant 0 : i32
      %cond3A_290 = arith.cmpi ne, %convert_element_type3A_288, %cond3A_289 : i32
      scf.if %cond3A_290 {
        %parallel_loop3A_347 = arith.constant 0 : i32
        %parallel_loop3A_348 = arith.constant 16 : i32
        %parallel_loop3A_349 = arith.constant 1 : i32
        scf.for %parallel_loop3A_350 = %parallel_loop3A_347 to %parallel_loop3A_348 step %parallel_loop3A_349  : i32 {
          %parallel_loop3A_351 = arith.constant 16 : i32
          %parallel_loop3A_352 = arith.muli %parallel_loop3A_350, %parallel_loop3A_351 : i32
          %parallel_loop3A_353 = arith.index_cast %parallel_loop3A_352 : i32 to index
          %parallel_loop3A_354 = tpu.vector_load %arg12[%parallel_loop3A_353] {strides = array<i32>} : memref<256xf32, #tpu.memory_space<vmem>>, vector<16xf32>,
          tpu.vector_store %arg12[%parallel_loop3A_353], %broadcast_in_dim3A_267 {strides = array<i32>} : memref<256xf32, #tpu.memory_space<vmem>>, vector<16xf32>,
          %parallel_loop3A_355 = arith.constant 16 : i32
          %parallel_loop3A_356 = arith.muli %parallel_loop3A_350, %parallel_loop3A_355 : i32
          %parallel_loop3A_357 = arith.index_cast %parallel_loop3A_356 : i32 to index
          %parallel_loop3A_358 = tpu.vector_load %arg17[%parallel_loop3A_357] {strides = array<i32>} : memref<256xi32, #tpu.memory_space<vmem>>, vector<16xi32>,
          tpu.vector_store %arg17[%parallel_loop3A_357], %broadcast_in_dim3A_265 {strides = array<i32>} : memref<256xi32, #tpu.memory_space<vmem>>, vector<16xi32>,
        } {sc.loop_unroll_factor = 1 : i64, sc.parallel_access}
      } else {
      }
      %scan3A = arith.constant 0 : i32
      %scan3A_291 = arith.constant 0 : i32
      %scan3A_292 = arith.constant 100 : i32
      %scan3A_293 = arith.addi %scan3A_291, %scan3A_292 : i32
      %scan3A_294 = arith.constant 1 : i32
      scf.for %scan3A_347 = %scan3A_291 to %scan3A_293 step %scan3A_294  : i32 {
        %add3A_348 = vector.broadcast %scan3A_347 : i32 to vector<16xi32>
        %add3A_349 = arith.addi %broadcast_in_dim3A_265, %add3A_348 : vector<16xi32>
        %gather3A = tpu.vector_load_idx %arg7[%add3A_349] : memref<448xf32, #tpu.memory_space<vmem>>[vector<16xi32>], vector<16xf32>,
        %add3A_350 = arith.constant 112 : i32
        %add3A_351 = vector.broadcast %add3A_350 : i32 to vector<16xi32>
        %add3A_352 = arith.addi %add3A_349, %add3A_351 : vector<16xi32>
        %gather3A_353 = tpu.vector_load_idx %arg7[%add3A_352] : memref<448xf32, #tpu.memory_space<vmem>>[vector<16xi32>], vector<16xf32>,
        %add3A_354 = arith.constant 224 : i32
        %add3A_355 = vector.broadcast %add3A_354 : i32 to vector<16xi32>
        %add3A_356 = arith.addi %add3A_349, %add3A_355 : vector<16xi32>
        %gather3A_357 = tpu.vector_load_idx %arg7[%add3A_356] : memref<448xf32, #tpu.memory_space<vmem>>[vector<16xi32>], vector<16xf32>,
        %add3A_358 = arith.constant 336 : i32
        %add3A_359 = vector.broadcast %add3A_358 : i32 to vector<16xi32>
        %add3A_360 = arith.addi %add3A_349, %add3A_359 : vector<16xi32>
        %gather3A_361 = tpu.vector_load_idx %arg7[%add3A_360] : memref<448xf32, #tpu.memory_space<vmem>>[vector<16xi32>], vector<16xf32>,
        %gather3A_362 = tpu.vector_load_idx %arg9[%add3A_349] : memref<336xf32, #tpu.memory_space<vmem>>[vector<16xi32>], vector<16xf32>,
        %add3A_363 = arith.constant 112 : i32
        %add3A_364 = vector.broadcast %add3A_363 : i32 to vector<16xi32>
        %add3A_365 = arith.addi %add3A_349, %add3A_364 : vector<16xi32>
        %gather3A_366 = tpu.vector_load_idx %arg9[%add3A_365] : memref<336xf32, #tpu.memory_space<vmem>>[vector<16xi32>], vector<16xf32>,
        %add3A_367 = arith.constant 224 : i32
        %add3A_368 = vector.broadcast %add3A_367 : i32 to vector<16xi32>
        %add3A_369 = arith.addi %add3A_349, %add3A_368 : vector<16xi32>
        %gather3A_370 = tpu.vector_load_idx %arg9[%add3A_369] : memref<336xf32, #tpu.memory_space<vmem>>[vector<16xi32>], vector<16xf32>,
        %mul3A_371 = arith.constant 1.250000e-01 : f32
        %mul3A_372 = vector.broadcast %mul3A_371 : f32 to vector<16xf32>
        %mul3A_373 = arith.mulf %gather3A_362, %mul3A_372 : vector<16xf32>
        %convert_element_type3A_374 = arith.fptosi %mul3A_373 : vector<16xf32> to vector<16xi32>
        %mul3A_375 = arith.constant 1.250000e-01 : f32
        %mul3A_376 = vector.broadcast %mul3A_375 : f32 to vector<16xf32>
        %mul3A_377 = arith.mulf %gather3A_366, %mul3A_376 : vector<16xf32>
        %convert_element_type3A_378 = arith.fptosi %mul3A_377 : vector<16xf32> to vector<16xi32>
        %shift_right_arithmetic3A_379 = arith.constant 0 : i32
        %shift_right_arithmetic3A_380 = vector.broadcast %shift_right_arithmetic3A_379 : i32 to vector<16xi32>
        %shift_right_arithmetic3A_381 = arith.shrsi %convert_element_type3A_374, %shift_right_arithmetic3A_380 : vector<16xi32>
        %add3A_382 = arith.addi %shift_right_arithmetic3A_381, %sub3A_278 : vector<16xi32>
        %shift_right_arithmetic3A_383 = arith.constant 0 : i32
        %shift_right_arithmetic3A_384 = vector.broadcast %shift_right_arithmetic3A_383 : i32 to vector<16xi32>
        %shift_right_arithmetic3A_385 = arith.shrsi %convert_element_type3A_378, %shift_right_arithmetic3A_384 : vector<16xi32>
        %add3A_386 = arith.addi %shift_right_arithmetic3A_385, %sub3A_272 : vector<16xi32>
        %sub3A_387 = vector.broadcast %mul3A_280 : i32 to vector<16xi32>
        %sub3A_388 = arith.subi %add3A_386, %sub3A_387 : vector<16xi32>
        %shift_left3A = arith.constant 6 : i32
        %shift_left3A_389 = vector.broadcast %shift_left3A : i32 to vector<16xi32>
        %shift_left3A_390 = arith.shli %sub3A_388, %shift_left3A_389 : vector<16xi32>
        %add3A_391 = arith.addi %shift_left3A_390, %add3A_382 : vector<16xi32>
        %ge3A_392 = arith.constant 0 : i32
        %ge3A_393 = vector.broadcast %ge3A_392 : i32 to vector<16xi32>
        %ge3A_394 = arith.cmpi sge, %sub3A_388, %ge3A_393 : vector<16xi32>
        %lt3A_395 = arith.constant 22 : i32
        %lt3A_396 = vector.broadcast %lt3A_395 : i32 to vector<16xi32>
        %lt3A_397 = arith.cmpi slt, %sub3A_388, %lt3A_396 : vector<16xi32>
        %and3A_398 = arith.andi %ge3A_394, %lt3A_397 : vector<16xi1>
        %ge3A_399 = arith.constant 0 : i32
        %ge3A_400 = vector.broadcast %ge3A_399 : i32 to vector<16xi32>
        %ge3A_401 = arith.cmpi sge, %add3A_382, %ge3A_400 : vector<16xi32>
        %and3A_402 = arith.andi %and3A_398, %ge3A_401 : vector<16xi1>
        %lt3A_403 = arith.constant 64 : i32
        %lt3A_404 = vector.broadcast %lt3A_403 : i32 to vector<16xi32>
        %lt3A_405 = arith.cmpi slt, %add3A_382, %lt3A_404 : vector<16xi32>
        %and3A_406 = arith.andi %and3A_402, %lt3A_405 : vector<16xi1>
        %max3A = arith.constant 0 : i32
        %max3A_407 = vector.broadcast %max3A : i32 to vector<16xi32>
        %max3A_408 = arith.maxsi %add3A_391, %max3A_407 : vector<16xi32>
        %min3A = arith.constant 1407 : i32
        %min3A_409 = vector.broadcast %min3A : i32 to vector<16xi32>
        %min3A_410 = arith.minsi %max3A_408, %min3A_409 : vector<16xi32>
        %convert_element_type3A_411 = arith.sitofp %add3A_382 : vector<16xi32> to vector<16xf32>
        %add3A_412 = arith.constant 5.000000e-01 : f32
        %add3A_413 = vector.broadcast %add3A_412 : f32 to vector<16xf32>
        %add3A_414 = arith.addf %convert_element_type3A_411, %add3A_413 : vector<16xf32>
        %mul3A_415 = arith.constant 8.000000e+00 : f32
        %mul3A_416 = vector.broadcast %mul3A_415 : f32 to vector<16xf32>
        %mul3A_417 = arith.mulf %add3A_414, %mul3A_416 : vector<16xf32>
        %convert_element_type3A_418 = arith.sitofp %add3A_386 : vector<16xi32> to vector<16xf32>
        %add3A_419 = arith.constant 5.000000e-01 : f32
        %add3A_420 = vector.broadcast %add3A_419 : f32 to vector<16xf32>
        %add3A_421 = arith.addf %convert_element_type3A_418, %add3A_420 : vector<16xf32>
        %mul3A_422 = arith.constant 8.000000e+00 : f32
        %mul3A_423 = vector.broadcast %mul3A_422 : f32 to vector<16xf32>
        %mul3A_424 = arith.mulf %add3A_421, %mul3A_423 : vector<16xf32>
        %sub3A_425 = arith.subf %mul3A_417, %gather3A : vector<16xf32>
        %sub3A_426 = arith.subf %mul3A_424, %gather3A_353 : vector<16xf32>
        %sub3A_427 = arith.subf %gather3A_357, %mul3A_417 : vector<16xf32>
        %sub3A_428 = arith.subf %gather3A_361, %mul3A_424 : vector<16xf32>
        %min3A_429 = arith.minimumf %sub3A_425, %sub3A_426 : vector<16xf32>
        %min3A_430 = arith.minimumf %sub3A_427, %sub3A_428 : vector<16xf32>
        %min3A_431 = arith.minimumf %min3A_429, %min3A_430 : vector<16xf32>
        %max3A_432 = arith.maximumf %sub3A_425, %sub3A_426 : vector<16xf32>
        %max3A_433 = arith.maximumf %sub3A_427, %sub3A_428 : vector<16xf32>
        %max3A_434 = arith.maximumf %max3A_432, %max3A_433 : vector<16xf32>
        %sub3A_435 = arith.subf %mul3A_417, %gather3A_362 : vector<16xf32>
        %abs3A = math.absf %sub3A_435 : vector<16xf32>
        %sub3A_436 = arith.subf %mul3A_424, %gather3A_366 : vector<16xf32>
        %abs3A_437 = math.absf %sub3A_436 : vector<16xf32>
        %max3A_438 = arith.maximumf %abs3A, %abs3A_437 : vector<16xf32>
        %ge3A_439 = arith.constant 0.000000e+00 : f32
        %ge3A_440 = vector.broadcast %ge3A_439 : f32 to vector<16xf32>
        %ge3A_441 = arith.cmpf oge, %min3A_431, %ge3A_440 : vector<16xf32>
        %ge3A_442 = arith.constant -1.000000e+00 : f32
        %ge3A_443 = vector.broadcast %ge3A_442 : f32 to vector<16xf32>
        %ge3A_444 = arith.cmpf oge, %max3A_434, %ge3A_443 : vector<16xf32>
        %and3A_445 = arith.andi %ge3A_441, %ge3A_444 : vector<16xi1>
        %le3A = arith.constant 6.400000e+01 : f32
        %le3A_446 = vector.broadcast %le3A : f32 to vector<16xf32>
        %le3A_447 = arith.cmpf ole, %max3A_434, %le3A_446 : vector<16xf32>
        %and3A_448 = arith.andi %and3A_445, %le3A_447 : vector<16xi1>
        %lt3A_449 = arith.constant 1.200000e+01 : f32
        %lt3A_450 = vector.broadcast %lt3A_449 : f32 to vector<16xf32>
        %lt3A_451 = arith.cmpf olt, %max3A_438, %lt3A_450 : vector<16xf32>
        %and3A_452 = arith.andi %and3A_448, %lt3A_451 : vector<16xi1>
        %and3A_453 = arith.andi %and3A_452, %and3A_406 : vector<16xi1>
        %gather3A_454 = tpu.vector_load_idx %arg10[%min3A_410] : memref<1408xf32, #tpu.memory_space<vmem>>[vector<16xi32>], vector<16xf32>,
        %lt3A_455 = arith.cmpf olt, %gather3A_370, %gather3A_454 : vector<16xf32>
        %and3A_456 = arith.andi %and3A_453, %lt3A_455 : vector<16xi1>
        tpu.vector_store_idx %arg10[%min3A_410], %gather3A_370 masked %and3A_456 : memref<1408xf32, #tpu.memory_space<vmem>>[vector<16xi32>], vector<16xf32>, vector<16xi1>
        tpu.vector_store_idx %arg15[%min3A_410], %add3A_349 masked %and3A_456 : memref<1408xi32, #tpu.memory_space<vmem>>[vector<16xi32>], vector<16xi32>, vector<16xi1>
        %eq3A_457 = arith.constant 2 : i32
        %eq3A_458 = arith.cmpi eq, %select_n3A_30, %eq3A_457 : i32
        %convert_element_type3A_459 = arith.extui %eq3A_458 : i1 to i32
        %cond3A_460 = arith.constant 0 : i32
        %cond3A_461 = arith.cmpi ne, %convert_element_type3A_459, %cond3A_460 : i32
        scf.if %cond3A_461 {
          %shift_right_arithmetic3A_462 = arith.constant 2 : i32
          %shift_right_arithmetic3A_463 = vector.broadcast %shift_right_arithmetic3A_462 : i32 to vector<16xi32>
          %shift_right_arithmetic3A_464 = arith.shrsi %convert_element_type3A_374, %shift_right_arithmetic3A_463 : vector<16xi32>
          %add3A_465 = arith.addi %shift_right_arithmetic3A_464, %sub3A_278 : vector<16xi32>
          %shift_right_arithmetic3A_466 = arith.constant 2 : i32
          %shift_right_arithmetic3A_467 = vector.broadcast %shift_right_arithmetic3A_466 : i32 to vector<16xi32>
          %shift_right_arithmetic3A_468 = arith.shrsi %convert_element_type3A_378, %shift_right_arithmetic3A_467 : vector<16xi32>
          %add3A_469 = arith.addi %shift_right_arithmetic3A_468, %sub3A_272 : vector<16xi32>
          %sub3A_470 = arith.constant 0 : i32
          %sub3A_471 = vector.broadcast %sub3A_470 : i32 to vector<16xi32>
          %sub3A_472 = arith.subi %add3A_469, %sub3A_471 : vector<16xi32>
          %shift_left3A_473 = arith.constant 4 : i32
          %shift_left3A_474 = vector.broadcast %shift_left3A_473 : i32 to vector<16xi32>
          %shift_left3A_475 = arith.shli %sub3A_472, %shift_left3A_474 : vector<16xi32>
          %add3A_476 = arith.addi %shift_left3A_475, %add3A_465 : vector<16xi32>
          %ge3A_477 = arith.constant 0 : i32
          %ge3A_478 = vector.broadcast %ge3A_477 : i32 to vector<16xi32>
          %ge3A_479 = arith.cmpi sge, %sub3A_472, %ge3A_478 : vector<16xi32>
          %lt3A_480 = arith.constant 16 : i32
          %lt3A_481 = vector.broadcast %lt3A_480 : i32 to vector<16xi32>
          %lt3A_482 = arith.cmpi slt, %sub3A_472, %lt3A_481 : vector<16xi32>
          %and3A_483 = arith.andi %ge3A_479, %lt3A_482 : vector<16xi1>
          %ge3A_484 = arith.constant 0 : i32
          %ge3A_485 = vector.broadcast %ge3A_484 : i32 to vector<16xi32>
          %ge3A_486 = arith.cmpi sge, %add3A_465, %ge3A_485 : vector<16xi32>
          %and3A_487 = arith.andi %and3A_483, %ge3A_486 : vector<16xi1>
          %lt3A_488 = arith.constant 16 : i32
          %lt3A_489 = vector.broadcast %lt3A_488 : i32 to vector<16xi32>
          %lt3A_490 = arith.cmpi slt, %add3A_465, %lt3A_489 : vector<16xi32>
          %and3A_491 = arith.andi %and3A_487, %lt3A_490 : vector<16xi1>
          %max3A_492 = arith.constant 0 : i32
          %max3A_493 = vector.broadcast %max3A_492 : i32 to vector<16xi32>
          %max3A_494 = arith.maxsi %add3A_476, %max3A_493 : vector<16xi32>
          %min3A_495 = arith.constant 255 : i32
          %min3A_496 = vector.broadcast %min3A_495 : i32 to vector<16xi32>
          %min3A_497 = arith.minsi %max3A_494, %min3A_496 : vector<16xi32>
          %convert_element_type3A_498 = arith.sitofp %add3A_465 : vector<16xi32> to vector<16xf32>
          %add3A_499 = arith.constant 5.000000e-01 : f32
          %add3A_500 = vector.broadcast %add3A_499 : f32 to vector<16xf32>
          %add3A_501 = arith.addf %convert_element_type3A_498, %add3A_500 : vector<16xf32>
          %mul3A_502 = arith.constant 3.200000e+01 : f32
          %mul3A_503 = vector.broadcast %mul3A_502 : f32 to vector<16xf32>
          %mul3A_504 = arith.mulf %add3A_501, %mul3A_503 : vector<16xf32>
          %convert_element_type3A_505 = arith.sitofp %add3A_469 : vector<16xi32> to vector<16xf32>
          %add3A_506 = arith.constant 5.000000e-01 : f32
          %add3A_507 = vector.broadcast %add3A_506 : f32 to vector<16xf32>
          %add3A_508 = arith.addf %convert_element_type3A_505, %add3A_507 : vector<16xf32>
          %mul3A_509 = arith.constant 3.200000e+01 : f32
          %mul3A_510 = vector.broadcast %mul3A_509 : f32 to vector<16xf32>
          %mul3A_511 = arith.mulf %add3A_508, %mul3A_510 : vector<16xf32>
          %sub3A_512 = arith.subf %mul3A_504, %gather3A : vector<16xf32>
          %sub3A_513 = arith.subf %mul3A_511, %gather3A_353 : vector<16xf32>
          %sub3A_514 = arith.subf %gather3A_357, %mul3A_504 : vector<16xf32>
          %sub3A_515 = arith.subf %gather3A_361, %mul3A_511 : vector<16xf32>
          %min3A_516 = arith.minimumf %sub3A_512, %sub3A_513 : vector<16xf32>
          %min3A_517 = arith.minimumf %sub3A_514, %sub3A_515 : vector<16xf32>
          %min3A_518 = arith.minimumf %min3A_516, %min3A_517 : vector<16xf32>
          %max3A_519 = arith.maximumf %sub3A_512, %sub3A_513 : vector<16xf32>
          %max3A_520 = arith.maximumf %sub3A_514, %sub3A_515 : vector<16xf32>
          %max3A_521 = arith.maximumf %max3A_519, %max3A_520 : vector<16xf32>
          %sub3A_522 = arith.subf %mul3A_504, %gather3A_362 : vector<16xf32>
          %abs3A_523 = math.absf %sub3A_522 : vector<16xf32>
          %sub3A_524 = arith.subf %mul3A_511, %gather3A_366 : vector<16xf32>
          %abs3A_525 = math.absf %sub3A_524 : vector<16xf32>
          %max3A_526 = arith.maximumf %abs3A_523, %abs3A_525 : vector<16xf32>
          %ge3A_527 = arith.constant 0.000000e+00 : f32
          %ge3A_528 = vector.broadcast %ge3A_527 : f32 to vector<16xf32>
          %ge3A_529 = arith.cmpf oge, %min3A_518, %ge3A_528 : vector<16xf32>
          %ge3A_530 = arith.constant 1.280000e+02 : f32
          %ge3A_531 = vector.broadcast %ge3A_530 : f32 to vector<16xf32>
          %ge3A_532 = arith.cmpf oge, %max3A_521, %ge3A_531 : vector<16xf32>
          %and3A_533 = arith.andi %ge3A_529, %ge3A_532 : vector<16xi1>
          %le3A_534 = arith.constant 2.560000e+02 : f32
          %le3A_535 = vector.broadcast %le3A_534 : f32 to vector<16xf32>
          %le3A_536 = arith.cmpf ole, %max3A_521, %le3A_535 : vector<16xf32>
          %and3A_537 = arith.andi %and3A_533, %le3A_536 : vector<16xi1>
          %lt3A_538 = arith.constant 4.800000e+01 : f32
          %lt3A_539 = vector.broadcast %lt3A_538 : f32 to vector<16xf32>
          %lt3A_540 = arith.cmpf olt, %max3A_526, %lt3A_539 : vector<16xf32>
          %and3A_541 = arith.andi %and3A_537, %lt3A_540 : vector<16xi1>
          %and3A_542 = arith.andi %and3A_541, %and3A_491 : vector<16xi1>
          %gather3A_543 = tpu.vector_load_idx %arg12[%min3A_497] : memref<256xf32, #tpu.memory_space<vmem>>[vector<16xi32>], vector<16xf32>,
          %lt3A_544 = arith.cmpf olt, %gather3A_370, %gather3A_543 : vector<16xf32>
          %and3A_545 = arith.andi %and3A_542, %lt3A_544 : vector<16xi1>
          tpu.vector_store_idx %arg12[%min3A_497], %gather3A_370 masked %and3A_545 : memref<256xf32, #tpu.memory_space<vmem>>[vector<16xi32>], vector<16xf32>, vector<16xi1>
          tpu.vector_store_idx %arg17[%min3A_497], %add3A_349 masked %and3A_545 : memref<256xi32, #tpu.memory_space<vmem>>[vector<16xi32>], vector<16xi32>, vector<16xi1>
        } else {
        }
      }
      %scan3A_295 = arith.constant 100 : i32
      %parallel_loop3A_296 = arith.constant 0 : i32
      %parallel_loop3A_297 = arith.constant 88 : i32
      %parallel_loop3A_298 = arith.constant 1 : i32
      scf.for %parallel_loop3A_347 = %parallel_loop3A_296 to %parallel_loop3A_297 step %parallel_loop3A_298  : i32 {
        %parallel_loop3A_348 = arith.constant 16 : i32
        %parallel_loop3A_349 = arith.muli %parallel_loop3A_347, %parallel_loop3A_348 : i32
        %parallel_loop3A_350 = arith.index_cast %parallel_loop3A_349 : i32 to index
        %parallel_loop3A_351 = tpu.vector_load %arg10[%parallel_loop3A_350] {strides = array<i32>} : memref<1408xf32, #tpu.memory_space<vmem>>, vector<16xf32>,
        %parallel_loop3A_352 = arith.index_cast %parallel_loop3A_349 : i32 to index
        %parallel_loop3A_353 = tpu.vector_load %arg15[%parallel_loop3A_352] {strides = array<i32>} : memref<1408xi32, #tpu.memory_space<vmem>>, vector<16xi32>,
        %parallel_loop3A_354 = arith.constant 1.000000e+10 : f32
        %parallel_loop3A_355 = vector.broadcast %parallel_loop3A_354 : f32 to vector<16xf32>
        %parallel_loop3A_356 = arith.cmpf olt, %parallel_loop3A_351, %parallel_loop3A_355 : vector<16xf32>
        %parallel_loop3A_357 = tpu.vector_load_idx %arg7[%parallel_loop3A_353] : memref<448xf32, #tpu.memory_space<vmem>>[vector<16xi32>], vector<16xf32>,
        %parallel_loop3A_358 = arith.constant 112 : i32
        %parallel_loop3A_359 = vector.broadcast %parallel_loop3A_358 : i32 to vector<16xi32>
        %parallel_loop3A_360 = arith.addi %parallel_loop3A_353, %parallel_loop3A_359 : vector<16xi32>
        %parallel_loop3A_361 = tpu.vector_load_idx %arg7[%parallel_loop3A_360] : memref<448xf32, #tpu.memory_space<vmem>>[vector<16xi32>], vector<16xf32>,
        %parallel_loop3A_362 = arith.constant 224 : i32
        %parallel_loop3A_363 = vector.broadcast %parallel_loop3A_362 : i32 to vector<16xi32>
        %parallel_loop3A_364 = arith.addi %parallel_loop3A_353, %parallel_loop3A_363 : vector<16xi32>
        %parallel_loop3A_365 = tpu.vector_load_idx %arg7[%parallel_loop3A_364] : memref<448xf32, #tpu.memory_space<vmem>>[vector<16xi32>], vector<16xf32>,
        %parallel_loop3A_366 = arith.constant 336 : i32
        %parallel_loop3A_367 = vector.broadcast %parallel_loop3A_366 : i32 to vector<16xi32>
        %parallel_loop3A_368 = arith.addi %parallel_loop3A_353, %parallel_loop3A_367 : vector<16xi32>
        %parallel_loop3A_369 = tpu.vector_load_idx %arg7[%parallel_loop3A_368] : memref<448xf32, #tpu.memory_space<vmem>>[vector<16xi32>], vector<16xf32>,
        %parallel_loop3A_370 = tpu.vector_load_idx %arg8[%parallel_loop3A_353] : memref<112xi32, #tpu.memory_space<vmem>>[vector<16xi32>], vector<16xi32>,
        %parallel_loop3A_371 = arith.constant 16 : i32
        %parallel_loop3A_372 = arith.muli %parallel_loop3A_347, %parallel_loop3A_371 : i32
        %parallel_loop3A_373 = vector.broadcast %parallel_loop3A_372 : i32 to vector<16xi32>
        %parallel_loop3A_374 = arith.addi %iota3A, %parallel_loop3A_373 : vector<16xi32>
        %parallel_loop3A_375 = arith.constant 63 : i32
        %parallel_loop3A_376 = vector.broadcast %parallel_loop3A_375 : i32 to vector<16xi32>
        %parallel_loop3A_377 = arith.andi %parallel_loop3A_374, %parallel_loop3A_376 : vector<16xi32>
        %parallel_loop3A_378 = arith.constant 6 : i32
        %parallel_loop3A_379 = vector.broadcast %parallel_loop3A_378 : i32 to vector<16xi32>
        %parallel_loop3A_380 = arith.shrsi %parallel_loop3A_374, %parallel_loop3A_379 : vector<16xi32>
        %parallel_loop3A_381 = vector.broadcast %mul3A_280 : i32 to vector<16xi32>
        %parallel_loop3A_382 = arith.addi %parallel_loop3A_380, %parallel_loop3A_381 : vector<16xi32>
        %parallel_loop3A_383 = arith.sitofp %parallel_loop3A_377 : vector<16xi32> to vector<16xf32>
        %parallel_loop3A_384 = arith.constant 5.000000e-01 : f32
        %parallel_loop3A_385 = vector.broadcast %parallel_loop3A_384 : f32 to vector<16xf32>
        %parallel_loop3A_386 = arith.addf %parallel_loop3A_383, %parallel_loop3A_385 : vector<16xf32>
        %parallel_loop3A_387 = arith.constant 8.000000e+00 : f32
        %parallel_loop3A_388 = vector.broadcast %parallel_loop3A_387 : f32 to vector<16xf32>
        %parallel_loop3A_389 = arith.mulf %parallel_loop3A_386, %parallel_loop3A_388 : vector<16xf32>
        %parallel_loop3A_390 = arith.sitofp %parallel_loop3A_382 : vector<16xi32> to vector<16xf32>
        %parallel_loop3A_391 = arith.constant 5.000000e-01 : f32
        %parallel_loop3A_392 = vector.broadcast %parallel_loop3A_391 : f32 to vector<16xf32>
        %parallel_loop3A_393 = arith.addf %parallel_loop3A_390, %parallel_loop3A_392 : vector<16xf32>
        %parallel_loop3A_394 = arith.constant 8.000000e+00 : f32
        %parallel_loop3A_395 = vector.broadcast %parallel_loop3A_394 : f32 to vector<16xf32>
        %parallel_loop3A_396 = arith.mulf %parallel_loop3A_393, %parallel_loop3A_395 : vector<16xf32>
        %parallel_loop3A_397 = arith.subf %parallel_loop3A_389, %parallel_loop3A_357 : vector<16xf32>
        %parallel_loop3A_398 = arith.subf %parallel_loop3A_396, %parallel_loop3A_361 : vector<16xf32>
        %parallel_loop3A_399 = arith.subf %parallel_loop3A_365, %parallel_loop3A_389 : vector<16xf32>
        %parallel_loop3A_400 = arith.subf %parallel_loop3A_369, %parallel_loop3A_396 : vector<16xf32>
        %parallel_loop3A_401 = arith.constant 1.000000e+00 : f32
        %parallel_loop3A_402 = vector.broadcast %parallel_loop3A_401 : f32 to vector<16xf32>
        %parallel_loop3A_403 = arith.select %parallel_loop3A_356, %parallel_loop3A_397, %parallel_loop3A_402 : vector<16xi1>, vector<16xf32>
        %parallel_loop3A_404 = arith.constant 1.000000e+00 : f32
        %parallel_loop3A_405 = vector.broadcast %parallel_loop3A_404 : f32 to vector<16xf32>
        %parallel_loop3A_406 = arith.select %parallel_loop3A_356, %parallel_loop3A_398, %parallel_loop3A_405 : vector<16xi1>, vector<16xf32>
        %parallel_loop3A_407 = arith.constant 1.000000e+00 : f32
        %parallel_loop3A_408 = vector.broadcast %parallel_loop3A_407 : f32 to vector<16xf32>
        %parallel_loop3A_409 = arith.select %parallel_loop3A_356, %parallel_loop3A_399, %parallel_loop3A_408 : vector<16xi1>, vector<16xf32>
        %parallel_loop3A_410 = arith.constant 1.000000e+00 : f32
        %parallel_loop3A_411 = vector.broadcast %parallel_loop3A_410 : f32 to vector<16xf32>
        %parallel_loop3A_412 = arith.select %parallel_loop3A_356, %parallel_loop3A_400, %parallel_loop3A_411 : vector<16xi1>, vector<16xf32>
        %parallel_loop3A_413 = arith.minimumf %parallel_loop3A_403, %parallel_loop3A_409 : vector<16xf32>
        %parallel_loop3A_414 = arith.maximumf %parallel_loop3A_403, %parallel_loop3A_409 : vector<16xf32>
        %parallel_loop3A_415 = arith.constant 9.99999974E-6 : f32
        %parallel_loop3A_416 = vector.broadcast %parallel_loop3A_415 : f32 to vector<16xf32>
        %parallel_loop3A_417 = arith.maximumf %parallel_loop3A_414, %parallel_loop3A_416 : vector<16xf32>
        %parallel_loop3A_418 = arith.minimumf %parallel_loop3A_406, %parallel_loop3A_412 : vector<16xf32>
        %parallel_loop3A_419 = arith.maximumf %parallel_loop3A_406, %parallel_loop3A_412 : vector<16xf32>
        %parallel_loop3A_420 = arith.constant 9.99999974E-6 : f32
        %parallel_loop3A_421 = vector.broadcast %parallel_loop3A_420 : f32 to vector<16xf32>
        %parallel_loop3A_422 = arith.maximumf %parallel_loop3A_419, %parallel_loop3A_421 : vector<16xf32>
        %parallel_loop3A_423 = arith.mulf %parallel_loop3A_417, %parallel_loop3A_422 : vector<16xf32>
        %parallel_loop3A_424 = arith.constant 1.000000e-10 : f32
        %parallel_loop3A_425 = vector.broadcast %parallel_loop3A_424 : f32 to vector<16xf32>
        %parallel_loop3A_426 = arith.addf %parallel_loop3A_423, %parallel_loop3A_425 : vector<16xf32>
        %parallel_loop3A_427 = arith.mulf %parallel_loop3A_413, %parallel_loop3A_418 : vector<16xf32>
        %parallel_loop3A_428 = tpu.bitcast %parallel_loop3A_426 : vector<16xf32> -> vector<16xi32>
        %parallel_loop3A_429 = arith.constant 2129859011 : i32
        %parallel_loop3A_430 = vector.broadcast %parallel_loop3A_429 : i32 to vector<16xi32>
        %parallel_loop3A_431 = arith.subi %parallel_loop3A_430, %parallel_loop3A_428 : vector<16xi32>
        %parallel_loop3A_432 = tpu.bitcast %parallel_loop3A_431 : vector<16xi32> -> vector<16xf32>
        %parallel_loop3A_433 = arith.mulf %parallel_loop3A_426, %parallel_loop3A_432 : vector<16xf32>
        %parallel_loop3A_434 = arith.constant 2.000000e+00 : f32
        %parallel_loop3A_435 = vector.broadcast %parallel_loop3A_434 : f32 to vector<16xf32>
        %parallel_loop3A_436 = arith.subf %parallel_loop3A_435, %parallel_loop3A_433 : vector<16xf32>
        %parallel_loop3A_437 = arith.mulf %parallel_loop3A_432, %parallel_loop3A_436 : vector<16xf32>
        %parallel_loop3A_438 = arith.mulf %parallel_loop3A_426, %parallel_loop3A_437 : vector<16xf32>
        %parallel_loop3A_439 = arith.constant 2.000000e+00 : f32
        %parallel_loop3A_440 = vector.broadcast %parallel_loop3A_439 : f32 to vector<16xf32>
        %parallel_loop3A_441 = arith.subf %parallel_loop3A_440, %parallel_loop3A_438 : vector<16xf32>
        %parallel_loop3A_442 = arith.mulf %parallel_loop3A_437, %parallel_loop3A_441 : vector<16xf32>
        %parallel_loop3A_443 = arith.mulf %parallel_loop3A_426, %parallel_loop3A_442 : vector<16xf32>
        %parallel_loop3A_444 = arith.constant 2.000000e+00 : f32
        %parallel_loop3A_445 = vector.broadcast %parallel_loop3A_444 : f32 to vector<16xf32>
        %parallel_loop3A_446 = arith.subf %parallel_loop3A_445, %parallel_loop3A_443 : vector<16xf32>
        %parallel_loop3A_447 = arith.mulf %parallel_loop3A_442, %parallel_loop3A_446 : vector<16xf32>
        %parallel_loop3A_448 = arith.mulf %parallel_loop3A_427, %parallel_loop3A_447 : vector<16xf32>
        %parallel_loop3A_449 = tpu.bitcast %parallel_loop3A_448 : vector<16xf32> -> vector<16xi32>
        %parallel_loop3A_450 = arith.constant 1 : i32
        %parallel_loop3A_451 = vector.broadcast %parallel_loop3A_450 : i32 to vector<16xi32>
        %parallel_loop3A_452 = arith.shrsi %parallel_loop3A_449, %parallel_loop3A_451 : vector<16xi32>
        %parallel_loop3A_453 = arith.constant 1597463007 : i32
        %parallel_loop3A_454 = vector.broadcast %parallel_loop3A_453 : i32 to vector<16xi32>
        %parallel_loop3A_455 = arith.subi %parallel_loop3A_454, %parallel_loop3A_452 : vector<16xi32>
        %parallel_loop3A_456 = tpu.bitcast %parallel_loop3A_455 : vector<16xi32> -> vector<16xf32>
        %parallel_loop3A_457 = arith.constant 5.000000e-01 : f32
        %parallel_loop3A_458 = vector.broadcast %parallel_loop3A_457 : f32 to vector<16xf32>
        %parallel_loop3A_459 = arith.mulf %parallel_loop3A_458, %parallel_loop3A_448 : vector<16xf32>
        %parallel_loop3A_460 = arith.mulf %parallel_loop3A_459, %parallel_loop3A_456 : vector<16xf32>
        %parallel_loop3A_461 = arith.mulf %parallel_loop3A_460, %parallel_loop3A_456 : vector<16xf32>
        %parallel_loop3A_462 = arith.constant 1.500000e+00 : f32
        %parallel_loop3A_463 = vector.broadcast %parallel_loop3A_462 : f32 to vector<16xf32>
        %parallel_loop3A_464 = arith.subf %parallel_loop3A_463, %parallel_loop3A_461 : vector<16xf32>
        %parallel_loop3A_465 = arith.mulf %parallel_loop3A_456, %parallel_loop3A_464 : vector<16xf32>
        %parallel_loop3A_466 = arith.mulf %parallel_loop3A_459, %parallel_loop3A_465 : vector<16xf32>
        %parallel_loop3A_467 = arith.mulf %parallel_loop3A_466, %parallel_loop3A_465 : vector<16xf32>
        %parallel_loop3A_468 = arith.constant 1.500000e+00 : f32
        %parallel_loop3A_469 = vector.broadcast %parallel_loop3A_468 : f32 to vector<16xf32>
        %parallel_loop3A_470 = arith.subf %parallel_loop3A_469, %parallel_loop3A_467 : vector<16xf32>
        %parallel_loop3A_471 = arith.mulf %parallel_loop3A_465, %parallel_loop3A_470 : vector<16xf32>
        %parallel_loop3A_472 = arith.mulf %parallel_loop3A_459, %parallel_loop3A_471 : vector<16xf32>
        %parallel_loop3A_473 = arith.mulf %parallel_loop3A_472, %parallel_loop3A_471 : vector<16xf32>
        %parallel_loop3A_474 = arith.constant 1.500000e+00 : f32
        %parallel_loop3A_475 = vector.broadcast %parallel_loop3A_474 : f32 to vector<16xf32>
        %parallel_loop3A_476 = arith.subf %parallel_loop3A_475, %parallel_loop3A_473 : vector<16xf32>
        %parallel_loop3A_477 = arith.mulf %parallel_loop3A_471, %parallel_loop3A_476 : vector<16xf32>
        %parallel_loop3A_478 = arith.mulf %parallel_loop3A_448, %parallel_loop3A_477 : vector<16xf32>
        %parallel_loop3A_479 = arith.constant 0 : i32
        %parallel_loop3A_480 = vector.broadcast %parallel_loop3A_479 : i32 to vector<16xi32>
        %parallel_loop3A_481 = arith.select %parallel_loop3A_356, %parallel_loop3A_370, %parallel_loop3A_480 : vector<16xi1>, vector<16xi32>
        %parallel_loop3A_482 = arith.index_cast %parallel_loop3A_349 : i32 to index
        %parallel_loop3A_483 = tpu.vector_load %arg15[%parallel_loop3A_482] {strides = array<i32>} : memref<1408xi32, #tpu.memory_space<vmem>>, vector<16xi32>,
        tpu.vector_store %arg15[%parallel_loop3A_482], %parallel_loop3A_481 {strides = array<i32>} : memref<1408xi32, #tpu.memory_space<vmem>>, vector<16xi32>,
        %parallel_loop3A_484 = arith.constant -1.000000e+00 : f32
        %parallel_loop3A_485 = vector.broadcast %parallel_loop3A_484 : f32 to vector<16xf32>
        %parallel_loop3A_486 = arith.select %parallel_loop3A_356, %parallel_loop3A_478, %parallel_loop3A_485 : vector<16xi1>, vector<16xf32>
        %parallel_loop3A_487 = arith.index_cast %parallel_loop3A_349 : i32 to index
        %parallel_loop3A_488 = tpu.vector_load %arg10[%parallel_loop3A_487] {strides = array<i32>} : memref<1408xf32, #tpu.memory_space<vmem>>, vector<16xf32>,
        tpu.vector_store %arg10[%parallel_loop3A_487], %parallel_loop3A_486 {strides = array<i32>} : memref<1408xf32, #tpu.memory_space<vmem>>, vector<16xf32>,
        %parallel_loop3A_489 = arith.constant -1.000000e+00 : f32
        %parallel_loop3A_490 = vector.broadcast %parallel_loop3A_489 : f32 to vector<16xf32>
        %parallel_loop3A_491 = arith.select %parallel_loop3A_356, %parallel_loop3A_397, %parallel_loop3A_490 : vector<16xi1>, vector<16xf32>
        %parallel_loop3A_492 = arith.index_cast %parallel_loop3A_349 : i32 to index
        %parallel_loop3A_493 = tpu.vector_load %arg20[%parallel_loop3A_492] {strides = array<i32>} : memref<5632xf32, #tpu.memory_space<vmem>>, vector<16xf32>,
        tpu.vector_store %arg20[%parallel_loop3A_492], %parallel_loop3A_491 {strides = array<i32>} : memref<5632xf32, #tpu.memory_space<vmem>>, vector<16xf32>,
        %parallel_loop3A_494 = arith.constant -1.000000e+00 : f32
        %parallel_loop3A_495 = vector.broadcast %parallel_loop3A_494 : f32 to vector<16xf32>
        %parallel_loop3A_496 = arith.select %parallel_loop3A_356, %parallel_loop3A_398, %parallel_loop3A_495 : vector<16xi1>, vector<16xf32>
        %parallel_loop3A_497 = arith.constant 16 : i32
        %parallel_loop3A_498 = arith.muli %parallel_loop3A_347, %parallel_loop3A_497 : i32
        %parallel_loop3A_499 = arith.constant 1408 : i32
        %parallel_loop3A_500 = arith.addi %parallel_loop3A_499, %parallel_loop3A_498 : i32
        %parallel_loop3A_501 = arith.index_cast %parallel_loop3A_500 : i32 to index
        %parallel_loop3A_502 = tpu.vector_load %arg20[%parallel_loop3A_501] {strides = array<i32>} : memref<5632xf32, #tpu.memory_space<vmem>>, vector<16xf32>,
        tpu.vector_store %arg20[%parallel_loop3A_501], %parallel_loop3A_496 {strides = array<i32>} : memref<5632xf32, #tpu.memory_space<vmem>>, vector<16xf32>,
        %parallel_loop3A_503 = arith.constant -1.000000e+00 : f32
        %parallel_loop3A_504 = vector.broadcast %parallel_loop3A_503 : f32 to vector<16xf32>
        %parallel_loop3A_505 = arith.select %parallel_loop3A_356, %parallel_loop3A_399, %parallel_loop3A_504 : vector<16xi1>, vector<16xf32>
        %parallel_loop3A_506 = arith.constant 16 : i32
        %parallel_loop3A_507 = arith.muli %parallel_loop3A_347, %parallel_loop3A_506 : i32
        %parallel_loop3A_508 = arith.constant 2816 : i32
        %parallel_loop3A_509 = arith.addi %parallel_loop3A_508, %parallel_loop3A_507 : i32
        %parallel_loop3A_510 = arith.index_cast %parallel_loop3A_509 : i32 to index
        %parallel_loop3A_511 = tpu.vector_load %arg20[%parallel_loop3A_510] {strides = array<i32>} : memref<5632xf32, #tpu.memory_space<vmem>>, vector<16xf32>,
        tpu.vector_store %arg20[%parallel_loop3A_510], %parallel_loop3A_505 {strides = array<i32>} : memref<5632xf32, #tpu.memory_space<vmem>>, vector<16xf32>,
        %parallel_loop3A_512 = arith.constant -1.000000e+00 : f32
        %parallel_loop3A_513 = vector.broadcast %parallel_loop3A_512 : f32 to vector<16xf32>
        %parallel_loop3A_514 = arith.select %parallel_loop3A_356, %parallel_loop3A_400, %parallel_loop3A_513 : vector<16xi1>, vector<16xf32>
        %parallel_loop3A_515 = arith.constant 16 : i32
        %parallel_loop3A_516 = arith.muli %parallel_loop3A_347, %parallel_loop3A_515 : i32
        %parallel_loop3A_517 = arith.constant 4224 : i32
        %parallel_loop3A_518 = arith.addi %parallel_loop3A_517, %parallel_loop3A_516 : i32
        %parallel_loop3A_519 = arith.index_cast %parallel_loop3A_518 : i32 to index
        %parallel_loop3A_520 = tpu.vector_load %arg20[%parallel_loop3A_519] {strides = array<i32>} : memref<5632xf32, #tpu.memory_space<vmem>>, vector<16xf32>,
        tpu.vector_store %arg20[%parallel_loop3A_519], %parallel_loop3A_514 {strides = array<i32>} : memref<5632xf32, #tpu.memory_space<vmem>>, vector<16xf32>,
      } {sc.loop_unroll_factor = 1 : i64, sc.parallel_access}
      %mul3A_299 = arith.constant 1344 : i32
      %mul3A_300 = arith.muli %mul3A_299, %select_n3A_30 : i32
      %mul3A_301 = arith.constant 5456 : i32
      %mul3A_302 = arith.muli %select_n3A, %mul3A_301 : i32
      %add3A_303 = arith.constant 0 : i32
      %add3A_304 = arith.addi %mul3A_302, %add3A_303 : i32
      %add3A_305 = arith.addi %add3A_304, %mul3A_300 : i32
      "tpu.region"() ({
        %run_scoped3A = tpu.sem_alloc : memref<!tpu.dma_semaphore, #tpu.memory_space<semaphore_mem>>
        %dma_start3A = arith.constant 0 : i32
        %dma_start3A_347 = tpu.memref_slice %arg15[%dma_start3A] : memref<1408xi32, #tpu.memory_space<vmem>> -> memref<1344xi32, #tpu.memory_space<vmem>>
        %dma_start3A_348 = tpu.memref_slice %arg4[%add3A_305] : memref<43648xi32, #tpu.memory_space<hbm>> -> memref<1344xi32, #tpu.memory_space<hbm>>
        %dma_start3A_349 = tpu.memref_slice %arg4[%add3A_305] : memref<43648xi32, #tpu.memory_space<hbm>> -> memref<1344xi32, #tpu.memory_space<hbm>>
        %dma_start3A_350 = arith.constant 0 : i32
        %dma_start3A_351 = tpu.memref_slice %arg15[%dma_start3A_350] : memref<1408xi32, #tpu.memory_space<vmem>> -> memref<1344xi32, #tpu.memory_space<vmem>>
        tpu.enqueue_dma source(%dma_start3A_351 : memref<1344xi32, #tpu.memory_space<vmem>>) target(%dma_start3A_349 : memref<1344xi32, #tpu.memory_space<hbm>>) target_semaphore(%run_scoped3A : memref<!tpu.dma_semaphore, #tpu.memory_space<semaphore_mem>>)
        %dma_wait3A = arith.constant 0 : i32
        %dma_wait3A_352 = tpu.memref_slice %arg15[%dma_wait3A] : memref<1408xi32, #tpu.memory_space<vmem>> -> memref<1344xi32, #tpu.memory_space<vmem>>
        %dma_wait3A_353 = tpu.memref_slice %arg4[%add3A_305] : memref<43648xi32, #tpu.memory_space<hbm>> -> memref<1344xi32, #tpu.memory_space<hbm>>
        %dma_wait3A_354 = tpu.memref_slice %arg4[%add3A_305] : memref<43648xi32, #tpu.memory_space<hbm>> -> memref<1344xi32, #tpu.memory_space<hbm>>
        %dma_wait3A_355 = arith.constant 0 : i32
        %dma_wait3A_356 = tpu.memref_slice %arg15[%dma_wait3A_355] : memref<1408xi32, #tpu.memory_space<vmem>> -> memref<1344xi32, #tpu.memory_space<vmem>>
        tpu.wait_dma2 semaphore(%run_scoped3A : memref<!tpu.dma_semaphore, #tpu.memory_space<semaphore_mem>>) src(%dma_wait3A_356 : memref<1344xi32, #tpu.memory_space<vmem>>) dst(%dma_wait3A_354 : memref<1344xi32, #tpu.memory_space<hbm>>)
        tpu.yield
      }) : () -> ()
      "tpu.region"() ({
        %run_scoped3A = tpu.sem_alloc : memref<!tpu.dma_semaphore, #tpu.memory_space<semaphore_mem>>
        %dma_start3A = arith.constant 0 : i32
        %dma_start3A_347 = tpu.memref_slice %arg10[%dma_start3A] : memref<1408xf32, #tpu.memory_space<vmem>> -> memref<1344xf32, #tpu.memory_space<vmem>>
        %dma_start3A_348 = tpu.memref_slice %arg5[%add3A_305] : memref<43648xf32, #tpu.memory_space<hbm>> -> memref<1344xf32, #tpu.memory_space<hbm>>
        %dma_start3A_349 = tpu.memref_slice %arg5[%add3A_305] : memref<43648xf32, #tpu.memory_space<hbm>> -> memref<1344xf32, #tpu.memory_space<hbm>>
        %dma_start3A_350 = arith.constant 0 : i32
        %dma_start3A_351 = tpu.memref_slice %arg10[%dma_start3A_350] : memref<1408xf32, #tpu.memory_space<vmem>> -> memref<1344xf32, #tpu.memory_space<vmem>>
        tpu.enqueue_dma source(%dma_start3A_351 : memref<1344xf32, #tpu.memory_space<vmem>>) target(%dma_start3A_349 : memref<1344xf32, #tpu.memory_space<hbm>>) target_semaphore(%run_scoped3A : memref<!tpu.dma_semaphore, #tpu.memory_space<semaphore_mem>>)
        %dma_wait3A = arith.constant 0 : i32
        %dma_wait3A_352 = tpu.memref_slice %arg10[%dma_wait3A] : memref<1408xf32, #tpu.memory_space<vmem>> -> memref<1344xf32, #tpu.memory_space<vmem>>
        %dma_wait3A_353 = tpu.memref_slice %arg5[%add3A_305] : memref<43648xf32, #tpu.memory_space<hbm>> -> memref<1344xf32, #tpu.memory_space<hbm>>
        %dma_wait3A_354 = tpu.memref_slice %arg5[%add3A_305] : memref<43648xf32, #tpu.memory_space<hbm>> -> memref<1344xf32, #tpu.memory_space<hbm>>
        %dma_wait3A_355 = arith.constant 0 : i32
        %dma_wait3A_356 = tpu.memref_slice %arg10[%dma_wait3A_355] : memref<1408xf32, #tpu.memory_space<vmem>> -> memref<1344xf32, #tpu.memory_space<vmem>>
        tpu.wait_dma2 semaphore(%run_scoped3A : memref<!tpu.dma_semaphore, #tpu.memory_space<semaphore_mem>>) src(%dma_wait3A_356 : memref<1344xf32, #tpu.memory_space<vmem>>) dst(%dma_wait3A_354 : memref<1344xf32, #tpu.memory_space<hbm>>)
        tpu.yield
      }) : () -> ()
      %mul3A_306 = arith.constant 4 : i32
      %mul3A_307 = arith.muli %select_n3A, %mul3A_306 : i32
      %add3A_308 = arith.constant 0 : i32
      %add3A_309 = arith.addi %mul3A_307, %add3A_308 : i32
      %mul3A_310 = arith.constant 5456 : i32
      %mul3A_311 = arith.muli %add3A_309, %mul3A_310 : i32
      %add3A_312 = arith.constant 0 : i32
      %add3A_313 = arith.addi %mul3A_311, %add3A_312 : i32
      %add3A_314 = arith.addi %add3A_313, %mul3A_300 : i32
      "tpu.region"() ({
        %run_scoped3A = tpu.sem_alloc : memref<!tpu.dma_semaphore, #tpu.memory_space<semaphore_mem>>
        %dma_start3A = arith.constant 0 : i32
        %dma_start3A_347 = tpu.memref_slice %arg20[%dma_start3A] : memref<5632xf32, #tpu.memory_space<vmem>> -> memref<1344xf32, #tpu.memory_space<vmem>>
        %dma_start3A_348 = tpu.memref_slice %arg6[%add3A_314] : memref<174592xf32, #tpu.memory_space<hbm>> -> memref<1344xf32, #tpu.memory_space<hbm>>
        %dma_start3A_349 = tpu.memref_slice %arg6[%add3A_314] : memref<174592xf32, #tpu.memory_space<hbm>> -> memref<1344xf32, #tpu.memory_space<hbm>>
        %dma_start3A_350 = arith.constant 0 : i32
        %dma_start3A_351 = tpu.memref_slice %arg20[%dma_start3A_350] : memref<5632xf32, #tpu.memory_space<vmem>> -> memref<1344xf32, #tpu.memory_space<vmem>>
        tpu.enqueue_dma source(%dma_start3A_351 : memref<1344xf32, #tpu.memory_space<vmem>>) target(%dma_start3A_349 : memref<1344xf32, #tpu.memory_space<hbm>>) target_semaphore(%run_scoped3A : memref<!tpu.dma_semaphore, #tpu.memory_space<semaphore_mem>>)
        %dma_wait3A = arith.constant 0 : i32
        %dma_wait3A_352 = tpu.memref_slice %arg20[%dma_wait3A] : memref<5632xf32, #tpu.memory_space<vmem>> -> memref<1344xf32, #tpu.memory_space<vmem>>
        %dma_wait3A_353 = tpu.memref_slice %arg6[%add3A_314] : memref<174592xf32, #tpu.memory_space<hbm>> -> memref<1344xf32, #tpu.memory_space<hbm>>
        %dma_wait3A_354 = tpu.memref_slice %arg6[%add3A_314] : memref<174592xf32, #tpu.memory_space<hbm>> -> memref<1344xf32, #tpu.memory_space<hbm>>
        %dma_wait3A_355 = arith.constant 0 : i32
        %dma_wait3A_356 = tpu.memref_slice %arg20[%dma_wait3A_355] : memref<5632xf32, #tpu.memory_space<vmem>> -> memref<1344xf32, #tpu.memory_space<vmem>>
        tpu.wait_dma2 semaphore(%run_scoped3A : memref<!tpu.dma_semaphore, #tpu.memory_space<semaphore_mem>>) src(%dma_wait3A_356 : memref<1344xf32, #tpu.memory_space<vmem>>) dst(%dma_wait3A_354 : memref<1344xf32, #tpu.memory_space<hbm>>)
        tpu.yield
      }) : () -> ()
      %mul3A_315 = arith.constant 4 : i32
      %mul3A_316 = arith.muli %select_n3A, %mul3A_315 : i32
      %add3A_317 = arith.constant 1 : i32
      %add3A_318 = arith.addi %mul3A_316, %add3A_317 : i32
      %mul3A_319 = arith.constant 5456 : i32
      %mul3A_320 = arith.muli %add3A_318, %mul3A_319 : i32
      %add3A_321 = arith.constant 0 : i32
      %add3A_322 = arith.addi %mul3A_320, %add3A_321 : i32
      %add3A_323 = arith.addi %add3A_322, %mul3A_300 : i32
      "tpu.region"() ({
        %run_scoped3A = tpu.sem_alloc : memref<!tpu.dma_semaphore, #tpu.memory_space<semaphore_mem>>
        %dma_start3A = arith.constant 1408 : i32
        %dma_start3A_347 = tpu.memref_slice %arg20[%dma_start3A] : memref<5632xf32, #tpu.memory_space<vmem>> -> memref<1344xf32, #tpu.memory_space<vmem>>
        %dma_start3A_348 = tpu.memref_slice %arg6[%add3A_323] : memref<174592xf32, #tpu.memory_space<hbm>> -> memref<1344xf32, #tpu.memory_space<hbm>>
        %dma_start3A_349 = tpu.memref_slice %arg6[%add3A_323] : memref<174592xf32, #tpu.memory_space<hbm>> -> memref<1344xf32, #tpu.memory_space<hbm>>
        %dma_start3A_350 = arith.constant 1408 : i32
        %dma_start3A_351 = tpu.memref_slice %arg20[%dma_start3A_350] : memref<5632xf32, #tpu.memory_space<vmem>> -> memref<1344xf32, #tpu.memory_space<vmem>>
        tpu.enqueue_dma source(%dma_start3A_351 : memref<1344xf32, #tpu.memory_space<vmem>>) target(%dma_start3A_349 : memref<1344xf32, #tpu.memory_space<hbm>>) target_semaphore(%run_scoped3A : memref<!tpu.dma_semaphore, #tpu.memory_space<semaphore_mem>>)
        %dma_wait3A = arith.constant 1408 : i32
        %dma_wait3A_352 = tpu.memref_slice %arg20[%dma_wait3A] : memref<5632xf32, #tpu.memory_space<vmem>> -> memref<1344xf32, #tpu.memory_space<vmem>>
        %dma_wait3A_353 = tpu.memref_slice %arg6[%add3A_323] : memref<174592xf32, #tpu.memory_space<hbm>> -> memref<1344xf32, #tpu.memory_space<hbm>>
        %dma_wait3A_354 = tpu.memref_slice %arg6[%add3A_323] : memref<174592xf32, #tpu.memory_space<hbm>> -> memref<1344xf32, #tpu.memory_space<hbm>>
        %dma_wait3A_355 = arith.constant 1408 : i32
        %dma_wait3A_356 = tpu.memref_slice %arg20[%dma_wait3A_355] : memref<5632xf32, #tpu.memory_space<vmem>> -> memref<1344xf32, #tpu.memory_space<vmem>>
        tpu.wait_dma2 semaphore(%run_scoped3A : memref<!tpu.dma_semaphore, #tpu.memory_space<semaphore_mem>>) src(%dma_wait3A_356 : memref<1344xf32, #tpu.memory_space<vmem>>) dst(%dma_wait3A_354 : memref<1344xf32, #tpu.memory_space<hbm>>)
        tpu.yield
      }) : () -> ()
      %mul3A_324 = arith.constant 4 : i32
      %mul3A_325 = arith.muli %select_n3A, %mul3A_324 : i32
      %add3A_326 = arith.constant 2 : i32
      %add3A_327 = arith.addi %mul3A_325, %add3A_326 : i32
      %mul3A_328 = arith.constant 5456 : i32
      %mul3A_329 = arith.muli %add3A_327, %mul3A_328 : i32
      %add3A_330 = arith.constant 0 : i32
      %add3A_331 = arith.addi %mul3A_329, %add3A_330 : i32
      %add3A_332 = arith.addi %add3A_331, %mul3A_300 : i32
      "tpu.region"() ({
        %run_scoped3A = tpu.sem_alloc : memref<!tpu.dma_semaphore, #tpu.memory_space<semaphore_mem>>
        %dma_start3A = arith.constant 2816 : i32
        %dma_start3A_347 = tpu.memref_slice %arg20[%dma_start3A] : memref<5632xf32, #tpu.memory_space<vmem>> -> memref<1344xf32, #tpu.memory_space<vmem>>
        %dma_start3A_348 = tpu.memref_slice %arg6[%add3A_332] : memref<174592xf32, #tpu.memory_space<hbm>> -> memref<1344xf32, #tpu.memory_space<hbm>>
        %dma_start3A_349 = tpu.memref_slice %arg6[%add3A_332] : memref<174592xf32, #tpu.memory_space<hbm>> -> memref<1344xf32, #tpu.memory_space<hbm>>
        %dma_start3A_350 = arith.constant 2816 : i32
        %dma_start3A_351 = tpu.memref_slice %arg20[%dma_start3A_350] : memref<5632xf32, #tpu.memory_space<vmem>> -> memref<1344xf32, #tpu.memory_space<vmem>>
        tpu.enqueue_dma source(%dma_start3A_351 : memref<1344xf32, #tpu.memory_space<vmem>>) target(%dma_start3A_349 : memref<1344xf32, #tpu.memory_space<hbm>>) target_semaphore(%run_scoped3A : memref<!tpu.dma_semaphore, #tpu.memory_space<semaphore_mem>>)
        %dma_wait3A = arith.constant 2816 : i32
        %dma_wait3A_352 = tpu.memref_slice %arg20[%dma_wait3A] : memref<5632xf32, #tpu.memory_space<vmem>> -> memref<1344xf32, #tpu.memory_space<vmem>>
        %dma_wait3A_353 = tpu.memref_slice %arg6[%add3A_332] : memref<174592xf32, #tpu.memory_space<hbm>> -> memref<1344xf32, #tpu.memory_space<hbm>>
        %dma_wait3A_354 = tpu.memref_slice %arg6[%add3A_332] : memref<174592xf32, #tpu.memory_space<hbm>> -> memref<1344xf32, #tpu.memory_space<hbm>>
        %dma_wait3A_355 = arith.constant 2816 : i32
        %dma_wait3A_356 = tpu.memref_slice %arg20[%dma_wait3A_355] : memref<5632xf32, #tpu.memory_space<vmem>> -> memref<1344xf32, #tpu.memory_space<vmem>>
        tpu.wait_dma2 semaphore(%run_scoped3A : memref<!tpu.dma_semaphore, #tpu.memory_space<semaphore_mem>>) src(%dma_wait3A_356 : memref<1344xf32, #tpu.memory_space<vmem>>) dst(%dma_wait3A_354 : memref<1344xf32, #tpu.memory_space<hbm>>)
        tpu.yield
      }) : () -> ()
      %mul3A_333 = arith.constant 4 : i32
      %mul3A_334 = arith.muli %select_n3A, %mul3A_333 : i32
      %add3A_335 = arith.constant 3 : i32
      %add3A_336 = arith.addi %mul3A_334, %add3A_335 : i32
      %mul3A_337 = arith.constant 5456 : i32
      %mul3A_338 = arith.muli %add3A_336, %mul3A_337 : i32
      %add3A_339 = arith.constant 0 : i32
      %add3A_340 = arith.addi %mul3A_338, %add3A_339 : i32
      %add3A_341 = arith.addi %add3A_340, %mul3A_300 : i32
      "tpu.region"() ({
        %run_scoped3A = tpu.sem_alloc : memref<!tpu.dma_semaphore, #tpu.memory_space<semaphore_mem>>
        %dma_start3A = arith.constant 4224 : i32
        %dma_start3A_347 = tpu.memref_slice %arg20[%dma_start3A] : memref<5632xf32, #tpu.memory_space<vmem>> -> memref<1344xf32, #tpu.memory_space<vmem>>
        %dma_start3A_348 = tpu.memref_slice %arg6[%add3A_341] : memref<174592xf32, #tpu.memory_space<hbm>> -> memref<1344xf32, #tpu.memory_space<hbm>>
        %dma_start3A_349 = tpu.memref_slice %arg6[%add3A_341] : memref<174592xf32, #tpu.memory_space<hbm>> -> memref<1344xf32, #tpu.memory_space<hbm>>
        %dma_start3A_350 = arith.constant 4224 : i32
        %dma_start3A_351 = tpu.memref_slice %arg20[%dma_start3A_350] : memref<5632xf32, #tpu.memory_space<vmem>> -> memref<1344xf32, #tpu.memory_space<vmem>>
        tpu.enqueue_dma source(%dma_start3A_351 : memref<1344xf32, #tpu.memory_space<vmem>>) target(%dma_start3A_349 : memref<1344xf32, #tpu.memory_space<hbm>>) target_semaphore(%run_scoped3A : memref<!tpu.dma_semaphore, #tpu.memory_space<semaphore_mem>>)
        %dma_wait3A = arith.constant 4224 : i32
        %dma_wait3A_352 = tpu.memref_slice %arg20[%dma_wait3A] : memref<5632xf32, #tpu.memory_space<vmem>> -> memref<1344xf32, #tpu.memory_space<vmem>>
        %dma_wait3A_353 = tpu.memref_slice %arg6[%add3A_341] : memref<174592xf32, #tpu.memory_space<hbm>> -> memref<1344xf32, #tpu.memory_space<hbm>>
        %dma_wait3A_354 = tpu.memref_slice %arg6[%add3A_341] : memref<174592xf32, #tpu.memory_space<hbm>> -> memref<1344xf32, #tpu.memory_space<hbm>>
        %dma_wait3A_355 = arith.constant 4224 : i32
        %dma_wait3A_356 = tpu.memref_slice %arg20[%dma_wait3A_355] : memref<5632xf32, #tpu.memory_space<vmem>> -> memref<1344xf32, #tpu.memory_space<vmem>>
        tpu.wait_dma2 semaphore(%run_scoped3A : memref<!tpu.dma_semaphore, #tpu.memory_space<semaphore_mem>>) src(%dma_wait3A_356 : memref<1344xf32, #tpu.memory_space<vmem>>) dst(%dma_wait3A_354 : memref<1344xf32, #tpu.memory_space<hbm>>)
        tpu.yield
      }) : () -> ()
      %eq3A_342 = arith.constant 2 : i32
      %eq3A_343 = arith.cmpi eq, %select_n3A_30, %eq3A_342 : i32
      %convert_element_type3A_344 = arith.extui %eq3A_343 : i1 to i32
      %cond3A_345 = arith.constant 0 : i32
      %cond3A_346 = arith.cmpi ne, %convert_element_type3A_344, %cond3A_345 : i32
      scf.if %cond3A_346 {
        %parallel_loop3A_347 = arith.constant 0 : i32
        %parallel_loop3A_348 = arith.constant 16 : i32
        %parallel_loop3A_349 = arith.constant 1 : i32
        scf.for %parallel_loop3A_442 = %parallel_loop3A_347 to %parallel_loop3A_348 step %parallel_loop3A_349  : i32 {
          %parallel_loop3A_443 = arith.constant 16 : i32
          %parallel_loop3A_444 = arith.muli %parallel_loop3A_442, %parallel_loop3A_443 : i32
          %parallel_loop3A_445 = arith.index_cast %parallel_loop3A_444 : i32 to index
          %parallel_loop3A_446 = tpu.vector_load %arg12[%parallel_loop3A_445] {strides = array<i32>} : memref<256xf32, #tpu.memory_space<vmem>>, vector<16xf32>,
          %parallel_loop3A_447 = arith.index_cast %parallel_loop3A_444 : i32 to index
          %parallel_loop3A_448 = tpu.vector_load %arg17[%parallel_loop3A_447] {strides = array<i32>} : memref<256xi32, #tpu.memory_space<vmem>>, vector<16xi32>,
          %parallel_loop3A_449 = arith.constant 1.000000e+10 : f32
          %parallel_loop3A_450 = vector.broadcast %parallel_loop3A_449 : f32 to vector<16xf32>
          %parallel_loop3A_451 = arith.cmpf olt, %parallel_loop3A_446, %parallel_loop3A_450 : vector<16xf32>
          %parallel_loop3A_452 = tpu.vector_load_idx %arg7[%parallel_loop3A_448] : memref<448xf32, #tpu.memory_space<vmem>>[vector<16xi32>], vector<16xf32>,
          %parallel_loop3A_453 = arith.constant 112 : i32
          %parallel_loop3A_454 = vector.broadcast %parallel_loop3A_453 : i32 to vector<16xi32>
          %parallel_loop3A_455 = arith.addi %parallel_loop3A_448, %parallel_loop3A_454 : vector<16xi32>
          %parallel_loop3A_456 = tpu.vector_load_idx %arg7[%parallel_loop3A_455] : memref<448xf32, #tpu.memory_space<vmem>>[vector<16xi32>], vector<16xf32>,
          %parallel_loop3A_457 = arith.constant 224 : i32
          %parallel_loop3A_458 = vector.broadcast %parallel_loop3A_457 : i32 to vector<16xi32>
          %parallel_loop3A_459 = arith.addi %parallel_loop3A_448, %parallel_loop3A_458 : vector<16xi32>
          %parallel_loop3A_460 = tpu.vector_load_idx %arg7[%parallel_loop3A_459] : memref<448xf32, #tpu.memory_space<vmem>>[vector<16xi32>], vector<16xf32>,
          %parallel_loop3A_461 = arith.constant 336 : i32
          %parallel_loop3A_462 = vector.broadcast %parallel_loop3A_461 : i32 to vector<16xi32>
          %parallel_loop3A_463 = arith.addi %parallel_loop3A_448, %parallel_loop3A_462 : vector<16xi32>
          %parallel_loop3A_464 = tpu.vector_load_idx %arg7[%parallel_loop3A_463] : memref<448xf32, #tpu.memory_space<vmem>>[vector<16xi32>], vector<16xf32>,
          %parallel_loop3A_465 = tpu.vector_load_idx %arg8[%parallel_loop3A_448] : memref<112xi32, #tpu.memory_space<vmem>>[vector<16xi32>], vector<16xi32>,
          %parallel_loop3A_466 = arith.constant 16 : i32
          %parallel_loop3A_467 = arith.muli %parallel_loop3A_442, %parallel_loop3A_466 : i32
          %parallel_loop3A_468 = vector.broadcast %parallel_loop3A_467 : i32 to vector<16xi32>
          %parallel_loop3A_469 = arith.addi %iota3A, %parallel_loop3A_468 : vector<16xi32>
          %parallel_loop3A_470 = arith.constant 15 : i32
          %parallel_loop3A_471 = vector.broadcast %parallel_loop3A_470 : i32 to vector<16xi32>
          %parallel_loop3A_472 = arith.andi %parallel_loop3A_469, %parallel_loop3A_471 : vector<16xi32>
          %parallel_loop3A_473 = arith.constant 4 : i32
          %parallel_loop3A_474 = vector.broadcast %parallel_loop3A_473 : i32 to vector<16xi32>
          %parallel_loop3A_475 = arith.shrsi %parallel_loop3A_469, %parallel_loop3A_474 : vector<16xi32>
          %parallel_loop3A_476 = arith.constant 0 : i32
          %parallel_loop3A_477 = vector.broadcast %parallel_loop3A_476 : i32 to vector<16xi32>
          %parallel_loop3A_478 = arith.addi %parallel_loop3A_475, %parallel_loop3A_477 : vector<16xi32>
          %parallel_loop3A_479 = arith.sitofp %parallel_loop3A_472 : vector<16xi32> to vector<16xf32>
          %parallel_loop3A_480 = arith.constant 5.000000e-01 : f32
          %parallel_loop3A_481 = vector.broadcast %parallel_loop3A_480 : f32 to vector<16xf32>
          %parallel_loop3A_482 = arith.addf %parallel_loop3A_479, %parallel_loop3A_481 : vector<16xf32>
          %parallel_loop3A_483 = arith.constant 3.200000e+01 : f32
          %parallel_loop3A_484 = vector.broadcast %parallel_loop3A_483 : f32 to vector<16xf32>
          %parallel_loop3A_485 = arith.mulf %parallel_loop3A_482, %parallel_loop3A_484 : vector<16xf32>
          %parallel_loop3A_486 = arith.sitofp %parallel_loop3A_478 : vector<16xi32> to vector<16xf32>
          %parallel_loop3A_487 = arith.constant 5.000000e-01 : f32
          %parallel_loop3A_488 = vector.broadcast %parallel_loop3A_487 : f32 to vector<16xf32>
          %parallel_loop3A_489 = arith.addf %parallel_loop3A_486, %parallel_loop3A_488 : vector<16xf32>
          %parallel_loop3A_490 = arith.constant 3.200000e+01 : f32
          %parallel_loop3A_491 = vector.broadcast %parallel_loop3A_490 : f32 to vector<16xf32>
          %parallel_loop3A_492 = arith.mulf %parallel_loop3A_489, %parallel_loop3A_491 : vector<16xf32>
          %parallel_loop3A_493 = arith.subf %parallel_loop3A_485, %parallel_loop3A_452 : vector<16xf32>
          %parallel_loop3A_494 = arith.subf %parallel_loop3A_492, %parallel_loop3A_456 : vector<16xf32>
          %parallel_loop3A_495 = arith.subf %parallel_loop3A_460, %parallel_loop3A_485 : vector<16xf32>
          %parallel_loop3A_496 = arith.subf %parallel_loop3A_464, %parallel_loop3A_492 : vector<16xf32>
          %parallel_loop3A_497 = arith.constant 1.000000e+00 : f32
          %parallel_loop3A_498 = vector.broadcast %parallel_loop3A_497 : f32 to vector<16xf32>
          %parallel_loop3A_499 = arith.select %parallel_loop3A_451, %parallel_loop3A_493, %parallel_loop3A_498 : vector<16xi1>, vector<16xf32>
          %parallel_loop3A_500 = arith.constant 1.000000e+00 : f32
          %parallel_loop3A_501 = vector.broadcast %parallel_loop3A_500 : f32 to vector<16xf32>
          %parallel_loop3A_502 = arith.select %parallel_loop3A_451, %parallel_loop3A_494, %parallel_loop3A_501 : vector<16xi1>, vector<16xf32>
          %parallel_loop3A_503 = arith.constant 1.000000e+00 : f32
          %parallel_loop3A_504 = vector.broadcast %parallel_loop3A_503 : f32 to vector<16xf32>
          %parallel_loop3A_505 = arith.select %parallel_loop3A_451, %parallel_loop3A_495, %parallel_loop3A_504 : vector<16xi1>, vector<16xf32>
          %parallel_loop3A_506 = arith.constant 1.000000e+00 : f32
          %parallel_loop3A_507 = vector.broadcast %parallel_loop3A_506 : f32 to vector<16xf32>
          %parallel_loop3A_508 = arith.select %parallel_loop3A_451, %parallel_loop3A_496, %parallel_loop3A_507 : vector<16xi1>, vector<16xf32>
          %parallel_loop3A_509 = arith.minimumf %parallel_loop3A_499, %parallel_loop3A_505 : vector<16xf32>
          %parallel_loop3A_510 = arith.maximumf %parallel_loop3A_499, %parallel_loop3A_505 : vector<16xf32>
          %parallel_loop3A_511 = arith.constant 9.99999974E-6 : f32
          %parallel_loop3A_512 = vector.broadcast %parallel_loop3A_511 : f32 to vector<16xf32>
          %parallel_loop3A_513 = arith.maximumf %parallel_loop3A_510, %parallel_loop3A_512 : vector<16xf32>
          %parallel_loop3A_514 = arith.minimumf %parallel_loop3A_502, %parallel_loop3A_508 : vector<16xf32>
          %parallel_loop3A_515 = arith.maximumf %parallel_loop3A_502, %parallel_loop3A_508 : vector<16xf32>
          %parallel_loop3A_516 = arith.constant 9.99999974E-6 : f32
          %parallel_loop3A_517 = vector.broadcast %parallel_loop3A_516 : f32 to vector<16xf32>
          %parallel_loop3A_518 = arith.maximumf %parallel_loop3A_515, %parallel_loop3A_517 : vector<16xf32>
          %parallel_loop3A_519 = arith.mulf %parallel_loop3A_513, %parallel_loop3A_518 : vector<16xf32>
          %parallel_loop3A_520 = arith.constant 1.000000e-10 : f32
          %parallel_loop3A_521 = vector.broadcast %parallel_loop3A_520 : f32 to vector<16xf32>
          %parallel_loop3A_522 = arith.addf %parallel_loop3A_519, %parallel_loop3A_521 : vector<16xf32>
          %parallel_loop3A_523 = arith.mulf %parallel_loop3A_509, %parallel_loop3A_514 : vector<16xf32>
          %parallel_loop3A_524 = tpu.bitcast %parallel_loop3A_522 : vector<16xf32> -> vector<16xi32>
          %parallel_loop3A_525 = arith.constant 2129859011 : i32
          %parallel_loop3A_526 = vector.broadcast %parallel_loop3A_525 : i32 to vector<16xi32>
          %parallel_loop3A_527 = arith.subi %parallel_loop3A_526, %parallel_loop3A_524 : vector<16xi32>
          %parallel_loop3A_528 = tpu.bitcast %parallel_loop3A_527 : vector<16xi32> -> vector<16xf32>
          %parallel_loop3A_529 = arith.mulf %parallel_loop3A_522, %parallel_loop3A_528 : vector<16xf32>
          %parallel_loop3A_530 = arith.constant 2.000000e+00 : f32
          %parallel_loop3A_531 = vector.broadcast %parallel_loop3A_530 : f32 to vector<16xf32>
          %parallel_loop3A_532 = arith.subf %parallel_loop3A_531, %parallel_loop3A_529 : vector<16xf32>
          %parallel_loop3A_533 = arith.mulf %parallel_loop3A_528, %parallel_loop3A_532 : vector<16xf32>
          %parallel_loop3A_534 = arith.mulf %parallel_loop3A_522, %parallel_loop3A_533 : vector<16xf32>
          %parallel_loop3A_535 = arith.constant 2.000000e+00 : f32
          %parallel_loop3A_536 = vector.broadcast %parallel_loop3A_535 : f32 to vector<16xf32>
          %parallel_loop3A_537 = arith.subf %parallel_loop3A_536, %parallel_loop3A_534 : vector<16xf32>
          %parallel_loop3A_538 = arith.mulf %parallel_loop3A_533, %parallel_loop3A_537 : vector<16xf32>
          %parallel_loop3A_539 = arith.mulf %parallel_loop3A_522, %parallel_loop3A_538 : vector<16xf32>
          %parallel_loop3A_540 = arith.constant 2.000000e+00 : f32
          %parallel_loop3A_541 = vector.broadcast %parallel_loop3A_540 : f32 to vector<16xf32>
          %parallel_loop3A_542 = arith.subf %parallel_loop3A_541, %parallel_loop3A_539 : vector<16xf32>
          %parallel_loop3A_543 = arith.mulf %parallel_loop3A_538, %parallel_loop3A_542 : vector<16xf32>
          %parallel_loop3A_544 = arith.mulf %parallel_loop3A_523, %parallel_loop3A_543 : vector<16xf32>
          %parallel_loop3A_545 = tpu.bitcast %parallel_loop3A_544 : vector<16xf32> -> vector<16xi32>
          %parallel_loop3A_546 = arith.constant 1 : i32
          %parallel_loop3A_547 = vector.broadcast %parallel_loop3A_546 : i32 to vector<16xi32>
          %parallel_loop3A_548 = arith.shrsi %parallel_loop3A_545, %parallel_loop3A_547 : vector<16xi32>
          %parallel_loop3A_549 = arith.constant 1597463007 : i32
          %parallel_loop3A_550 = vector.broadcast %parallel_loop3A_549 : i32 to vector<16xi32>
          %parallel_loop3A_551 = arith.subi %parallel_loop3A_550, %parallel_loop3A_548 : vector<16xi32>
          %parallel_loop3A_552 = tpu.bitcast %parallel_loop3A_551 : vector<16xi32> -> vector<16xf32>
          %parallel_loop3A_553 = arith.constant 5.000000e-01 : f32
          %parallel_loop3A_554 = vector.broadcast %parallel_loop3A_553 : f32 to vector<16xf32>
          %parallel_loop3A_555 = arith.mulf %parallel_loop3A_554, %parallel_loop3A_544 : vector<16xf32>
          %parallel_loop3A_556 = arith.mulf %parallel_loop3A_555, %parallel_loop3A_552 : vector<16xf32>
          %parallel_loop3A_557 = arith.mulf %parallel_loop3A_556, %parallel_loop3A_552 : vector<16xf32>
          %parallel_loop3A_558 = arith.constant 1.500000e+00 : f32
          %parallel_loop3A_559 = vector.broadcast %parallel_loop3A_558 : f32 to vector<16xf32>
          %parallel_loop3A_560 = arith.subf %parallel_loop3A_559, %parallel_loop3A_557 : vector<16xf32>
          %parallel_loop3A_561 = arith.mulf %parallel_loop3A_552, %parallel_loop3A_560 : vector<16xf32>
          %parallel_loop3A_562 = arith.mulf %parallel_loop3A_555, %parallel_loop3A_561 : vector<16xf32>
          %parallel_loop3A_563 = arith.mulf %parallel_loop3A_562, %parallel_loop3A_561 : vector<16xf32>
          %parallel_loop3A_564 = arith.constant 1.500000e+00 : f32
          %parallel_loop3A_565 = vector.broadcast %parallel_loop3A_564 : f32 to vector<16xf32>
          %parallel_loop3A_566 = arith.subf %parallel_loop3A_565, %parallel_loop3A_563 : vector<16xf32>
          %parallel_loop3A_567 = arith.mulf %parallel_loop3A_561, %parallel_loop3A_566 : vector<16xf32>
          %parallel_loop3A_568 = arith.mulf %parallel_loop3A_555, %parallel_loop3A_567 : vector<16xf32>
          %parallel_loop3A_569 = arith.mulf %parallel_loop3A_568, %parallel_loop3A_567 : vector<16xf32>
          %parallel_loop3A_570 = arith.constant 1.500000e+00 : f32
          %parallel_loop3A_571 = vector.broadcast %parallel_loop3A_570 : f32 to vector<16xf32>
          %parallel_loop3A_572 = arith.subf %parallel_loop3A_571, %parallel_loop3A_569 : vector<16xf32>
          %parallel_loop3A_573 = arith.mulf %parallel_loop3A_567, %parallel_loop3A_572 : vector<16xf32>
          %parallel_loop3A_574 = arith.mulf %parallel_loop3A_544, %parallel_loop3A_573 : vector<16xf32>
          %parallel_loop3A_575 = arith.constant 0 : i32
          %parallel_loop3A_576 = vector.broadcast %parallel_loop3A_575 : i32 to vector<16xi32>
          %parallel_loop3A_577 = arith.select %parallel_loop3A_451, %parallel_loop3A_465, %parallel_loop3A_576 : vector<16xi1>, vector<16xi32>
          %parallel_loop3A_578 = arith.index_cast %parallel_loop3A_444 : i32 to index
          %parallel_loop3A_579 = tpu.vector_load %arg17[%parallel_loop3A_578] {strides = array<i32>} : memref<256xi32, #tpu.memory_space<vmem>>, vector<16xi32>,
          tpu.vector_store %arg17[%parallel_loop3A_578], %parallel_loop3A_577 {strides = array<i32>} : memref<256xi32, #tpu.memory_space<vmem>>, vector<16xi32>,
          %parallel_loop3A_580 = arith.constant -1.000000e+00 : f32
          %parallel_loop3A_581 = vector.broadcast %parallel_loop3A_580 : f32 to vector<16xf32>
          %parallel_loop3A_582 = arith.select %parallel_loop3A_451, %parallel_loop3A_574, %parallel_loop3A_581 : vector<16xi1>, vector<16xf32>
          %parallel_loop3A_583 = arith.index_cast %parallel_loop3A_444 : i32 to index
          %parallel_loop3A_584 = tpu.vector_load %arg12[%parallel_loop3A_583] {strides = array<i32>} : memref<256xf32, #tpu.memory_space<vmem>>, vector<16xf32>,
          tpu.vector_store %arg12[%parallel_loop3A_583], %parallel_loop3A_582 {strides = array<i32>} : memref<256xf32, #tpu.memory_space<vmem>>, vector<16xf32>,
          %parallel_loop3A_585 = arith.constant -1.000000e+00 : f32
          %parallel_loop3A_586 = vector.broadcast %parallel_loop3A_585 : f32 to vector<16xf32>
          %parallel_loop3A_587 = arith.select %parallel_loop3A_451, %parallel_loop3A_493, %parallel_loop3A_586 : vector<16xi1>, vector<16xf32>
          %parallel_loop3A_588 = arith.index_cast %parallel_loop3A_444 : i32 to index
          %parallel_loop3A_589 = tpu.vector_load %arg22[%parallel_loop3A_588] {strides = array<i32>} : memref<1024xf32, #tpu.memory_space<vmem>>, vector<16xf32>,
          tpu.vector_store %arg22[%parallel_loop3A_588], %parallel_loop3A_587 {strides = array<i32>} : memref<1024xf32, #tpu.memory_space<vmem>>, vector<16xf32>,
          %parallel_loop3A_590 = arith.constant -1.000000e+00 : f32
          %parallel_loop3A_591 = vector.broadcast %parallel_loop3A_590 : f32 to vector<16xf32>
          %parallel_loop3A_592 = arith.select %parallel_loop3A_451, %parallel_loop3A_494, %parallel_loop3A_591 : vector<16xi1>, vector<16xf32>
          %parallel_loop3A_593 = arith.constant 16 : i32
          %parallel_loop3A_594 = arith.muli %parallel_loop3A_442, %parallel_loop3A_593 : i32
          %parallel_loop3A_595 = arith.constant 256 : i32
          %parallel_loop3A_596 = arith.addi %parallel_loop3A_595, %parallel_loop3A_594 : i32
          %parallel_loop3A_597 = arith.index_cast %parallel_loop3A_596 : i32 to index
          %parallel_loop3A_598 = tpu.vector_load %arg22[%parallel_loop3A_597] {strides = array<i32>} : memref<1024xf32, #tpu.memory_space<vmem>>, vector<16xf32>,
          tpu.vector_store %arg22[%parallel_loop3A_597], %parallel_loop3A_592 {strides = array<i32>} : memref<1024xf32, #tpu.memory_space<vmem>>, vector<16xf32>,
          %parallel_loop3A_599 = arith.constant -1.000000e+00 : f32
          %parallel_loop3A_600 = vector.broadcast %parallel_loop3A_599 : f32 to vector<16xf32>
          %parallel_loop3A_601 = arith.select %parallel_loop3A_451, %parallel_loop3A_495, %parallel_loop3A_600 : vector<16xi1>, vector<16xf32>
          %parallel_loop3A_602 = arith.constant 16 : i32
          %parallel_loop3A_603 = arith.muli %parallel_loop3A_442, %parallel_loop3A_602 : i32
          %parallel_loop3A_604 = arith.constant 512 : i32
          %parallel_loop3A_605 = arith.addi %parallel_loop3A_604, %parallel_loop3A_603 : i32
          %parallel_loop3A_606 = arith.index_cast %parallel_loop3A_605 : i32 to index
          %parallel_loop3A_607 = tpu.vector_load %arg22[%parallel_loop3A_606] {strides = array<i32>} : memref<1024xf32, #tpu.memory_space<vmem>>, vector<16xf32>,
          tpu.vector_store %arg22[%parallel_loop3A_606], %parallel_loop3A_601 {strides = array<i32>} : memref<1024xf32, #tpu.memory_space<vmem>>, vector<16xf32>,
          %parallel_loop3A_608 = arith.constant -1.000000e+00 : f32
          %parallel_loop3A_609 = vector.broadcast %parallel_loop3A_608 : f32 to vector<16xf32>
          %parallel_loop3A_610 = arith.select %parallel_loop3A_451, %parallel_loop3A_496, %parallel_loop3A_609 : vector<16xi1>, vector<16xf32>
          %parallel_loop3A_611 = arith.constant 16 : i32
          %parallel_loop3A_612 = arith.muli %parallel_loop3A_442, %parallel_loop3A_611 : i32
          %parallel_loop3A_613 = arith.constant 768 : i32
          %parallel_loop3A_614 = arith.addi %parallel_loop3A_613, %parallel_loop3A_612 : i32
          %parallel_loop3A_615 = arith.index_cast %parallel_loop3A_614 : i32 to index
          %parallel_loop3A_616 = tpu.vector_load %arg22[%parallel_loop3A_615] {strides = array<i32>} : memref<1024xf32, #tpu.memory_space<vmem>>, vector<16xf32>,
          tpu.vector_store %arg22[%parallel_loop3A_615], %parallel_loop3A_610 {strides = array<i32>} : memref<1024xf32, #tpu.memory_space<vmem>>, vector<16xf32>,
        } {sc.loop_unroll_factor = 1 : i64, sc.parallel_access}
        %mul3A_350 = arith.constant 5456 : i32
        %mul3A_351 = arith.muli %select_n3A, %mul3A_350 : i32
        %add3A_352 = arith.constant 0 : i32
        %add3A_353 = arith.addi %mul3A_351, %add3A_352 : i32
        %add3A_354 = arith.constant 4032 : i32
        %add3A_355 = arith.addi %add3A_353, %add3A_354 : i32
        "tpu.region"() ({
          %run_scoped3A = tpu.sem_alloc : memref<!tpu.dma_semaphore, #tpu.memory_space<semaphore_mem>>
          %dma_start3A = arith.constant 1344 : i32
          %dma_start3A_442 = tpu.memref_slice %arg15[%dma_start3A] : memref<1408xi32, #tpu.memory_space<vmem>> -> memref<64xi32, #tpu.memory_space<vmem>>
          %dma_start3A_443 = tpu.memref_slice %arg4[%add3A_355] : memref<43648xi32, #tpu.memory_space<hbm>> -> memref<64xi32, #tpu.memory_space<hbm>>
          %dma_start3A_444 = tpu.memref_slice %arg4[%add3A_355] : memref<43648xi32, #tpu.memory_space<hbm>> -> memref<64xi32, #tpu.memory_space<hbm>>
          %dma_start3A_445 = arith.constant 1344 : i32
          %dma_start3A_446 = tpu.memref_slice %arg15[%dma_start3A_445] : memref<1408xi32, #tpu.memory_space<vmem>> -> memref<64xi32, #tpu.memory_space<vmem>>
          tpu.enqueue_dma source(%dma_start3A_446 : memref<64xi32, #tpu.memory_space<vmem>>) target(%dma_start3A_444 : memref<64xi32, #tpu.memory_space<hbm>>) target_semaphore(%run_scoped3A : memref<!tpu.dma_semaphore, #tpu.memory_space<semaphore_mem>>)
          %dma_wait3A = arith.constant 1344 : i32
          %dma_wait3A_447 = tpu.memref_slice %arg15[%dma_wait3A] : memref<1408xi32, #tpu.memory_space<vmem>> -> memref<64xi32, #tpu.memory_space<vmem>>
          %dma_wait3A_448 = tpu.memref_slice %arg4[%add3A_355] : memref<43648xi32, #tpu.memory_space<hbm>> -> memref<64xi32, #tpu.memory_space<hbm>>
          %dma_wait3A_449 = tpu.memref_slice %arg4[%add3A_355] : memref<43648xi32, #tpu.memory_space<hbm>> -> memref<64xi32, #tpu.memory_space<hbm>>
          %dma_wait3A_450 = arith.constant 1344 : i32
          %dma_wait3A_451 = tpu.memref_slice %arg15[%dma_wait3A_450] : memref<1408xi32, #tpu.memory_space<vmem>> -> memref<64xi32, #tpu.memory_space<vmem>>
          tpu.wait_dma2 semaphore(%run_scoped3A : memref<!tpu.dma_semaphore, #tpu.memory_space<semaphore_mem>>) src(%dma_wait3A_451 : memref<64xi32, #tpu.memory_space<vmem>>) dst(%dma_wait3A_449 : memref<64xi32, #tpu.memory_space<hbm>>)
          tpu.yield
        }) : () -> ()
        "tpu.region"() ({
          %run_scoped3A = tpu.sem_alloc : memref<!tpu.dma_semaphore, #tpu.memory_space<semaphore_mem>>
          %dma_start3A = arith.constant 1344 : i32
          %dma_start3A_442 = tpu.memref_slice %arg10[%dma_start3A] : memref<1408xf32, #tpu.memory_space<vmem>> -> memref<64xf32, #tpu.memory_space<vmem>>
          %dma_start3A_443 = tpu.memref_slice %arg5[%add3A_355] : memref<43648xf32, #tpu.memory_space<hbm>> -> memref<64xf32, #tpu.memory_space<hbm>>
          %dma_start3A_444 = tpu.memref_slice %arg5[%add3A_355] : memref<43648xf32, #tpu.memory_space<hbm>> -> memref<64xf32, #tpu.memory_space<hbm>>
          %dma_start3A_445 = arith.constant 1344 : i32
          %dma_start3A_446 = tpu.memref_slice %arg10[%dma_start3A_445] : memref<1408xf32, #tpu.memory_space<vmem>> -> memref<64xf32, #tpu.memory_space<vmem>>
          tpu.enqueue_dma source(%dma_start3A_446 : memref<64xf32, #tpu.memory_space<vmem>>) target(%dma_start3A_444 : memref<64xf32, #tpu.memory_space<hbm>>) target_semaphore(%run_scoped3A : memref<!tpu.dma_semaphore, #tpu.memory_space<semaphore_mem>>)
          %dma_wait3A = arith.constant 1344 : i32
          %dma_wait3A_447 = tpu.memref_slice %arg10[%dma_wait3A] : memref<1408xf32, #tpu.memory_space<vmem>> -> memref<64xf32, #tpu.memory_space<vmem>>
          %dma_wait3A_448 = tpu.memref_slice %arg5[%add3A_355] : memref<43648xf32, #tpu.memory_space<hbm>> -> memref<64xf32, #tpu.memory_space<hbm>>
          %dma_wait3A_449 = tpu.memref_slice %arg5[%add3A_355] : memref<43648xf32, #tpu.memory_space<hbm>> -> memref<64xf32, #tpu.memory_space<hbm>>
          %dma_wait3A_450 = arith.constant 1344 : i32
          %dma_wait3A_451 = tpu.memref_slice %arg10[%dma_wait3A_450] : memref<1408xf32, #tpu.memory_space<vmem>> -> memref<64xf32, #tpu.memory_space<vmem>>
          tpu.wait_dma2 semaphore(%run_scoped3A : memref<!tpu.dma_semaphore, #tpu.memory_space<semaphore_mem>>) src(%dma_wait3A_451 : memref<64xf32, #tpu.memory_space<vmem>>) dst(%dma_wait3A_449 : memref<64xf32, #tpu.memory_space<hbm>>)
          tpu.yield
        }) : () -> ()
        %mul3A_356 = arith.constant 4 : i32
        %mul3A_357 = arith.muli %select_n3A, %mul3A_356 : i32
        %add3A_358 = arith.constant 0 : i32
        %add3A_359 = arith.addi %mul3A_357, %add3A_358 : i32
        %mul3A_360 = arith.constant 5456 : i32
        %mul3A_361 = arith.muli %add3A_359, %mul3A_360 : i32
        %add3A_362 = arith.constant 0 : i32
        %add3A_363 = arith.addi %mul3A_361, %add3A_362 : i32
        %add3A_364 = arith.constant 4032 : i32
        %add3A_365 = arith.addi %add3A_363, %add3A_364 : i32
        "tpu.region"() ({
          %run_scoped3A = tpu.sem_alloc : memref<!tpu.dma_semaphore, #tpu.memory_space<semaphore_mem>>
          %dma_start3A = arith.constant 1344 : i32
          %dma_start3A_442 = tpu.memref_slice %arg20[%dma_start3A] : memref<5632xf32, #tpu.memory_space<vmem>> -> memref<64xf32, #tpu.memory_space<vmem>>
          %dma_start3A_443 = tpu.memref_slice %arg6[%add3A_365] : memref<174592xf32, #tpu.memory_space<hbm>> -> memref<64xf32, #tpu.memory_space<hbm>>
          %dma_start3A_444 = tpu.memref_slice %arg6[%add3A_365] : memref<174592xf32, #tpu.memory_space<hbm>> -> memref<64xf32, #tpu.memory_space<hbm>>
          %dma_start3A_445 = arith.constant 1344 : i32
          %dma_start3A_446 = tpu.memref_slice %arg20[%dma_start3A_445] : memref<5632xf32, #tpu.memory_space<vmem>> -> memref<64xf32, #tpu.memory_space<vmem>>
          tpu.enqueue_dma source(%dma_start3A_446 : memref<64xf32, #tpu.memory_space<vmem>>) target(%dma_start3A_444 : memref<64xf32, #tpu.memory_space<hbm>>) target_semaphore(%run_scoped3A : memref<!tpu.dma_semaphore, #tpu.memory_space<semaphore_mem>>)
          %dma_wait3A = arith.constant 1344 : i32
          %dma_wait3A_447 = tpu.memref_slice %arg20[%dma_wait3A] : memref<5632xf32, #tpu.memory_space<vmem>> -> memref<64xf32, #tpu.memory_space<vmem>>
          %dma_wait3A_448 = tpu.memref_slice %arg6[%add3A_365] : memref<174592xf32, #tpu.memory_space<hbm>> -> memref<64xf32, #tpu.memory_space<hbm>>
          %dma_wait3A_449 = tpu.memref_slice %arg6[%add3A_365] : memref<174592xf32, #tpu.memory_space<hbm>> -> memref<64xf32, #tpu.memory_space<hbm>>
          %dma_wait3A_450 = arith.constant 1344 : i32
          %dma_wait3A_451 = tpu.memref_slice %arg20[%dma_wait3A_450] : memref<5632xf32, #tpu.memory_space<vmem>> -> memref<64xf32, #tpu.memory_space<vmem>>
          tpu.wait_dma2 semaphore(%run_scoped3A : memref<!tpu.dma_semaphore, #tpu.memory_space<semaphore_mem>>) src(%dma_wait3A_451 : memref<64xf32, #tpu.memory_space<vmem>>) dst(%dma_wait3A_449 : memref<64xf32, #tpu.memory_space<hbm>>)
          tpu.yield
        }) : () -> ()
        %mul3A_366 = arith.constant 4 : i32
        %mul3A_367 = arith.muli %select_n3A, %mul3A_366 : i32
        %add3A_368 = arith.constant 1 : i32
        %add3A_369 = arith.addi %mul3A_367, %add3A_368 : i32
        %mul3A_370 = arith.constant 5456 : i32
        %mul3A_371 = arith.muli %add3A_369, %mul3A_370 : i32
        %add3A_372 = arith.constant 0 : i32
        %add3A_373 = arith.addi %mul3A_371, %add3A_372 : i32
        %add3A_374 = arith.constant 4032 : i32
        %add3A_375 = arith.addi %add3A_373, %add3A_374 : i32
        "tpu.region"() ({
          %run_scoped3A = tpu.sem_alloc : memref<!tpu.dma_semaphore, #tpu.memory_space<semaphore_mem>>
          %dma_start3A = arith.constant 2752 : i32
          %dma_start3A_442 = tpu.memref_slice %arg20[%dma_start3A] : memref<5632xf32, #tpu.memory_space<vmem>> -> memref<64xf32, #tpu.memory_space<vmem>>
          %dma_start3A_443 = tpu.memref_slice %arg6[%add3A_375] : memref<174592xf32, #tpu.memory_space<hbm>> -> memref<64xf32, #tpu.memory_space<hbm>>
          %dma_start3A_444 = tpu.memref_slice %arg6[%add3A_375] : memref<174592xf32, #tpu.memory_space<hbm>> -> memref<64xf32, #tpu.memory_space<hbm>>
          %dma_start3A_445 = arith.constant 2752 : i32
          %dma_start3A_446 = tpu.memref_slice %arg20[%dma_start3A_445] : memref<5632xf32, #tpu.memory_space<vmem>> -> memref<64xf32, #tpu.memory_space<vmem>>
          tpu.enqueue_dma source(%dma_start3A_446 : memref<64xf32, #tpu.memory_space<vmem>>) target(%dma_start3A_444 : memref<64xf32, #tpu.memory_space<hbm>>) target_semaphore(%run_scoped3A : memref<!tpu.dma_semaphore, #tpu.memory_space<semaphore_mem>>)
          %dma_wait3A = arith.constant 2752 : i32
          %dma_wait3A_447 = tpu.memref_slice %arg20[%dma_wait3A] : memref<5632xf32, #tpu.memory_space<vmem>> -> memref<64xf32, #tpu.memory_space<vmem>>
          %dma_wait3A_448 = tpu.memref_slice %arg6[%add3A_375] : memref<174592xf32, #tpu.memory_space<hbm>> -> memref<64xf32, #tpu.memory_space<hbm>>
          %dma_wait3A_449 = tpu.memref_slice %arg6[%add3A_375] : memref<174592xf32, #tpu.memory_space<hbm>> -> memref<64xf32, #tpu.memory_space<hbm>>
          %dma_wait3A_450 = arith.constant 2752 : i32
          %dma_wait3A_451 = tpu.memref_slice %arg20[%dma_wait3A_450] : memref<5632xf32, #tpu.memory_space<vmem>> -> memref<64xf32, #tpu.memory_space<vmem>>
          tpu.wait_dma2 semaphore(%run_scoped3A : memref<!tpu.dma_semaphore, #tpu.memory_space<semaphore_mem>>) src(%dma_wait3A_451 : memref<64xf32, #tpu.memory_space<vmem>>) dst(%dma_wait3A_449 : memref<64xf32, #tpu.memory_space<hbm>>)
          tpu.yield
        }) : () -> ()
        %mul3A_376 = arith.constant 4 : i32
        %mul3A_377 = arith.muli %select_n3A, %mul3A_376 : i32
        %add3A_378 = arith.constant 2 : i32
        %add3A_379 = arith.addi %mul3A_377, %add3A_378 : i32
        %mul3A_380 = arith.constant 5456 : i32
        %mul3A_381 = arith.muli %add3A_379, %mul3A_380 : i32
        %add3A_382 = arith.constant 0 : i32
        %add3A_383 = arith.addi %mul3A_381, %add3A_382 : i32
        %add3A_384 = arith.constant 4032 : i32
        %add3A_385 = arith.addi %add3A_383, %add3A_384 : i32
        "tpu.region"() ({
          %run_scoped3A = tpu.sem_alloc : memref<!tpu.dma_semaphore, #tpu.memory_space<semaphore_mem>>
          %dma_start3A = arith.constant 4160 : i32
          %dma_start3A_442 = tpu.memref_slice %arg20[%dma_start3A] : memref<5632xf32, #tpu.memory_space<vmem>> -> memref<64xf32, #tpu.memory_space<vmem>>
          %dma_start3A_443 = tpu.memref_slice %arg6[%add3A_385] : memref<174592xf32, #tpu.memory_space<hbm>> -> memref<64xf32, #tpu.memory_space<hbm>>
          %dma_start3A_444 = tpu.memref_slice %arg6[%add3A_385] : memref<174592xf32, #tpu.memory_space<hbm>> -> memref<64xf32, #tpu.memory_space<hbm>>
          %dma_start3A_445 = arith.constant 4160 : i32
          %dma_start3A_446 = tpu.memref_slice %arg20[%dma_start3A_445] : memref<5632xf32, #tpu.memory_space<vmem>> -> memref<64xf32, #tpu.memory_space<vmem>>
          tpu.enqueue_dma source(%dma_start3A_446 : memref<64xf32, #tpu.memory_space<vmem>>) target(%dma_start3A_444 : memref<64xf32, #tpu.memory_space<hbm>>) target_semaphore(%run_scoped3A : memref<!tpu.dma_semaphore, #tpu.memory_space<semaphore_mem>>)
          %dma_wait3A = arith.constant 4160 : i32
          %dma_wait3A_447 = tpu.memref_slice %arg20[%dma_wait3A] : memref<5632xf32, #tpu.memory_space<vmem>> -> memref<64xf32, #tpu.memory_space<vmem>>
          %dma_wait3A_448 = tpu.memref_slice %arg6[%add3A_385] : memref<174592xf32, #tpu.memory_space<hbm>> -> memref<64xf32, #tpu.memory_space<hbm>>
          %dma_wait3A_449 = tpu.memref_slice %arg6[%add3A_385] : memref<174592xf32, #tpu.memory_space<hbm>> -> memref<64xf32, #tpu.memory_space<hbm>>
          %dma_wait3A_450 = arith.constant 4160 : i32
          %dma_wait3A_451 = tpu.memref_slice %arg20[%dma_wait3A_450] : memref<5632xf32, #tpu.memory_space<vmem>> -> memref<64xf32, #tpu.memory_space<vmem>>
          tpu.wait_dma2 semaphore(%run_scoped3A : memref<!tpu.dma_semaphore, #tpu.memory_space<semaphore_mem>>) src(%dma_wait3A_451 : memref<64xf32, #tpu.memory_space<vmem>>) dst(%dma_wait3A_449 : memref<64xf32, #tpu.memory_space<hbm>>)
          tpu.yield
        }) : () -> ()
        %mul3A_386 = arith.constant 4 : i32
        %mul3A_387 = arith.muli %select_n3A, %mul3A_386 : i32
        %add3A_388 = arith.constant 3 : i32
        %add3A_389 = arith.addi %mul3A_387, %add3A_388 : i32
        %mul3A_390 = arith.constant 5456 : i32
        %mul3A_391 = arith.muli %add3A_389, %mul3A_390 : i32
        %add3A_392 = arith.constant 0 : i32
        %add3A_393 = arith.addi %mul3A_391, %add3A_392 : i32
        %add3A_394 = arith.constant 4032 : i32
        %add3A_395 = arith.addi %add3A_393, %add3A_394 : i32
        "tpu.region"() ({
          %run_scoped3A = tpu.sem_alloc : memref<!tpu.dma_semaphore, #tpu.memory_space<semaphore_mem>>
          %dma_start3A = arith.constant 5568 : i32
          %dma_start3A_442 = tpu.memref_slice %arg20[%dma_start3A] : memref<5632xf32, #tpu.memory_space<vmem>> -> memref<64xf32, #tpu.memory_space<vmem>>
          %dma_start3A_443 = tpu.memref_slice %arg6[%add3A_395] : memref<174592xf32, #tpu.memory_space<hbm>> -> memref<64xf32, #tpu.memory_space<hbm>>
          %dma_start3A_444 = tpu.memref_slice %arg6[%add3A_395] : memref<174592xf32, #tpu.memory_space<hbm>> -> memref<64xf32, #tpu.memory_space<hbm>>
          %dma_start3A_445 = arith.constant 5568 : i32
          %dma_start3A_446 = tpu.memref_slice %arg20[%dma_start3A_445] : memref<5632xf32, #tpu.memory_space<vmem>> -> memref<64xf32, #tpu.memory_space<vmem>>
          tpu.enqueue_dma source(%dma_start3A_446 : memref<64xf32, #tpu.memory_space<vmem>>) target(%dma_start3A_444 : memref<64xf32, #tpu.memory_space<hbm>>) target_semaphore(%run_scoped3A : memref<!tpu.dma_semaphore, #tpu.memory_space<semaphore_mem>>)
          %dma_wait3A = arith.constant 5568 : i32
          %dma_wait3A_447 = tpu.memref_slice %arg20[%dma_wait3A] : memref<5632xf32, #tpu.memory_space<vmem>> -> memref<64xf32, #tpu.memory_space<vmem>>
          %dma_wait3A_448 = tpu.memref_slice %arg6[%add3A_395] : memref<174592xf32, #tpu.memory_space<hbm>> -> memref<64xf32, #tpu.memory_space<hbm>>
          %dma_wait3A_449 = tpu.memref_slice %arg6[%add3A_395] : memref<174592xf32, #tpu.memory_space<hbm>> -> memref<64xf32, #tpu.memory_space<hbm>>
          %dma_wait3A_450 = arith.constant 5568 : i32
          %dma_wait3A_451 = tpu.memref_slice %arg20[%dma_wait3A_450] : memref<5632xf32, #tpu.memory_space<vmem>> -> memref<64xf32, #tpu.memory_space<vmem>>
          tpu.wait_dma2 semaphore(%run_scoped3A : memref<!tpu.dma_semaphore, #tpu.memory_space<semaphore_mem>>) src(%dma_wait3A_451 : memref<64xf32, #tpu.memory_space<vmem>>) dst(%dma_wait3A_449 : memref<64xf32, #tpu.memory_space<hbm>>)
          tpu.yield
        }) : () -> ()
        %mul3A_396 = arith.constant 5456 : i32
        %mul3A_397 = arith.muli %select_n3A, %mul3A_396 : i32
        %add3A_398 = arith.constant 5120 : i32
        %add3A_399 = arith.addi %mul3A_397, %add3A_398 : i32
        %add3A_400 = arith.constant 0 : i32
        %add3A_401 = arith.addi %add3A_399, %add3A_400 : i32
        "tpu.region"() ({
          %run_scoped3A = tpu.sem_alloc : memref<!tpu.dma_semaphore, #tpu.memory_space<semaphore_mem>>
          %dma_start3A = arith.constant 0 : i32
          %dma_start3A_442 = tpu.memref_slice %arg17[%dma_start3A] : memref<256xi32, #tpu.memory_space<vmem>> -> memref<256xi32, #tpu.memory_space<vmem>>
          %dma_start3A_443 = tpu.memref_slice %arg4[%add3A_401] : memref<43648xi32, #tpu.memory_space<hbm>> -> memref<256xi32, #tpu.memory_space<hbm>>
          %dma_start3A_444 = tpu.memref_slice %arg4[%add3A_401] : memref<43648xi32, #tpu.memory_space<hbm>> -> memref<256xi32, #tpu.memory_space<hbm>>
          %dma_start3A_445 = arith.constant 0 : i32
          %dma_start3A_446 = tpu.memref_slice %arg17[%dma_start3A_445] : memref<256xi32, #tpu.memory_space<vmem>> -> memref<256xi32, #tpu.memory_space<vmem>>
          tpu.enqueue_dma source(%dma_start3A_446 : memref<256xi32, #tpu.memory_space<vmem>>) target(%dma_start3A_444 : memref<256xi32, #tpu.memory_space<hbm>>) target_semaphore(%run_scoped3A : memref<!tpu.dma_semaphore, #tpu.memory_space<semaphore_mem>>)
          %dma_wait3A = arith.constant 0 : i32
          %dma_wait3A_447 = tpu.memref_slice %arg17[%dma_wait3A] : memref<256xi32, #tpu.memory_space<vmem>> -> memref<256xi32, #tpu.memory_space<vmem>>
          %dma_wait3A_448 = tpu.memref_slice %arg4[%add3A_401] : memref<43648xi32, #tpu.memory_space<hbm>> -> memref<256xi32, #tpu.memory_space<hbm>>
          %dma_wait3A_449 = tpu.memref_slice %arg4[%add3A_401] : memref<43648xi32, #tpu.memory_space<hbm>> -> memref<256xi32, #tpu.memory_space<hbm>>
          %dma_wait3A_450 = arith.constant 0 : i32
          %dma_wait3A_451 = tpu.memref_slice %arg17[%dma_wait3A_450] : memref<256xi32, #tpu.memory_space<vmem>> -> memref<256xi32, #tpu.memory_space<vmem>>
          tpu.wait_dma2 semaphore(%run_scoped3A : memref<!tpu.dma_semaphore, #tpu.memory_space<semaphore_mem>>) src(%dma_wait3A_451 : memref<256xi32, #tpu.memory_space<vmem>>) dst(%dma_wait3A_449 : memref<256xi32, #tpu.memory_space<hbm>>)
          tpu.yield
        }) : () -> ()
        "tpu.region"() ({
          %run_scoped3A = tpu.sem_alloc : memref<!tpu.dma_semaphore, #tpu.memory_space<semaphore_mem>>
          %dma_start3A = arith.constant 0 : i32
          %dma_start3A_442 = tpu.memref_slice %arg12[%dma_start3A] : memref<256xf32, #tpu.memory_space<vmem>> -> memref<256xf32, #tpu.memory_space<vmem>>
          %dma_start3A_443 = tpu.memref_slice %arg5[%add3A_401] : memref<43648xf32, #tpu.memory_space<hbm>> -> memref<256xf32, #tpu.memory_space<hbm>>
          %dma_start3A_444 = tpu.memref_slice %arg5[%add3A_401] : memref<43648xf32, #tpu.memory_space<hbm>> -> memref<256xf32, #tpu.memory_space<hbm>>
          %dma_start3A_445 = arith.constant 0 : i32
          %dma_start3A_446 = tpu.memref_slice %arg12[%dma_start3A_445] : memref<256xf32, #tpu.memory_space<vmem>> -> memref<256xf32, #tpu.memory_space<vmem>>
          tpu.enqueue_dma source(%dma_start3A_446 : memref<256xf32, #tpu.memory_space<vmem>>) target(%dma_start3A_444 : memref<256xf32, #tpu.memory_space<hbm>>) target_semaphore(%run_scoped3A : memref<!tpu.dma_semaphore, #tpu.memory_space<semaphore_mem>>)
          %dma_wait3A = arith.constant 0 : i32
          %dma_wait3A_447 = tpu.memref_slice %arg12[%dma_wait3A] : memref<256xf32, #tpu.memory_space<vmem>> -> memref<256xf32, #tpu.memory_space<vmem>>
          %dma_wait3A_448 = tpu.memref_slice %arg5[%add3A_401] : memref<43648xf32, #tpu.memory_space<hbm>> -> memref<256xf32, #tpu.memory_space<hbm>>
          %dma_wait3A_449 = tpu.memref_slice %arg5[%add3A_401] : memref<43648xf32, #tpu.memory_space<hbm>> -> memref<256xf32, #tpu.memory_space<hbm>>
          %dma_wait3A_450 = arith.constant 0 : i32
          %dma_wait3A_451 = tpu.memref_slice %arg12[%dma_wait3A_450] : memref<256xf32, #tpu.memory_space<vmem>> -> memref<256xf32, #tpu.memory_space<vmem>>
          tpu.wait_dma2 semaphore(%run_scoped3A : memref<!tpu.dma_semaphore, #tpu.memory_space<semaphore_mem>>) src(%dma_wait3A_451 : memref<256xf32, #tpu.memory_space<vmem>>) dst(%dma_wait3A_449 : memref<256xf32, #tpu.memory_space<hbm>>)
          tpu.yield
        }) : () -> ()
        %mul3A_402 = arith.constant 4 : i32
        %mul3A_403 = arith.muli %select_n3A, %mul3A_402 : i32
        %add3A_404 = arith.constant 0 : i32
        %add3A_405 = arith.addi %mul3A_403, %add3A_404 : i32
        %mul3A_406 = arith.constant 5456 : i32
        %mul3A_407 = arith.muli %add3A_405, %mul3A_406 : i32
        %add3A_408 = arith.constant 5120 : i32
        %add3A_409 = arith.addi %mul3A_407, %add3A_408 : i32
        %add3A_410 = arith.constant 0 : i32
        %add3A_411 = arith.addi %add3A_409, %add3A_410 : i32
        "tpu.region"() ({
          %run_scoped3A = tpu.sem_alloc : memref<!tpu.dma_semaphore, #tpu.memory_space<semaphore_mem>>
          %dma_start3A = arith.constant 0 : i32
          %dma_start3A_442 = tpu.memref_slice %arg22[%dma_start3A] : memref<1024xf32, #tpu.memory_space<vmem>> -> memref<256xf32, #tpu.memory_space<vmem>>
          %dma_start3A_443 = tpu.memref_slice %arg6[%add3A_411] : memref<174592xf32, #tpu.memory_space<hbm>> -> memref<256xf32, #tpu.memory_space<hbm>>
          %dma_start3A_444 = tpu.memref_slice %arg6[%add3A_411] : memref<174592xf32, #tpu.memory_space<hbm>> -> memref<256xf32, #tpu.memory_space<hbm>>
          %dma_start3A_445 = arith.constant 0 : i32
          %dma_start3A_446 = tpu.memref_slice %arg22[%dma_start3A_445] : memref<1024xf32, #tpu.memory_space<vmem>> -> memref<256xf32, #tpu.memory_space<vmem>>
          tpu.enqueue_dma source(%dma_start3A_446 : memref<256xf32, #tpu.memory_space<vmem>>) target(%dma_start3A_444 : memref<256xf32, #tpu.memory_space<hbm>>) target_semaphore(%run_scoped3A : memref<!tpu.dma_semaphore, #tpu.memory_space<semaphore_mem>>)
          %dma_wait3A = arith.constant 0 : i32
          %dma_wait3A_447 = tpu.memref_slice %arg22[%dma_wait3A] : memref<1024xf32, #tpu.memory_space<vmem>> -> memref<256xf32, #tpu.memory_space<vmem>>
          %dma_wait3A_448 = tpu.memref_slice %arg6[%add3A_411] : memref<174592xf32, #tpu.memory_space<hbm>> -> memref<256xf32, #tpu.memory_space<hbm>>
          %dma_wait3A_449 = tpu.memref_slice %arg6[%add3A_411] : memref<174592xf32, #tpu.memory_space<hbm>> -> memref<256xf32, #tpu.memory_space<hbm>>
          %dma_wait3A_450 = arith.constant 0 : i32
          %dma_wait3A_451 = tpu.memref_slice %arg22[%dma_wait3A_450] : memref<1024xf32, #tpu.memory_space<vmem>> -> memref<256xf32, #tpu.memory_space<vmem>>
          tpu.wait_dma2 semaphore(%run_scoped3A : memref<!tpu.dma_semaphore, #tpu.memory_space<semaphore_mem>>) src(%dma_wait3A_451 : memref<256xf32, #tpu.memory_space<vmem>>) dst(%dma_wait3A_449 : memref<256xf32, #tpu.memory_space<hbm>>)
          tpu.yield
        }) : () -> ()
        %mul3A_412 = arith.constant 4 : i32
        %mul3A_413 = arith.muli %select_n3A, %mul3A_412 : i32
        %add3A_414 = arith.constant 1 : i32
        %add3A_415 = arith.addi %mul3A_413, %add3A_414 : i32
        %mul3A_416 = arith.constant 5456 : i32
        %mul3A_417 = arith.muli %add3A_415, %mul3A_416 : i32
        %add3A_418 = arith.constant 5120 : i32
        %add3A_419 = arith.addi %mul3A_417, %add3A_418 : i32
        %add3A_420 = arith.constant 0 : i32
        %add3A_421 = arith.addi %add3A_419, %add3A_420 : i32
        "tpu.region"() ({
          %run_scoped3A = tpu.sem_alloc : memref<!tpu.dma_semaphore, #tpu.memory_space<semaphore_mem>>
          %dma_start3A = arith.constant 256 : i32
          %dma_start3A_442 = tpu.memref_slice %arg22[%dma_start3A] : memref<1024xf32, #tpu.memory_space<vmem>> -> memref<256xf32, #tpu.memory_space<vmem>>
          %dma_start3A_443 = tpu.memref_slice %arg6[%add3A_421] : memref<174592xf32, #tpu.memory_space<hbm>> -> memref<256xf32, #tpu.memory_space<hbm>>
          %dma_start3A_444 = tpu.memref_slice %arg6[%add3A_421] : memref<174592xf32, #tpu.memory_space<hbm>> -> memref<256xf32, #tpu.memory_space<hbm>>
          %dma_start3A_445 = arith.constant 256 : i32
          %dma_start3A_446 = tpu.memref_slice %arg22[%dma_start3A_445] : memref<1024xf32, #tpu.memory_space<vmem>> -> memref<256xf32, #tpu.memory_space<vmem>>
          tpu.enqueue_dma source(%dma_start3A_446 : memref<256xf32, #tpu.memory_space<vmem>>) target(%dma_start3A_444 : memref<256xf32, #tpu.memory_space<hbm>>) target_semaphore(%run_scoped3A : memref<!tpu.dma_semaphore, #tpu.memory_space<semaphore_mem>>)
          %dma_wait3A = arith.constant 256 : i32
          %dma_wait3A_447 = tpu.memref_slice %arg22[%dma_wait3A] : memref<1024xf32, #tpu.memory_space<vmem>> -> memref<256xf32, #tpu.memory_space<vmem>>
          %dma_wait3A_448 = tpu.memref_slice %arg6[%add3A_421] : memref<174592xf32, #tpu.memory_space<hbm>> -> memref<256xf32, #tpu.memory_space<hbm>>
          %dma_wait3A_449 = tpu.memref_slice %arg6[%add3A_421] : memref<174592xf32, #tpu.memory_space<hbm>> -> memref<256xf32, #tpu.memory_space<hbm>>
          %dma_wait3A_450 = arith.constant 256 : i32
          %dma_wait3A_451 = tpu.memref_slice %arg22[%dma_wait3A_450] : memref<1024xf32, #tpu.memory_space<vmem>> -> memref<256xf32, #tpu.memory_space<vmem>>
          tpu.wait_dma2 semaphore(%run_scoped3A : memref<!tpu.dma_semaphore, #tpu.memory_space<semaphore_mem>>) src(%dma_wait3A_451 : memref<256xf32, #tpu.memory_space<vmem>>) dst(%dma_wait3A_449 : memref<256xf32, #tpu.memory_space<hbm>>)
          tpu.yield
        }) : () -> ()
        %mul3A_422 = arith.constant 4 : i32
        %mul3A_423 = arith.muli %select_n3A, %mul3A_422 : i32
        %add3A_424 = arith.constant 2 : i32
        %add3A_425 = arith.addi %mul3A_423, %add3A_424 : i32
        %mul3A_426 = arith.constant 5456 : i32
        %mul3A_427 = arith.muli %add3A_425, %mul3A_426 : i32
        %add3A_428 = arith.constant 5120 : i32
        %add3A_429 = arith.addi %mul3A_427, %add3A_428 : i32
        %add3A_430 = arith.constant 0 : i32
        %add3A_431 = arith.addi %add3A_429, %add3A_430 : i32
        "tpu.region"() ({
          %run_scoped3A = tpu.sem_alloc : memref<!tpu.dma_semaphore, #tpu.memory_space<semaphore_mem>>
          %dma_start3A = arith.constant 512 : i32
          %dma_start3A_442 = tpu.memref_slice %arg22[%dma_start3A] : memref<1024xf32, #tpu.memory_space<vmem>> -> memref<256xf32, #tpu.memory_space<vmem>>
          %dma_start3A_443 = tpu.memref_slice %arg6[%add3A_431] : memref<174592xf32, #tpu.memory_space<hbm>> -> memref<256xf32, #tpu.memory_space<hbm>>
          %dma_start3A_444 = tpu.memref_slice %arg6[%add3A_431] : memref<174592xf32, #tpu.memory_space<hbm>> -> memref<256xf32, #tpu.memory_space<hbm>>
          %dma_start3A_445 = arith.constant 512 : i32
          %dma_start3A_446 = tpu.memref_slice %arg22[%dma_start3A_445] : memref<1024xf32, #tpu.memory_space<vmem>> -> memref<256xf32, #tpu.memory_space<vmem>>
          tpu.enqueue_dma source(%dma_start3A_446 : memref<256xf32, #tpu.memory_space<vmem>>) target(%dma_start3A_444 : memref<256xf32, #tpu.memory_space<hbm>>) target_semaphore(%run_scoped3A : memref<!tpu.dma_semaphore, #tpu.memory_space<semaphore_mem>>)
          %dma_wait3A = arith.constant 512 : i32
          %dma_wait3A_447 = tpu.memref_slice %arg22[%dma_wait3A] : memref<1024xf32, #tpu.memory_space<vmem>> -> memref<256xf32, #tpu.memory_space<vmem>>
          %dma_wait3A_448 = tpu.memref_slice %arg6[%add3A_431] : memref<174592xf32, #tpu.memory_space<hbm>> -> memref<256xf32, #tpu.memory_space<hbm>>
          %dma_wait3A_449 = tpu.memref_slice %arg6[%add3A_431] : memref<174592xf32, #tpu.memory_space<hbm>> -> memref<256xf32, #tpu.memory_space<hbm>>
          %dma_wait3A_450 = arith.constant 512 : i32
          %dma_wait3A_451 = tpu.memref_slice %arg22[%dma_wait3A_450] : memref<1024xf32, #tpu.memory_space<vmem>> -> memref<256xf32, #tpu.memory_space<vmem>>
          tpu.wait_dma2 semaphore(%run_scoped3A : memref<!tpu.dma_semaphore, #tpu.memory_space<semaphore_mem>>) src(%dma_wait3A_451 : memref<256xf32, #tpu.memory_space<vmem>>) dst(%dma_wait3A_449 : memref<256xf32, #tpu.memory_space<hbm>>)
          tpu.yield
        }) : () -> ()
        %mul3A_432 = arith.constant 4 : i32
        %mul3A_433 = arith.muli %select_n3A, %mul3A_432 : i32
        %add3A_434 = arith.constant 3 : i32
        %add3A_435 = arith.addi %mul3A_433, %add3A_434 : i32
        %mul3A_436 = arith.constant 5456 : i32
        %mul3A_437 = arith.muli %add3A_435, %mul3A_436 : i32
        %add3A_438 = arith.constant 5120 : i32
        %add3A_439 = arith.addi %mul3A_437, %add3A_438 : i32
        %add3A_440 = arith.constant 0 : i32
        %add3A_441 = arith.addi %add3A_439, %add3A_440 : i32
        "tpu.region"() ({
          %run_scoped3A = tpu.sem_alloc : memref<!tpu.dma_semaphore, #tpu.memory_space<semaphore_mem>>
          %dma_start3A = arith.constant 768 : i32
          %dma_start3A_442 = tpu.memref_slice %arg22[%dma_start3A] : memref<1024xf32, #tpu.memory_space<vmem>> -> memref<256xf32, #tpu.memory_space<vmem>>
          %dma_start3A_443 = tpu.memref_slice %arg6[%add3A_441] : memref<174592xf32, #tpu.memory_space<hbm>> -> memref<256xf32, #tpu.memory_space<hbm>>
          %dma_start3A_444 = tpu.memref_slice %arg6[%add3A_441] : memref<174592xf32, #tpu.memory_space<hbm>> -> memref<256xf32, #tpu.memory_space<hbm>>
          %dma_start3A_445 = arith.constant 768 : i32
          %dma_start3A_446 = tpu.memref_slice %arg22[%dma_start3A_445] : memref<1024xf32, #tpu.memory_space<vmem>> -> memref<256xf32, #tpu.memory_space<vmem>>
          tpu.enqueue_dma source(%dma_start3A_446 : memref<256xf32, #tpu.memory_space<vmem>>) target(%dma_start3A_444 : memref<256xf32, #tpu.memory_space<hbm>>) target_semaphore(%run_scoped3A : memref<!tpu.dma_semaphore, #tpu.memory_space<semaphore_mem>>)
          %dma_wait3A = arith.constant 768 : i32
          %dma_wait3A_447 = tpu.memref_slice %arg22[%dma_wait3A] : memref<1024xf32, #tpu.memory_space<vmem>> -> memref<256xf32, #tpu.memory_space<vmem>>
          %dma_wait3A_448 = tpu.memref_slice %arg6[%add3A_441] : memref<174592xf32, #tpu.memory_space<hbm>> -> memref<256xf32, #tpu.memory_space<hbm>>
          %dma_wait3A_449 = tpu.memref_slice %arg6[%add3A_441] : memref<174592xf32, #tpu.memory_space<hbm>> -> memref<256xf32, #tpu.memory_space<hbm>>
          %dma_wait3A_450 = arith.constant 768 : i32
          %dma_wait3A_451 = tpu.memref_slice %arg22[%dma_wait3A_450] : memref<1024xf32, #tpu.memory_space<vmem>> -> memref<256xf32, #tpu.memory_space<vmem>>
          tpu.wait_dma2 semaphore(%run_scoped3A : memref<!tpu.dma_semaphore, #tpu.memory_space<semaphore_mem>>) src(%dma_wait3A_451 : memref<256xf32, #tpu.memory_space<vmem>>) dst(%dma_wait3A_449 : memref<256xf32, #tpu.memory_space<hbm>>)
          tpu.yield
        }) : () -> ()
      } else {
      }
    }
    return
  }
}

</mosaic_0001>

<sc_bundles>
// kernel: kernel.3.cloned.1.call-start
scs
__scs_entry_jumppad:
0x0: {  	(pc) =	sbr.rel $0x88, $3  }
0x1: {  	(tag) =	ssettag $0x0;
	lr =	simm.s32 $0x1  }
0x2: {  	[smem:$0x3F9F] =	sst lr;
	_ =	strace $0xD0000000  }
0x3: {  	_ = 	snop  }
0x4: {  	_ = 	snop  }
0x5: {  	_ = 	snop  }
0x6: {  	_ = 	snop  }
0x7: {  	_ = 	snop  }
__scs_overlays_trampoline_lowered:
0x8: {  	[smem:$0x3FAE] =	sst s0  }
0x9: {  	[smem:$0x3FAF] =	sst s1  }
0xa: {  	[smem:$0x3FB0] =	sst s2  }
0xb: {  	[smem:$0x3FB1] =	sst s3  }
0xc: {  	[smem:$0x3FB2] =	sst s4  }
0xd: {  	[smem:$0x3FB3] =	sst s5  }
0xe: {  	[smem:$0x3FB4] =	sst s6  }
0xf: {  	[smem:$0x3FB5] =	sst s7  }
0x10: {  	[smem:$0x3FB6] =	sst s8  }
0x11: {  	[smem:$0x3FB7] =	sst s9;
	s0 =	simm.s32 @!p0 $0x0  }
0x12: {  	s1 =	sld [smem:$0x3F9D];
	s0 =	simm.s32 @p0 $0x1  }
0x13: {  	[smem:$0x3FB8] =	sst s0;
	s0 =	simm.s32 @!p1 $0x0  }
0x14: {  	s2 =	sld [smem:$0x3F9C];
	s0 =	simm.s32 @p1 $0x1  }
0x15: {  	[smem:$0x3FB9] =	sst s0;
	s0 =	simm.s32 @!p2 $0x0  }
0x16: {  	s3 =	sld [smem:$0x3FDB];
	s0 =	simm.s32 @p2 $0x1  }
0x17: {  	s4 =	simm.s32 $0x1BF5;
	[smem:$0x3FBB] =	sst s0  }
0x18: {  	s0 =	sld [smem:$0x3F9E];
	_ =	swait.ge [sflag:s4], $0x0  }
0x19: {  	s7 =	sld [smem:$0x3F9F]  }
0x1a: {  	s8 =	sadd.s32 $0xFFFFE003, lr  }
0x1b: {  	s9 =	sadd.s32 $0xFFFFFEF7, lr;
	s5 =	simm.s32 $0xFFFFFFFF;
	p2 =	slt.u32 s8, $0xFFFFF086  }
0x1c: {  	p1 =	slt.u32 s9, $0xF7A;
	s5 =	simm.s32 @!p2 $0x0  }
0x1d: {  	s5 =	simm.s32 @p1 $0x1;
	p0 =	seq.s32 s7, s2  }
0x1e: {  	s7 =	smul.u32 @!p0 $0xF7A, s2;
	p2 =	seq.s32 @!p0 s5, $0x0  }
0x1f: {  	s9 =	smul.u32 $0xF7A, s1;
	s8 =	simm.s32 @!p0 $0x1BF5;
	p2 =	por !p2, p0  }
0x20: {  	[sflag:s8] =	ssyncset.s32 @!p0 $0xFFFFF086;
	s6 =	sadd.s32 @!p0 s3, s7;
	s7 =	simm.s32 @!p0 $0x108  }
0x21: {  	s3 =	sadd.s32 s3, s9;
	s6 =	sadd.s32 @!p0 $0x88, s6;
	s7 =	simm.s32 @p2 $0x1082  }
0x22: {  	[simem:s7], [sflag:s8] =	dma.local @!p0 [hbm:s6], $0xF7A  }
0x23: {  	s9 =	sor.u32 $0xD0000000, s2;
	s6 =	simm.s32 $0x108;
	_ =	swait.ge @!p0 [sflag:s8], $0x0  }
0x24: {  	s3 =	sadd.s32 $0x88, s3;
	s6 =	simm.s32 @!p1 $0x1082;
	[sflag:s4] =	ssyncset.s32 $0xFFFFF086  }
0x25: {  	[simem:s6], [sflag:s4] =	dma.local [hbm:s3], $0xF7A  }
0x26: {  	[smem:$0x3F9F] =	sst s1;
	(tag) =	ssettag s2;
	_ =	strace s9  }
0x27: {  	s1 =	sld [smem:$0x3FAF]  }
0x28: {  	s2 =	sld [smem:$0x3FB0]  }
0x29: {  	s4 =	sld [smem:$0x3FB2]  }
0x2a: {  	p0 =	seq.s32 s5, $0x0;
	s5 =	sld [smem:$0x3FB3]  }
0x2b: {  	s6 =	sld [smem:$0x3FB4]  }
0x2c: {  	s7 =	sld [smem:$0x3FB5]  }
0x2d: {  	s3 =	simm.s32 $0x108;
	s8 =	sld [smem:$0x3FB6]  }
0x2e: {  	s3 =	simm.s32 @!p0 $0x1082;
	s9 =	sld [smem:$0x3FB7]  }
0x2f: {  	lr =	sadd.s32 s0, s3;
	s0 =	sld [smem:$0x3FAE]  }
0x30: {  	s3 =	sld [smem:$0x3FB1]  }
0x31: {  	[smem:$0x3FBA] =	sst s10  }
0x32: {  	s10 =	sld [smem:$0x3FB8];
	_ =	sdelay $0x3  }
0x33: {  	p0 =	seq.s32 s10, $0x1;
	s10 =	sld [smem:$0x3FBA];
	_ =	sdelay $0x3  }
0x34: {  	[smem:$0x3FBA] =	sst s10  }
0x35: {  	s10 =	sld [smem:$0x3FB9];
	_ =	sdelay $0x3  }
0x36: {  	p1 =	seq.s32 s10, $0x1;
	s10 =	sld [smem:$0x3FBA];
	_ =	sdelay $0x3  }
0x37: {  	[smem:$0x3FBA] =	sst s10  }
0x38: {  	s10 =	sld [smem:$0x3FBB]  }
0x39: {  	_ = 	snop;
	(pc) =	sbr.ind lr, $3  }
0x3a: {  	_ = 	snop  }
0x3b: {  	_ = 	snop  }
0x3c: {  	p2 =	seq.s32 s10, $0x1;
	s10 =	sld [smem:$0x3FBA]  }
0x3d: {  	_ =	shalt  }
0x3e: {  	_ =	shalt  }
0x3f: {  	_ =	shalt  }
0x40: {  	_ =	shalt  }
0x41: {  	_ =	shalt  }
0x42: {  	_ =	shalt  }
0x43: {  	_ =	shalt  }
0x44: {  	_ =	shalt  }
0x45: {  	_ =	shalt  }
0x46: {  	_ =	shalt  }
0x47: {  	_ =	shalt  }
0x48: {  	_ =	shalt  }
0x49: {  	_ =	shalt  }
0x4a: {  	_ =	shalt  }
0x4b: {  	_ =	shalt  }
0x4c: {  	_ =	shalt  }
0x4d: {  	_ =	shalt  }
0x4e: {  	_ =	shalt  }
0x4f: {  	_ =	shalt  }
0x50: {  	_ =	shalt  }
0x51: {  	_ =	shalt  }
0x52: {  	_ =	shalt  }
0x53: {  	_ =	shalt  }
0x54: {  	_ =	shalt  }
0x55: {  	_ =	shalt  }
0x56: {  	_ =	shalt  }
0x57: {  	_ =	shalt  }
0x58: {  	_ =	shalt  }
0x59: {  	_ =	shalt  }
0x5a: {  	_ =	shalt  }
0x5b: {  	_ =	shalt  }
0x5c: {  	_ =	shalt  }
0x5d: {  	_ =	shalt  }
0x5e: {  	_ =	shalt  }
0x5f: {  	_ =	shalt  }
0x60: {  	_ =	shalt  }
0x61: {  	_ =	shalt  }
0x62: {  	_ =	shalt  }
0x63: {  	_ =	shalt  }
0x64: {  	_ =	shalt  }
0x65: {  	_ =	shalt  }
0x66: {  	_ =	shalt  }
0x67: {  	_ =	shalt  }
0x68: {  	_ =	shalt  }
0x69: {  	_ =	shalt  }
0x6a: {  	_ =	shalt  }
0x6b: {  	_ =	shalt  }
0x6c: {  	_ =	shalt  }
0x6d: {  	_ =	shalt  }
0x6e: {  	_ =	shalt  }
0x6f: {  	_ =	shalt  }
0x70: {  	_ =	shalt  }
0x71: {  	_ =	shalt  }
0x72: {  	_ =	shalt  }
0x73: {  	_ =	shalt  }
0x74: {  	_ =	shalt  }
0x75: {  	_ =	shalt  }
0x76: {  	_ =	shalt  }
0x77: {  	_ =	shalt  }
0x78: {  	_ =	shalt  }
0x79: {  	_ =	shalt  }
0x7a: {  	_ =	shalt  }
0x7b: {  	_ =	shalt  }
0x7c: {  	_ =	shalt  }
0x7d: {  	_ =	shalt  }
0x7e: {  	_ =	shalt  }
0x7f: {  	_ =	shalt  }
0x80: {  	_ =	shalt  }
0x81: {  	_ =	shalt  }
0x82: {  	_ =	shalt  }
0x83: {  	_ =	shalt  }
0x84: {  	_ =	shalt  }
0x85: {  	_ =	shalt  }
0x86: {  	_ =	shalt  }
0x87: {  	_ =	shalt  }
.Lfunc_end0:
.L_simem_size_0:
called_computation_lowered:
.L_overlay_start_0:
0x88: {  	s2 =	sld [smem:$0x3FD9]  }
0x89: {  	s3 =	sld [smem:$0x3FFE];
	_ =	sdelay $0x1  }
0x8a: {  	s1 =	srdreg.scid  }
0x8b: {  	s0 =	sand.u32 $0x1, s1  }
0x8c: {  	s14 =	sshll.u32 s0, $0xA;
	s2 =	sadd.s32 s3, s2  }
0x8d: {  	s2 =	sadd.s32 s2, s14  }
0x8e: {  	[smem:$0x3FC6] =	sst s2  }
0x8f: {  	_ = 	snop  }
0x90: {  	s2 =	sld [smem:$0x3FD0];
	_ =	sdelay $0x2  }
0x91: {  	s15 =	simm.s32 $0xA;
	s4 =	simm.s32 $0x10  }
0x92: {  	[smem:s4], [sflag:s15] =	dma.local [hbm:s2], $0x1  }
0x93: {  	_ =	swait.eq [sflag:s15], $0x1  }
0x94: {  	s16 =	sld [smem:$0x10];
	[sflag:s15] =	ssyncset.done $0x0  }
0x95: {  	s17 =	sld [smem:$0x11];
	[sflag:s15] =	ssyncadd.s32 $0xFFFFFFFF  }
0x96: {  	s18 =	sld [smem:$0x12];
	(tm) =	ssettm $0x1  }
0x97: {  	s5 =	sld [smem:$0x3FFB];
	_ =	sdelay $0x3  }
0x98: {  	_ =	strace s5  }
0x99: {  	s5 =	sld [smem:$0x3FFC];
	_ =	sdelay $0x3  }
0x9a: {  	_ =	strace s5  }
0x9b: {  	s5 =	sld [smem:$0x3FFD];
	_ =	sdelay $0x3  }
0x9c: {  	_ =	strace s5  }
0x9d: {  	_ =	strace $0x8FFFFFFF  }
0x9e: {  	s19 =	sld [smem:$0x3FDB];
	_ =	sdelay $0x1  }
0x9f: {  	s6 =	simm.s32 $_scs_section_size  }
0xa0: {  	s7 =	simm.s32 $_size__tile_overlayer_lowered;
	s8 =	simm.s32 $_tile_overlayer_lowered  }
0xa1: {  	s22 =	simm.s32 $0x1BFF;
	s21 =	sshll.u32 s8, $0x1;
	s5 =	sadd.s32 s6, s19  }
0xa2: {  	s9 =	simm.s32 $0x0;
	s20 =	sshll.u32 s7, $0x1;
	s7 =	sadd.s32 s21, s5  }
0xa3: {  	[timem:s9], [sflag:s22] =	dma.local [hbm:s7], s20  }
0xa4: {  	_ =	swait.ge [sflag:s22], s20  }
0xa5: {  	s6 =	ssub.s32 $0x0, s20;
	[sflag:s22] =	ssyncset.done $0x0  }
0xa6: {  	[sflag:s22] =	ssyncadd.s32 s6;
	_ =	sdelay $0x1  }
0xa7: {  	s23 =	simm.s32 $0x1B8B  }
0xa8: {  	_ =	swait.ge [sflag:s23], $0x1  }
0xa9: {  	[sflag:s23] =	ssyncset.done $0x0  }
0xaa: {  	s25 =	simm.s32 $0x1B8E;
	s24 =	sld [smem:$0x3FFE];
	[sflag:s23] =	ssyncadd.s32 $0xFFFFFFFF  }
0xab: {  	s26 =	simm.s32 $execute0_lowered;
	[smem:$0x3FD2] =	sst s25  }
0xac: {  	s7 =	sshll.u32 s26, $0x1;
	_ =	strace $0x80000046;
	[dreg:$0x1] =	wrdreg $0xFFFFFFFF  }
0xad: {  	s28 =	simm.s32 $_size_execute0_lowered;
	s5 =	sadd.s32 s5, s7;
	[dreg:$0x0] =	wrdreg $0x0  }
0xae: {  	s7 =	sshll.u32 s28, $0x1;
	[dreg:$0x2] =	wrdreg s5  }
0xaf: {  	[dreg:$0x3] =	wrdreg s7  }
0xb0: {  	[dreg:$0x4] =	wrdreg $0xC0  }
0xb1: {  	_ =	task [dreg:s9], $0x5FFFF  }
0xb2: {  	[dreg:$0x1] =	wrdreg $0xFFFFFFFF  }
0xb3: {  	[dreg:$0x0] =	wrdreg $0x60  }
0xb4: {  	[dreg:$0x2] =	wrdreg s16  }
0xb5: {  	[dreg:$0x3] =	wrdreg s24  }
0xb6: {  	[dreg:$0x4] =	wrdreg s17  }
0xb7: {  	[dreg:$0x5] =	wrdreg s18  }
0xb8: {  	[dreg:$0x6] =	wrdreg $0x9  }
0xb9: {  	_ =	task.clear_ibuf [dreg:s9], $0x7FFFF;
	_ =	strace $0x90000046  }
0xba: {  	s29 =	simm.s32 $0x9;
	_ =	strace $0x80000048  }
0xbb: {  	_ =	swait.ge [sflag:s29], $0x1  }
0xbc: {  	[sflag:s29] =	ssyncadd.s32 $0xFFFFFFFF  }
0xbd: {  	_ =	strace $0x90000048  }
0xbe: {  	_ =	sfence  }
0xbf: {  	s30 =	sld [smem:$0x0];
	_ =	sdelay $0x2  }
0xc0: {  	s31 =	sshll.u32 s1, $0xD;
	s1 =	sshrl.u32 s1, $0x2  }
0xc1: {  	s3 =	sand.u32 $0x4000, s31;
	s1 =	sadd.s32 s1, s30  }
0xc2: {  	s0 =	sor.u32 s3, s0;
	s1 =	sshll.u32 s1, $0x11  }
0xc3: {  	s0 =	sor.u32 s1, s0  }
0xc4: {  	s0 =	sadd.s32 $0x8F2B, s0  }
0xc5: {  	[sflag:s0] =	ssyncadd.remote.s32 $0x1  }
0xc6: {  	_ =	sfence.sel $0xFFFF  }
0xc7: {  	[dreg:$0x0] =	wrdreg $0xFFFFFFFF;
	(pc) =	sbr.abs _section_cstart, $3  }
0xc8: {  	[dreg:$0x1] =	wrdreg $0xFFFFFFFF  }
0xc9: {  	_ =	task.clear_ibuf [dreg:s9], $0x2FFFF;
	_ =	strace $0x9FFFFFFF  }
0xca: {  	(tm) =	ssettm $0x7FFFFFFF  }
0xcb: {  	_ =	shalt  }
tec
execute0_lowered:
.L_overlay_start_1:
0x0: {  	(tag) =	ssettag $0x1  }
0x1: {  	s3 =	rddreg [dreg:$0x0]  }
0x2: {  	s0 =	rddreg [dreg:$0x1]  }
0x3: {  	s1 =	rddreg [dreg:$0x2];
	s7 =	stileid.u32  }
0x4: {  	s6 =	rddreg [dreg:$0x3];
	s5 =	sshll.u32 s7, $0x1;
	s7 =	sshrl.u32 s7, $0x1  }
0x5: {  	s2 =	simm.s32 $0x0;
	s4 =	srdreg.scid;
	s8 =	smul.u32 $0xE, s7  }
0x6: {  	s4 =	sand.u32 $0x1, s4;
	[smem:$0x7FF] =	sst s2;
	s11 =	smul.u32 $0x1550, s7  }
0x7: {  	s5 =	sand.u32 $0x2, s5;
	_ =	strace $0x80000047;
	s12 =	smul.u32 $0x38, s7  }
0x8: {  	s14 =	smul.u32 $0x5540, s7;
	s5 =	sor.u32 s4, s5;
	s4 =	ssub.s32 $0x2, s4  }
0x9: {  	s9 =	smul.u32 $0x540, s5;
	s10 =	sadd.s32 s8, s0;
	s8 =	sadd.s32 $0xE00, s0  }
0xa: {  	s15 =	sshrl.u32 s4, $0x1;
	s3 =	sadd.s32 s3, s12;
	s20 =	sshrl.u32 s11, $0x3  }
0xb: {  	s22 =	sshrl.u32 s14, $0x3;
	s0 =	ssub.s32 s4, s15;
	s21 =	sadd.s32 $0x1F8, s20  }
0xc: {  	v0 =	vimm.f32 $4.800000000e+02;
	vm1 =	vcmask $0x300;
	s4 =	sadd.s32 $0xC00, s10;
	s29 =	sadd.s32 $0x280, s20;
	s23 =	sadd.s32 s1, s21  }
0xd: {  	vm2 =	vcmask $0x704;
	v0 =	vsel vm1, $0x42000000, v0;
	s30 =	sadd.s32 $0x200, s20;
	s10 =	sadd.s32 s8, s21;
	[dreg:$0x7] =	wrdreg s23  }
0xe: {  	vm3 =	vcmask $0xB08;
	v1 =	vsel vm2, $0x42C00000, v0;
	s13 =	sadd.s32 s11, s9;
	s31 =	sadd.s32 s1, s29;
	[dreg:$0x8] =	wrdreg s10  }
0xf: {  	vm13 =	vcmask $0xF0C;
	vm4 =	vcmask $0x1310;
	v2 =	vsel vm3, $0x43200000, v1;
	s9 =	sadd.s32 s14, s9;
	s14 =	sadd.s32 s8, s30;
	[dreg:$0xd] =	wrdreg s31  }
0x10: {  	vm5 =	vcmask $0x1714;
	vm6 =	vcmask $0x1B18;
	s17 =	smul.u32 $0x15, s5;
	v3 =	vsel vm13, $0x43600000, v2;
	s10 =	sadd.s32 s8, s29;
	[dreg:$0x10] =	wrdreg s14  }
0x11: {  	vm7 =	vcmask $0x2320;
	vm8 =	vcmask $0x2724;
	v4 =	vsel vm4, $0x43900000, v3;
	s16 =	sshrl.u32 s13, $0x3;
	s13 =	sadd.s32 s1, s30;
	[dreg:$0xe] =	wrdreg s10  }
0x12: {  	vm9 =	vcmask $0x2B28;
	p0 =	sne.s32 s5, $0x3;
	v3 =	vlaneseq.u32;
	v4 =	vsel vm5, $0x43B00000, v4;
	s18 =	sadd.s32 s1, s16;
	[dreg:$0xf] =	wrdreg s13  }
0x13: {  	vm12 =	vcmask $0x2F2C;
	s15 =	sadd.s32 $0x2A0, s20;
	v5 =	vand.u32 $0x3, v3;
	v6 =	vsel vm6, $0x43D00000, v4;
	s7 =	sadd.s32 s8, s16;
	[dreg:$0x5] =	wrdreg s18  }
0x14: {  	v7 =	vimm.f32 $-4.800000000e+02;
	s19 =	sshrl.u32 s9, $0x3;
	v4 =	vadd.s32 $0xFFFFFFFF, v5;
	v5 =	vsel vm7, $0x42000000, v6;
	s16 =	sadd.s32 s1, s15;
	[dreg:$0x6] =	wrdreg s7  }
0x15: {  	vm10 =	vcmask $0x3330;
	vm11 =	vcmask $0x3734;
	s9 =	sadd.s32 $0x2A8, s20;
	s10 =	sadd.s32 s8, s15;
	[dreg:$0x11] =	wrdreg s16;
	v5 =	vsel vm8, $0x42C00000, v5  }
0x16: {  	vm14 =	vcmask $0x3B38;
	v0 =	vmov s17;
	s1 =	sadd.s32 s1, s9;
	s17 =	sadd.s32 s8, s9;
	[dreg:$0x12] =	wrdreg s10;
	v5 =	vsel vm9, $0x43200000, v5  }
0x17: {  	v9 =	vimm.f32 $-4.960000000e+02;
	vm0 =	vcmask $0x1F1C;
	s7 =	sadd.s32 s6, s19;
	s6 =	sadd.s32 s6, s22;
	[dreg:$0x13] =	wrdreg s1;
	v5 =	vsel vm12, $0x43600000, v5  }
0x18: {  	v7 =	vsel vm1, $0xC2000000, v7;
	v9 =	vsel vm1, $0xC1800000, v9;
	p1 =	sne.s32 s5, $0x2;
	[dreg:$0x14] =	wrdreg s17;
	s24 =	sadd.s32 $0x1F8, s6;
	v5 =	vsel vm10, $0x43900000, v5  }
0x19: {  	v7 =	vsel vm2, $0xC2C00000, v7;
	s5 =	simm.s32 $0xE00;
	v6 =	vshrl.u32 v3, $0x2;
	s25 =	sadd.s32 $0x4A2, s6;
	[dreg:$0x9] =	wrdreg s24;
	v8 =	vsel vm11, $0x43B00000, v5  }
0x1a: {  	s13 =	smax.u32 s0, $0x1;
	s26 =	sadd.s32 $0x74C, s6;
	[dreg:$0xa] =	wrdreg s25;
	v5 =	vadd.s32 $0xFFFFFFFF, v6;
	v6 =	vsel vm14, $0x43D00000, v8;
	v8 =	vimm.f32 $4.960000000e+02  }
0x1b: {  	v9 =	vsel vm2, $0xC2400000, v9;
	v1 =	vimm.f32 $1.000000000e+10;
	s16 =	simm.s32 $0xE40;
	s28 =	sadd.s32 $0x9F6, s6;
	[dreg:$0xb] =	wrdreg s26;
	v8 =	vsel vm1, $0x41800000, v8  }
0x1c: {  	v7 =	vsel vm3, $0xC3200000, v7;
	v9 =	vsel vm3, $0xC2A00000, v9;
	s17 =	simm.s32 $0x1910;
	s18 =	sadd.s32 $0x280, s6;
	[dreg:$0xc] =	wrdreg s28;
	v8 =	vsel vm2, $0x42400000, v8  }
0x1d: {  	v2 =	vimm.s32 $0x0;
	v7 =	vsel vm13, $0xC3600000, v7;
	s19 =	sadd.s32 $0x52A, s6;
	s20 =	sadd.s32 $0x7D4, s6;
	[dreg:$0x15] =	wrdreg s18;
	v8 =	vsel vm3, $0x42A00000, v8  }
0x1e: {  	v9 =	vsel vm13, $0xC2E00000, v9;
	v7 =	vsel vm4, $0xC3900000, v7;
	s21 =	sadd.s32 $0xA7E, s6;
	s22 =	sadd.s32 $0x200, s6;
	[dreg:$0x16] =	wrdreg s19;
	v8 =	vsel vm13, $0x42E00000, v8  }
0x1f: {  	v9 =	vsel vm4, $0xC3100000, v9;
	v7 =	vsel vm5, $0xC3B00000, v7;
	s23 =	sadd.s32 $0x4AA, s6;
	s29 =	sadd.s32 $0x7F4, s6;
	[dreg:$0x17] =	wrdreg s20;
	v8 =	vsel vm4, $0x43100000, v8  }
0x20: {  	v9 =	vsel vm5, $0xC3300000, v9;
	v7 =	vsel vm6, $0xC3D00000, v7;
	s30 =	sadd.s32 $0xA9E, s6;
	s31 =	sadd.s32 $0x2A8, s6;
	[dreg:$0x18] =	wrdreg s21;
	v8 =	vsel vm5, $0x43300000, v8  }
0x21: {  	v9 =	vsel vm6, $0xC3500000, v9;
	v7 =	vsel vm7, $0xC2000000, v7;
	s10 =	sadd.s32 $0x552, s6;
	s11 =	sadd.s32 $0x7FC, s6;
	[dreg:$0x19] =	wrdreg s22;
	v8 =	vsel vm6, $0x43500000, v8  }
0x22: {  	v9 =	vsel vm0, $0xC3700000, v9;
	v7 =	vsel vm8, $0xC2C00000, v7;
	s12 =	sadd.s32 $0xAA6, s6;
	s14 =	sadd.s32 $0x2AA, s7;
	[dreg:$0x1a] =	wrdreg s23;
	v8 =	vsel vm0, $0x43700000, v8  }
0x23: {  	v9 =	vsel vm7, $0xC3880000, v9;
	s15 =	sadd.s32 $0x554, s7;
	v7 =	vsel vm9, $0xC3200000, v7;
	s24 =	sadd.s32 $0x754, s6;
	[dreg:$0x1f] =	wrdreg s29;
	v8 =	vsel vm7, $0x43880000, v8  }
0x24: {  	v9 =	vsel vm8, $0xC3980000, v9;
	s25 =	sadd.s32 $0x9FE, s6;
	s26 =	sadd.s32 $0x2A0, s6;
	[smem:$0x7FC] =	sst s30;
	v7 =	vsel vm12, $0xC3600000, v7;
	v10 =	vsel vm8, $0x43980000, v8  }
.Ltmp0:
0x25: {  	s28 =	sadd.s32 $0x54A, s6;
	[smem:$0x7FD] =	sst s31;
	v9 =	vsel vm9, $0xC3A80000, v9;
	v7 =	vsel vm10, $0xC3900000, v7;
	v10 =	vsel vm9, $0x43A80000, v10;
	(pc) =	sbr.rel .LBB2_1-.Ltmp0, $4  }
0x26: {  	s22 =	sadd.s32 $0x7FE, s7;
	s23 =	simm.s32 $0x1;
	[dreg:$0x1b] =	wrdreg s24;
	v9 =	vsel vm12, $0xC3B80000, v9;
	v7 =	vsel vm11, $0xC3B00000, v7;
	v10 =	vsel vm12, $0x43B80000, v10  }
0x27: {  	s6 =	simm.s32 $0x18D0;
	s18 =	simm.s32 $0x380;
	[dreg:$0x1c] =	wrdreg s25;
	v9 =	vsel vm10, $0xC3C80000, v9;
	v7 =	vsel vm14, $0xC3D00000, v7;
	v10 =	vsel vm10, $0x43C80000, v10  }
0x28: {  	s19 =	simm.s32 $0xE50;
	s20 =	simm.s32 $0x0;
	[dreg:$0x1d] =	wrdreg s26;
	v11 =	vsel vm11, $0xC3D80000, v9;
	v9 =	vimm.f32 $-4.480000000e+02;
	v10 =	vsel vm11, $0x43D80000, v10  }
0x29: {  	[dreg:$0x1e] =	wrdreg s28;
	s24 =	simm.s32 $0x1C0;
	s25 =	simm.s32 $0x230;
	v11 =	vsel vm14, $0xC3E80000, v11;
	v8 =	vimm.f32 $4.480000000e+02;
	v10 =	vsel vm14, $0x43E80000, v10  }
.LBB2_25:
0x2a: {  	_ = 	snop  }
0x2b: {  	v35 =	vadd.s32 $0x70, v32  }
0x2c: {  	v36 =	vadd.s32 $0xE0, v32  }
0x2d: {  	v37 =	vadd.s32 $0x150, v32  }
0x2e: {  	s8 =	sadd.s32 $0x10, s8;
	v34 =	vcvt.s32.f32 v34;
	v43 =	vld.idx.msk [tilespmem:v32+s2+$0x0], $0xffff  }
0x2f: {  	v42 =	vld [tilespmem:s8+$0x0]  }
0x30: {  	v34 =	vadd.f32 $5.000000000e-01, v34;
	v35 =	vld.idx.msk [tilespmem:v35+s2+$0x0], $0xffff  }
0x31: {  	v44 =	vld.idx.msk [tilespmem:v36+s2+$0x0], $0xffff  }
0x32: {  	v34 =	vmul.f32 $3.200000000e+01, v34;
	v37 =	vld.idx.msk [tilespmem:v37+s2+$0x0], $0xffff;
	_ =	sdelay $0x1  }
0x33: {  	v45 =	vbroadcast v34, $0x0  }
0x34: {  	v41 =	vadd.f32 $1.000000010e-10, v41  }
0x35: {  	v36 =	vsub.f32 v10, v43;
	v34 =	vsub.f32 v45, v35  }
0x36: {  	vm14 =	vlt.f32 v42, $1.000000000e+10;
	v35 =	vadd.f32 v11, v44;
	v37 =	vsub.f32 v37, v45  }
0x37: {  	v59 =	vsub.s32 $0x7EF311C3, v41;
	v42 =	vnsel vm14, $0x3F800000, v36  }
0x38: {  	v58 =	vnsel vm14, $0x3F800000, v34;
	v44 =	vnsel vm14, $0x3F800000, v35;
	v45 =	vnsel vm14, $0x3F800000, v37  }
0x39: {  	v48 =	vmul.f32 v59, v41;
	v46 =	vmax.f32 v42, v44;
	v47 =	vmax.f32 v58, v45  }
0x3a: {  	v46 =	vmax.f32 v46, $9.999999740e-06;
	v47 =	vmax.f32 v47, $9.999999740e-06  }
0x3b: {  	v48 =	vsub.f32 $2.000000000e+00, v48;
	v46 =	vmul.f32 v47, v46;
	_ =	sdelay $0x1  }
0x3c: {  	v47 =	vmul.f32 v59, v48;
	v46 =	vadd.f32 $1.000000010e-10, v46;
	_ =	sdelay $0x1  }
0x3d: {  	v61 =	vmul.f32 v47, v41;
	v49 =	vsub.s32 $0x7EF311C3, v46  }
0x3e: {  	v50 =	vmul.f32 v49, v46  }
0x3f: {  	v62 =	vsub.f32 $2.000000000e+00, v61  }
0x40: {  	v60 =	vsub.f32 $2.000000000e+00, v50  }
0x41: {  	v47 =	vmul.f32 v62, v47  }
0x42: {  	v48 =	vmul.f32 v49, v60  }
0x43: {  	v41 =	vmul.f32 v47, v41  }
0x44: {  	v63 =	vmul.f32 v48, v46  }
0x45: {  	v39 =	vmul.f32 v40, v39;
	v53 =	vsub.f32 $2.000000000e+00, v41  }
0x46: {  	v28 =	vmin.f32 v28, v30;
	v29 =	vmin.f32 v29, v31;
	v52 =	vsub.f32 $2.000000000e+00, v63  }
0x47: {  	v28 =	vmul.f32 v29, v28;
	v55 =	vmul.f32 v53, v47  }
0x48: {  	v48 =	vmul.f32 v52, v48  }
0x49: {  	v56 =	vshra.s32 v39, $0x1;
	v40 =	vmul.f32 $5.000000000e-01, v39;
	v28 =	vmul.f32 v55, v28  }
0x4a: {  	v31 =	vsub.s32 $0x5F3759DF, v56;
	v57 =	vmin.f32 v42, v44;
	v54 =	vmul.f32 v48, v46  }
0x4b: {  	v58 =	vmin.f32 v58, v45;
	v60 =	vshra.s32 v28, $0x1;
	v43 =	vmul.f32 $5.000000000e-01, v28  }
0x4c: {  	v59 =	vmul.f32 v31, v40;
	v62 =	vsub.s32 $0x5F3759DF, v60;
	v30 =	vsub.f32 $2.000000000e+00, v54  }
0x4d: {  	v29 =	vmul.f32 v58, v57;
	v42 =	vmul.f32 v62, v43  }
0x4e: {  	v61 =	vmul.f32 v31, v59;
	v30 =	vmul.f32 v30, v48  }
0x4f: {  	v42 =	vmul.f32 v62, v42  }
0x50: {  	v29 =	vmul.f32 v30, v29;
	v30 =	vsub.f32 $1.500000000e+00, v61  }
0x51: {  	v49 =	vsub.f32 $1.500000000e+00, v42  }
0x52: {  	v30 =	vmul.f32 v31, v30  }
0x53: {  	v31 =	vmul.f32 v62, v49  }
0x54: {  	v63 =	vshra.s32 v29, $0x1;
	v45 =	vmul.f32 $5.000000000e-01, v29;
	v51 =	vmul.f32 v30, v40  }
0x55: {  	v44 =	vsub.s32 $0x5F3759DF, v63;
	v54 =	vmul.f32 v31, v43  }
0x56: {  	v48 =	vmul.f32 v44, v45;
	v53 =	vmul.f32 v51, v30  }
0x57: {  	v38 =	vmul.f32 v38, v33;
	vm12 =	vmmov vm12;
	v55 =	vmul.f32 v54, v31  }
0x58: {  	v13 =	vld.idx.msk [tilespmem:v13+s24+$0x0], $0xffff;
	vm0 =	vmmov vm13;
	v50 =	vmul.f32 v44, v48;
	v42 =	vsub.f32 $1.500000000e+00, v53  }
0x59: {  	v15 =	vld.idx.msk [tilespmem:v15+s24+$0x0], $0xffff;
	vm13 =	vmmov vm15;
	v38 =	vsub.f32 $1.500000000e+00, v38;
	v57 =	vsub.f32 $1.500000000e+00, v55  }
0x5a: {  	v21 =	vld.idx.msk [tilespmem:v21+s24+$0x0], $0xffff;
	vm0 =	vmmov vm0;
	v52 =	vsub.f32 $1.500000000e+00, v50;
	v30 =	vmul.f32 v42, v30  }
0x5b: {  	vm13 =	vmmov vm13;
	v60 =	vmul.f32 v38, v33;
	v31 =	vmul.f32 v57, v31  }
0x5c: {  	vm13 =	vmmov vm13;
	v41 =	vmul.f32 v44, v52;
	v40 =	vmul.f32 v30, v40  }
0x5d: {  	v13 =	vnsel vm12, $0x0, v13;
	v23 =	vmul.f32 v60, v23;
	v62 =	vmul.f32 v31, v43  }
0x5e: {  	v15 =	vnsel vm0, $0x0, v15;
	[tilespmem:s21+$0x0] =	vst v13;
	v56 =	vmul.f32 v41, v45;
	v61 =	vmul.f32 v40, v30  }
0x5f: {  	v21 =	vnsel vm13, $0x0, v21;
	[tilespmem:s28+$0x0] =	vst v15;
	v44 =	vmul.f32 v62, v31  }
0x60: {  	[tilespmem:s30+$0x0] =	vst v21;
	v23 =	vnsel vm12, $0xBF800000, v23;
	v50 =	vld.idx.msk [tilespmem:v32+s24+$0x0], $0xffff;
	v58 =	vmul.f32 v56, v41;
	v63 =	vsub.f32 $1.500000000e+00, v61  }
0x61: {  	s0 =	sadd.s32 $0x10, s0;
	v12 =	vnsel vm12, $0xBF800000, v12;
	[tilespmem:s26+$0x0] =	vst v23;
	v47 =	vsub.f32 $1.500000000e+00, v44  }
0x62: {  	vm1 =	vmmov vm14;
	[tilespmem:s0+$0x100] =	vst v12;
	v59 =	vsub.f32 $1.500000000e+00, v58;
	v30 =	vmul.f32 v63, v30  }
0x63: {  	vm1 =	vmmov vm1;
	[tilespmem:s0+$0xFFFFFE00] =	vst v16;
	v49 =	vmul.f32 v47, v31  }
0x64: {  	vm1 =	vmmov vm1;
	[tilespmem:s0+$0xFFFFFF00] =	vst v18;
	v41 =	vmul.f32 v59, v41;
	v30 =	vmul.f32 v30, v39  }
0x65: {  	[tilespmem:s0+$0x0] =	vst v14;
	v54 =	vnsel vm1, $0x0, v50;
	v13 =	vmul.f32 v49, v28  }
0x66: {  	[tilespmem:s1+$0x0] =	vst v54;
	v46 =	vmul.f32 v41, v45;
	v52 =	vnsel vm0, $0xBF800000, v30  }
0x67: {  	v13 =	vnsel vm13, $0xBF800000, v13;
	[tilespmem:s29+$0x0] =	vst v52  }
0x68: {  	s0 =	sadd.s32 $0x10, s0;
	v56 =	vnsel vm0, $0xBF800000, v17;
	v48 =	vmul.f32 v46, v41;
	[tilespmem:s31+$0x0] =	vst v13  }
0x69: {  	[tilespmem:s0+$0x100] =	vst v56  }
0x6a: {  	v51 =	vsub.f32 $1.500000000e+00, v48;
	[tilespmem:s0+$0xFFFFFE00] =	vst v22  }
0x6b: {  	[tilespmem:s0+$0xFFFFFF00] =	vst v19  }
0x6c: {  	v57 =	vnsel vm13, $0xBF800000, v24;
	[tilespmem:s0+$0x0] =	vst v20;
	s0 =	sadd.s32 $0x10, s0;
	v53 =	vmul.f32 v51, v41  }
0x6d: {  	v58 =	vnsel vm15, $0xBF800000, v25;
	[tilespmem:s0+$0x100] =	vst v57  }
0x6e: {  	[tilespmem:s0+$0xFFFFFE00] =	vst v58;
	v15 =	vmul.f32 v53, v29  }
0x6f: {  	v59 =	vnsel vm15, $0xBF800000, v27;
	[tilespmem:s0+$0xFFFFFF00] =	vst v26  }
0x70: {  	[tilespmem:s0+$0x0] =	vst v59;
	v55 =	vnsel vm1, $0xBF800000, v15  }
0x71: {  	v60 =	vnsel vm1, $0xBF800000, v37;
	s0 =	sadd.s32 $0x10, s0;
	[tilespmem:s8+$0x0] =	vst v55  }
0x72: {  	v61 =	vnsel vm14, $0xBF800000, v36;
	[tilespmem:s0+$0x100] =	vst v60  }
0x73: {  	v62 =	vnsel vm14, $0xBF800000, v34;
	[tilespmem:s0+$0xFFFFFE00] =	vst v61  }
0x74: {  	v63 =	vnsel vm14, $0xBF800000, v35;
	[tilespmem:s0+$0xFFFFFF00] =	vst v62  }
0x75: {  	[tilespmem:s0+$0x0] =	vst v63  }
0x76: {  	s9 =	simm.s32 $0x1390;
	s0 =	rddreg [dreg:$0x7]  }
0x77: {  	[hbm4b:s0+s2] =	stream.linear.scatter [tilespmem:s9], [sflag:$0x1], $0x40, $0x38;
	[tilespmem:$0x4460] =	vst v63  }
0x78: {  	_ =	swait.ge [sflag:s23], $0x40  }
0x79: {  	[sflag:s23] =	ssyncset.done $0x0  }
0x7a: {  	s26 =	simm.s32 $0x8C0;
	s21 =	rddreg [dreg:$0x8];
	[sflag:s23] =	ssyncadd.s32 $0xFFFFFFC0  }
0x7b: {  	[hbm4b:s21+s2] =	stream.linear.scatter [tilespmem:s26], [sflag:$0x1], $0x40, $0x38;
	[tilespmem:$0x4460] =	vst v63  }
0x7c: {  	_ =	swait.ge [sflag:s23], $0x40  }
0x7d: {  	[sflag:s23] =	ssyncset.done $0x0  }
0x7e: {  	s29 =	simm.s32 $0x1E60;
	s28 =	rddreg [dreg:$0x9];
	[sflag:s23] =	ssyncadd.s32 $0xFFFFFFC0  }
0x7f: {  	[hbm4b:s28+s2] =	stream.linear.scatter [tilespmem:s29], [sflag:$0x1], $0x40, $0x38;
	[tilespmem:$0x4460] =	vst v63  }
0x80: {  	_ =	swait.ge [sflag:s23], $0x40  }
0x81: {  	[sflag:s23] =	ssyncset.done $0x0  }
0x82: {  	s31 =	simm.s32 $0x23E0;
	s30 =	rddreg [dreg:$0xa];
	[sflag:s23] =	ssyncadd.s32 $0xFFFFFFC0  }
0x83: {  	[hbm4b:s30+s2] =	stream.linear.scatter [tilespmem:s31], [sflag:$0x1], $0x40, $0x38;
	[tilespmem:$0x4460] =	vst v63  }
0x84: {  	_ =	swait.ge [sflag:s23], $0x40  }
0x85: {  	[sflag:s23] =	ssyncset.done $0x0  }
0x86: {  	s9 =	simm.s32 $0x2960;
	s8 =	rddreg [dreg:$0xb];
	[sflag:s23] =	ssyncadd.s32 $0xFFFFFFC0  }
0x87: {  	[hbm4b:s8+s2] =	stream.linear.scatter [tilespmem:s9], [sflag:$0x1], $0x40, $0x38;
	[tilespmem:$0x4460] =	vst v63  }
0x88: {  	_ =	swait.ge [sflag:s23], $0x40  }
0x89: {  	[sflag:s23] =	ssyncset.done $0x0  }
0x8a: {  	s26 =	simm.s32 $0x2EE0;
	s21 =	rddreg [dreg:$0xc];
	[sflag:s23] =	ssyncadd.s32 $0xFFFFFFC0  }
0x8b: {  	[hbm4b:s21+s2] =	stream.linear.scatter [tilespmem:s26], [sflag:$0x1], $0x40, $0x38;
	[tilespmem:$0x4460] =	vst v63  }
0x8c: {  	_ =	swait.ge [sflag:s23], $0x40  }
0x8d: {  	[sflag:s23] =	ssyncset.done $0x0  }
0x8e: {  	s29 =	simm.s32 $0x17D0;
	s28 =	rddreg [dreg:$0xd];
	[sflag:s23] =	ssyncadd.s32 $0xFFFFFFC0  }
0x8f: {  	[hbm4b:s28+s2] =	stream.linear.scatter [tilespmem:s29], [sflag:$0x1], $0x100, $0x38;
	[tilespmem:$0x4460] =	vst v63  }
0x90: {  	_ =	swait.ge [sflag:s23], $0x100  }
0x91: {  	[sflag:s23] =	ssyncset.done $0x0  }
0x92: {  	s31 =	simm.s32 $0xD00;
	s30 =	rddreg [dreg:$0xe];
	[sflag:s23] =	ssyncadd.s32 $0xFFFFFF00  }
0x93: {  	[hbm4b:s30+s2] =	stream.linear.scatter [tilespmem:s31], [sflag:$0x1], $0x100, $0x38;
	[tilespmem:$0x4460] =	vst v63  }
0x94: {  	_ =	swait.ge [sflag:s23], $0x100  }
0x95: {  	[sflag:s23] =	ssyncset.done $0x0  }
0x96: {  	s9 =	simm.s32 $0x3F20;
	s8 =	rddreg [dreg:$0x15];
	[sflag:s23] =	ssyncadd.s32 $0xFFFFFF00  }
0x97: {  	[hbm4b:s8+s2] =	stream.linear.scatter [tilespmem:s9], [sflag:$0x1], $0x100, $0x38;
	[tilespmem:$0x4460] =	vst v63  }
0x98: {  	_ =	swait.ge [sflag:s23], $0x100  }
0x99: {  	[sflag:s23] =	ssyncset.done $0x0  }
0x9a: {  	s26 =	simm.s32 $0x4020;
	s21 =	rddreg [dreg:$0x16];
	[sflag:s23] =	ssyncadd.s32 $0xFFFFFF00  }
0x9b: {  	[hbm4b:s21+s2] =	stream.linear.scatter [tilespmem:s26], [sflag:$0x1], $0x100, $0x38;
	[tilespmem:$0x4460] =	vst v63  }
0x9c: {  	_ =	swait.ge [sflag:s23], $0x100  }
0x9d: {  	[sflag:s23] =	ssyncset.done $0x0  }
0x9e: {  	s29 =	simm.s32 $0x4120;
	s28 =	rddreg [dreg:$0x17];
	[sflag:s23] =	ssyncadd.s32 $0xFFFFFF00  }
0x9f: {  	[hbm4b:s28+s2] =	stream.linear.scatter [tilespmem:s29], [sflag:$0x1], $0x100, $0x38;
	[tilespmem:$0x4460] =	vst v63  }
0xa0: {  	_ =	swait.ge [sflag:s23], $0x100  }
0xa1: {  	[sflag:s23] =	ssyncset.done $0x0  }
0xa2: {  	s31 =	simm.s32 $0x4220;
	s30 =	rddreg [dreg:$0x18];
	[sflag:s23] =	ssyncadd.s32 $0xFFFFFF00  }
0xa3: {  	vm1 =	vmmov vm2;
	vm2 =	vmmov vm3;
	[hbm4b:s30+s2] =	stream.linear.scatter [tilespmem:s31], [sflag:$0x1], $0x100, $0x38;
	[tilespmem:$0x4460] =	vst v63  }
0xa4: {  	vm3 =	vmmov vm4;
	vm4 =	vmmov vm5;
	vm5 =	vmmov vm6;
	_ =	swait.ge [sflag:s23], $0x100  }
0xa5: {  	vm6 =	vmmov vm7;
	vm7 =	vmmov vm8;
	vm8 =	vmmov vm9;
	[sflag:s23] =	ssyncset.done $0x0  }
0xa6: {  	vm9 =	vmmov vm10;
	vm10 =	vmmov vm11;
	vm11 =	vcmask $0x3734;
	[sflag:s23] =	ssyncadd.s32 $0xFFFFFF00  }
.LBB2_26:
0xa7: {  	s20 =	sadd.s32 $0x1, s20  }
0xa8: {  	p2 =	sne.s32 s20, s13  }
.Ltmp1:
0xa9: {  	_ = 	snop;
	(pc) =	sbr.rel @!p2 .LBB2_27-.Ltmp1, $1  }
0xaa: {  	_ =	sdelay $0x3  }
.LBB2_1:
0xab: {  	[tilespmem:s2], [sflag:$0x1] =	stream.linear.gather [hbm4b:s3+s2], $0x1C0, $0x38;
	[tilespmem:$0x4460] =	vst v63  }
0xac: {  	_ =	swait.ge [sflag:s23], $0x1C0  }
0xad: {  	[sflag:s23] =	ssyncset.done $0x0  }
0xae: {  	[sflag:s23] =	ssyncadd.s32 $0xFFFFFE40  }
0xaf: {  	[tilespmem:s24], [sflag:$0x1] =	stream.linear.gather [hbm4b:s4+s2], $0x70, $0x38;
	[tilespmem:$0x4460] =	vst v63  }
0xb0: {  	_ =	swait.ge [sflag:s23], $0x70  }
0xb1: {  	[sflag:s23] =	ssyncset.done $0x0  }
0xb2: {  	[sflag:s23] =	ssyncadd.s32 $0xFFFFFF90  }
0xb3: {  	v12 =	vld [tilespmem:$0x0]  }
0xb4: {  	v13 =	vld [tilespmem:$0x70]  }
0xb5: {  	v14 =	vld [tilespmem:$0xE0]  }
0xb6: {  	v15 =	vld [tilespmem:$0x150]  }
0xb7: {  	v16 =	vld [tilespmem:$0x1C0]  }
0xb8: {  	v17 =	vld [tilespmem:$0x10]  }
0xb9: {  	v18 =	vld [tilespmem:$0x80]  }
0xba: {  	v19 =	vld [tilespmem:$0xF0]  }
0xbb: {  	v20 =	vld [tilespmem:$0x160]  }
0xbc: {  	v21 =	vld [tilespmem:$0x1D0]  }
0xbd: {  	v22 =	vld [tilespmem:$0x20]  }
0xbe: {  	v23 =	vld [tilespmem:$0x90]  }
0xbf: {  	v24 =	vld [tilespmem:$0x100]  }
0xc0: {  	v25 =	vld [tilespmem:$0x170]  }
0xc1: {  	v26 =	vld [tilespmem:$0x1E0]  }
0xc2: {  	v27 =	vld [tilespmem:$0x30]  }
0xc3: {  	v28 =	vld [tilespmem:$0xA0]  }
0xc4: {  	v29 =	vld [tilespmem:$0x110]  }
0xc5: {  	v32 =	vld [tilespmem:$0x180]  }
0xc6: {  	v33 =	vld [tilespmem:$0x40];
	v30 =	vsub.f32 v14, v12;
	v12 =	vadd.f32 v14, v12  }
0xc7: {  	v49 =	vld [tilespmem:$0xB0];
	v31 =	vsub.f32 v15, v13;
	v13 =	vadd.f32 v15, v13  }
0xc8: {  	v51 =	vld [tilespmem:$0x120];
	v46 =	vsub.f32 v19, v17;
	v48 =	vadd.f32 v19, v17;
	v12 =	vmul.f32 $5.000000000e-01, v12  }
0xc9: {  	v55 =	vld [tilespmem:$0x190];
	v47 =	vsub.f32 v20, v18;
	v53 =	vadd.f32 v20, v18;
	v13 =	vmul.f32 $5.000000000e-01, v13  }
0xca: {  	v58 =	vld [tilespmem:$0x200];
	vm0 =	vgt.s32 v16, $0xFFFFFFFF;
	v57 =	vadd.f32 v24, v22;
	v52 =	vmul.f32 $5.000000000e-01, v48;
	[tilespmem:$0x230] =	vst v12  }
0xcb: {  	v61 =	vld [tilespmem:$0x50];
	v54 =	vsub.f32 v24, v22;
	v38 =	vadd.f32 v29, v27;
	v59 =	vmul.f32 $5.000000000e-01, v53;
	[tilespmem:$0x2A0] =	vst v13  }
0xcc: {  	v37 =	vld [tilespmem:$0x130];
	v56 =	vsub.f32 v25, v23;
	v39 =	vadd.f32 v32, v28;
	v63 =	vmul.f32 $5.000000000e-01, v57;
	[tilespmem:$0x240] =	vst v52  }
0xcd: {  	v34 =	vld [tilespmem:$0xC0];
	v35 =	vsub.f32 v29, v27;
	v45 =	vmul.f32 v31, v30;
	v16 =	vmul.f32 $5.000000000e-01, v38;
	[tilespmem:$0x2B0] =	vst v59  }
0xce: {  	v40 =	vld [tilespmem:$0x1A0];
	v36 =	vsub.f32 v32, v28;
	v50 =	vmul.f32 v47, v46;
	v43 =	vmul.f32 $5.000000000e-01, v39;
	[tilespmem:$0x250] =	vst v63  }
0xcf: {  	v42 =	vld [tilespmem:$0x210];
	v62 =	vmul.f32 v56, v54;
	v31 =	vadd.f32 v25, v23;
	v46 =	vsub.f32 v55, v49;
	[tilespmem:$0x260] =	vst v16  }
0xd0: {  	v14 =	vld [tilespmem:$0x1F0];
	v49 =	vadd.f32 v55, v49;
	v15 =	vnsel vm0, $0x501502F9, v45;
	vm0 =	vgt.s32 v21, $0xFFFFFFFF;
	[tilespmem:$0x2D0] =	vst v43  }
0xd1: {  	v48 =	vld [tilespmem:$0xD0];
	v54 =	vadd.f32 v37, v61;
	v18 =	vmul.f32 $5.000000000e-01, v31;
	[tilespmem:$0x310] =	vst v15;
	v60 =	vnsel vm0, $0x501502F9, v50  }
0xd2: {  	v44 =	vsub.f32 v51, v33;
	v41 =	vmul.f32 v36, v35;
	v45 =	vld [tilespmem:$0x60];
	v53 =	vmul.f32 $5.000000000e-01, v49;
	[tilespmem:$0x320] =	vst v60  }
0xd3: {  	v47 =	vadd.f32 v51, v33;
	v51 =	vsub.f32 v37, v61;
	v52 =	vld [tilespmem:$0x1B0];
	v16 =	vmul.f32 $5.000000000e-01, v54;
	[tilespmem:$0x2C0] =	vst v18  }
0xd4: {  	v55 =	vsub.f32 v40, v34;
	v56 =	vadd.f32 v40, v34;
	vm0 =	vgt.s32 v26, $0xFFFFFFFF;
	v50 =	vld [tilespmem:$0x140];
	[tilespmem:$0x2E0] =	vst v53  }
0xd5: {  	v12 =	vnsel vm0, $0x501502F9, v62;
	vm0 =	vgt.s32 v14, $0xFFFFFFFF;
	v14 =	vmul.f32 $5.000000000e-01, v47;
	[tilespmem:$0x280] =	vst v16  }
0xd6: {  	v57 =	vmul.f32 v55, v51;
	[tilespmem:$0x330] =	vst v12;
	v12 =	vmul.f32 v46, v44  }
0xd7: {  	v13 =	vnsel vm0, $0x501502F9, v41;
	vm0 =	vgt.s32 v58, $0xFFFFFFFF;
	v58 =	vld [tilespmem:$0x220];
	[tilespmem:$0x270] =	vst v14;
	v14 =	vmul.f32 $5.000000000e-01, v56  }
0xd8: {  	[tilespmem:$0x340] =	vst v13;
	v12 =	vnsel vm0, $0x501502F9, v12;
	v60 =	vsub.f32 v52, v48;
	v61 =	vadd.f32 v52, v48  }
0xd9: {  	vm0 =	vgt.s32 v42, $0xFFFFFFFF;
	[tilespmem:$0x350] =	vst v12;
	v59 =	vsub.f32 v50, v45;
	v17 =	vadd.f32 v50, v45  }
.Ltmp2:
0xda: {  	[tilespmem:$0x2F0] =	vst v14;
	v13 =	vnsel vm0, $0x501502F9, v57;
	v63 =	vmul.f32 $5.000000000e-01, v61;
	(pc) =	sbr.rel @p0 .LBB2_12-.Ltmp2, $4  }
0xdb: {  	[tilespmem:$0x360] =	vst v13;
	v62 =	vmul.f32 $5.000000000e-01, v17;
	v12 =	vmul.f32 v60, v59  }
0xdc: {  	vm0 =	vgt.s32 v58, $0xFFFFFFFF;
	[tilespmem:$0x300] =	vst v63  }
0xdd: {  	[tilespmem:$0x290] =	vst v62;
	v12 =	vnsel vm0, $0x501502F9, v12  }
0xde: {  	s0 =	simm.s32 $0x0;
	[tilespmem:$0x370] =	vst v12  }
.LBB2_2:
0xdf: {  	p2 =	sne.s32 s0, $0xFC0  }
.Ltmp3:
0xe0: {  	_ = 	snop;
	(pc) =	sbr.rel @p2 .LBB2_2-.Ltmp3, $4  }
0xe1: {  	_ = 	snop  }
0xe2: {  	s1 =	sshra.s32 s0, $0x2  }
0xe3: {  	[tilespmem:s1+$0x900] =	vst v1  }
0xe4: {  	s0 =	sadd.s32 $0x40, s0;
	[tilespmem:s1+$0x13D0] =	vst v2  }
0xe5: {  	s0 =	simm.s32 $0x40;
	s1 =	simm.s32 $0x0  }
.LBB2_4:
0xe6: {  	p2 =	sne.s32 s0, $0xC0;
	[tilespmem:s1+$0xE00] =	vst v1;
	s8 =	smov.u32 s0;
	s0 =	sadd.s32 $0x40, s0  }
.Ltmp4:
0xe7: {  	[tilespmem:s1+$0x18D0] =	vst v2;
	(pc) =	sbr.rel @p2 .LBB2_4-.Ltmp4, $2  }
0xe8: {  	_ =	sdelay $0x2  }
0xe9: {  	s1 =	sshra.s32 s8, $0x2  }
0xea: {  	[tilespmem:s1+$0xE00] =	vst v1  }
0xeb: {  	[tilespmem:s1+$0x18D0] =	vst v2  }
0xec: {  	[tilespmem:$0xE40] =	vst v1  }
0xed: {  	s0 =	simm.s32 $0x0;
	s8 =	simm.s32 $0x0;
	[tilespmem:$0x1910] =	vst v2  }
.LBB2_6:
0xee: {  	v12 =	vmov s8  }
0xef: {  	v14 =	vand.u32 $0x7F, v12  }
0xf0: {  	v15 =	vadd.s32 $0x70, v14;
	_ =	sdelay $0x3  }
0xf1: {  	v16 =	vld.idx.msk [tilespmem:v12+s25+$0x0], $0xffff  }
0xf2: {  	v13 =	vld.idx.msk [tilespmem:v15+s25+$0x0], $0xffff;
	_ =	sdelay $0x4  }
0xf3: {  	v17 =	vmul.f32 $1.250000000e-01, v16;
	v18 =	vmul.f32 $1.250000000e-01, v13;
	_ =	sdelay $0x1  }
0xf4: {  	v17 =	vtrunc.f32 v17;
	v18 =	vtrunc.f32 v18  }
0xf5: {  	v19 =	vadd.s32 $0xE0, v14;
	v17 =	vcvt.f32.s32 v17;
	v18 =	vcvt.f32.s32 v18  }
0xf6: {  	v14 =	vadd.s32 $0x150, v14  }
0xf7: {  	v20 =	vshra.s32 v17, $0x1;
	v21 =	vshra.s32 v18, $0x1  }
0xf8: {  	v22 =	vld.idx.msk [tilespmem:v12+s0+$0x0], $0xffff;
	v20 =	vadd.s32 v4, v20;
	v21 =	vadd.s32 v5, v21  }
0xf9: {  	v15 =	vld.idx.msk [tilespmem:v15+s0+$0x0], $0xffff;
	v23 =	vcvt.s32.f32 v20;
	v24 =	vcvt.s32.f32 v21  }
0xfa: {  	v25 =	vld.idx.msk [tilespmem:v19+s0+$0x0], $0xffff;
	v37 =	vshra.s32 v17, $0x3;
	v26 =	vshll.u32 v21, $0x5  }
0xfb: {  	v14 =	vld.idx.msk [tilespmem:v14+s0+$0x0], $0xffff;
	v23 =	vadd.f32 $5.000000000e-01, v23;
	v26 =	vadd.s32 v20, v26;
	v24 =	vadd.f32 $5.000000000e-01, v24  }
0xfc: {  	v39 =	vadd.s32 v4, v37;
	vm0 =	vgt.s32 v26, $0x0  }
0xfd: {  	v23 =	vmul.f32 $1.600000000e+01, v23;
	v26 =	vnsel vm0, $0x0, v26;
	v24 =	vmul.f32 $1.600000000e+01, v24  }
0xfe: {  	v38 =	vshra.s32 v18, $0x3;
	v41 =	vcvt.s32.f32 v39;
	v33 =	vmin.u32 v26, $0x3FF  }
0xff: {  	v40 =	vadd.s32 v5, v38;
	v63 =	vsub.f32 v23, v22;
	v27 =	vsub.f32 v24, v15  }
0x100: {  	v20 =	vor.u32 v20, v21;
	v28 =	vsub.f32 v25, v23;
	v29 =	vsub.f32 v14, v24  }
0x101: {  	v23 =	vsub.f32 v23, v16;
	v24 =	vsub.f32 v24, v13;
	v34 =	vmin.f32 v63, v27  }
0x102: {  	s31 =	simm.s32 $0x900;
	v19 =	vld.idx.msk [tilespmem:v19+s25+$0x0], $0xffff;
	v30 =	vmin.f32 v28, v29;
	v21 =	vmax.f32 v63, v27;
	v35 =	vmax.f32 v28, v29  }
0x103: {  	v23 =	vand.u32 $0x7FFFFFFF, v23;
	v26 =	vmin.f32 v34, v30;
	v21 =	vmax.f32 v21, v35;
	v36 =	vld.idx.msk [tilespmem:v33+s31+$0x0], $0xffff  }
0x104: {  	v24 =	vand.u32 $0x7FFFFFFF, v24;
	vm12 =	vge.f32 v26, $0.0e+00;
	vm13 =	vge.f32 v21, $6.400000000e+01  }
0x105: {  	v23 =	vmax.f32 v23, v24;
	vm12 =	vmand vm12, vm13;
	vm13 =	vle.f32 v21, $1.280000000e+02  }
0x106: {  	v42 =	vcvt.s32.f32 v40;
	vm12 =	vmand vm13, vm12;
	vm13 =	vlt.f32 v23, $2.400000000e+01  }
0x107: {  	v45 =	vshll.u32 v40, $0x3;
	vm0 =	vlt.u32 v20, $0x20;
	vm12 =	vmand vm13, vm12  }
0x108: {  	v44 =	vadd.f32 $5.000000000e-01, v42;
	vm0 =	vmand vm0, vm12;
	vm12 =	vlt.f32 v19, v36  }
0x109: {  	v43 =	vadd.f32 $5.000000000e-01, v41;
	v27 =	vadd.s32 v39, v45;
	vm0 =	vmand vm12, vm0  }
0x10a: {  	v17 =	vshra.s32 v17, $0x4;
	v26 =	vmul.f32 $6.400000000e+01, v44;
	vm12 =	vgt.s32 v27, $0x0  }
0x10b: {  	v17 =	vadd.s32 v4, v17;
	v21 =	vmul.f32 $6.400000000e+01, v43;
	v27 =	vnsel vm12, $0x0, v27  }
0x10c: {  	v47 =	vsub.f32 v26, v15;
	v31 =	vsub.f32 v14, v26;
	v27 =	vmin.u32 v27, $0x3F  }
0x10d: {  	v18 =	vshra.s32 v18, $0x4;
	v26 =	vsub.f32 v26, v13;
	v46 =	vsub.f32 v21, v22  }
0x10e: {  	v18 =	vadd.s32 v5, v18;
	v48 =	vsub.f32 v25, v21;
	v21 =	vsub.f32 v21, v16  }
0x10f: {  	s1 =	simm.s32 $0x13D0;
	v54 =	vcvt.s32.f32 v17;
	v49 =	vmin.f32 v46, v47;
	v28 =	vmax.f32 v46, v47;
	[tilespmem:v33+s31+$0x0] =	vst.idx.msk vm0, v19  }
0x110: {  	v55 =	vcvt.s32.f32 v18;
	v50 =	vmin.f32 v48, v31;
	v30 =	vmax.f32 v48, v31;
	[tilespmem:v33+s1+$0x0] =	vst.idx.msk vm0, v12  }
0x111: {  	v26 =	vand.u32 $0x7FFFFFFF, v26;
	v51 =	vmin.f32 v49, v50;
	v52 =	vmax.f32 v28, v30;
	v53 =	vld.idx.msk [tilespmem:v27+s5+$0x0], $0xffff  }
0x112: {  	v21 =	vand.u32 $0x7FFFFFFF, v21;
	vm12 =	vge.f32 v52, $2.560000000e+02;
	vm0 =	vge.f32 v51, $0.0e+00  }
0x113: {  	v21 =	vmax.f32 v21, v26;
	vm0 =	vmand vm0, vm12;
	vm12 =	vle.f32 v52, $5.120000000e+02  }
0x114: {  	v23 =	vor.u32 v39, v40;
	vm0 =	vmand vm12, vm0;
	vm12 =	vlt.f32 v21, $9.600000000e+01  }
0x115: {  	v56 =	vshll.u32 v18, $0x2;
	vm13 =	vlt.u32 v23, $0x8;
	vm0 =	vmand vm12, vm0  }
0x116: {  	v20 =	vadd.f32 $5.000000000e-01, v54;
	vm0 =	vmand vm13, vm0;
	vm12 =	vlt.f32 v19, v53  }
0x117: {  	v23 =	vadd.s32 v17, v56;
	v21 =	vadd.f32 $5.000000000e-01, v55;
	vm0 =	vmand vm12, vm0  }
0x118: {  	v20 =	vmul.f32 $1.280000000e+02, v20;
	vm12 =	vgt.s32 v23, $0x0  }
0x119: {  	v21 =	vmul.f32 $1.280000000e+02, v21;
	v23 =	vnsel vm12, $0x0, v23  }
0x11a: {  	v57 =	vsub.f32 v25, v20;
	v22 =	vsub.f32 v20, v22;
	v23 =	vmin.u32 v23, $0xF  }
0x11b: {  	v15 =	vsub.f32 v21, v15;
	v14 =	vsub.f32 v14, v21  }
0x11c: {  	v16 =	vsub.f32 v20, v16;
	v13 =	vsub.f32 v21, v13  }
0x11d: {  	v58 =	vmin.f32 v22, v15;
	v59 =	vmin.f32 v57, v14;
	[tilespmem:v27+s5+$0x0] =	vst.idx.msk vm0, v19  }
0x11e: {  	v15 =	vmax.f32 v22, v15;
	v14 =	vmax.f32 v57, v14;
	[tilespmem:v27+s6+$0x0] =	vst.idx.msk vm0, v12  }
0x11f: {  	v61 =	vand.u32 $0x7FFFFFFF, v16;
	v60 =	vmin.f32 v58, v59;
	v14 =	vmax.f32 v15, v14;
	v62 =	vld.idx.msk [tilespmem:v23+s16+$0x0], $0xffff  }
0x120: {  	v13 =	vand.u32 $0x7FFFFFFF, v13;
	vm12 =	vge.f32 v14, $5.120000000e+02;
	vm0 =	vge.f32 v60, $0.0e+00  }
0x121: {  	v13 =	vmax.f32 v61, v13;
	vm0 =	vmand vm0, vm12;
	vm12 =	vle.f32 v14, $1.000000000e+10  }
0x122: {  	v63 =	vor.u32 v17, v18;
	vm0 =	vmand vm12, vm0;
	vm12 =	vlt.f32 v13, $1.920000000e+02  }
0x123: {  	vm13 =	vlt.u32 v63, $0x4;
	vm0 =	vmand vm12, vm0  }
0x124: {  	vm0 =	vmand vm13, vm0;
	vm12 =	vlt.f32 v19, v62  }
0x125: {  	vm0 =	vmand vm12, vm0;
	_ =	sdelay $0x1  }
0x126: {  	p2 =	sne.s32 s8, $0x63  }
.Ltmp5:
0x127: {  	_ = 	snop;
	(pc) =	sbr.rel @p2 .LBB2_6-.Ltmp5, $3  }
0x128: {  	_ =	sdelay $0x1  }
0x129: {  	[tilespmem:v23+s16+$0x0] =	vst.idx.msk vm0, v19  }
0x12a: {  	s8 =	sadd.s32 $0x1, s8;
	[tilespmem:v23+s17+$0x0] =	vst.idx.msk vm0, v12  }
0x12b: {  	v21 =	vld [tilespmem:s1+$0x0];
	_ =	sdelay $0x4  }
0x12c: {  	v12 =	vadd.s32 $0x70, v21  }
0x12d: {  	v13 =	vadd.s32 $0xE0, v21  }
0x12e: {  	v14 =	vadd.s32 $0x150, v21  }
0x12f: {  	v15 =	vmov s0;
	v16 =	vor.u32 s0, v3;
	v17 =	vld [tilespmem:s31+$0x0]  }
0x130: {  	v16 =	vand.u32 $0x1F, v16;
	v15 =	vshrl.u32 v15, $0x5;
	v18 =	vld.idx.msk [tilespmem:v21+s2+$0x0], $0xffff  }
0x131: {  	v16 =	vcvt.s32.f32 v16;
	v15 =	vcvt.s32.f32 v15;
	v12 =	vld.idx.msk [tilespmem:v12+s2+$0x0], $0xffff  }
0x132: {  	v13 =	vld.idx.msk [tilespmem:v13+s2+$0x0], $0xffff  }
0x133: {  	v16 =	vadd.f32 $5.000000000e-01, v16;
	v15 =	vadd.f32 $5.000000000e-01, v15;
	v14 =	vld.idx.msk [tilespmem:v14+s2+$0x0], $0xffff;
	_ =	sdelay $0x1  }
0x134: {  	v16 =	vmul.f32 $1.600000000e+01, v16;
	v15 =	vmul.f32 $1.600000000e+01, v15;
	_ =	sdelay $0x1  }
0x135: {  	v18 =	vsub.f32 v16, v18;
	v19 =	vsub.f32 v15, v12  }
0x136: {  	vm12 =	vlt.f32 v17, $1.000000000e+10;
	v16 =	vsub.f32 v13, v16;
	v23 =	vsub.f32 v14, v15  }
0x137: {  	v13 =	vnsel vm12, $0x3F800000, v18  }
0x138: {  	v14 =	vnsel vm12, $0x3F800000, v19;
	v15 =	vnsel vm12, $0x3F800000, v16;
	v17 =	vnsel vm12, $0x3F800000, v23  }
0x139: {  	s21 =	simm.s32 $0x13E0;
	v12 =	vmax.f32 v13, v15;
	v20 =	vmax.f32 v14, v17  }
0x13a: {  	v27 =	vld [tilespmem:s21+$0x0];
	v12 =	vmax.f32 v12, $9.999999740e-06;
	v20 =	vmax.f32 v20, $9.999999740e-06  }
0x13b: {  	v12 =	vmul.f32 v20, v12;
	_ =	sdelay $0x1  }
0x13c: {  	v20 =	vadd.f32 $1.000000010e-10, v12;
	_ =	sdelay $0x1  }
0x13d: {  	v24 =	vadd.s32 $0xE0, v27;
	v22 =	vsub.s32 $0x7EF311C3, v20  }
0x13e: {  	s9 =	simm.s32 $0x10;
	v12 =	vadd.s32 $0x70, v27;
	v25 =	vmul.f32 v22, v20  }
0x13f: {  	s26 =	simm.s32 $0x910;
	v26 =	vor.u32 s9, v3;
	v28 =	vadd.s32 $0x150, v27  }
0x140: {  	v29 =	vmov s9;
	v30 =	vld [tilespmem:s26+$0x0];
	v26 =	vand.u32 $0x1F, v26;
	v25 =	vsub.f32 $2.000000000e+00, v25  }
0x141: {  	v29 =	vshrl.u32 v29, $0x5;
	v26 =	vcvt.s32.f32 v26;
	v31 =	vld.idx.msk [tilespmem:v27+s2+$0x0], $0xffff  }
0x142: {  	v29 =	vcvt.s32.f32 v29;
	v24 =	vld.idx.msk [tilespmem:v24+s2+$0x0], $0xffff;
	v22 =	vmul.f32 v22, v25  }
0x143: {  	v12 =	vld.idx.msk [tilespmem:v12+s2+$0x0], $0xffff  }
0x144: {  	v26 =	vadd.f32 $5.000000000e-01, v26;
	v25 =	vld.idx.msk [tilespmem:v28+s2+$0x0], $0xffff;
	v28 =	vadd.f32 $5.000000000e-01, v29;
	v29 =	vmul.f32 v22, v20;
	_ =	sdelay $0x1  }
0x145: {  	v26 =	vmul.f32 $1.600000000e+01, v26;
	v29 =	vsub.f32 $2.000000000e+00, v29  }
0x146: {  	vm14 =	vlt.f32 v30, $1.000000000e+10;
	vm0 =	vmmov vm12;
	v28 =	vmul.f32 $1.600000000e+01, v28  }
0x147: {  	v31 =	vsub.f32 v26, v31;
	v24 =	vsub.f32 v24, v26;
	v22 =	vmul.f32 v29, v22  }
0x148: {  	v15 =	vmin.f32 v13, v15;
	v32 =	vsub.f32 v28, v12;
	v12 =	vsub.f32 v25, v28  }
0x149: {  	s28 =	simm.s32 $0x13F0;
	v14 =	vmin.f32 v14, v17;
	v25 =	vnsel vm14, $0x3F800000, v31;
	v20 =	vmul.f32 v22, v20  }
0x14a: {  	v13 =	vld [tilespmem:s28+$0x0];
	v28 =	vnsel vm14, $0x3F800000, v24;
	v26 =	vnsel vm14, $0x3F800000, v32;
	v29 =	vnsel vm14, $0x3F800000, v12  }
0x14b: {  	v30 =	vmax.f32 v25, v28;
	v33 =	vmax.f32 v26, v29;
	v20 =	vsub.f32 $2.000000000e+00, v20  }
0x14c: {  	v14 =	vmul.f32 v14, v15;
	v30 =	vmax.f32 v30, $9.999999740e-06;
	v17 =	vmax.f32 v33, $9.999999740e-06  }
0x14d: {  	s8 =	simm.s32 $0x20;
	v33 =	vnsel vm12, $0xBF800000, v16;
	v16 =	vmul.f32 v17, v30;
	v15 =	vmul.f32 v20, v22  }
0x14e: {  	vm13 =	vmmov vm0;
	v34 =	vnsel vm12, $0xBF800000, v19;
	v19 =	vor.u32 s8, v3  }
0x14f: {  	v43 =	vld.idx.msk [tilespmem:v21+s24+$0x0], $0xffff;
	v19 =	vand.u32 $0x1F, v19;
	v20 =	vadd.f32 $1.000000010e-10, v16;
	v30 =	vmul.f32 v15, v14  }
0x150: {  	v35 =	vnsel vm12, $0xBF800000, v18;
	v19 =	vcvt.s32.f32 v19;
	v15 =	vadd.s32 $0xE0, v13  }
0x151: {  	v37 =	vsub.s32 $0x7EF311C3, v20;
	v22 =	vshra.s32 v30, $0x1;
	v36 =	vmul.f32 $5.000000000e-01, v30  }
0x152: {  	v18 =	vld.idx.msk [tilespmem:v13+s2+$0x0], $0xffff;
	v16 =	vadd.s32 $0x150, v13;
	v39 =	vmul.f32 v37, v20;
	v22 =	vsub.s32 $0x5F3759DF, v22  }
0x153: {  	s29 =	simm.s32 $0x920;
	v19 =	vadd.f32 $5.000000000e-01, v19;
	v14 =	vadd.s32 $0x70, v13;
	v40 =	vmul.f32 v22, v36  }
0x154: {  	v38 =	vld [tilespmem:s29+$0x0];
	v43 =	vnsel vm13, $0x0, v43;
	v17 =	vmov s8;
	v39 =	vsub.f32 $2.000000000e+00, v39  }
0x155: {  	v19 =	vmul.f32 $1.600000000e+01, v19;
	v17 =	vshrl.u32 v17, $0x5;
	v40 =	vmul.f32 v22, v40  }
0x156: {  	[tilespmem:s1+$0x0] =	vst v43;
	s1 =	simm.s32 $0x40;
	v17 =	vcvt.s32.f32 v17;
	v53 =	vld.idx.msk [tilespmem:v15+s2+$0x0], $0xffff;
	v15 =	vnsel vm14, $0xBF800000, v24;
	v24 =	vmul.f32 v37, v39  }
0x157: {  	v43 =	vor.u32 s1, v3;
	v55 =	vsub.f32 v19, v18;
	v16 =	vld.idx.msk [tilespmem:v16+s2+$0x0], $0xffff;
	v54 =	vsub.f32 $1.500000000e+00, v40  }
0x158: {  	v25 =	vmin.f32 v25, v28;
	v42 =	vadd.f32 $5.000000000e-01, v17;
	v41 =	vld.idx.msk [tilespmem:v14+s2+$0x0], $0xffff;
	v39 =	vmul.f32 v24, v20  }
0x159: {  	v26 =	vmin.f32 v26, v29;
	vm12 =	vlt.f32 v38, $1.000000000e+10;
	v22 =	vmul.f32 v22, v54  }
0x15a: {  	v17 =	vnsel vm14, $0xBF800000, v31;
	v31 =	vmul.f32 $1.600000000e+01, v42;
	v56 =	vsub.f32 $2.000000000e+00, v39  }
0x15b: {  	v25 =	vmul.f32 v26, v25;
	v58 =	vnsel vm12, $0x3F800000, v55;
	v57 =	vmul.f32 v22, v36  }
0x15c: {  	v14 =	vnsel vm14, $0xBF800000, v32;
	v16 =	vsub.f32 v16, v31;
	v24 =	vmul.f32 v56, v24  }
0x15d: {  	v18 =	vsub.f32 v31, v41;
	v32 =	vsub.f32 v53, v19;
	v19 =	vmul.f32 v57, v22  }
0x15e: {  	vm14 =	vmmov vm14;
	v39 =	vnsel vm12, $0x3F800000, v16;
	v20 =	vmul.f32 v24, v20  }
0x15f: {  	s30 =	simm.s32 $0x1400;
	v41 =	vnsel vm12, $0x3F800000, v18;
	v59 =	vnsel vm12, $0x3F800000, v32;
	v31 =	vsub.f32 $1.500000000e+00, v19  }
0x160: {  	v28 =	vmax.f32 v58, v59;
	v60 =	vmax.f32 v41, v39;
	v61 =	vsub.f32 $2.000000000e+00, v20;
	v19 =	vld [tilespmem:s30+$0x0]  }
0x161: {  	v28 =	vmax.f32 v28, $9.999999740e-06;
	v29 =	vmax.f32 v60, $9.999999740e-06;
	v31 =	vmul.f32 v31, v22  }
0x162: {  	s9 =	simm.s32 $0x30;
	v38 =	vmin.f32 v58, v59;
	v24 =	vmul.f32 v61, v24;
	v22 =	vmul.f32 v29, v28  }
0x163: {  	v28 =	vmov s9;
	v29 =	vor.u32 s9, v3;
	v26 =	vmul.f32 v31, v36  }
0x164: {  	v29 =	vand.u32 $0x1F, v29;
	v62 =	vadd.f32 $1.000000010e-10, v22;
	v22 =	vmul.f32 v24, v25  }
0x165: {  	v63 =	vadd.s32 $0x70, v19;
	v25 =	vadd.s32 $0xE0, v19;
	v24 =	vmul.f32 v26, v31  }
0x166: {  	s9 =	simm.s32 $0x930;
	v26 =	vadd.s32 $0x150, v19;
	v21 =	vshra.s32 v22, $0x1;
	v44 =	vmul.f32 $5.000000000e-01, v22  }
0x167: {  	v52 =	vsub.s32 $0x7EF311C3, v62;
	v46 =	vsub.s32 $0x5F3759DF, v21;
	v24 =	vsub.f32 $1.500000000e+00, v24  }
0x168: {  	v47 =	vld [tilespmem:s9+$0x0];
	v45 =	vmul.f32 v52, v62;
	v21 =	vshrl.u32 v28, $0x5;
	v28 =	vmul.f32 v46, v44  }
0x169: {  	v20 =	vnsel vm12, $0xBF800000, v18;
	v29 =	vcvt.s32.f32 v29;
	v24 =	vmul.f32 v24, v31;
	v31 =	vld.idx.msk [tilespmem:v19+s2+$0x0], $0xffff  }
0x16a: {  	v18 =	vnsel vm12, $0xBF800000, v32;
	v53 =	vsub.f32 $2.000000000e+00, v45;
	v32 =	vld.idx.msk [tilespmem:v63+s2+$0x0], $0xffff;
	v28 =	vmul.f32 v46, v28  }
0x16b: {  	v39 =	vmin.f32 v41, v39;
	v29 =	vadd.f32 $5.000000000e-01, v29;
	v48 =	vcvt.s32.f32 v21;
	v25 =	vld.idx.msk [tilespmem:v25+s2+$0x0], $0xffff  }
0x16c: {  	v21 =	vnsel vm12, $0xBF800000, v55;
	v26 =	vld.idx.msk [tilespmem:v26+s2+$0x0], $0xffff;
	v37 =	vmul.f32 v52, v53;
	v28 =	vsub.f32 $1.500000000e+00, v28  }
0x16d: {  	v29 =	vmul.f32 $1.600000000e+01, v29;
	v24 =	vmul.f32 v24, v30;
	v30 =	vadd.f32 $5.000000000e-01, v48  }
0x16e: {  	v55 =	vnsel vm13, $0xBF800000, v23;
	v23 =	vmul.f32 v37, v62;
	v46 =	vmul.f32 v46, v28  }
0x16f: {  	v54 =	vnsel vm13, $0xBF800000, v24;
	v30 =	vmul.f32 $1.600000000e+01, v30;
	v24 =	vsub.f32 v29, v31  }
0x170: {  	v31 =	vsub.f32 $2.000000000e+00, v23;
	v25 =	vsub.f32 v25, v29;
	v57 =	vmul.f32 v46, v44  }
0x171: {  	vm15 =	vlt.f32 v47, $1.000000000e+10;
	v56 =	vsub.f32 v30, v32;
	v23 =	vsub.f32 v26, v30  }
0x172: {  	v29 =	vnsel vm15, $0x3F800000, v24;
	v37 =	vmul.f32 v31, v37;
	v26 =	vmul.f32 v57, v46  }
0x173: {  	s0 =	simm.s32 $0x1410;
	v32 =	vnsel vm15, $0x3F800000, v25;
	v28 =	vnsel vm15, $0x3F800000, v56;
	v31 =	vnsel vm15, $0x3F800000, v23  }
0x174: {  	v30 =	vld [tilespmem:s0+$0x0];
	v58 =	vmax.f32 v29, v32;
	v36 =	vmul.f32 v37, v62;
	v26 =	vsub.f32 $1.500000000e+00, v26  }
0x175: {  	v39 =	vmul.f32 v39, v38;
	v40 =	vmax.f32 v58, $9.999999740e-06;
	v59 =	vmax.f32 v28, v31  }
0x176: {  	v60 =	vmax.f32 v59, $9.999999740e-06;
	v61 =	vsub.f32 $2.000000000e+00, v36;
	v36 =	vmul.f32 v26, v46  }
0x177: {  	s8 =	simm.s32 $0x3720;
	vm12 =	vmmov vm12;
	vm13 =	vmmov vm14;
	[tilespmem:s31+$0x0] =	vst v54;
	v40 =	vmul.f32 v60, v40  }
0x178: {  	[tilespmem:s8+$0xFFFFF800] =	vst v35;
	v25 =	vnsel vm15, $0xBF800000, v25;
	v62 =	vmul.f32 v61, v37;
	v63 =	vmul.f32 v36, v44  }
0x179: {  	[tilespmem:s8+$0xFFFFFC00] =	vst v34;
	v38 =	vadd.s32 $0x70, v30;
	v42 =	vadd.s32 $0xE0, v30;
	v35 =	vadd.f32 $1.000000010e-10, v40  }
0x17a: {  	[tilespmem:s8+$0x0] =	vst v33;
	v33 =	vadd.s32 $0x150, v30;
	v34 =	vmul.f32 v62, v39;
	v40 =	vmul.f32 v63, v36  }
0x17b: {  	s31 =	simm.s32 $0x50;
	[tilespmem:s8+$0x400] =	vst v55;
	v26 =	vnsel vm15, $0xBF800000, v56;
	v37 =	vmov s1;
	s1 =	simm.s32 $0x930;
	v41 =	vsub.s32 $0x7EF311C3, v35;
	v39 =	vld.idx.msk [tilespmem:v27+s24+$0x0], $0xffff  }
.LBB2_8:
0x17c: {  	p2 =	sne.s32 s31, $0x3F0;
	s9 =	sadd.s32 $0x10, s9;
	v27 =	vshra.s32 v34, $0x1;
	v44 =	vmul.f32 $5.000000000e-01, v34;
	v40 =	vsub.f32 $1.500000000e+00, v40;
	v45 =	vmovc v30  }
0x17d: {  	v43 =	vand.u32 $0x1F, v43;
	v47 =	vmul.f32 v41, v35;
	v46 =	vld [tilespmem:s9+$0x0];
	v27 =	vsub.s32 $0x5F3759DF, v27  }
0x17e: {  	v37 =	vshrl.u32 v37, $0x5;
	v30 =	vld.idx.msk [tilespmem:v30+s2+$0x0], $0xffff;
	v48 =	vmul.f32 v27, v44;
	v36 =	vmul.f32 v40, v36  }
0x17f: {  	v37 =	vcvt.s32.f32 v37;
	v40 =	vcvt.s32.f32 v43;
	v43 =	vnsel vm15, $0xBF800000, v24;
	v38 =	vld.idx.msk [tilespmem:v38+s2+$0x0], $0xffff  }
0x180: {  	v24 =	vsub.f32 $2.000000000e+00, v47;
	v42 =	vld.idx.msk [tilespmem:v42+s2+$0x0], $0xffff;
	v47 =	vmul.f32 v27, v48;
	v36 =	vmul.f32 v36, v22;
	v22 =	vmovc v34  }
0x181: {  	v37 =	vadd.f32 $5.000000000e-01, v37;
	v34 =	vadd.f32 $5.000000000e-01, v40;
	v39 =	vnsel vm13, $0x0, v39;
	v33 =	vld.idx.msk [tilespmem:v33+s2+$0x0], $0xffff  }
0x182: {  	v40 =	vmul.f32 v41, v24;
	v24 =	vsub.f32 $1.500000000e+00, v47;
	[tilespmem:s21+$0x0] =	vst v39;
	v36 =	vnsel vm13, $0xBF800000, v36;
	s21 =	smov.u32 s28;
	s28 =	smov.u32 s30;
	s30 =	smov.u32 s0  }
0x183: {  	s8 =	sadd.s32 $0x10, s8;
	v37 =	vmul.f32 $1.600000000e+01, v37;
	v34 =	vmul.f32 $1.600000000e+01, v34;
	[tilespmem:s26+$0x0] =	vst v36;
	v36 =	vnsel vm13, $0xBF800000, v12;
	v12 =	vmovc v16;
	v16 =	vmovc v23;
	s26 =	smov.u32 s29;
	s29 =	smov.u32 s1  }
0x184: {  	v23 =	vmul.f32 v40, v35;
	vm13 =	vmmov vm12;
	s1 =	smov.u32 s9;
	v27 =	vmul.f32 v27, v24;
	[tilespmem:s8+$0x400] =	vst v36  }
0x185: {  	vm12 =	vmmov vm15;
	vm15 =	vlt.f32 v46, $1.000000000e+10;
	v24 =	vsub.f32 v34, v30;
	[tilespmem:s8+$0xFFFFF800] =	vst v17;
	v17 =	vmovc v21;
	v21 =	vmovc v43  }
0x186: {  	v38 =	vsub.f32 v37, v38;
	v30 =	vsub.f32 $2.000000000e+00, v23;
	v36 =	vmul.f32 v27, v44;
	[tilespmem:s8+$0xFFFFFC00] =	vst v14;
	v14 =	vmovc v20  }
0x187: {  	v34 =	vsub.f32 v42, v34;
	v23 =	vsub.f32 v33, v37;
	v33 =	vnsel vm15, $0x3F800000, v24;
	v20 =	vmovc v26;
	[tilespmem:s8+$0x0] =	vst v15  }
0x188: {  	v26 =	vnsel vm15, $0x3F800000, v38;
	v37 =	vmul.f32 v30, v40;
	v15 =	vmovc v18;
	v18 =	vmovc v25;
	v30 =	vmul.f32 v36, v27  }
0x189: {  	v39 =	vmin.f32 v29, v32;
	v32 =	vnsel vm15, $0x3F800000, v34;
	v29 =	vmovc v33;
	v25 =	vnsel vm15, $0x3F800000, v23  }
0x18a: {  	s0 =	sadd.s32 $0x10, s0;
	v33 =	vmax.f32 v29, v32;
	v35 =	vmul.f32 v37, v35;
	v36 =	vsub.f32 $1.500000000e+00, v30  }
0x18b: {  	v41 =	vmin.f32 v28, v31;
	v28 =	vmovc v26;
	v33 =	vmax.f32 v33, $9.999999740e-06;
	v40 =	vmax.f32 v26, v25;
	v31 =	vmovc v25;
	v30 =	vld [tilespmem:s0+$0x0]  }
0x18c: {  	v25 =	vmax.f32 v40, $9.999999740e-06;
	v35 =	vsub.f32 $2.000000000e+00, v35;
	v36 =	vmul.f32 v36, v27  }
.Ltmp6:
0x18d: {  	v26 =	vnsel vm15, $0xBF800000, v38;
	v27 =	vmul.f32 v25, v33;
	v33 =	vmul.f32 v41, v39;
	(pc) =	sbr.rel @p2 .LBB2_8-.Ltmp6, $4  }
0x18e: {  	v25 =	vnsel vm15, $0xBF800000, v34;
	v34 =	vmul.f32 v35, v37;
	v39 =	vmul.f32 v36, v44  }
0x18f: {  	v43 =	vor.u32 s31, v3;
	v37 =	vmov s31;
	v35 =	vadd.f32 $1.000000010e-10, v27  }
0x190: {  	v34 =	vmul.f32 v34, v33;
	v38 =	vadd.s32 $0x70, v30;
	v40 =	vmul.f32 v39, v36  }
0x191: {  	s31 =	sadd.s32 $0x10, s31;
	v42 =	vadd.s32 $0xE0, v30;
	v33 =	vadd.s32 $0x150, v30;
	v41 =	vsub.s32 $0x7EF311C3, v35;
	v39 =	vld.idx.msk [tilespmem:v13+s24+$0x0], $0xffff;
	v13 =	vmovc v19;
	v19 =	vmovc v45  }
0x192: {  	_ =	sdelay $0x3  }
0x193: {  	v50 =	vld.idx.msk [tilespmem:v30+s2+$0x0], $0xffff  }
0x194: {  	v27 =	vand.u32 $0x1F, v43;
	v37 =	vshrl.u32 v37, $0x5;
	v38 =	vld.idx.msk [tilespmem:v38+s2+$0x0], $0xffff  }
0x195: {  	v42 =	vld.idx.msk [tilespmem:v42+s2+$0x0], $0xffff;
	v27 =	vcvt.s32.f32 v27;
	v37 =	vcvt.s32.f32 v37  }
0x196: {  	s9 =	sadd.s32 $0x10, s9;
	v45 =	vld.idx.msk [tilespmem:v33+s2+$0x0], $0xffff  }
0x197: {  	v44 =	vld [tilespmem:s9+$0x0];
	v27 =	vadd.f32 $5.000000000e-01, v27;
	v51 =	vadd.f32 $5.000000000e-01, v37;
	_ =	sdelay $0x1  }
0x198: {  	v46 =	vmul.f32 $1.600000000e+01, v27;
	v47 =	vmul.f32 $1.600000000e+01, v51;
	_ =	sdelay $0x1  }
0x199: {  	v37 =	vsub.f32 v46, v50;
	v27 =	vsub.f32 v47, v38  }
0x19a: {  	vm14 =	vlt.f32 v44, $1.000000000e+10;
	v33 =	vsub.f32 v42, v46;
	v38 =	vsub.f32 v45, v47  }
0x19b: {  	v42 =	vnsel vm14, $0x3F800000, v37  }
0x19c: {  	v43 =	vnsel vm14, $0x3F800000, v27;
	v44 =	vnsel vm14, $0x3F800000, v33;
	v45 =	vnsel vm14, $0x3F800000, v38  }
0x19d: {  	v53 =	vmax.f32 v42, v44;
	v48 =	vmax.f32 v43, v45  }
0x19e: {  	v52 =	vmul.f32 v41, v35;
	v47 =	vmax.f32 v53, $9.999999740e-06;
	v48 =	vmax.f32 v48, $9.999999740e-06  }
0x19f: {  	v47 =	vmul.f32 v48, v47  }
0x1a0: {  	v46 =	vsub.f32 $2.000000000e+00, v52  }
0x1a1: {  	v55 =	vadd.f32 $1.000000010e-10, v47  }
0x1a2: {  	v54 =	vmul.f32 v41, v46  }
0x1a3: {  	v57 =	vsub.s32 $0x7EF311C3, v55  }
0x1a4: {  	v56 =	vmul.f32 v54, v35;
	v49 =	vmul.f32 v57, v55;
	_ =	sdelay $0x1  }
0x1a5: {  	v47 =	vsub.f32 $2.000000000e+00, v56;
	v49 =	vsub.f32 $2.000000000e+00, v49;
	_ =	sdelay $0x1  }
0x1a6: {  	v41 =	vmul.f32 v47, v54;
	v58 =	vmul.f32 v57, v49;
	_ =	sdelay $0x1  }
0x1a7: {  	v60 =	vshra.s32 v34, $0x1;
	v59 =	vmul.f32 v41, v35;
	v50 =	vmul.f32 v58, v55  }
0x1a8: {  	v29 =	vmin.f32 v29, v32;
	v28 =	vmin.f32 v28, v31;
	v49 =	vmul.f32 $5.000000000e-01, v34  }
0x1a9: {  	v61 =	vsub.s32 $0x5F3759DF, v60;
	v35 =	vsub.f32 $2.000000000e+00, v59;
	v63 =	vsub.f32 $2.000000000e+00, v50  }
0x1aa: {  	v28 =	vmul.f32 v28, v29;
	v62 =	vmul.f32 v61, v49  }
0x1ab: {  	v51 =	vmul.f32 v35, v41;
	v52 =	vmul.f32 v63, v58  }
0x1ac: {  	v31 =	vmul.f32 v61, v62  }
0x1ad: {  	v28 =	vmul.f32 v51, v28;
	v54 =	vmul.f32 v52, v55  }
0x1ae: {  	v42 =	vmin.f32 v42, v44;
	v43 =	vmin.f32 v43, v45;
	v53 =	vsub.f32 $1.500000000e+00, v31  }
0x1af: {  	v56 =	vmul.f32 $5.000000000e-01, v28;
	v55 =	vshra.s32 v28, $0x1;
	v31 =	vsub.f32 $2.000000000e+00, v54  }
0x1b0: {  	v42 =	vmul.f32 v43, v42;
	v29 =	vmul.f32 v61, v53;
	v57 =	vsub.s32 $0x5F3759DF, v55  }
0x1b1: {  	v41 =	vmul.f32 v57, v56;
	v31 =	vmul.f32 v31, v52  }
0x1b2: {  	v58 =	vmul.f32 v29, v49  }
0x1b3: {  	v41 =	vmul.f32 v57, v41;
	v31 =	vmul.f32 v31, v42  }
0x1b4: {  	v35 =	vmul.f32 v58, v29  }
0x1b5: {  	v41 =	vsub.f32 $1.500000000e+00, v41;
	v42 =	vshra.s32 v31, $0x1;
	v59 =	vmul.f32 $5.000000000e-01, v31  }
0x1b6: {  	v35 =	vsub.f32 $1.500000000e+00, v35;
	v42 =	vsub.s32 $0x5F3759DF, v42  }
0x1b7: {  	v32 =	vmul.f32 v57, v41;
	v60 =	vmul.f32 v42, v59  }
0x1b8: {  	v29 =	vmul.f32 v35, v29  }
0x1b9: {  	v61 =	vsub.f32 $1.500000000e+00, v40;
	v62 =	vmul.f32 v32, v56;
	v41 =	vmul.f32 v42, v60  }
0x1ba: {  	v63 =	vmul.f32 v29, v49  }
0x1bb: {  	v35 =	vmul.f32 v61, v36;
	v45 =	vmul.f32 v62, v32;
	v47 =	vsub.f32 $1.500000000e+00, v41  }
0x1bc: {  	v48 =	vmul.f32 v63, v29  }
0x1bd: {  	v13 =	vld.idx.msk [tilespmem:v13+s24+$0x0], $0xffff;
	v22 =	vmul.f32 v35, v22;
	v49 =	vsub.f32 $1.500000000e+00, v45;
	v50 =	vmul.f32 v42, v47  }
0x1be: {  	v39 =	vnsel vm13, $0x0, v39;
	v51 =	vsub.f32 $1.500000000e+00, v48  }
0x1bf: {  	[tilespmem:s21+$0x0] =	vst v39;
	v22 =	vnsel vm13, $0xBF800000, v22;
	v32 =	vmul.f32 v49, v32;
	v52 =	vmul.f32 v50, v59  }
0x1c0: {  	v12 =	vnsel vm13, $0xBF800000, v12;
	s8 =	sadd.s32 $0x10, s8;
	[tilespmem:s26+$0x0] =	vst v22;
	v22 =	vmul.f32 v51, v29  }
0x1c1: {  	vm0 =	vmmov vm12;
	[tilespmem:s8+$0x400] =	vst v12;
	v12 =	vmul.f32 v32, v56;
	v53 =	vmul.f32 v52, v50  }
0x1c2: {  	v13 =	vnsel vm0, $0x0, v13;
	[tilespmem:s8+$0xFFFFF800] =	vst v17  }
0x1c3: {  	[tilespmem:s8+$0xFFFFFC00] =	vst v14;
	v14 =	vmul.f32 v22, v34;
	v12 =	vmul.f32 v12, v32;
	v17 =	vsub.f32 $1.500000000e+00, v53  }
0x1c4: {  	[tilespmem:s28+$0x0] =	vst v13  }
0x1c5: {  	[tilespmem:s8+$0x0] =	vst v15;
	v13 =	vnsel vm0, $0xBF800000, v14;
	v14 =	vld.idx.msk [tilespmem:v19+s24+$0x0], $0xffff;
	v12 =	vsub.f32 $1.500000000e+00, v12;
	v15 =	vmul.f32 v17, v50  }
0x1c6: {  	s8 =	sadd.s32 $0x10, s8;
	[tilespmem:s29+$0x0] =	vst v13;
	v13 =	vnsel vm0, $0xBF800000, v16  }
0x1c7: {  	[tilespmem:s8+$0x400] =	vst v13;
	v12 =	vmul.f32 v12, v32;
	v13 =	vmul.f32 v15, v59  }
0x1c8: {  	vm0 =	vmmov vm15;
	[tilespmem:s8+$0xFFFFF800] =	vst v21  }
0x1c9: {  	vm0 =	vmmov vm0;
	[tilespmem:s8+$0xFFFFFC00] =	vst v20;
	v12 =	vmul.f32 v12, v28;
	v13 =	vmul.f32 v13, v15  }
0x1ca: {  	[tilespmem:s8+$0x0] =	vst v18;
	v14 =	vnsel vm0, $0x0, v14  }
0x1cb: {  	[tilespmem:s30+$0x0] =	vst v14;
	v14 =	vld.idx.msk [tilespmem:v30+s24+$0x0], $0xffff;
	v12 =	vnsel vm0, $0xBF800000, v12;
	v13 =	vsub.f32 $1.500000000e+00, v13  }
0x1cc: {  	s8 =	sadd.s32 $0x10, s8;
	[tilespmem:s1+$0x0] =	vst v12;
	v12 =	vnsel vm0, $0xBF800000, v23  }
0x1cd: {  	v16 =	vnsel vm15, $0xBF800000, v24;
	[tilespmem:s8+$0x400] =	vst v12;
	v12 =	vmul.f32 v13, v15  }
0x1ce: {  	vm0 =	vmmov vm14;
	[tilespmem:s8+$0xFFFFF800] =	vst v16  }
0x1cf: {  	vm0 =	vmmov vm0;
	[tilespmem:s8+$0xFFFFFC00] =	vst v26;
	v12 =	vmul.f32 v12, v31  }
0x1d0: {  	[tilespmem:s8+$0x0] =	vst v25;
	v13 =	vnsel vm0, $0x0, v14  }
0x1d1: {  	[tilespmem:s0+$0x0] =	vst v13;
	v12 =	vnsel vm0, $0xBF800000, v12  }
0x1d2: {  	s21 =	sadd.s32 $0x10, s8;
	[tilespmem:s9+$0x0] =	vst v12;
	v12 =	vnsel vm0, $0xBF800000, v38  }
0x1d3: {  	v13 =	vnsel vm14, $0xBF800000, v37;
	[tilespmem:s21+$0x400] =	vst v12  }
0x1d4: {  	v12 =	vnsel vm14, $0xBF800000, v27;
	[tilespmem:s21+$0xFFFFF800] =	vst v13  }
0x1d5: {  	v13 =	vnsel vm14, $0xBF800000, v33;
	[tilespmem:s21+$0xFFFFFC00] =	vst v12  }
0x1d6: {  	[tilespmem:s21+$0x0] =	vst v13  }
0x1d7: {  	s26 =	simm.s32 $0x13D0;
	s1 =	simm.s32 $0x0;
	s0 =	rddreg [dreg:$0xf]  }
0x1d8: {  	[hbm4b:s0+s1] =	stream.linear.scatter [tilespmem:s26], [sflag:$0x1], $0x400, $0x38;
	[tilespmem:$0x4460] =	vst v63  }
0x1d9: {  	_ =	swait.ge [sflag:s23], $0x400  }
0x1da: {  	[sflag:s23] =	ssyncset.done $0x0  }
0x1db: {  	s29 =	simm.s32 $0x900;
	s28 =	rddreg [dreg:$0x10];
	[sflag:s23] =	ssyncadd.s32 $0xFFFFFC00  }
0x1dc: {  	[hbm4b:s28+s1] =	stream.linear.scatter [tilespmem:s29], [sflag:$0x1], $0x400, $0x38;
	[tilespmem:$0x4460] =	vst v63  }
0x1dd: {  	_ =	swait.ge [sflag:s23], $0x400  }
0x1de: {  	[sflag:s23] =	ssyncset.done $0x0  }
0x1df: {  	s31 =	simm.s32 $0x2F20;
	s30 =	rddreg [dreg:$0x19];
	[sflag:s23] =	ssyncadd.s32 $0xFFFFFC00  }
0x1e0: {  	[hbm4b:s30+s1] =	stream.linear.scatter [tilespmem:s31], [sflag:$0x1], $0x400, $0x38;
	[tilespmem:$0x4460] =	vst v63  }
0x1e1: {  	_ =	swait.ge [sflag:s23], $0x400  }
0x1e2: {  	[sflag:s23] =	ssyncset.done $0x0  }
0x1e3: {  	s9 =	simm.s32 $0x3320;
	s8 =	rddreg [dreg:$0x1a];
	[sflag:s23] =	ssyncadd.s32 $0xFFFFFC00  }
0x1e4: {  	[hbm4b:s8+s1] =	stream.linear.scatter [tilespmem:s9], [sflag:$0x1], $0x400, $0x38;
	[tilespmem:$0x4460] =	vst v63  }
0x1e5: {  	_ =	swait.ge [sflag:s23], $0x400  }
0x1e6: {  	[sflag:s23] =	ssyncset.done $0x0  }
0x1e7: {  	s26 =	simm.s32 $0x3720;
	s21 =	rddreg [dreg:$0x1b];
	[sflag:s23] =	ssyncadd.s32 $0xFFFFFC00  }
0x1e8: {  	[hbm4b:s21+s1] =	stream.linear.scatter [tilespmem:s26], [sflag:$0x1], $0x400, $0x38;
	[tilespmem:$0x4460] =	vst v63  }
0x1e9: {  	_ =	swait.ge [sflag:s23], $0x400  }
0x1ea: {  	[sflag:s23] =	ssyncset.done $0x0  }
0x1eb: {  	s29 =	simm.s32 $0x3B20;
	s28 =	rddreg [dreg:$0x1c];
	[sflag:s23] =	ssyncadd.s32 $0xFFFFFC00  }
0x1ec: {  	[hbm4b:s28+s1] =	stream.linear.scatter [tilespmem:s29], [sflag:$0x1], $0x400, $0x38;
	[tilespmem:$0x4460] =	vst v63  }
0x1ed: {  	_ =	swait.ge [sflag:s23], $0x400  }
0x1ee: {  	[sflag:s23] =	ssyncset.done $0x0  }
0x1ef: {  	s30 =	simm.s32 $0x18D0;
	[sflag:s23] =	ssyncadd.s32 $0xFFFFFC00  }
0x1f0: {  	v12 =	vld [tilespmem:s30+$0x0];
	_ =	sdelay $0x4  }
0x1f1: {  	v13 =	vadd.s32 $0x150, v12  }
0x1f2: {  	v14 =	vadd.s32 $0x70, v12  }
0x1f3: {  	s0 =	simm.s32 $0xE00;
	v15 =	vadd.s32 $0xE0, v12  }
0x1f4: {  	v17 =	vor.u32 s1, v3;
	v16 =	vld [tilespmem:s0+$0x0]  }
0x1f5: {  	v17 =	vshrl.u32 v17, $0x3;
	v18 =	vld.idx.msk [tilespmem:v12+s2+$0x0], $0xffff  }
0x1f6: {  	v17 =	vcvt.s32.f32 v17;
	v13 =	vld.idx.msk [tilespmem:v13+s2+$0x0], $0xffff  }
0x1f7: {  	v14 =	vld.idx.msk [tilespmem:v14+s2+$0x0], $0xffff  }
0x1f8: {  	v17 =	vadd.f32 $5.000000000e-01, v17;
	v15 =	vld.idx.msk [tilespmem:v15+s2+$0x0], $0xffff;
	_ =	sdelay $0x1  }
0x1f9: {  	v17 =	vmul.f32 $6.400000000e+01, v17;
	_ =	sdelay $0x1  }
0x1fa: {  	v18 =	vsub.f32 v6, v18;
	v13 =	vsub.f32 v13, v17  }
0x1fb: {  	vm12 =	vlt.f32 v16, $1.000000000e+10;
	v16 =	vsub.f32 v17, v14;
	v14 =	vadd.f32 v7, v15  }
0x1fc: {  	v17 =	vnsel vm12, $0x3F800000, v18  }
0x1fd: {  	v15 =	vnsel vm12, $0x3F800000, v13;
	v19 =	vnsel vm12, $0x3F800000, v16;
	v20 =	vnsel vm12, $0x3F800000, v14  }
0x1fe: {  	v21 =	vmax.f32 v19, v15;
	v22 =	vmax.f32 v17, v20  }
0x1ff: {  	v21 =	vmax.f32 v21, $9.999999740e-06;
	v22 =	vmax.f32 v22, $9.999999740e-06  }
0x200: {  	v21 =	vmul.f32 v21, v22;
	_ =	sdelay $0x1  }
0x201: {  	v21 =	vadd.f32 $1.000000010e-10, v21;
	_ =	sdelay $0x1  }
0x202: {  	v22 =	vsub.s32 $0x7EF311C3, v21  }
0x203: {  	v23 =	vmul.f32 v22, v21;
	_ =	sdelay $0x1  }
0x204: {  	v23 =	vsub.f32 $2.000000000e+00, v23;
	_ =	sdelay $0x1  }
0x205: {  	v22 =	vmul.f32 v22, v23;
	_ =	sdelay $0x1  }
0x206: {  	v23 =	vmul.f32 v22, v21;
	_ =	sdelay $0x1  }
0x207: {  	v23 =	vsub.f32 $2.000000000e+00, v23;
	_ =	sdelay $0x1  }
0x208: {  	s8 =	simm.s32 $0x18E0;
	v22 =	vmul.f32 v23, v22  }
0x209: {  	v23 =	vld [tilespmem:s8+$0x0]  }
0x20a: {  	v21 =	vmul.f32 v22, v21;
	_ =	sdelay $0x1  }
0x20b: {  	v21 =	vsub.f32 $2.000000000e+00, v21  }
0x20c: {  	v17 =	vmin.f32 v17, v20;
	v15 =	vmin.f32 v19, v15  }
0x20d: {  	v15 =	vmul.f32 v15, v17;
	v17 =	vadd.s32 $0x150, v23;
	v19 =	vmul.f32 v21, v22  }
0x20e: {  	v20 =	vadd.s32 $0x70, v23  }
0x20f: {  	s31 =	simm.s32 $0x10;
	s1 =	simm.s32 $0xE10;
	v21 =	vadd.s32 $0xE0, v23;
	v24 =	vmul.f32 v19, v15  }
0x210: {  	v15 =	vld [tilespmem:s1+$0x0];
	v19 =	vor.u32 s31, v3  }
0x211: {  	v22 =	vld.idx.msk [tilespmem:v23+s2+$0x0], $0xffff;
	v19 =	vshrl.u32 v19, $0x3;
	v25 =	vshra.s32 v24, $0x1;
	v26 =	vmul.f32 $5.000000000e-01, v24  }
0x212: {  	v17 =	vld.idx.msk [tilespmem:v17+s2+$0x0], $0xffff;
	v19 =	vcvt.s32.f32 v19;
	v25 =	vsub.s32 $0x5F3759DF, v25  }
0x213: {  	v20 =	vld.idx.msk [tilespmem:v20+s2+$0x0], $0xffff;
	v27 =	vmul.f32 v25, v26  }
0x214: {  	v21 =	vld.idx.msk [tilespmem:v21+s2+$0x0], $0xffff;
	v19 =	vadd.f32 $5.000000000e-01, v19  }
0x215: {  	v27 =	vmul.f32 v25, v27  }
0x216: {  	v19 =	vmul.f32 $6.400000000e+01, v19  }
0x217: {  	v27 =	vsub.f32 $1.500000000e+00, v27  }
0x218: {  	v54 =	vsub.f32 v6, v22;
	vm13 =	vlt.f32 v15, $1.000000000e+10;
	v17 =	vsub.f32 v17, v19  }
0x219: {  	v55 =	vsub.f32 v19, v20;
	v19 =	vadd.f32 v7, v21;
	v15 =	vmul.f32 v25, v27  }
0x21a: {  	v20 =	vnsel vm13, $0x3F800000, v54;
	v21 =	vnsel vm13, $0x3F800000, v17  }
0x21b: {  	v25 =	vnsel vm13, $0x3F800000, v55;
	v27 =	vnsel vm13, $0x3F800000, v19;
	v22 =	vmul.f32 v15, v26  }
0x21c: {  	v56 =	vmax.f32 v25, v21;
	v57 =	vmax.f32 v20, v27  }
0x21d: {  	v30 =	vmax.f32 v56, $9.999999740e-06;
	v31 =	vmax.f32 v57, $9.999999740e-06;
	v22 =	vmul.f32 v22, v15  }
0x21e: {  	v30 =	vmul.f32 v30, v31  }
0x21f: {  	v58 =	vsub.f32 $1.500000000e+00, v22  }
0x220: {  	v22 =	vadd.f32 $1.000000010e-10, v30  }
0x221: {  	v59 =	vmul.f32 v58, v15  }
0x222: {  	v12 =	vld.idx.msk [tilespmem:v12+s24+$0x0], $0xffff;
	v60 =	vsub.s32 $0x7EF311C3, v22  }
0x223: {  	v61 =	vld.idx.msk [tilespmem:v23+s24+$0x0], $0xffff;
	v15 =	vmul.f32 v60, v22;
	v23 =	vmul.f32 v59, v26;
	_ =	sdelay $0x1  }
0x224: {  	v14 =	vnsel vm12, $0xBF800000, v14;
	v62 =	vsub.f32 $2.000000000e+00, v15;
	v63 =	vmul.f32 v23, v59  }
0x225: {  	v20 =	vmin.f32 v20, v27;
	v21 =	vmin.f32 v25, v21;
	v15 =	vnsel vm12, $0xBF800000, v13  }
0x226: {  	v13 =	vnsel vm12, $0xBF800000, v16;
	v23 =	vmul.f32 v60, v62;
	v16 =	vsub.f32 $1.500000000e+00, v63  }
0x227: {  	v26 =	vnsel vm12, $0x0, v12;
	v12 =	vnsel vm12, $0xBF800000, v18;
	v18 =	vnsel vm13, $0x0, v61  }
0x228: {  	vm12 =	vmmov vm12;
	v25 =	vmul.f32 v23, v22;
	v27 =	vmul.f32 v16, v59  }
0x229: {  	[tilespmem:s8+$0x0] =	vst v18;
	v18 =	vnsel vm13, $0xBF800000, v55;
	v16 =	vnsel vm13, $0xBF800000, v19;
	v19 =	vnsel vm13, $0xBF800000, v17  }
0x22a: {  	s9 =	simm.s32 $0x43A0;
	s26 =	simm.s32 $0x20;
	s21 =	simm.s32 $0x43A0;
	[tilespmem:s30+$0x0] =	vst v26;
	v17 =	vnsel vm13, $0xBF800000, v54;
	v25 =	vsub.f32 $2.000000000e+00, v25;
	v24 =	vmul.f32 v27, v24  }
.LBB2_10:
0x22b: {  	p2 =	sne.s32 s26, $0x30  }
0x22c: {  	s9 =	sadd.s32 $0x10, s9;
	s28 =	smov.u32 s26;
	s26 =	sadd.s32 $0x10, s26  }
0x22d: {  	s8 =	sadd.s32 $0x10, s8;
	v23 =	vmul.f32 v25, v23;
	v24 =	vnsel vm12, $0xBF800000, v24;
	vm12 =	vmmov vm13  }
0x22e: {  	v25 =	vld [tilespmem:s8+$0x0];
	[tilespmem:s0+$0x0] =	vst v24;
	s0 =	smov.u32 s1  }
0x22f: {  	v22 =	vmul.f32 v23, v22;
	[tilespmem:s21+$0x40] =	vst v15;
	v15 =	vmov v19  }
0x230: {  	[tilespmem:s21+$0x0] =	vst v14;
	v14 =	vmov v16  }
0x231: {  	v16 =	vsub.f32 $2.000000000e+00, v22;
	[tilespmem:s21+$0xFFFFFF80] =	vst v12;
	v12 =	vmov v17  }
0x232: {  	v17 =	vmul.f32 v21, v20;
	[tilespmem:s21+$0xFFFFFFC0] =	vst v13;
	v13 =	vmov v18;
	s21 =	smov.u32 s9  }
0x233: {  	v18 =	vadd.s32 $0x70, v25;
	v19 =	vadd.s32 $0xE0, v25;
	v20 =	vadd.s32 $0x150, v25  }
0x234: {  	v16 =	vmul.f32 v16, v23  }
0x235: {  	s1 =	sadd.s32 $0x10, s1  }
0x236: {  	v22 =	vor.u32 s28, v3;
	v24 =	vmul.f32 v16, v17;
	v21 =	vld [tilespmem:s1+$0x0]  }
0x237: {  	v17 =	vshrl.u32 v22, $0x3;
	v16 =	vld.idx.msk [tilespmem:v25+s2+$0x0], $0xffff  }
0x238: {  	v17 =	vcvt.s32.f32 v17;
	v22 =	vshra.s32 v24, $0x1;
	v23 =	vmul.f32 $5.000000000e-01, v24;
	v20 =	vld.idx.msk [tilespmem:v20+s2+$0x0], $0xffff  }
0x239: {  	v22 =	vsub.s32 $0x5F3759DF, v22;
	v18 =	vld.idx.msk [tilespmem:v18+s2+$0x0], $0xffff  }
0x23a: {  	v17 =	vadd.f32 $5.000000000e-01, v17;
	v26 =	vmul.f32 v22, v23;
	v19 =	vld.idx.msk [tilespmem:v19+s2+$0x0], $0xffff  }
0x23b: {  	v25 =	vld.idx.msk [tilespmem:v25+s24+$0x0], $0xffff  }
0x23c: {  	v17 =	vmul.f32 $6.400000000e+01, v17;
	v26 =	vmul.f32 v22, v26  }
0x23d: {  	v27 =	vsub.f32 v6, v16  }
0x23e: {  	v28 =	vsub.f32 v20, v17;
	v16 =	vsub.f32 $1.500000000e+00, v26  }
0x23f: {  	vm13 =	vlt.f32 v21, $1.000000000e+10;
	v18 =	vsub.f32 v17, v18  }
0x240: {  	v17 =	vadd.f32 v7, v19;
	v19 =	vnsel vm13, $0x3F800000, v28;
	v26 =	vmul.f32 v22, v16  }
0x241: {  	v16 =	vnsel vm13, $0x3F800000, v27;
	v21 =	vnsel vm13, $0x3F800000, v18;
	v20 =	vnsel vm13, $0x0, v25  }
0x242: {  	v22 =	vnsel vm13, $0x3F800000, v17;
	v25 =	vmax.f32 v21, v19;
	v29 =	vmul.f32 v26, v23;
	[tilespmem:s8+$0x0] =	vst v20  }
0x243: {  	v20 =	vmin.f32 v16, v22;
	v16 =	vmax.f32 v16, v22;
	v22 =	vmax.f32 v25, $9.999999740e-06  }
0x244: {  	v21 =	vmin.f32 v21, v19;
	v16 =	vmax.f32 v16, $9.999999740e-06;
	v25 =	vmul.f32 v29, v26  }
0x245: {  	v19 =	vnsel vm13, $0xBF800000, v28;
	v22 =	vmul.f32 v22, v16;
	v16 =	vnsel vm13, $0xBF800000, v17  }
0x246: {  	v18 =	vnsel vm13, $0xBF800000, v18;
	v17 =	vnsel vm13, $0xBF800000, v27;
	v25 =	vsub.f32 $1.500000000e+00, v25  }
0x247: {  	v22 =	vadd.f32 $1.000000010e-10, v22  }
0x248: {  	v25 =	vmul.f32 v25, v26  }
0x249: {  	v26 =	vsub.s32 $0x7EF311C3, v22  }
0x24a: {  	v27 =	vmul.f32 v26, v22;
	v23 =	vmul.f32 v25, v23;
	_ =	sdelay $0x1  }
0x24b: {  	v27 =	vsub.f32 $2.000000000e+00, v27;
	v28 =	vmul.f32 v23, v25;
	_ =	sdelay $0x1  }
.Ltmp7:
0x24c: {  	v23 =	vmul.f32 v26, v27;
	v26 =	vsub.f32 $1.500000000e+00, v28;
	(pc) =	sbr.rel @p2 .LBB2_10-.Ltmp7, $3  }
0x24d: {  	_ = 	snop  }
0x24e: {  	v27 =	vmul.f32 v23, v22;
	v26 =	vmul.f32 v26, v25;
	_ =	sdelay $0x1  }
0x24f: {  	v25 =	vsub.f32 $2.000000000e+00, v27;
	v24 =	vmul.f32 v26, v24  }
0x250: {  	_ = 	snop  }
0x251: {  	v23 =	vmul.f32 v25, v23;
	_ =	sdelay $0x1  }
0x252: {  	v22 =	vmul.f32 v23, v22;
	_ =	sdelay $0x1  }
0x253: {  	v22 =	vsub.f32 $2.000000000e+00, v22;
	_ =	sdelay $0x1  }
0x254: {  	v20 =	vmul.f32 v21, v20;
	v31 =	vmul.f32 v22, v23;
	_ =	sdelay $0x1  }
0x255: {  	v20 =	vmul.f32 v31, v20;
	_ =	sdelay $0x1  }
0x256: {  	v21 =	vshra.s32 v20, $0x1;
	v32 =	vmul.f32 $5.000000000e-01, v20  }
0x257: {  	v21 =	vsub.s32 $0x5F3759DF, v21  }
0x258: {  	v33 =	vmul.f32 v21, v32;
	_ =	sdelay $0x1  }
0x259: {  	v23 =	vmul.f32 v21, v33;
	_ =	sdelay $0x1  }
0x25a: {  	v23 =	vsub.f32 $1.500000000e+00, v23;
	_ =	sdelay $0x1  }
0x25b: {  	v21 =	vmul.f32 v21, v23;
	_ =	sdelay $0x1  }
0x25c: {  	v23 =	vmul.f32 v21, v32;
	_ =	sdelay $0x1  }
0x25d: {  	v23 =	vmul.f32 v23, v21;
	_ =	sdelay $0x1  }
0x25e: {  	v23 =	vsub.f32 $1.500000000e+00, v23;
	_ =	sdelay $0x1  }
0x25f: {  	v21 =	vmul.f32 v23, v21;
	_ =	sdelay $0x1  }
0x260: {  	v22 =	vmul.f32 v21, v32;
	_ =	sdelay $0x1  }
0x261: {  	v22 =	vmul.f32 v22, v21;
	_ =	sdelay $0x1  }
0x262: {  	v22 =	vsub.f32 $1.500000000e+00, v22  }
0x263: {  	v34 =	vnsel vm12, $0xBF800000, v24  }
0x264: {  	[tilespmem:s0+$0x0] =	vst v34;
	v21 =	vmul.f32 v22, v21  }
0x265: {  	[tilespmem:s21+$0x40] =	vst v15  }
0x266: {  	[tilespmem:s21+$0x0] =	vst v14;
	v35 =	vmul.f32 v21, v20  }
0x267: {  	vm0 =	vmmov vm13;
	[tilespmem:s21+$0xFFFFFF80] =	vst v12  }
0x268: {  	[tilespmem:s21+$0xFFFFFFC0] =	vst v13;
	v36 =	vnsel vm0, $0xBF800000, v35  }
0x269: {  	s8 =	sadd.s32 $0x10, s9;
	[tilespmem:s1+$0x0] =	vst v36  }
0x26a: {  	[tilespmem:s8+$0x40] =	vst v19  }
0x26b: {  	[tilespmem:s8+$0x0] =	vst v16  }
0x26c: {  	[tilespmem:s8+$0xFFFFFF80] =	vst v17  }
0x26d: {  	[tilespmem:s8+$0xFFFFFFC0] =	vst v18  }
0x26e: {  	s0 =	rddreg [dreg:$0x11]  }
0x26f: {  	[hbm4b:s0+s2] =	stream.linear.scatter [tilespmem:s6], [sflag:$0x1], $0x40, $0x38;
	[tilespmem:$0x4460] =	vst v63  }
0x270: {  	_ =	swait.ge [sflag:s23], $0x40  }
0x271: {  	[sflag:s23] =	ssyncset.done $0x0  }
0x272: {  	s9 =	rddreg [dreg:$0x12];
	[sflag:s23] =	ssyncadd.s32 $0xFFFFFFC0  }
0x273: {  	[hbm4b:s9+s2] =	stream.linear.scatter [tilespmem:s5], [sflag:$0x1], $0x40, $0x38;
	[tilespmem:$0x4460] =	vst v63  }
0x274: {  	_ =	swait.ge [sflag:s23], $0x40  }
0x275: {  	[sflag:s23] =	ssyncset.done $0x0  }
0x276: {  	s26 =	simm.s32 $0x4320;
	s21 =	rddreg [dreg:$0x1d];
	[sflag:s23] =	ssyncadd.s32 $0xFFFFFFC0  }
0x277: {  	[hbm4b:s21+s2] =	stream.linear.scatter [tilespmem:s26], [sflag:$0x1], $0x40, $0x38;
	[tilespmem:$0x4460] =	vst v63  }
0x278: {  	_ =	swait.ge [sflag:s23], $0x40  }
0x279: {  	[sflag:s23] =	ssyncset.done $0x0  }
0x27a: {  	s29 =	simm.s32 $0x4360;
	s28 =	rddreg [dreg:$0x1e];
	[sflag:s23] =	ssyncadd.s32 $0xFFFFFFC0  }
0x27b: {  	[hbm4b:s28+s2] =	stream.linear.scatter [tilespmem:s29], [sflag:$0x1], $0x40, $0x38;
	[tilespmem:$0x4460] =	vst v63  }
0x27c: {  	_ =	swait.ge [sflag:s23], $0x40  }
0x27d: {  	[sflag:s23] =	ssyncset.done $0x0  }
0x27e: {  	s31 =	simm.s32 $0x43A0;
	s30 =	rddreg [dreg:$0x1f];
	[sflag:s23] =	ssyncadd.s32 $0xFFFFFFC0  }
0x27f: {  	[hbm4b:s30+s2] =	stream.linear.scatter [tilespmem:s31], [sflag:$0x1], $0x40, $0x38;
	[tilespmem:$0x4460] =	vst v63  }
0x280: {  	_ =	swait.ge [sflag:s23], $0x40  }
0x281: {  	s1 =	sld [smem:$0x7FC]  }
0x282: {  	[sflag:s23] =	ssyncset.done $0x0  }
0x283: {  	s8 =	simm.s32 $0x43E0;
	[sflag:s23] =	ssyncadd.s32 $0xFFFFFFC0  }
0x284: {  	[hbm4b:s1+s2] =	stream.linear.scatter [tilespmem:s8], [sflag:$0x1], $0x40, $0x38;
	[tilespmem:$0x4460] =	vst v63  }
0x285: {  	_ =	swait.ge [sflag:s23], $0x40  }
0x286: {  	[sflag:s23] =	ssyncset.done $0x0  }
0x287: {  	[sflag:s23] =	ssyncadd.s32 $0xFFFFFFC0  }
0x288: {  	v37 =	vld [tilespmem:$0x1910];
	_ =	sdelay $0x2  }
0x289: {  	v38 =	vsel vm1, $0x42800000, v8;
	v40 =	vsel vm1, $0xC2800000, v9  }
0x28a: {  	v13 =	vsel vm2, $0x43400000, v38;
	v15 =	vsel vm2, $0xC3400000, v40  }
0x28b: {  	v13 =	vsel vm3, $0x43A00000, v13;
	v15 =	vsel vm3, $0xC3A00000, v15;
	v39 =	vadd.s32 $0x70, v37  }
0x28c: {  	v13 =	vsel vm4, $0x42800000, v13;
	v15 =	vsel vm4, $0xC2800000, v15;
	v41 =	vadd.s32 $0xE0, v37  }
0x28d: {  	v13 =	vsel vm5, $0x43400000, v13;
	v15 =	vsel vm5, $0xC3400000, v15;
	v42 =	vadd.s32 $0x150, v37  }
0x28e: {  	v13 =	vsel vm6, $0x43A00000, v13;
	v15 =	vsel vm6, $0xC3A00000, v15;
	v44 =	vld [tilespmem:$0xE40]  }
0x28f: {  	vm13 =	vcmask $0x1F10;
	v13 =	vsel vm7, $0x42800000, v13;
	v15 =	vsel vm7, $0xC2800000, v15;
	v43 =	vld.idx.msk [tilespmem:v37+s2+$0x0], $0xffff  }
0x290: {  	vm12 =	vcmask $0xF00;
	v13 =	vsel vm8, $0x43400000, v13;
	v15 =	vsel vm8, $0xC3400000, v15;
	v14 =	vld.idx.msk [tilespmem:v39+s2+$0x0], $0xffff  }
0x291: {  	v45 =	vsel vm12, $0x42800000, v8;
	v13 =	vsel vm9, $0x43A00000, v13;
	v15 =	vsel vm9, $0xC3A00000, v15;
	v16 =	vld.idx.msk [tilespmem:v41+s2+$0x0], $0xffff  }
0x292: {  	v46 =	vsel vm12, $0xC2800000, v9;
	v13 =	vsel vm10, $0x42800000, v13;
	v15 =	vsel vm10, $0xC2800000, v15;
	v17 =	vld.idx.msk [tilespmem:v42+s2+$0x0], $0xffff  }
0x293: {  	vm12 =	vcmask $0x2F20;
	v13 =	vsel vm11, $0x43400000, v13;
	v15 =	vsel vm11, $0xC3400000, v15  }
0x294: {  	v20 =	vsel vm13, $0xC3400000, v46;
	vm0 =	vcmask $0x3B38;
	v18 =	vsel vm13, $0x43400000, v45  }
0x295: {  	v47 =	vsel vm12, $0xC3A00000, v20;
	v13 =	vsel vm0, $0x43A00000, v13;
	v18 =	vsel vm12, $0x43A00000, v18  }
0x296: {  	v15 =	vsel vm0, $0xC3A00000, v15;
	v13 =	vsub.f32 v13, v43;
	v14 =	vsub.f32 v18, v14  }
0x297: {  	vm12 =	vlt.f32 v44, $1.000000000e+10;
	v15 =	vadd.f32 v15, v16;
	v48 =	vadd.f32 v47, v17  }
0x298: {  	v49 =	vnsel vm12, $0x3F800000, v13  }
0x299: {  	v50 =	vnsel vm12, $0x3F800000, v14;
	v19 =	vnsel vm12, $0x3F800000, v15;
	v51 =	vnsel vm12, $0x3F800000, v48  }
0x29a: {  	v52 =	vmax.f32 v49, v19;
	v53 =	vmax.f32 v50, v51  }
0x29b: {  	v21 =	vmax.f32 v52, $9.999999740e-06;
	v22 =	vmax.f32 v53, $9.999999740e-06  }
0x29c: {  	v21 =	vmul.f32 v22, v21;
	_ =	sdelay $0x1  }
0x29d: {  	v21 =	vadd.f32 $1.000000010e-10, v21;
	_ =	sdelay $0x1  }
0x29e: {  	v54 =	vsub.s32 $0x7EF311C3, v21  }
0x29f: {  	v55 =	vmul.f32 v54, v21;
	_ =	sdelay $0x1  }
0x2a0: {  	v23 =	vsub.f32 $2.000000000e+00, v55;
	_ =	sdelay $0x1  }
0x2a1: {  	v22 =	vmul.f32 v54, v23;
	_ =	sdelay $0x1  }
0x2a2: {  	v23 =	vmul.f32 v22, v21;
	_ =	sdelay $0x1  }
0x2a3: {  	v23 =	vsub.f32 $2.000000000e+00, v23;
	_ =	sdelay $0x1  }
0x2a4: {  	v22 =	vmul.f32 v23, v22;
	_ =	sdelay $0x1  }
0x2a5: {  	v21 =	vmul.f32 v22, v21;
	_ =	sdelay $0x1  }
0x2a6: {  	v21 =	vsub.f32 $2.000000000e+00, v21  }
0x2a7: {  	v17 =	vmin.f32 v49, v19;
	v18 =	vmin.f32 v50, v51  }
0x2a8: {  	v17 =	vmul.f32 v18, v17;
	v56 =	vmul.f32 v21, v22;
	_ =	sdelay $0x1  }
0x2a9: {  	v17 =	vmul.f32 v56, v17;
	_ =	sdelay $0x1  }
0x2aa: {  	v18 =	vshra.s32 v17, $0x1;
	v57 =	vmul.f32 $5.000000000e-01, v17  }
0x2ab: {  	v18 =	vsub.s32 $0x5F3759DF, v18  }
0x2ac: {  	v58 =	vmul.f32 v18, v57;
	_ =	sdelay $0x1  }
0x2ad: {  	v20 =	vmul.f32 v18, v58;
	_ =	sdelay $0x1  }
0x2ae: {  	v20 =	vsub.f32 $1.500000000e+00, v20;
	_ =	sdelay $0x1  }
0x2af: {  	v18 =	vmul.f32 v18, v20;
	_ =	sdelay $0x1  }
0x2b0: {  	v20 =	vmul.f32 v18, v57;
	_ =	sdelay $0x1  }
0x2b1: {  	v20 =	vmul.f32 v20, v18;
	_ =	sdelay $0x1  }
0x2b2: {  	v20 =	vsub.f32 $1.500000000e+00, v20;
	_ =	sdelay $0x1  }
0x2b3: {  	v18 =	vmul.f32 v20, v18;
	_ =	sdelay $0x1  }
0x2b4: {  	v12 =	vld.idx.msk [tilespmem:v37+s24+$0x0], $0xffff;
	v19 =	vmul.f32 v18, v57;
	_ =	sdelay $0x1  }
0x2b5: {  	v19 =	vmul.f32 v19, v18;
	_ =	sdelay $0x1  }
0x2b6: {  	v19 =	vsub.f32 $1.500000000e+00, v19  }
0x2b7: {  	v12 =	vnsel vm12, $0x0, v12  }
0x2b8: {  	[tilespmem:$0x1910] =	vst v12;
	v60 =	vnsel vm12, $0xBF800000, v13;
	v18 =	vmul.f32 v19, v18  }
0x2b9: {  	[tilespmem:$0x4420] =	vst v60;
	v61 =	vnsel vm12, $0xBF800000, v14  }
0x2ba: {  	v62 =	vnsel vm12, $0xBF800000, v15;
	[tilespmem:$0x4430] =	vst v61;
	v17 =	vmul.f32 v18, v17  }
0x2bb: {  	v63 =	vnsel vm12, $0xBF800000, v48;
	[tilespmem:$0x4440] =	vst v62  }
0x2bc: {  	[tilespmem:$0x4450] =	vst v63;
	v59 =	vnsel vm12, $0xBF800000, v17  }
0x2bd: {  	s9 =	rddreg [dreg:$0x13];
	[tilespmem:$0xE40] =	vst v59  }
0x2be: {  	[hbm4b:s9+s2] =	stream.linear.scatter [tilespmem:s17], [sflag:$0x1], $0x10, $0x38;
	[tilespmem:$0x4460] =	vst v63  }
0x2bf: {  	_ =	swait.ge [sflag:s23], $0x10  }
0x2c0: {  	[sflag:s23] =	ssyncset.done $0x0  }
0x2c1: {  	s21 =	rddreg [dreg:$0x14];
	[sflag:s23] =	ssyncadd.s32 $0xFFFFFFF0  }
0x2c2: {  	[hbm4b:s21+s2] =	stream.linear.scatter [tilespmem:s16], [sflag:$0x1], $0x10, $0x38;
	[tilespmem:$0x4460] =	vst v63  }
0x2c3: {  	_ =	swait.ge [sflag:s23], $0x10  }
0x2c4: {  	s26 =	sld [smem:$0x7FD]  }
0x2c5: {  	[sflag:s23] =	ssyncset.done $0x0  }
0x2c6: {  	s28 =	simm.s32 $0x4420;
	[sflag:s23] =	ssyncadd.s32 $0xFFFFFFF0  }
0x2c7: {  	[hbm4b:s26+s2] =	stream.linear.scatter [tilespmem:s28], [sflag:$0x1], $0x10, $0x38;
	[tilespmem:$0x4460] =	vst v63  }
0x2c8: {  	_ =	swait.ge [sflag:s23], $0x10  }
0x2c9: {  	[sflag:s23] =	ssyncset.done $0x0  }
0x2ca: {  	s29 =	simm.s32 $0x4430;
	[sflag:s23] =	ssyncadd.s32 $0xFFFFFFF0  }
0x2cb: {  	[hbm4b:s10+s2] =	stream.linear.scatter [tilespmem:s29], [sflag:$0x1], $0x10, $0x38;
	[tilespmem:$0x4460] =	vst v63  }
0x2cc: {  	_ =	swait.ge [sflag:s23], $0x10  }
0x2cd: {  	[sflag:s23] =	ssyncset.done $0x0  }
0x2ce: {  	s30 =	simm.s32 $0x4440;
	[sflag:s23] =	ssyncadd.s32 $0xFFFFFFF0  }
0x2cf: {  	[hbm4b:s11+s2] =	stream.linear.scatter [tilespmem:s30], [sflag:$0x1], $0x10, $0x38;
	[tilespmem:$0x4460] =	vst v63  }
0x2d0: {  	_ =	swait.ge [sflag:s23], $0x10  }
0x2d1: {  	[sflag:s23] =	ssyncset.done $0x0  }
.Ltmp8:
0x2d2: {  	s31 =	simm.s32 $0x4450;
	[sflag:s23] =	ssyncadd.s32 $0xFFFFFFF0;
	(pc) =	sbr.rel .LBB2_26-.Ltmp8, $4  }
0x2d3: {  	[hbm4b:s12+s2] =	stream.linear.scatter [tilespmem:s31], [sflag:$0x1], $0x10, $0x38;
	[tilespmem:$0x4460] =	vst v63  }
0x2d4: {  	_ =	swait.ge [sflag:s23], $0x10  }
0x2d5: {  	[sflag:s23] =	ssyncset.done $0x0  }
0x2d6: {  	[sflag:s23] =	ssyncadd.s32 $0xFFFFFFF0  }
.LBB2_12:
0x2d7: {  	s0 =	simm.s32 $0x40;
	s1 =	simm.s32 $0x0  }
.LBB2_13:
0x2d8: {  	p2 =	sne.s32 s0, $0x15C0;
	[tilespmem:s1+$0x380] =	vst v1;
	s8 =	smov.u32 s0;
	s0 =	sadd.s32 $0x40, s0  }
.Ltmp9:
0x2d9: {  	[tilespmem:s1+$0xE50] =	vst v2;
	(pc) =	sbr.rel @p2 .LBB2_13-.Ltmp9, $2  }
0x2da: {  	_ =	sdelay $0x2  }
0x2db: {  	s1 =	sshra.s32 s8, $0x2  }
.Ltmp10:
0x2dc: {  	(pc) =	sbr.rel @p1 .LBB2_18-.Ltmp10, $3  }
0x2dd: {  	_ =	sdelay $0x1  }
0x2de: {  	[tilespmem:s1+$0x380] =	vst v1  }
0x2df: {  	[tilespmem:s1+$0xE50] =	vst v2;
	s8 =	simm.s32 $0x0  }
0x2e0: {  	s0 =	simm.s32 $0x40;
	s1 =	simm.s32 $0x0  }
.LBB2_16:
0x2e1: {  	p2 =	sne.s32 s0, $0x3C0;
	[tilespmem:s1+$0xD00] =	vst v1;
	s9 =	smov.u32 s0;
	s0 =	sadd.s32 $0x40, s0  }
.Ltmp11:
0x2e2: {  	[tilespmem:s1+$0x17D0] =	vst v2;
	(pc) =	sbr.rel @p2 .LBB2_16-.Ltmp11, $2  }
0x2e3: {  	_ =	sdelay $0x2  }
0x2e4: {  	s1 =	sshra.s32 s9, $0x2  }
0x2e5: {  	[tilespmem:s1+$0xD00] =	vst v1  }
0x2e6: {  	[tilespmem:s1+$0x17D0] =	vst v2  }
.LBB2_18:
0x2e7: {  	s0 =	simm.s32 $0x0  }
.LBB2_19:
0x2e8: {  	v12 =	vmov s0  }
0x2e9: {  	v13 =	vand.u32 $0x7F, v12  }
0x2ea: {  	v14 =	vadd.s32 $0x70, v13;
	_ =	sdelay $0x3  }
0x2eb: {  	v15 =	vld.idx.msk [tilespmem:v12+s25+$0x0], $0xffff  }
0x2ec: {  	v16 =	vld.idx.msk [tilespmem:v14+s25+$0x0], $0xffff;
	_ =	sdelay $0x3  }
0x2ed: {  	v17 =	vmul.f32 $1.250000000e-01, v15  }
0x2ee: {  	v18 =	vmul.f32 $1.250000000e-01, v16  }
0x2ef: {  	v17 =	vtrunc.f32 v17  }
0x2f0: {  	v19 =	vadd.s32 $0xE0, v13;
	v17 =	vcvt.f32.s32 v17;
	v18 =	vtrunc.f32 v18  }
0x2f1: {  	v13 =	vadd.s32 $0x150, v13;
	v18 =	vcvt.f32.s32 v18  }
0x2f2: {  	v21 =	vadd.s32 v4, v17  }
0x2f3: {  	v20 =	vld.idx.msk [tilespmem:v12+s2+$0x0], $0xffff;
	v23 =	vcvt.s32.f32 v21;
	v22 =	vadd.s32 v5, v18  }
0x2f4: {  	v14 =	vld.idx.msk [tilespmem:v14+s2+$0x0], $0xffff;
	v24 =	vcvt.s32.f32 v22  }
0x2f5: {  	v25 =	vld.idx.msk [tilespmem:v19+s2+$0x0], $0xffff;
	v23 =	vadd.f32 $5.000000000e-01, v23  }
0x2f6: {  	v13 =	vld.idx.msk [tilespmem:v13+s2+$0x0], $0xffff;
	v24 =	vadd.f32 $5.000000000e-01, v24  }
0x2f7: {  	v22 =	vsub.s32 v22, v0;
	v23 =	vmul.f32 $8.000000000e+00, v23  }
0x2f8: {  	v26 =	vshll.u32 v22, $0x6;
	v24 =	vmul.f32 $8.000000000e+00, v24  }
0x2f9: {  	vm0 =	vlt.u32 v22, $0x16;
	v26 =	vadd.s32 v21, v26;
	v61 =	vsub.f32 v23, v20  }
0x2fa: {  	vm12 =	vgt.s32 v26, $0x0;
	v28 =	vsub.f32 v25, v23;
	v27 =	vsub.f32 v24, v14  }
0x2fb: {  	v60 =	vnsel vm12, $0x0, v26;
	v23 =	vsub.f32 v23, v15;
	v29 =	vsub.f32 v13, v24  }
0x2fc: {  	v22 =	vmin.u32 v60, $0x57F;
	v24 =	vsub.f32 v24, v16;
	v30 =	vmin.f32 v61, v27  }
0x2fd: {  	v26 =	vmax.f32 v61, v27;
	v62 =	vmin.f32 v28, v29;
	v28 =	vmax.f32 v28, v29  }
0x2fe: {  	v23 =	vand.u32 $0x7FFFFFFF, v23;
	v27 =	vmin.f32 v30, v62;
	v26 =	vmax.f32 v26, v28  }
0x2ff: {  	v24 =	vand.u32 $0x7FFFFFFF, v24;
	vm12 =	vge.f32 v27, $0.0e+00;
	vm13 =	vge.f32 v26, $-1.000000000e+00  }
0x300: {  	v19 =	vld.idx.msk [tilespmem:v19+s25+$0x0], $0xffff;
	v23 =	vmax.f32 v23, v24;
	vm12 =	vmand vm12, vm13;
	vm13 =	vle.f32 v26, $6.400000000e+01  }
0x301: {  	v63 =	vld.idx.msk [tilespmem:v22+s18+$0x0], $0xffff;
	vm12 =	vmand vm13, vm12;
	vm13 =	vlt.f32 v23, $1.200000000e+01;
	v23 =	vlaneseq.u32 @!p1  }
0x302: {  	v17 =	vshra.s32 @!p1 v17, $0x2;
	vm14 =	vlt.u32 v21, $0x40;
	v24 =	vand.u32 @!p1 $0x3, v23  }
0x303: {  	v18 =	vshra.s32 @!p1 v18, $0x2;
	v23 =	vshrl.u32 @!p1 v23, $0x2;
	v24 =	vadd.s32 @!p1 $0xFFFFFFFF, v24  }
0x304: {  	vm0 =	vmand vm14, vm0;
	v23 =	vadd.s32 @!p1 $0xFFFFFFFF, v23;
	v17 =	vadd.s32 @!p1 v24, v17  }
0x305: {  	vm12 =	vmand vm13, vm12;
	v18 =	vadd.s32 @!p1 v23, v18;
	v21 =	vcvt.s32.f32 @!p1 v17  }
0x306: {  	vm0 =	vmand vm0, vm12;
	vm12 =	vlt.f32 v19, v63;
	v23 =	vcvt.s32.f32 @!p1 v18  }
0x307: {  	vm0 =	vmand vm12, vm0;
	v24 =	vshll.u32 @!p1 v18, $0x4;
	v21 =	vadd.f32 @!p1 $5.000000000e-01, v21  }
0x308: {  	v24 =	vadd.s32 @!p1 v17, v24;
	v23 =	vadd.f32 @!p1 $5.000000000e-01, v23  }
0x309: {  	vm12 =	vgt.s32 @!p1 v24, $0x0;
	v21 =	vmul.f32 @!p1 $3.200000000e+01, v21  }
0x30a: {  	v24 =	vnsel @!p1 vm12, $0x0, v24;
	v23 =	vmul.f32 @!p1 $3.200000000e+01, v23  }
0x30b: {  	v24 =	vmin.u32 @!p1 v24, $0xFF;
	v20 =	vsub.f32 @!p1 v21, v20  }
0x30c: {  	v14 =	vsub.f32 @!p1 v23, v14;
	v25 =	vsub.f32 @!p1 v25, v21  }
0x30d: {  	[tilespmem:v22+s18+$0x0] =	vst.idx.msk vm0, v19;
	v13 =	vsub.f32 @!p1 v13, v23;
	v15 =	vsub.f32 @!p1 v21, v15  }
0x30e: {  	v16 =	vsub.f32 @!p1 v23, v16;
	[tilespmem:v22+s19+$0x0] =	vst.idx.msk vm0, v12;
	v22 =	vmin.f32 @!p1 v20, v14  }
0x30f: {  	s1 =	simm.s32 @!p1 $0xD00;
	v26 =	vmin.f32 @!p1 v25, v13;
	v14 =	vmax.f32 @!p1 v20, v14;
	v13 =	vmax.f32 @!p1 v25, v13  }
0x310: {  	v20 =	vmin.f32 @!p1 v22, v26;
	v13 =	vmax.f32 @!p1 v14, v13;
	v14 =	vand.u32 @!p1 $0x7FFFFFFF, v15;
	v15 =	vld.idx.msk @!p1 [tilespmem:v24+s1+$0x0], $0xffff  }
0x311: {  	v16 =	vand.u32 @!p1 $0x7FFFFFFF, v16;
	vm0 =	vge.f32 @!p1 v20, $0.0e+00;
	vm12 =	vge.f32 @!p1 v13, $1.280000000e+02  }
0x312: {  	v14 =	vmax.f32 @!p1 v14, v16;
	vm0 =	vmand @!p1 vm0, vm12;
	vm12 =	vle.f32 @!p1 v13, $2.560000000e+02  }
0x313: {  	v13 =	vor.u32 @!p1 v17, v18;
	vm0 =	vmand @!p1 vm12, vm0;
	vm12 =	vlt.f32 @!p1 v14, $4.800000000e+01  }
0x314: {  	vm13 =	vlt.u32 @!p1 v13, $0x10;
	vm0 =	vmand @!p1 vm12, vm0  }
0x315: {  	vm0 =	vmand @!p1 vm13, vm0;
	vm12 =	vlt.f32 @!p1 v19, v15  }
0x316: {  	vm0 =	vmand @!p1 vm0, vm12  }
0x317: {  	s0 =	sadd.s32 $0x1, s0  }
0x318: {  	p2 =	sne.s32 s0, $0x64  }
.Ltmp12:
0x319: {  	_ = 	snop;
	(pc) =	sbr.rel @p2 .LBB2_19-.Ltmp12, $3  }
0x31a: {  	_ =	sdelay $0x1  }
0x31b: {  	[tilespmem:v24+s1+$0x0] =	vst.idx.msk @!p1 vm0, v19;
	s1 =	simm.s32 @!p1 $0x17D0  }
0x31c: {  	[tilespmem:v24+s1+$0x0] =	vst.idx.msk @!p1 vm0, v12  }
0x31d: {  	s1 =	simm.s32 $0xE50  }
0x31e: {  	v20 =	vld [tilespmem:s1+$0x0];
	_ =	sdelay $0x4  }
0x31f: {  	v12 =	vadd.s32 $0x70, v20  }
0x320: {  	v13 =	vadd.s32 $0xE0, v20  }
0x321: {  	s0 =	simm.s32 $0x380;
	v14 =	vmov s8;
	v15 =	vadd.s32 $0x150, v20  }
0x322: {  	v16 =	vor.u32 s8, v3;
	v17 =	vld [tilespmem:s0+$0x0];
	v14 =	vshrl.u32 v14, $0x6  }
0x323: {  	v16 =	vand.u32 $0x3F, v16;
	v14 =	vadd.s32 v0, v14;
	v18 =	vld.idx.msk [tilespmem:v20+s2+$0x0], $0xffff  }
0x324: {  	v16 =	vcvt.s32.f32 v16;
	v14 =	vcvt.s32.f32 v14;
	v12 =	vld.idx.msk [tilespmem:v12+s2+$0x0], $0xffff  }
0x325: {  	v13 =	vld.idx.msk [tilespmem:v13+s2+$0x0], $0xffff  }
0x326: {  	v16 =	vadd.f32 $5.000000000e-01, v16;
	v14 =	vadd.f32 $5.000000000e-01, v14;
	v15 =	vld.idx.msk [tilespmem:v15+s2+$0x0], $0xffff;
	_ =	sdelay $0x1  }
0x327: {  	v16 =	vmul.f32 $8.000000000e+00, v16;
	v14 =	vmul.f32 $8.000000000e+00, v14;
	_ =	sdelay $0x1  }
0x328: {  	v18 =	vsub.f32 v16, v18;
	v19 =	vsub.f32 v14, v12  }
0x329: {  	vm13 =	vlt.f32 v17, $1.000000000e+10;
	v16 =	vsub.f32 v13, v16;
	v21 =	vsub.f32 v15, v14  }
0x32a: {  	v14 =	vnsel vm13, $0x3F800000, v18  }
0x32b: {  	s21 =	simm.s32 $0xE60;
	v15 =	vnsel vm13, $0x3F800000, v19;
	v17 =	vnsel vm13, $0x3F800000, v16;
	v22 =	vnsel vm13, $0x3F800000, v21  }
0x32c: {  	v27 =	vld [tilespmem:s21+$0x0];
	v12 =	vmax.f32 v14, v17;
	v13 =	vmax.f32 v15, v22  }
0x32d: {  	v12 =	vmax.f32 v12, $9.999999740e-06;
	v13 =	vmax.f32 v13, $9.999999740e-06  }
0x32e: {  	v12 =	vmul.f32 v13, v12;
	_ =	sdelay $0x1  }
0x32f: {  	v13 =	vadd.f32 $1.000000010e-10, v12  }
0x330: {  	s9 =	simm.s32 $0x10;
	v23 =	vadd.s32 $0xE0, v27  }
0x331: {  	s26 =	simm.s32 $0x390;
	v25 =	vmov s9;
	v12 =	vadd.s32 $0x70, v27;
	v24 =	vsub.s32 $0x7EF311C3, v13  }
0x332: {  	s29 =	simm.s32 $0x3A0;
	v30 =	vld [tilespmem:s26+$0x0];
	v25 =	vshrl.u32 v25, $0x6;
	v26 =	vadd.s32 $0x150, v27;
	v28 =	vmul.f32 v24, v13  }
0x333: {  	v29 =	vor.u32 s9, v3;
	v37 =	vld [tilespmem:s29+$0x0];
	v25 =	vadd.s32 v0, v25  }
0x334: {  	v29 =	vand.u32 $0x3F, v29;
	v25 =	vcvt.s32.f32 v25;
	v31 =	vld.idx.msk [tilespmem:v27+s2+$0x0], $0xffff;
	v28 =	vsub.f32 $2.000000000e+00, v28  }
0x335: {  	v29 =	vcvt.s32.f32 v29;
	v23 =	vld.idx.msk [tilespmem:v23+s2+$0x0], $0xffff  }
0x336: {  	v25 =	vadd.f32 $5.000000000e-01, v25;
	v12 =	vld.idx.msk [tilespmem:v12+s2+$0x0], $0xffff;
	v24 =	vmul.f32 v24, v28  }
0x337: {  	vm12 =	vlt.f32 v30, $1.000000000e+10;
	v26 =	vld.idx.msk [tilespmem:v26+s2+$0x0], $0xffff;
	v28 =	vadd.f32 $5.000000000e-01, v29  }
0x338: {  	vm14 =	vlt.f32 v37, $1.000000000e+10;
	v25 =	vmul.f32 $8.000000000e+00, v25;
	v29 =	vmul.f32 v24, v13  }
0x339: {  	v33 =	vnsel vm13, $0xBF800000, v19;
	vm13 =	vmmov vm13;
	v28 =	vmul.f32 $8.000000000e+00, v28  }
0x33a: {  	v14 =	vmin.f32 v14, v17;
	v15 =	vmin.f32 v15, v22;
	v29 =	vsub.f32 $2.000000000e+00, v29  }
0x33b: {  	v36 =	vnsel vm13, $0xBF800000, v18;
	v30 =	vsub.f32 v28, v31;
	v31 =	vsub.f32 v25, v12  }
0x33c: {  	s9 =	simm.s32 $0x20;
	v23 =	vsub.f32 v23, v28;
	v12 =	vsub.f32 v26, v25;
	v24 =	vmul.f32 v29, v24  }
0x33d: {  	v18 =	vmov s9;
	v19 =	vnsel vm12, $0x3F800000, v30;
	v25 =	vnsel vm12, $0x3F800000, v31  }
0x33e: {  	s28 =	simm.s32 $0xE70;
	v26 =	vnsel vm12, $0x3F800000, v23;
	v28 =	vnsel vm12, $0x3F800000, v12;
	v29 =	vmul.f32 v24, v13  }
0x33f: {  	vm0 =	vmmov vm13;
	v32 =	vmax.f32 v19, v26;
	v34 =	vmax.f32 v25, v28;
	v13 =	vld [tilespmem:s28+$0x0]  }
0x340: {  	v32 =	vmax.f32 v32, $9.999999740e-06;
	v34 =	vmax.f32 v34, $9.999999740e-06;
	v29 =	vsub.f32 $2.000000000e+00, v29  }
0x341: {  	v14 =	vmul.f32 v15, v14;
	v18 =	vshrl.u32 v18, $0x6;
	v17 =	vmul.f32 v34, v32  }
0x342: {  	v18 =	vadd.s32 v0, v18;
	v26 =	vmin.f32 v19, v26;
	v15 =	vmul.f32 v29, v24  }
0x343: {  	v25 =	vmin.f32 v25, v28;
	v34 =	vnsel vm13, $0xBF800000, v16;
	v22 =	vadd.f32 $1.000000010e-10, v17  }
0x344: {  	v16 =	vor.u32 s9, v3;
	v17 =	vadd.s32 $0x70, v13;
	v24 =	vmul.f32 v15, v14  }
0x345: {  	v25 =	vmul.f32 v25, v26;
	v29 =	vsub.s32 $0x7EF311C3, v22;
	v14 =	vand.u32 $0x3F, v16  }
0x346: {  	v15 =	vadd.s32 $0xE0, v13;
	v50 =	vshra.s32 v24, $0x1;
	v35 =	vmul.f32 $5.000000000e-01, v24  }
0x347: {  	s9 =	simm.s32 $0x30;
	v16 =	vadd.s32 $0x150, v13;
	v38 =	vmul.f32 v29, v22;
	v32 =	vsub.s32 $0x5F3759DF, v50  }
0x348: {  	v26 =	vor.u32 s9, v3;
	v41 =	vcvt.s32.f32 v14;
	v40 =	vmul.f32 v32, v35  }
0x349: {  	v14 =	vnsel vm12, $0xBF800000, v31;
	v31 =	vld.idx.msk [tilespmem:v17+s2+$0x0], $0xffff;
	v17 =	vcvt.s32.f32 v18;
	v18 =	vsub.f32 $2.000000000e+00, v38  }
0x34a: {  	vm13 =	vmmov vm12;
	v26 =	vand.u32 $0x3F, v26;
	v39 =	vld.idx.msk [tilespmem:v13+s2+$0x0], $0xffff;
	v40 =	vmul.f32 v32, v40  }
0x34b: {  	v26 =	vcvt.s32.f32 v26;
	v41 =	vadd.f32 $5.000000000e-01, v41;
	v51 =	vld.idx.msk [tilespmem:v15+s2+$0x0], $0xffff;
	v18 =	vmul.f32 v29, v18  }
0x34c: {  	v16 =	vld.idx.msk [tilespmem:v16+s2+$0x0], $0xffff;
	v15 =	vnsel vm13, $0xBF800000, v23;
	v17 =	vadd.f32 $5.000000000e-01, v17;
	v23 =	vsub.f32 $1.500000000e+00, v40  }
0x34d: {  	vm15 =	vmmov vm14;
	v29 =	vmul.f32 $8.000000000e+00, v41;
	v53 =	vmul.f32 v18, v22  }
0x34e: {  	v57 =	vmov s9;
	v52 =	vmul.f32 $8.000000000e+00, v17;
	v23 =	vmul.f32 v32, v23  }
0x34f: {  	v26 =	vadd.f32 $5.000000000e-01, v26;
	v17 =	vnsel vm13, $0xBF800000, v30;
	v54 =	vsub.f32 $2.000000000e+00, v53  }
0x350: {  	v30 =	vsub.f32 v29, v39;
	v31 =	vsub.f32 v52, v31;
	v55 =	vmul.f32 v23, v35  }
0x351: {  	v29 =	vsub.f32 v51, v29;
	v16 =	vsub.f32 v16, v52;
	v32 =	vmul.f32 v54, v18  }
0x352: {  	v45 =	vld.idx.msk [tilespmem:v20+s24+$0x0], $0xffff;
	v38 =	vnsel vm14, $0x3F800000, v30;
	v39 =	vnsel vm14, $0x3F800000, v31;
	v18 =	vmul.f32 v55, v23  }
0x353: {  	s30 =	simm.s32 $0xE80;
	v37 =	vnsel vm14, $0x3F800000, v29;
	v40 =	vnsel vm14, $0x3F800000, v16;
	v22 =	vmul.f32 v32, v22  }
0x354: {  	v19 =	vmax.f32 v38, v37;
	v42 =	vmax.f32 v39, v40;
	v56 =	vsub.f32 $1.500000000e+00, v18;
	v18 =	vld [tilespmem:s30+$0x0]  }
0x355: {  	v19 =	vmax.f32 v19, $9.999999740e-06;
	v28 =	vmax.f32 v42, $9.999999740e-06;
	v22 =	vsub.f32 $2.000000000e+00, v22  }
0x356: {  	vm12 =	vmmov vm0;
	v28 =	vmul.f32 v28, v19;
	v23 =	vmul.f32 v56, v23  }
0x357: {  	vm0 =	vmmov vm13;
	v45 =	vnsel vm12, $0x0, v45;
	v22 =	vmul.f32 v22, v32  }
0x358: {  	v19 =	vnsel vm14, $0xBF800000, v31;
	v31 =	vmul.f32 v23, v35;
	v35 =	vadd.f32 $1.000000010e-10, v28  }
0x359: {  	v22 =	vmul.f32 v22, v25;
	v28 =	vadd.s32 $0x70, v18;
	v58 =	vadd.s32 $0x150, v18  }
0x35a: {  	v25 =	vmul.f32 v31, v23;
	v31 =	vadd.s32 $0xE0, v18;
	v59 =	vsub.s32 $0x7EF311C3, v35  }
0x35b: {  	v43 =	vshra.s32 v22, $0x1;
	v44 =	vmul.f32 $5.000000000e-01, v22;
	v60 =	vmul.f32 v59, v35  }
0x35c: {  	s8 =	simm.s32 $0x3B0;
	v43 =	vsub.s32 $0x5F3759DF, v43;
	v20 =	vsub.f32 $1.500000000e+00, v25;
	v25 =	vshrl.u32 v57, $0x6  }
0x35d: {  	v46 =	vld [tilespmem:s8+$0x0];
	v26 =	vmul.f32 $8.000000000e+00, v26;
	v47 =	vmul.f32 v43, v44;
	v25 =	vadd.s32 v0, v25  }
0x35e: {  	v48 =	vld.idx.msk [tilespmem:v18+s2+$0x0], $0xffff;
	v23 =	vmul.f32 v20, v23;
	v20 =	vnsel vm15, $0xBF800000, v29;
	v29 =	vsub.f32 $2.000000000e+00, v60  }
0x35f: {  	v63 =	vnsel vm12, $0xBF800000, v21;
	v25 =	vcvt.s32.f32 v25;
	v28 =	vld.idx.msk [tilespmem:v28+s2+$0x0], $0xffff;
	v61 =	vmul.f32 v43, v47  }
0x360: {  	v37 =	vmin.f32 v38, v37;
	v23 =	vmul.f32 v23, v24;
	v24 =	vld.idx.msk [tilespmem:v31+s2+$0x0], $0xffff;
	v29 =	vmul.f32 v59, v29  }
0x361: {  	v39 =	vmin.f32 v39, v40;
	v25 =	vadd.f32 $5.000000000e-01, v25;
	v31 =	vld.idx.msk [tilespmem:v58+s2+$0x0], $0xffff;
	v32 =	vsub.f32 $1.500000000e+00, v61  }
0x362: {  	s9 =	simm.s32 $0x40;
	vm13 =	vlt.f32 v46, $1.000000000e+10;
	v37 =	vmul.f32 v39, v37;
	v52 =	vmul.f32 v29, v35  }
0x363: {  	v61 =	vor.u32 s9, v3;
	v25 =	vmul.f32 $8.000000000e+00, v25;
	v43 =	vmul.f32 v43, v32  }
0x364: {  	v21 =	vsub.f32 v26, v48;
	v62 =	vnsel vm12, $0xBF800000, v23;
	v54 =	vsub.f32 $2.000000000e+00, v52  }
0x365: {  	v23 =	vnsel vm15, $0xBF800000, v30;
	v53 =	vsub.f32 v25, v28;
	v55 =	vmul.f32 v43, v44  }
0x366: {  	v26 =	vsub.f32 v24, v26;
	v24 =	vsub.f32 v31, v25;
	v56 =	vmul.f32 v54, v29  }
0x367: {  	v30 =	vnsel vm13, $0x3F800000, v21;
	v28 =	vnsel vm13, $0x3F800000, v53;
	v25 =	vmul.f32 v55, v43  }
0x368: {  	s31 =	simm.s32 $0xE90;
	v32 =	vnsel vm13, $0x3F800000, v26;
	v31 =	vnsel vm13, $0x3F800000, v24;
	v35 =	vmul.f32 v56, v35  }
0x369: {  	[tilespmem:s1+$0x0] =	vst v45;
	v29 =	vld [tilespmem:s31+$0x0];
	v57 =	vmax.f32 v30, v32;
	v25 =	vsub.f32 $1.500000000e+00, v25;
	v58 =	vmax.f32 v28, v31  }
0x36a: {  	s1 =	simm.s32 $0x1EA0;
	[tilespmem:s0+$0x0] =	vst v62;
	v38 =	vmax.f32 v57, $9.999999740e-06;
	v59 =	vmax.f32 v58, $9.999999740e-06;
	v60 =	vsub.f32 $2.000000000e+00, v35  }
0x36b: {  	vm12 =	vmmov vm0;
	[tilespmem:s1+$0xB00] =	vst v63;
	v35 =	vmul.f32 v25, v43;
	v38 =	vmul.f32 v59, v38  }
0x36c: {  	[tilespmem:s1+$0xFFFFFA80] =	vst v36;
	v36 =	vand.u32 $0x3F, v61;
	v25 =	vnsel vm13, $0xBF800000, v53;
	v62 =	vmul.f32 v60, v56  }
0x36d: {  	[tilespmem:s1+$0x0] =	vst v33;
	v43 =	vmov s9;
	v63 =	vmul.f32 v35, v44;
	v33 =	vadd.f32 $1.000000010e-10, v38  }
0x36e: {  	[tilespmem:s1+$0x580] =	vst v34;
	v42 =	vadd.s32 $0x70, v29;
	v38 =	vadd.s32 $0xE0, v29;
	v34 =	vmul.f32 v62, v37  }
0x36f: {  	v39 =	vld.idx.msk [tilespmem:v27+s24+$0x0], $0xffff;
	s0 =	simm.s32 $0x3B0;
	s9 =	simm.s32 $0x50;
	v40 =	vmul.f32 v63, v35;
	v37 =	vadd.s32 $0x150, v29;
	v41 =	vsub.s32 $0x7EF311C3, v33  }
.LBB2_21:
0x370: {  	v27 =	vshra.s32 v34, $0x1;
	v44 =	vmul.f32 $5.000000000e-01, v34  }
0x371: {  	p2 =	sne.s32 s9, $0x570;
	s8 =	sadd.s32 $0x10, s8;
	v40 =	vsub.f32 $1.500000000e+00, v40;
	v45 =	vmovc v29;
	vm14 =	vmmov vm15;
	vm15 =	vmmov vm13  }
0x372: {  	v43 =	vshrl.u32 v43, $0x6;
	v47 =	vmul.f32 v41, v33;
	v46 =	vld [tilespmem:s8+$0x0];
	v27 =	vsub.s32 $0x5F3759DF, v27  }
0x373: {  	v43 =	vadd.s32 v0, v43;
	v29 =	vld.idx.msk [tilespmem:v29+s2+$0x0], $0xffff;
	v48 =	vmul.f32 v27, v44;
	v35 =	vmul.f32 v40, v35  }
0x374: {  	v36 =	vcvt.s32.f32 v36;
	v40 =	vld.idx.msk [tilespmem:v42+s2+$0x0], $0xffff;
	v42 =	vcvt.s32.f32 v43;
	v43 =	vnsel vm15, $0xBF800000, v26  }
0x375: {  	v26 =	vld.idx.msk [tilespmem:v38+s2+$0x0], $0xffff;
	v38 =	vsub.f32 $2.000000000e+00, v47;
	v47 =	vmul.f32 v27, v48;
	v35 =	vmul.f32 v35, v22;
	v22 =	vmovc v34  }
0x376: {  	v36 =	vadd.f32 $5.000000000e-01, v36;
	v39 =	vnsel vm12, $0x0, v39;
	v34 =	vld.idx.msk [tilespmem:v37+s2+$0x0], $0xffff;
	v37 =	vadd.f32 $5.000000000e-01, v42  }
0x377: {  	v38 =	vmul.f32 v41, v38;
	v41 =	vsub.f32 $1.500000000e+00, v47;
	[tilespmem:s21+$0x0] =	vst v39;
	v35 =	vnsel vm12, $0xBF800000, v35;
	s21 =	smov.u32 s28;
	s28 =	smov.u32 s30;
	s30 =	smov.u32 s31  }
0x378: {  	s1 =	sadd.s32 $0x10, s1;
	v36 =	vmul.f32 $8.000000000e+00, v36;
	v37 =	vmul.f32 $8.000000000e+00, v37;
	[tilespmem:s26+$0x0] =	vst v35;
	v35 =	vnsel vm12, $0xBF800000, v12;
	v12 =	vmovc v16;
	v16 =	vmovc v24;
	s26 =	smov.u32 s29;
	s29 =	smov.u32 s0  }
0x379: {  	v39 =	vnsel vm15, $0xBF800000, v21;
	s0 =	smov.u32 s8;
	v24 =	vmul.f32 v38, v33;
	v27 =	vmul.f32 v27, v41;
	[tilespmem:s1+$0xB00] =	vst v35  }
0x37a: {  	vm13 =	vlt.f32 v46, $1.000000000e+10;
	v21 =	vsub.f32 v36, v29;
	vm12 =	vmmov vm14;
	[tilespmem:s1+$0xFFFFFA80] =	vst v17;
	v17 =	vmovc v23;
	v23 =	vmovc v39  }
0x37b: {  	v39 =	vsub.f32 v37, v40;
	v29 =	vsub.f32 $2.000000000e+00, v24;
	v35 =	vmul.f32 v27, v44;
	[tilespmem:s1+$0x0] =	vst v14;
	v14 =	vmovc v19  }
0x37c: {  	v26 =	vsub.f32 v26, v36;
	v24 =	vsub.f32 v34, v37;
	v34 =	vnsel vm13, $0x3F800000, v21;
	[tilespmem:s1+$0x580] =	vst v15;
	v15 =	vmovc v20  }
0x37d: {  	v19 =	vmovc v25;
	v36 =	vnsel vm13, $0x3F800000, v39;
	v20 =	vmovc v43;
	v37 =	vmul.f32 v29, v38;
	v29 =	vmul.f32 v35, v27  }
0x37e: {  	v25 =	vnsel vm13, $0x3F800000, v24;
	v38 =	vmin.f32 v30, v32;
	v32 =	vnsel vm13, $0x3F800000, v26;
	v30 =	vmovc v34  }
0x37f: {  	s31 =	sadd.s32 $0x10, s31;
	v34 =	vmax.f32 v30, v32;
	v33 =	vmul.f32 v37, v33;
	v35 =	vsub.f32 $1.500000000e+00, v29  }
0x380: {  	v41 =	vmin.f32 v28, v31;
	v28 =	vmovc v36;
	v40 =	vmax.f32 v36, v25;
	v31 =	vmovc v25;
	v34 =	vmax.f32 v34, $9.999999740e-06;
	v29 =	vld [tilespmem:s31+$0x0]  }
0x381: {  	v25 =	vmax.f32 v40, $9.999999740e-06;
	v33 =	vsub.f32 $2.000000000e+00, v33;
	v35 =	vmul.f32 v35, v27  }
.Ltmp13:
0x382: {  	v27 =	vmul.f32 v25, v34;
	v25 =	vnsel vm13, $0xBF800000, v39;
	v34 =	vmul.f32 v41, v38;
	(pc) =	sbr.rel @p2 .LBB2_21-.Ltmp13, $4  }
0x383: {  	v36 =	vor.u32 s9, v3;
	v37 =	vmul.f32 v33, v37;
	v38 =	vmul.f32 v35, v44  }
0x384: {  	v43 =	vmov s9;
	v36 =	vand.u32 $0x3F, v36;
	v33 =	vadd.f32 $1.000000010e-10, v27  }
0x385: {  	v42 =	vadd.s32 $0x70, v29;
	v34 =	vmul.f32 v37, v34;
	v40 =	vmul.f32 v38, v35  }
0x386: {  	s9 =	sadd.s32 $0x10, s9;
	v38 =	vadd.s32 $0xE0, v29;
	v37 =	vadd.s32 $0x150, v29;
	v41 =	vsub.s32 $0x7EF311C3, v33;
	v39 =	vld.idx.msk [tilespmem:v13+s24+$0x0], $0xffff;
	v13 =	vmovc v18;
	v18 =	vmovc v45  }
0x387: {  	_ =	sdelay $0x3  }
0x388: {  	v60 =	vld.idx.msk [tilespmem:v29+s2+$0x0], $0xffff  }
0x389: {  	v27 =	vshrl.u32 v43, $0x6;
	v42 =	vld.idx.msk [tilespmem:v42+s2+$0x0], $0xffff  }
0x38a: {  	v36 =	vcvt.s32.f32 v36;
	v38 =	vld.idx.msk [tilespmem:v38+s2+$0x0], $0xffff;
	v27 =	vadd.s32 v0, v27  }
0x38b: {  	s8 =	sadd.s32 $0x10, s8;
	v45 =	vld.idx.msk [tilespmem:v37+s2+$0x0], $0xffff;
	v27 =	vcvt.s32.f32 v27  }
0x38c: {  	v44 =	vld [tilespmem:s8+$0x0];
	v36 =	vadd.f32 $5.000000000e-01, v36  }
0x38d: {  	v27 =	vadd.f32 $5.000000000e-01, v27  }
0x38e: {  	v36 =	vmul.f32 $8.000000000e+00, v36  }
0x38f: {  	v46 =	vmul.f32 $8.000000000e+00, v27  }
0x390: {  	v37 =	vsub.f32 v36, v60;
	v36 =	vsub.f32 v38, v36  }
0x391: {  	vm14 =	vlt.f32 v44, $1.000000000e+10;
	v27 =	vsub.f32 v46, v42;
	v38 =	vsub.f32 v45, v46  }
0x392: {  	v42 =	vnsel vm14, $0x3F800000, v37  }
0x393: {  	v44 =	vnsel vm14, $0x3F800000, v36;
	v43 =	vnsel vm14, $0x3F800000, v27;
	v45 =	vnsel vm14, $0x3F800000, v38  }
0x394: {  	v61 =	vmul.f32 v41, v33;
	v47 =	vmax.f32 v42, v44;
	v48 =	vmax.f32 v43, v45  }
0x395: {  	v47 =	vmax.f32 v47, $9.999999740e-06;
	v48 =	vmax.f32 v48, $9.999999740e-06  }
0x396: {  	v46 =	vsub.f32 $2.000000000e+00, v61;
	v47 =	vmul.f32 v48, v47;
	_ =	sdelay $0x1  }
0x397: {  	v62 =	vmul.f32 v41, v46;
	v63 =	vadd.f32 $1.000000010e-10, v47;
	_ =	sdelay $0x1  }
0x398: {  	v52 =	vmul.f32 v62, v33;
	v53 =	vsub.s32 $0x7EF311C3, v63  }
0x399: {  	v49 =	vmul.f32 v53, v63  }
0x39a: {  	v47 =	vsub.f32 $2.000000000e+00, v52  }
0x39b: {  	v49 =	vsub.f32 $2.000000000e+00, v49  }
0x39c: {  	v41 =	vmul.f32 v47, v62  }
0x39d: {  	v54 =	vmul.f32 v53, v49  }
0x39e: {  	v55 =	vmul.f32 v41, v33  }
0x39f: {  	v50 =	vmul.f32 v54, v63  }
0x3a0: {  	v56 =	vshra.s32 v34, $0x1;
	v30 =	vmin.f32 v30, v32;
	v33 =	vsub.f32 $2.000000000e+00, v55  }
0x3a1: {  	v28 =	vmin.f32 v28, v31;
	v49 =	vmul.f32 $5.000000000e-01, v34;
	v59 =	vsub.f32 $2.000000000e+00, v50  }
0x3a2: {  	v57 =	vsub.s32 $0x5F3759DF, v56;
	v28 =	vmul.f32 v28, v30;
	v60 =	vmul.f32 v33, v41  }
0x3a3: {  	v58 =	vmul.f32 v57, v49;
	v61 =	vmul.f32 v59, v54  }
0x3a4: {  	v28 =	vmul.f32 v60, v28  }
0x3a5: {  	v42 =	vmin.f32 v42, v44;
	v31 =	vmul.f32 v57, v58;
	v63 =	vmul.f32 v61, v63  }
0x3a6: {  	v43 =	vmin.f32 v43, v45;
	v48 =	vshra.s32 v28, $0x1;
	v50 =	vmul.f32 $5.000000000e-01, v28  }
0x3a7: {  	v62 =	vsub.f32 $1.500000000e+00, v31;
	v51 =	vsub.s32 $0x5F3759DF, v48;
	v31 =	vsub.f32 $2.000000000e+00, v63  }
0x3a8: {  	v42 =	vmul.f32 v43, v42;
	v41 =	vmul.f32 v51, v50  }
0x3a9: {  	v30 =	vmul.f32 v57, v62;
	v31 =	vmul.f32 v31, v61  }
0x3aa: {  	v41 =	vmul.f32 v51, v41  }
0x3ab: {  	v52 =	vmul.f32 v30, v49;
	v31 =	vmul.f32 v31, v42  }
0x3ac: {  	v41 =	vsub.f32 $1.500000000e+00, v41  }
0x3ad: {  	v33 =	vmul.f32 v52, v30;
	v42 =	vshra.s32 v31, $0x1;
	v53 =	vmul.f32 $5.000000000e-01, v31  }
0x3ae: {  	v32 =	vmul.f32 v51, v41;
	v42 =	vsub.s32 $0x5F3759DF, v42  }
0x3af: {  	v33 =	vsub.f32 $1.500000000e+00, v33;
	v54 =	vmul.f32 v42, v53  }
0x3b0: {  	v56 =	vmul.f32 v32, v50  }
0x3b1: {  	v30 =	vmul.f32 v33, v30;
	v41 =	vmul.f32 v42, v54  }
0x3b2: {  	v13 =	vld.idx.msk [tilespmem:v13+s24+$0x0], $0xffff;
	v55 =	vsub.f32 $1.500000000e+00, v40;
	v58 =	vmul.f32 v56, v32  }
0x3b3: {  	v57 =	vmul.f32 v30, v49;
	v59 =	vsub.f32 $1.500000000e+00, v41  }
0x3b4: {  	vm0 =	vmmov vm15;
	v33 =	vmul.f32 v55, v35;
	v61 =	vsub.f32 $1.500000000e+00, v58  }
0x3b5: {  	vm0 =	vmmov vm0;
	v60 =	vmul.f32 v57, v30;
	v62 =	vmul.f32 v42, v59  }
0x3b6: {  	v39 =	vnsel vm12, $0x0, v39;
	v22 =	vmul.f32 v33, v22;
	v32 =	vmul.f32 v61, v32  }
0x3b7: {  	[tilespmem:s21+$0x0] =	vst v39;
	v13 =	vnsel vm0, $0x0, v13;
	v63 =	vsub.f32 $1.500000000e+00, v60;
	v42 =	vmul.f32 v62, v53  }
0x3b8: {  	[tilespmem:s28+$0x0] =	vst v13;
	v22 =	vnsel vm12, $0xBF800000, v22;
	v45 =	vmul.f32 v32, v50  }
0x3b9: {  	v12 =	vnsel vm12, $0xBF800000, v12;
	s1 =	sadd.s32 $0x10, s1;
	[tilespmem:s26+$0x0] =	vst v22;
	v44 =	vmul.f32 v63, v30;
	v46 =	vmul.f32 v42, v62  }
0x3ba: {  	[tilespmem:s1+$0xB00] =	vst v12  }
0x3bb: {  	[tilespmem:s1+$0xFFFFFA80] =	vst v17;
	v12 =	vmul.f32 v45, v32;
	v47 =	vmul.f32 v44, v34;
	v48 =	vsub.f32 $1.500000000e+00, v46  }
0x3bc: {  	[tilespmem:s1+$0x0] =	vst v14  }
0x3bd: {  	[tilespmem:s1+$0x580] =	vst v15;
	v50 =	vld.idx.msk [tilespmem:v18+s24+$0x0], $0xffff;
	v12 =	vsub.f32 $1.500000000e+00, v12;
	v49 =	vnsel vm0, $0xBF800000, v47;
	v51 =	vmul.f32 v48, v62  }
0x3be: {  	v52 =	vnsel vm0, $0xBF800000, v16;
	s1 =	sadd.s32 $0x10, s1;
	[tilespmem:s29+$0x0] =	vst v49  }
0x3bf: {  	vm0 =	vmmov vm13;
	v12 =	vmul.f32 v12, v32;
	[tilespmem:s1+$0xB00] =	vst v52;
	v53 =	vmul.f32 v51, v53  }
0x3c0: {  	vm12 =	vmmov vm0;
	[tilespmem:s1+$0xFFFFFA80] =	vst v23  }
0x3c1: {  	vm12 =	vmmov vm12;
	[tilespmem:s1+$0x0] =	vst v19;
	v12 =	vmul.f32 v12, v28;
	v13 =	vmul.f32 v53, v51  }
0x3c2: {  	[tilespmem:s1+$0x580] =	vst v20;
	v14 =	vnsel vm12, $0x0, v50  }
0x3c3: {  	v54 =	vld.idx.msk [tilespmem:v29+s24+$0x0], $0xffff;
	[tilespmem:s30+$0x0] =	vst v14;
	v12 =	vnsel vm12, $0xBF800000, v12;
	v13 =	vsub.f32 $1.500000000e+00, v13  }
0x3c4: {  	s21 =	sadd.s32 $0x10, s1;
	v55 =	vnsel vm12, $0xBF800000, v24;
	[tilespmem:s0+$0x0] =	vst v12  }
0x3c5: {  	v56 =	vnsel vm0, $0xBF800000, v21;
	vm12 =	vmmov vm14;
	[tilespmem:s21+$0xB00] =	vst v55;
	v57 =	vmul.f32 v13, v51  }
0x3c6: {  	vm13 =	vmmov vm12;
	[tilespmem:s21+$0xFFFFFA80] =	vst v56  }
0x3c7: {  	v58 =	vnsel vm0, $0xBF800000, v26;
	vm0 =	vmmov vm13;
	[tilespmem:s21+$0x0] =	vst v25;
	v12 =	vmul.f32 v57, v31  }
0x3c8: {  	[tilespmem:s21+$0x580] =	vst v58;
	v59 =	vnsel vm0, $0x0, v54  }
0x3c9: {  	[tilespmem:s31+$0x0] =	vst v59;
	v12 =	vnsel vm0, $0xBF800000, v12  }
0x3ca: {  	s0 =	sadd.s32 $0x10, s21;
	v60 =	vnsel vm0, $0xBF800000, v38;
	[tilespmem:s8+$0x0] =	vst v12  }
0x3cb: {  	v61 =	vnsel vm12, $0xBF800000, v37;
	[tilespmem:s0+$0xB00] =	vst v60  }
0x3cc: {  	v62 =	vnsel vm14, $0xBF800000, v27;
	[tilespmem:s0+$0xFFFFFA80] =	vst v61  }
0x3cd: {  	v63 =	vnsel vm12, $0xBF800000, v36;
	[tilespmem:s0+$0x0] =	vst v62  }
0x3ce: {  	[tilespmem:s0+$0x580] =	vst v63  }
0x3cf: {  	s1 =	simm.s32 $0x0;
	s0 =	rddreg [dreg:$0x5]  }
0x3d0: {  	[hbm4b:s0+s1] =	stream.linear.scatter [tilespmem:s19], [sflag:$0x1], $0x540, $0x38;
	[tilespmem:$0x4460] =	vst v63  }
0x3d1: {  	_ =	swait.ge [sflag:s23], $0x540  }
0x3d2: {  	[sflag:s23] =	ssyncset.done $0x0  }
0x3d3: {  	s26 =	rddreg [dreg:$0x6];
	[sflag:s23] =	ssyncadd.s32 $0xFFFFFAC0  }
0x3d4: {  	[hbm4b:s26+s1] =	stream.linear.scatter [tilespmem:s18], [sflag:$0x1], $0x540, $0x38;
	[tilespmem:$0x4460] =	vst v63  }
0x3d5: {  	_ =	swait.ge [sflag:s23], $0x540  }
0x3d6: {  	[sflag:s23] =	ssyncset.done $0x0  }
0x3d7: {  	s28 =	simm.s32 $0x1920;
	[sflag:s23] =	ssyncadd.s32 $0xFFFFFAC0  }
0x3d8: {  	[hbm4b:s7+s1] =	stream.linear.scatter [tilespmem:s28], [sflag:$0x1], $0x540, $0x38;
	[tilespmem:$0x4460] =	vst v63  }
0x3d9: {  	_ =	swait.ge [sflag:s23], $0x540  }
0x3da: {  	[sflag:s23] =	ssyncset.done $0x0  }
0x3db: {  	s29 =	simm.s32 $0x1EA0;
	[sflag:s23] =	ssyncadd.s32 $0xFFFFFAC0  }
0x3dc: {  	[hbm4b:s14+s1] =	stream.linear.scatter [tilespmem:s29], [sflag:$0x1], $0x540, $0x38;
	[tilespmem:$0x4460] =	vst v63  }
0x3dd: {  	_ =	swait.ge [sflag:s23], $0x540  }
0x3de: {  	[sflag:s23] =	ssyncset.done $0x0  }
0x3df: {  	s30 =	simm.s32 $0x2420;
	[sflag:s23] =	ssyncadd.s32 $0xFFFFFAC0  }
0x3e0: {  	[hbm4b:s15+s1] =	stream.linear.scatter [tilespmem:s30], [sflag:$0x1], $0x540, $0x38;
	[tilespmem:$0x4460] =	vst v63  }
0x3e1: {  	_ =	swait.ge [sflag:s23], $0x540  }
0x3e2: {  	[sflag:s23] =	ssyncset.done $0x0  }
.Ltmp14:
0x3e3: {  	s31 =	simm.s32 $0x29A0;
	[sflag:s23] =	ssyncadd.s32 $0xFFFFFAC0;
	(pc) =	sbr.rel @p1 .LBB2_26-.Ltmp14, $4  }
0x3e4: {  	[hbm4b:s22+s1] =	stream.linear.scatter [tilespmem:s31], [sflag:$0x1], $0x540, $0x38;
	[tilespmem:$0x4460] =	vst v63  }
0x3e5: {  	_ =	swait.ge [sflag:s23], $0x540  }
0x3e6: {  	[sflag:s23] =	ssyncset.done $0x0  }
0x3e7: {  	[sflag:s23] =	ssyncadd.s32 $0xFFFFFAC0  }
0x3e8: {  	s0 =	simm.s32 $0x17D0  }
0x3e9: {  	v20 =	vld [tilespmem:s0+$0x0];
	_ =	sdelay $0x4  }
0x3ea: {  	v12 =	vadd.s32 $0x70, v20  }
0x3eb: {  	v13 =	vmov s1;
	v14 =	vadd.s32 $0xE0, v20  }
0x3ec: {  	s1 =	simm.s32 $0xD00;
	v13 =	vshra.s32 v13, $0x4;
	v15 =	vadd.s32 $0x150, v20  }
0x3ed: {  	v16 =	vld [tilespmem:s1+$0x0];
	v13 =	vcvt.s32.f32 v13  }
0x3ee: {  	v17 =	vld.idx.msk [tilespmem:v20+s2+$0x0], $0xffff  }
0x3ef: {  	v13 =	vadd.f32 $5.000000000e-01, v13;
	v12 =	vld.idx.msk [tilespmem:v12+s2+$0x0], $0xffff  }
0x3f0: {  	v14 =	vld.idx.msk [tilespmem:v14+s2+$0x0], $0xffff  }
0x3f1: {  	v13 =	vmul.f32 $3.200000000e+01, v13;
	v15 =	vld.idx.msk [tilespmem:v15+s2+$0x0], $0xffff;
	_ =	sdelay $0x1  }
0x3f2: {  	v13 =	vbroadcast v13, $0x0;
	_ =	sdelay $0x1  }
0x3f3: {  	v17 =	vsub.f32 v10, v17;
	v18 =	vsub.f32 v13, v12  }
0x3f4: {  	vm12 =	vlt.f32 v16, $1.000000000e+10;
	v14 =	vadd.f32 v11, v14;
	v24 =	vsub.f32 v15, v13  }
0x3f5: {  	s21 =	simm.s32 $0x17E0;
	v15 =	vnsel vm12, $0x3F800000, v17  }
0x3f6: {  	v13 =	vld [tilespmem:s21+$0x0];
	v16 =	vnsel vm12, $0x3F800000, v18;
	v19 =	vnsel vm12, $0x3F800000, v14;
	v21 =	vnsel vm12, $0x3F800000, v24  }
0x3f7: {  	v12 =	vmax.f32 v15, v19;
	v22 =	vmax.f32 v16, v21  }
0x3f8: {  	v12 =	vmax.f32 v12, $9.999999740e-06;
	v22 =	vmax.f32 v22, $9.999999740e-06  }
0x3f9: {  	v12 =	vmul.f32 v22, v12;
	_ =	sdelay $0x1  }
0x3fa: {  	v26 =	vadd.s32 $0xE0, v13;
	v22 =	vadd.f32 $1.000000010e-10, v12  }
0x3fb: {  	s8 =	simm.s32 $0x10;
	v12 =	vadd.s32 $0x70, v13  }
0x3fc: {  	s26 =	simm.s32 $0xD10;
	v25 =	vmov s8;
	v28 =	vadd.s32 $0x150, v13;
	v23 =	vsub.s32 $0x7EF311C3, v22  }
0x3fd: {  	v29 =	vld [tilespmem:s26+$0x0];
	v25 =	vshra.s32 v25, $0x4;
	v27 =	vmul.f32 v23, v22  }
0x3fe: {  	v25 =	vcvt.s32.f32 v25;
	v30 =	vld.idx.msk [tilespmem:v13+s2+$0x0], $0xffff  }
0x3ff: {  	v26 =	vld.idx.msk [tilespmem:v26+s2+$0x0], $0xffff;
	v27 =	vsub.f32 $2.000000000e+00, v27  }
0x400: {  	v25 =	vadd.f32 $5.000000000e-01, v25;
	v12 =	vld.idx.msk [tilespmem:v12+s2+$0x0], $0xffff  }
0x401: {  	v23 =	vmul.f32 v23, v27;
	v27 =	vld.idx.msk [tilespmem:v28+s2+$0x0], $0xffff  }
0x402: {  	v25 =	vmul.f32 $3.200000000e+01, v25  }
0x403: {  	v28 =	vmul.f32 v23, v22  }
0x404: {  	vm13 =	vlt.f32 v29, $1.000000000e+10;
	v25 =	vbroadcast v25, $0x0;
	v29 =	vsub.f32 v10, v30  }
0x405: {  	v31 =	vadd.f32 v11, v26;
	v28 =	vsub.f32 $2.000000000e+00, v28  }
0x406: {  	v19 =	vmin.f32 v15, v19;
	v30 =	vsub.f32 v25, v12;
	v12 =	vsub.f32 v27, v25  }
0x407: {  	v16 =	vmin.f32 v16, v21;
	v25 =	vnsel vm13, $0x3F800000, v29;
	v23 =	vmul.f32 v28, v23  }
0x408: {  	s28 =	simm.s32 $0x17F0;
	v27 =	vnsel vm13, $0x3F800000, v30;
	v28 =	vnsel vm13, $0x3F800000, v31;
	v32 =	vnsel vm13, $0x3F800000, v12  }
0x409: {  	v15 =	vld [tilespmem:s28+$0x0];
	v26 =	vmax.f32 v25, v28;
	v22 =	vmul.f32 v23, v22;
	v21 =	vmax.f32 v27, v32  }
0x40a: {  	v16 =	vmul.f32 v16, v19;
	v19 =	vmax.f32 v26, $9.999999740e-06;
	v21 =	vmax.f32 v21, $9.999999740e-06  }
0x40b: {  	vm11 =	vmmov vm10;
	v22 =	vsub.f32 $2.000000000e+00, v22;
	v19 =	vmul.f32 v21, v19  }
0x40c: {  	vm10 =	vmmov vm9;
	vm9 =	vmmov vm8;
	vm8 =	vmmov vm7  }
0x40d: {  	vm7 =	vmmov vm6;
	s9 =	simm.s32 $0x20;
	v21 =	vmul.f32 v22, v23;
	v19 =	vadd.f32 $1.000000010e-10, v19  }
0x40e: {  	v40 =	vnsel vm12, $0xBF800000, v18;
	v35 =	vadd.s32 $0x150, v15;
	v22 =	vmov s9  }
0x40f: {  	v33 =	vmul.f32 v21, v16;
	v21 =	vadd.s32 $0x70, v15;
	v23 =	vsub.s32 $0x7EF311C3, v19  }
0x410: {  	s29 =	simm.s32 $0xD20;
	v16 =	vshra.s32 v22, $0x4;
	v22 =	vadd.s32 $0xE0, v15;
	v36 =	vmul.f32 v23, v19  }
0x411: {  	v38 =	vld [tilespmem:s29+$0x0];
	v16 =	vcvt.s32.f32 v16;
	v26 =	vshra.s32 v33, $0x1;
	v34 =	vmul.f32 $5.000000000e-01, v33  }
0x412: {  	v41 =	vld.idx.msk [tilespmem:v15+s2+$0x0], $0xffff;
	v37 =	vsub.s32 $0x5F3759DF, v26;
	v26 =	vnsel vm12, $0xBF800000, v14;
	v14 =	vsub.f32 $2.000000000e+00, v36  }
0x413: {  	v18 =	vnsel vm13, $0xBF800000, v30;
	v30 =	vld.idx.msk [tilespmem:v35+s2+$0x0], $0xffff;
	v16 =	vadd.f32 $5.000000000e-01, v16;
	v39 =	vmul.f32 v37, v34  }
0x414: {  	vm0 =	vmmov vm12;
	v36 =	vnsel vm12, $0xBF800000, v17;
	v17 =	vld.idx.msk [tilespmem:v21+s2+$0x0], $0xffff;
	v23 =	vmul.f32 v23, v14  }
0x415: {  	v22 =	vld.idx.msk [tilespmem:v22+s2+$0x0], $0xffff;
	v14 =	vnsel vm13, $0xBF800000, v31;
	v31 =	vmul.f32 $3.200000000e+01, v16;
	v21 =	vmul.f32 v37, v39  }
0x416: {  	v25 =	vmin.f32 v25, v28;
	v27 =	vmin.f32 v27, v32;
	v16 =	vnsel vm13, $0xBF800000, v29  }
0x417: {  	v29 =	vmul.f32 v23, v19;
	v31 =	vbroadcast v31, $0x0;
	v21 =	vsub.f32 $1.500000000e+00, v21  }
0x418: {  	v57 =	vsub.f32 v10, v41;
	v25 =	vmul.f32 v27, v25;
	vm12 =	vmmov vm13  }
0x419: {  	v56 =	vmul.f32 v37, v21;
	v21 =	vsub.f32 $2.000000000e+00, v29;
	v29 =	vsub.f32 v31, v17  }
0x41a: {  	vm13 =	vlt.f32 v38, $1.000000000e+10;
	v22 =	vadd.f32 v11, v22;
	v17 =	vsub.f32 v30, v31  }
0x41b: {  	v59 =	vnsel vm13, $0x3F800000, v57;
	v58 =	vmul.f32 v56, v34;
	v23 =	vmul.f32 v21, v23  }
0x41c: {  	v60 =	vnsel vm13, $0x3F800000, v29;
	v42 =	vnsel vm13, $0x3F800000, v22;
	v61 =	vnsel vm13, $0x3F800000, v17  }
0x41d: {  	v28 =	vmax.f32 v59, v42;
	v31 =	vmax.f32 v60, v61;
	v30 =	vmul.f32 v58, v56  }
0x41e: {  	v19 =	vmul.f32 v23, v19;
	v27 =	vmax.f32 v28, $9.999999740e-06;
	v28 =	vmax.f32 v31, $9.999999740e-06  }
0x41f: {  	vm6 =	vmmov vm5;
	s30 =	simm.s32 $0x1800;
	s9 =	simm.s32 $0x30;
	v27 =	vmul.f32 v28, v27;
	v30 =	vsub.f32 $1.500000000e+00, v30  }
0x420: {  	vm5 =	vmmov vm4;
	v21 =	vld [tilespmem:s30+$0x0];
	v31 =	vmov s9;
	v19 =	vsub.f32 $2.000000000e+00, v19  }
0x421: {  	v28 =	vshra.s32 v31, $0x4;
	v62 =	vadd.f32 $1.000000010e-10, v27;
	v30 =	vmul.f32 v30, v56  }
0x422: {  	vm4 =	vmmov vm3;
	v28 =	vcvt.s32.f32 v28;
	v23 =	vmul.f32 v19, v23  }
0x423: {  	v19 =	vnsel vm13, $0xBF800000, v29;
	v63 =	vsub.s32 $0x7EF311C3, v62;
	v29 =	vmul.f32 v30, v34  }
0x424: {  	vm3 =	vmmov vm2;
	v23 =	vmul.f32 v23, v25;
	v45 =	vmul.f32 v63, v62  }
0x425: {  	s8 =	simm.s32 $0xD30;
	v31 =	vadd.s32 $0x70, v21;
	v25 =	vadd.s32 $0xE0, v21;
	v29 =	vmul.f32 v29, v30  }
0x426: {  	v46 =	vld [tilespmem:s8+$0x0];
	v49 =	vshra.s32 v23, $0x1;
	v43 =	vmul.f32 $5.000000000e-01, v23;
	v45 =	vsub.f32 $2.000000000e+00, v45  }
0x427: {  	v27 =	vadd.s32 $0x150, v21;
	v35 =	vsub.s32 $0x5F3759DF, v49;
	v29 =	vsub.f32 $1.500000000e+00, v29  }
0x428: {  	vm14 =	vmmov vm0;
	v44 =	vld.idx.msk [tilespmem:v20+s24+$0x0], $0xffff;
	v47 =	vmul.f32 v35, v43;
	v34 =	vmul.f32 v63, v45  }
0x429: {  	vm2 =	vmmov vm1;
	vm0 =	vmmov vm14;
	v48 =	vld.idx.msk [tilespmem:v21+s2+$0x0], $0xffff;
	v29 =	vmul.f32 v29, v30  }
0x42a: {  	v28 =	vadd.f32 $5.000000000e-01, v28;
	v30 =	vld.idx.msk [tilespmem:v31+s2+$0x0], $0xffff;
	v31 =	vmul.f32 v35, v47;
	v51 =	vmul.f32 v34, v62  }
0x42b: {  	vm15 =	vlt.f32 v46, $1.000000000e+10;
	v54 =	vnsel vm0, $0xBF800000, v24;
	v50 =	vld.idx.msk [tilespmem:v25+s2+$0x0], $0xffff;
	v25 =	vmul.f32 v29, v33  }
0x42c: {  	v29 =	vld.idx.msk [tilespmem:v27+s2+$0x0], $0xffff;
	v27 =	vmul.f32 $3.200000000e+01, v28;
	v28 =	vsub.f32 $1.500000000e+00, v31;
	v33 =	vsub.f32 $2.000000000e+00, v51  }
0x42d: {  	vm12 =	vmmov vm12;
	v20 =	vnsel vm13, $0xBF800000, v22;
	v22 =	vnsel vm13, $0xBF800000, v57  }
0x42e: {  	v38 =	vmin.f32 v60, v61;
	v35 =	vmul.f32 v35, v28;
	v34 =	vmul.f32 v33, v34  }
0x42f: {  	v58 =	vmin.f32 v59, v42;
	v52 =	vnsel vm0, $0xBF800000, v25;
	v53 =	vbroadcast v27, $0x0  }
0x430: {  	v25 =	vsub.f32 v10, v48;
	v56 =	vmul.f32 v35, v43;
	v32 =	vmul.f32 v34, v62  }
0x431: {  	v31 =	vnsel vm0, $0x0, v44;
	v27 =	vadd.f32 v11, v50;
	v55 =	vsub.f32 v53, v30  }
0x432: {  	[tilespmem:s0+$0x0] =	vst v31;
	v24 =	vsub.f32 v29, v53;
	v57 =	vmul.f32 v56, v35;
	v32 =	vsub.f32 $2.000000000e+00, v32  }
0x433: {  	s0 =	simm.s32 $0x4120;
	[tilespmem:s1+$0x0] =	vst v52;
	s1 =	simm.s32 $0x1810;
	v28 =	vnsel vm15, $0x3F800000, v25;
	v30 =	vnsel vm15, $0x3F800000, v27;
	v29 =	vnsel vm15, $0x3F800000, v55  }
0x434: {  	[tilespmem:s0+$0xFFFFFF00] =	vst v40;
	v31 =	vnsel vm15, $0x3F800000, v24;
	v33 =	vsub.f32 $1.500000000e+00, v57;
	v40 =	vmul.f32 v32, v34;
	v32 =	vld [tilespmem:s1+$0x0]  }
0x435: {  	v39 =	vmul.f32 v38, v58;
	v59 =	vmax.f32 v28, v30;
	v60 =	vmax.f32 v29, v31  }
0x436: {  	s9 =	simm.s32 $0x40;
	[tilespmem:s0+$0x100] =	vst v54;
	v61 =	vmax.f32 v59, $9.999999740e-06;
	v62 =	vmax.f32 v60, $9.999999740e-06;
	v33 =	vmul.f32 v33, v35  }
0x437: {  	vm13 =	vmmov vm13;
	v63 =	vmov s9;
	[tilespmem:s0+$0xFFFFFE00] =	vst v36;
	v41 =	vmul.f32 v62, v61  }
0x438: {  	s31 =	simm.s32 $0xD30;
	s9 =	simm.s32 $0x50;
	[tilespmem:s0+$0x0] =	vst v26;
	v26 =	vnsel vm15, $0xBF800000, v55;
	v34 =	vshra.s32 v63, $0x4;
	v38 =	vmul.f32 v33, v43  }
.LBB2_24:
0x439: {  	p2 =	sne.s32 s9, $0xF0;
	v35 =	vadd.s32 $0x70, v32;
	v36 =	vadd.f32 $1.000000010e-10, v41;
	v37 =	vmul.f32 v40, v39  }
0x43a: {  	v39 =	vadd.s32 $0xE0, v32;
	v40 =	vadd.s32 $0x150, v32;
	v38 =	vmul.f32 v38, v33  }
0x43b: {  	s8 =	sadd.s32 $0x10, s8;
	v41 =	vsub.s32 $0x7EF311C3, v36;
	v42 =	vshra.s32 v37, $0x1;
	v43 =	vmul.f32 $5.000000000e-01, v37;
	v44 =	vld.idx.msk [tilespmem:v13+s24+$0x0], $0xffff;
	v13 =	vmovc v15;
	v15 =	vmovc v21  }
0x43c: {  	v38 =	vsub.f32 $1.500000000e+00, v38;
	v21 =	vmovc v32;
	v45 =	vld [tilespmem:s8+$0x0];
	v46 =	vmul.f32 v41, v36;
	v42 =	vsub.s32 $0x5F3759DF, v42  }
0x43d: {  	v34 =	vcvt.s32.f32 v34;
	v47 =	vnsel vm15, $0xBF800000, v27;
	v32 =	vld.idx.msk [tilespmem:v32+s2+$0x0], $0xffff;
	v27 =	vmul.f32 v42, v43  }
0x43e: {  	v48 =	vnsel vm15, $0xBF800000, v25;
	v25 =	vmul.f32 v38, v33;
	v35 =	vld.idx.msk [tilespmem:v35+s2+$0x0], $0xffff;
	v46 =	vsub.f32 $2.000000000e+00, v46  }
0x43f: {  	vm0 =	vmmov vm12;
	v34 =	vadd.f32 $5.000000000e-01, v34;
	v33 =	vld.idx.msk [tilespmem:v39+s2+$0x0], $0xffff;
	v27 =	vmul.f32 v42, v27  }
0x440: {  	vm12 =	vmmov vm13;
	v25 =	vmul.f32 v25, v23;
	v23 =	vmovc v37;
	v38 =	vld.idx.msk [tilespmem:v40+s2+$0x0], $0xffff;
	v39 =	vmul.f32 v41, v46  }
0x441: {  	v34 =	vmul.f32 $3.200000000e+01, v34;
	v37 =	vnsel vm0, $0x0, v44;
	v27 =	vsub.f32 $1.500000000e+00, v27  }
0x442: {  	vm13 =	vmmov vm15;
	v25 =	vnsel vm0, $0xBF800000, v25;
	v40 =	vmul.f32 v39, v36;
	[tilespmem:s21+$0x0] =	vst v37;
	s21 =	smov.u32 s28;
	s28 =	smov.u32 s30;
	s30 =	smov.u32 s1  }
0x443: {  	s0 =	sadd.s32 $0x10, s0;
	v34 =	vbroadcast v34, $0x0;
	v37 =	vmul.f32 v42, v27;
	[tilespmem:s26+$0x0] =	vst v25;
	v27 =	vnsel vm0, $0xBF800000, v12;
	v12 =	vmovc v17;
	v17 =	vmovc v24;
	s26 =	smov.u32 s29;
	s29 =	smov.u32 s31  }
0x444: {  	vm15 =	vlt.f32 v45, $1.000000000e+10;
	v25 =	vsub.f32 v10, v32;
	s31 =	smov.u32 s8;
	v32 =	vsub.f32 $2.000000000e+00, v40;
	[tilespmem:s0+$0x100] =	vst v27  }
0x445: {  	v35 =	vsub.f32 v34, v35;
	v27 =	vadd.f32 v11, v33;
	v33 =	vmul.f32 v37, v43;
	[tilespmem:s0+$0xFFFFFE00] =	vst v16  }
0x446: {  	v24 =	vsub.f32 v38, v34;
	v34 =	vnsel vm15, $0x3F800000, v25;
	v16 =	vmovc v22;
	v38 =	vmul.f32 v32, v39;
	[tilespmem:s0+$0xFFFFFF00] =	vst v18  }
0x447: {  	v18 =	vnsel vm15, $0x3F800000, v35;
	v39 =	vnsel vm15, $0x3F800000, v27;
	v33 =	vmul.f32 v33, v37;
	[tilespmem:s0+$0x0] =	vst v14;
	v14 =	vmovc v20;
	v20 =	vmovc v47  }
0x448: {  	v41 =	vmin.f32 v28, v30;
	s1 =	sadd.s32 $0x10, s1;
	v22 =	vmovc v48;
	v28 =	vmovc v34;
	v40 =	vnsel vm15, $0x3F800000, v24;
	v36 =	vmul.f32 v38, v36  }
.Ltmp15:
0x449: {  	v44 =	vmin.f32 v29, v31;
	v34 =	vmax.f32 v28, v39;
	v29 =	vmovc v18;
	v30 =	vmovc v39;
	v32 =	vld [tilespmem:s1+$0x0];
	v33 =	vsub.f32 $1.500000000e+00, v33;
	(pc) =	sbr.rel @p2 .LBB2_24-.Ltmp15, $4  }
0x44a: {  	v39 =	vmul.f32 v44, v41;
	v42 =	vmax.f32 v29, v40;
	v31 =	vmovc v40;
	v18 =	vmovc v19;
	v36 =	vsub.f32 $2.000000000e+00, v36  }
0x44b: {  	v34 =	vmax.f32 v34, $9.999999740e-06;
	v40 =	vmax.f32 v42, $9.999999740e-06;
	v19 =	vmovc v26;
	v33 =	vmul.f32 v33, v37  }
0x44c: {  	v26 =	vmov s9;
	v41 =	vmul.f32 v40, v34;
	v40 =	vmul.f32 v36, v38  }
0x44d: {  	s9 =	sadd.s32 $0x10, s9;
	v34 =	vshra.s32 v26, $0x4;
	v26 =	vnsel vm15, $0xBF800000, v35;
	v38 =	vmul.f32 v33, v43  }
.Ltmp16:
0x44e: {  	_ = 	snop;
	(pc) =	sbr.rel .LBB2_25-.Ltmp16, $1  }
0x44f: {  	_ =	sdelay $0x3  }
.LBB2_27:
0x450: {  	_ =	sfence.sel $0x180000  }
0x451: {  	[bflag:$0x0] =	sbarrier.arrive $0xFFFF  }
0x452: {  	_ =	strace $0x90000047  }
0x453: {  	s0 =	stileid.u32;
	[bflag:$0x2] =	sbarrier.arrive $0xFFFF  }
0x454: {  	p0 =	sne.s32 s0, $0x0;
	s0 =	rddreg [dreg:$0x4]  }
0x455: {  	s0 =	sadd.s32 @!p0 $0x100000, s0  }
0x456: {  	[sflag:s0] =	ssyncadd.tile.s32 @!p0 $0x1;
	_ =	shalt  }
.Lfunc_end2:
_tile_overlayer_lowered:
.L_overlay_start_2:
0x457: {  	(tag) =	ssettag $0x2  }
0x458: {  	s0 =	rddreg [dreg:$0x0];
	s2 =	stileid.u32  }
0x459: {  	s1 =	rddreg [dreg:$0x1];
	p0 =	sne.s32 s2, $0x0  }
0x45a: {  	s3 =	rddreg [dreg:$0x2];
	[bflag:$0x3] =	sbarrier.arrive $0xFFFF;
	s2 =	simm.s32 @!p0 $0x1C01  }
0x45b: {  	[timem:s3], [sflag:s2] =	dma.local @!p0 [hbm:s0], s1  }
0x45c: {  	s0 =	simm.s32 @!p0 $0x1  }
0x45d: {  	_ =	swait.ge @!p0 [sflag:s0], s1  }
0x45e: {  	s1 =	ssub.s32 @!p0 $0x0, s1;
	[sflag:s0] =	ssyncset.done @!p0 $0x0  }
0x45f: {  	[sflag:s0] =	ssyncadd.s32 @!p0 s1  }
0x460: {  	[bflag:$0x3] =	sbarrier.arrive $0xFFFF  }
0x461: {  	_ =	shalt  }

</sc_bundles>
